<compile_context>
chip_gen: v7x
topology: tpu7x:2x2x1
jax: 0.10.2.dev20260603
libtpu: 0.0.44.dev20260713+nightly
codegen_flags: <defaults>
</compile_context>

<pallas_src>
import jax
import jax.numpy as jnp
from jax import lax
from jax.experimental import pallas as pl
from jax.experimental.pallas import tpu as pltpu
from jax.experimental.pallas import tpu_sc as plsc

B, T, N, H, C = 16, 64, 62, 2, 256
POS = 16
E = 4000
R = B * N

_f32 = jnp.float32


def _iota(shape, dim):
    return lax.broadcasted_iota(jnp.int32, shape, dim)



def _weights_body(w0_refs, b0_refs, w1_refs, b1_refs, w2_refs, b2_refs,
                  wsw_ref, wsb_ref, fc3w_ref, fc3b_ref, fc2w_ref, fc2b_ref,
                  fc1w_ref, fc1b_ref, gatb8_ref, edge_ref,
                  T_refs, bN_refs, Gp_refs, Gs_refs, bP_refs,
                  F_ref, bF_ref, W2m_ref, cv_ref, M_ref):
    def dotf(a, b, dn=((1,), (0,))):
        return lax.dot_general(a, b, (dn, ((), ())),
                               preferred_element_type=_f32)

    def rep_rows(nr, nb):
        return (_iota((nr, nb), 0) // (nr // nb) == _iota((nr, nb), 1)
                ).astype(_f32)

    def rep_cols(nb, nc):
        return (_iota((nb, nc), 0) == _iota((nb, nc), 1) // (nc // nb)
                ).astype(_f32)

    SEL32 = [((_iota((64, 32), 0) == _iota((64, 32), 1) * 2 + k)).astype(_f32)
             for k in (0, 1)]
    SEL16 = [((_iota((32, 16), 0) == _iota((32, 16), 1) * 2 + k)).astype(_f32)
             for k in (0, 1)]

    wsw = wsw_ref[...]
    wsb = wsb_ref[...]
    wrow = _iota((1, 80), 1)

    dT = _iota((64, 1024), 1) % 64 - _iota((64, 1024), 0)
    dG = _iota((512, 256), 1) % 16 - _iota((512, 256), 0) % 16
    wpGs = _iota((8, 256), 1) % 16
    mGs = _iota((8, 256), 0)
    REPv64 = rep_cols(16, 1024)
    REPv16 = rep_cols(16, 256)
    REPr512 = rep_rows(512, 32)
    REPc256 = rep_cols(16, 256)

    for j in range(3):
        w0 = w0_refs[j][...]
        w1 = w1_refs[j][...]
        w2 = w2_refs[j][...]
        L1 = [dotf(w0, SEL32[1]), dotf(w0, SEL32[0])]
        L2 = [dotf(w1, SEL16[1]), dotf(w1, SEL16[0])]
        L3 = [dotf(w2, SEL16[1]), dotf(w2, SEL16[0])]
        L3s = jnp.concatenate(L3, axis=0)
        L1c = jnp.concatenate(L1, axis=1)
        P21f = jnp.concatenate([dotf(L2[0], L1c), dotf(L2[1], L1c)], axis=1)
        A_all = dotf(L3s, P21f)

        Tacc = jnp.zeros((64, 1024), _f32)
        Gp = jnp.zeros((512, 256), _f32)
        Gs = jnp.zeros((8, 256), _f32)
        betaT = b2_refs[j][...] * jnp.ones((1, 80), _f32)
        L32 = dotf(L3s, jnp.concatenate(L2, axis=1))
        for a in (0, 1):
            for b in (0, 1):
                colab = dotf(L32[a * 16:(a + 1) * 16, b * 16:(b + 1) * 16],
                             b0_refs[j][...])
                betaT = betaT + colab * (wrow >= 4 * a + 2 * b).astype(_f32)
            cola = dotf(L3[a], b1_refs[j][...])
            betaT = betaT + cola * (wrow >= 4 * a).astype(_f32)

        for t in range(8):
            a, bc = (t >> 2) & 1, t & 3
            A_t = A_all[a * 16:(a + 1) * 16, bc * 32:(bc + 1) * 32]
            v_row = dotf(wsw, A_t, ((0,), (1,)))
            awsb = dotf(A_t, wsb)
            betaT = betaT + awsb * ((wrow >= t) & (wrow < 64 + t)).astype(_f32)
            Tacc = Tacc + (dT == t).astype(_f32) * dotf(v_row, REPv64)
            ATx = dotf(REPr512, A_t, ((1,), (1,)))
            Gp = Gp + (dG == t).astype(_f32) * dotf(ATx, REPc256)
            if t >= 1:
                Gs = Gs + ((wpGs == mGs - 8 + t).astype(_f32)
                           * dotf(v_row, REPv16))

        T_refs[j][...] = Tacc
        bN_refs[j][...] = betaT[:, :64]
        bP_refs[j][...] = betaT[:, 64:]
        Gp_refs[j][...] = Gp
        Gs_refs[j][...] = Gs

    mF = (_iota((256, 512), 0) % 16 == _iota((256, 512), 1) % 16).astype(_f32)
    fc3x = dotf(dotf(rep_rows(256, 16), fc3w_ref[...], ((1,), (1,))),
                rep_cols(32, 512))
    F_ref[...] = mF * fc3x
    bF_ref[...] = dotf(fc3b_ref[...], rep_cols(32, 512), ((0,), (0,)))

    mW2 = (_iota((512, 64), 0) % 64 == _iota((512, 64), 1)).astype(_f32)
    fc2x = dotf(rep_rows(512, 8), fc2w_ref[...], ((1,), (1,)))
    W2m_ref[...] = mW2 * fc2x
    gbrow = dotf(fc2w_ref[...], gatb8_ref[...])
    w1s = jnp.sum(fc1w_ref[...], axis=1, keepdims=True)
    cv_ref[...] = fc1b_ref[...] + w1s * fc2b_ref[...] + w1s * gbrow

    srcrow = edge_ref[0:1, :]
    dstrow = edge_ref[1:2, :]
    D = (_iota((N, E), 0) == dstrow).astype(_f32)
    S = (_iota((N, E), 0) == srcrow).astype(_f32)
    M_ref[...] = dotf(D, S, ((1,), (1,)))



_TBL = 3968


def _m_sc_body(src_hbm, dst_hbm, ones_hbm, zeros_hbm, out_hbm,
               sv, dv, idx_v, ones_v, shared):
    c = lax.axis_index("c")
    w = lax.axis_index("s")

    @pl.when(c == 0)
    def _work():
        pltpu.sync_copy(ones_hbm, ones_v)

        @pl.when(w == 0)
        def _zero():
            pltpu.sync_copy(zeros_hbm, shared)

        plsc.subcore_barrier()
        for k in range(2):
            row = w * 2 + k
            pltpu.sync_copy(src_hbm.at[row], sv)
            pltpu.sync_copy(dst_hbm.at[row], dv)
            for i in range(8):
                sl = pl.ds(i * 16, 16)
                idx_v[sl] = dv[sl] * N + sv[sl]
            pltpu.sync_copy(ones_v, shared.at[idx_v], add=True)
        plsc.subcore_barrier()

        @pl.when(w == 0)
        def _out():
            pltpu.sync_copy(shared.at[pl.ds(0, _TBL)], out_hbm)


def _m_sc(edge_index):
    e = edge_index.astype(jnp.int32)
    pad = jnp.tile(jnp.array([[0], [63]], jnp.int32), (1, 96))
    ep = jnp.concatenate([e, pad], axis=1)
    src3 = ep[0].reshape(32, 128)
    dst3 = ep[1].reshape(32, 128)
    mesh = plsc.VectorSubcoreMesh(core_axis_name="c", subcore_axis_name="s")
    mk = pl.kernel(
        _m_sc_body,
        out_type=jax.ShapeDtypeStruct((_TBL, 16), _f32),
        mesh=mesh,
        scratch_types=[pltpu.VMEM((128,), jnp.int32),
                       pltpu.VMEM((128,), jnp.int32),
                       pltpu.VMEM((128,), jnp.int32),
                       pltpu.VMEM((128, 16), _f32),
                       pltpu.VMEM_SHARED((4096, 16), _f32)],
    )
    tab = mk(src3, dst3, jnp.ones((128, 16), _f32), jnp.zeros((4096, 16), _f32))
    return tab[:62 * 62, 0].reshape(N, N)



def _front_body(s_ref, p_ref, T1_ref, T2_ref, T3_ref, bN1_ref, bN2_ref,
                bN3_ref, Gp1_ref, Gp2_ref, Gp3_ref, Gs1_ref, Gs2_ref, Gs3_ref,
                bP1_ref, bP2_ref, bP3_ref, F_ref, bF_ref,
                wl_ref, bl_ref, wr_ref, br_ref,
                xl_ref, xr_ref, pos_ref):
    s = s_ref[...]
    stail = s[:, 56:64]
    p = p_ref[...]

    def node_branch(T_r, bN_r):
        return jnp.dot(s, T_r[...], preferred_element_type=_f32) + bN_r[...]

    def pos_branch(Gp_r, Gs_r, bP_r):
        return (jnp.dot(p, Gp_r[...], preferred_element_type=_f32)
                + jnp.dot(stail, Gs_r[...], preferred_element_type=_f32)
                + bP_r[...])

    def glu(o1, o2, o3):
        return jnp.maximum(jnp.tanh(o1) * jax.nn.sigmoid(o2) + o3, 0.0)

    g_node = glu(node_branch(T1_ref, bN1_ref),
                 node_branch(T2_ref, bN2_ref),
                 node_branch(T3_ref, bN3_ref))
    g_pos = glu(pos_branch(Gp1_ref, Gs1_ref, bP1_ref),
                pos_branch(Gp2_ref, Gs2_ref, bP2_ref),
                pos_branch(Gp3_ref, Gs3_ref, bP3_ref))

    xl_ref[...] = (jnp.dot(g_node, wl_ref[...], preferred_element_type=_f32)
                   + bl_ref[...])
    xr_ref[...] = (jnp.dot(g_node, wr_ref[...], preferred_element_type=_f32)
                   + br_ref[...])
    pos_ref[...] = jnp.dot(g_pos, F_ref[...],
                           preferred_element_type=_f32) + bF_ref[...]


GAT_BB = 2


def _gat_body(xl_ref, xr_ref, att_ref, M_ref, w1_ref, W2m_ref, cv_ref,
              pre_ref):
    eye = (_iota((N, N), 0) == _iota((N, N), 1)).astype(_f32)
    M = M_ref[...] + eye
    mask = M > 0.0
    rows = []
    for bb in range(GAT_BB):
        Xl_all = xl_ref[bb]
        Xr_all = xr_ref[bb]
        qs = []
        for h in range(H):
            Xl = Xl_all[:, h * C:(h + 1) * C]
            Xr = Xr_all[:, h * C:(h + 1) * C]
            att3 = att_ref[...][h][None, None, :]
            Z = Xl[None, :, :] + Xr[:, None, :]
            Z = jnp.where(Z >= 0.0, Z, 0.2 * Z)
            S = jnp.sum(Z * att3, axis=-1)
            Sm = jnp.where(mask, S, -1e30)
            mx = jnp.max(Sm, axis=1, keepdims=True)
            P = jnp.exp(Sm - mx) * M
            den = jnp.sum(P, axis=1, keepdims=True)
            Aw = P / (den + 1e-16)
            tau = jnp.dot(w1_ref[...], Aw,
                          preferred_element_type=_f32)
            qs.append(jnp.dot(tau, Xl, preferred_element_type=_f32))
        q = jnp.concatenate(qs, axis=1)
        acc = jnp.dot(q, W2m_ref[...], preferred_element_type=_f32)
        rows.append(jax.nn.sigmoid(acc + cv_ref[...])[None])
    pre_ref[...] = jnp.concatenate(rows, axis=0)



def kernel(data, position_embed, edge_index, ws_w, ws_b,
           d1w0, d1b0, d1w1, d1b1, d1w2, d1b2,
           d2w0, d2b0, d2w1, d2b1, d2w2, d2b2,
           d3w0, d3b0, d3w1, d3b1, d3w2, d3b2,
           fc3_w, fc3_b, gat_wl, gat_bl, gat_wr, gat_br, gat_att, gat_b,
           fc2_w, fc2_b, fc1_w, fc1_b):
    data = data.astype(_f32)
    train = data[:, :62, :]
    target = data[:, 62:63, :]
    s = train.reshape(R, T)
    p = jnp.transpose(position_embed, (0, 2, 1, 3)).reshape(R, 32 * POS)

    w0s = [d1w0.reshape(16, 64), d2w0.reshape(16, 64), d3w0.reshape(16, 64)]
    w1s = [d1w1.reshape(16, 32), d2w1.reshape(16, 32), d3w1.reshape(16, 32)]
    w2s = [d1w2.reshape(16, 32), d2w2.reshape(16, 32), d3w2.reshape(16, 32)]
    b0s = [d1b0[:, None], d2b0[:, None], d3b0[:, None]]
    b1s = [d1b1[:, None], d2b1[:, None], d3b1[:, None]]
    b2s = [d1b2[:, None], d2b2[:, None], d3b2[:, None]]

    wshape = [jax.ShapeDtypeStruct((64, 1024), _f32)] * 3 \
        + [jax.ShapeDtypeStruct((16, 64), _f32)] * 3 \
        + [jax.ShapeDtypeStruct((512, 256), _f32)] * 3 \
        + [jax.ShapeDtypeStruct((8, 256), _f32)] * 3 \
        + [jax.ShapeDtypeStruct((16, 16), _f32)] * 3 \
        + [jax.ShapeDtypeStruct((256, 512), _f32),
           jax.ShapeDtypeStruct((1, 512), _f32),
           jax.ShapeDtypeStruct((512, 64), _f32),
           jax.ShapeDtypeStruct((1, 64), _f32),
           jax.ShapeDtypeStruct((N, N), _f32)]

    def _wk(*refs):
        _weights_body(refs[0:3], refs[3:6], refs[6:9], refs[9:12],
                      refs[12:15], refs[15:18], refs[18], refs[19], refs[20],
                      refs[21], refs[22], refs[23], refs[24], refs[25],
                      refs[26], refs[27],
                      refs[28:31], refs[31:34], refs[34:37], refs[37:40],
                      refs[40:43], refs[43], refs[44], refs[45], refs[46],
                      refs[47])

    wout = pl.pallas_call(_wk, out_shape=wshape)(
        *w0s, *b0s, *w1s, *b1s, *w2s, *b2s,
        ws_w, ws_b[:, None], fc3_w, fc3_b[:, None], fc2_w,
        fc2_b.reshape(1, 1), fc1_w, fc1_b.reshape(1, 1),
        gat_b.reshape(8, T), edge_index.astype(jnp.int32))

    Ts = [wout[j] for j in range(3)]
    bNs = [wout[3 + j].reshape(1, 1024) for j in range(3)]
    Gps = [wout[6 + j] for j in range(3)]
    Gss = [wout[9 + j] for j in range(3)]
    bPs = [wout[12 + j].reshape(1, 256) for j in range(3)]
    F = wout[15]
    bF = wout[16]
    W2m = wout[17]
    constv = wout[18]
    Mcnt = _m_sc(edge_index)

    xl2, xr2, pos_out = pl.pallas_call(
        _front_body,
        out_shape=[jax.ShapeDtypeStruct((R, H * C), _f32),
                   jax.ShapeDtypeStruct((R, H * C), _f32),
                   jax.ShapeDtypeStruct((R, 32 * POS), _f32)],
    )(s, p, *Ts, *bNs, *Gps, *Gss, *bPs, F, bF,
      gat_wl, gat_bl[None, :], gat_wr, gat_br[None, :])
    xl3 = xl2.reshape(B, N, H * C)
    xr3 = xr2.reshape(B, N, H * C)

    full2 = lambda b: (0, 0)
    pre = pl.pallas_call(
        _gat_body,
        grid=(B // GAT_BB,),
        in_specs=[pl.BlockSpec((GAT_BB, N, H * C), lambda b: (b, 0, 0)),
                  pl.BlockSpec((GAT_BB, N, H * C), lambda b: (b, 0, 0)),
                  pl.BlockSpec((H, C), full2),
                  pl.BlockSpec((N, N), full2),
                  pl.BlockSpec((1, N), full2),
                  pl.BlockSpec((8 * T, T), full2),
                  pl.BlockSpec((1, T), full2)],
        out_specs=pl.BlockSpec((GAT_BB, 1, T), lambda b: (b, 0, 0)),
        out_shape=jax.ShapeDtypeStruct((B, 1, T), _f32),
    )(xl3, xr3, gat_att, Mcnt, fc1_w, W2m, constv)

    pos_learned = jnp.transpose(pos_out.reshape(B, N, 32, POS), (0, 2, 1, 3))
    return (pre, target, pos_learned)

# --- scband reference (transcript-rebuilt; emitter-appended) ---
"""Pipeline reference for scband-gls-network-84516366451136 (READ-ONLY COPY).

The authoritative reference and input builder live on the scoring server;
editing this copy changes nothing except your own understanding.
"""

import jax, jax.numpy as jnp
import numpy as np

B, T, N, H, C = 16, 64, 62, 2, 256
POS = 16

def setup_inputs(seed: int = 0):
    key = jax.random.key(seed)
    ks = jax.random.split(key, 40)
    def f(i, shape, s=0.05):
        return jax.random.normal(ks[i], shape, dtype=jnp.float32) * s
    inp = {}
    inp['data'] = jax.random.normal(ks[0], (B, 63, T), dtype=jnp.float32)
    inp['position_embed'] = jax.random.normal(ks[1], (B, 32, N, POS), dtype=jnp.float32)
    inp['edge_index'] = jax.random.randint(ks[2], (2, 4000), 0, N).astype(jnp.int64)
    inp['ws_w'] = f(3, (32, 1), 0.1)
    inp['ws_b'] = f(4, (32,))
    i = 5
    shapes = [(16, 32, 1, 2), (16, 16, 1, 2), (16, 16, 1, 2)]
    for j in (1, 2, 3):
        for l in range(3):
            inp['d%dw%d' % (j, l)] = f(i, shapes[l], 0.1); i += 1
            inp['d%db%d' % (j, l)] = f(i, (16,)); i += 1
    inp['fc3_w'] = f(i, (32, 16), 0.1); i += 1
    inp['fc3_b'] = f(i, (32,)); i += 1
    inp['gat_wl'] = f(i, (16 * T, H * C), 0.03); i += 1
    inp['gat_bl'] = f(i, (H * C,)); i += 1
    inp['gat_wr'] = f(i, (16 * T, H * C), 0.03); i += 1
    inp['gat_br'] = f(i, (H * C,)); i += 1
    inp['gat_att'] = f(i, (H, C), 0.05); i += 1
    inp['gat_b'] = f(i, (H * C,)); i += 1
    inp['fc2_w'] = f(i, (1, 8), 0.1); i += 1
    inp['fc2_b'] = f(i, (1,)); i += 1
    inp['fc1_w'] = f(i, (1, N), 0.1); i += 1
    inp['fc1_b'] = f(i, (1,))
    return inp

def reference(data, position_embed, edge_index, ws_w, ws_b,
              d1w0, d1b0, d1w1, d1b1, d1w2, d1b2,
              d2w0, d2b0, d2w1, d2b1, d2w2, d2b2,
              d3w0, d3b0, d3w1, d3b1, d3w2, d3b2,
              fc3_w, fc3_b, gat_wl, gat_bl, gat_wr, gat_br, gat_att, gat_b,
              fc2_w, fc2_b, fc1_w, fc1_b):
    train = data[:, 0:62, :].astype(jnp.float32)
    target = data[:, 62:63, :].astype(jnp.float32)
    x = train[:, None, :, :]
    x = jnp.einsum('bihw,oi->bohw', x, ws_w) + ws_b[None, :, None, None]
    x = jnp.concatenate([x, position_embed], axis=3)
    def dcn(inp, ws, bs):
        out = inp; pad = 1; dil = 1
        for w, b in zip(ws, bs):
            out = jnp.pad(out, ((0, 0), (0, 0), (0, 0), (pad, 0)))
            out = jax.lax.conv_general_dilated(out, w, (1, 1), 'VALID', rhs_dilation=(1, dil), dimension_numbers=('NCHW', 'OIHW', 'NCHW'))
            out = out + b[None, :, None, None]
            pad *= 2; dil *= 2
        return out
    o1 = dcn(x, [d1w0, d1w1, d1w2], [d1b0, d1b1, d1b2])
    o2 = dcn(x, [d2w0, d2w1, d2w2], [d2b0, d2b1, d2b2])
    o3 = dcn(x, [d3w0, d3w1, d3w2], [d3b0, d3b1, d3b2])
    g = jax.nn.relu(jnp.tanh(o1) * jax.nn.sigmoid(o2) + o3)
    L = g.shape[3]
    node_feature = g[:, :, :, :L - POS]
    pos = g[:, :, :, L - POS:]
    pos = jnp.transpose(pos, (0, 2, 3, 1)) @ fc3_w.T + fc3_b
    pos_learned = jnp.transpose(pos, (0, 3, 1, 2))
    src = jnp.concatenate([edge_index[0], jnp.arange(N, dtype=edge_index.dtype)])
    dst = jnp.concatenate([edge_index[1], jnp.arange(N, dtype=edge_index.dtype)])
    def gat(feat):
        xl = (feat @ gat_wl + gat_bl).reshape(N, H, C)
        xr = (feat @ gat_wr + gat_br).reshape(N, H, C)
        e = jax.nn.leaky_relu(xl[src] + xr[dst], 0.2)
        s = jnp.sum(e * gat_att[None, :, :], axis=-1)
        m = jax.ops.segment_max(s, dst, num_segments=N)
        a = jnp.exp(s - m[dst])
        den = jax.ops.segment_sum(a, dst, num_segments=N)
        a = a / (den[dst] + 1e-16)
        out = jax.ops.segment_sum(a[:, :, None] * xl[src], dst, num_segments=N)
        return out.reshape(N, H * C) + gat_b
    feats = jnp.transpose(node_feature, (0, 2, 1, 3)).reshape(B, N, 16 * T)
    out = jax.lax.map(gat, feats)
    out = out.reshape(B, N, 8, T)
    pre = jnp.transpose(out, (0, 3, 1, 2))
    pre = (pre @ fc2_w.T + fc2_b)[..., 0]
    pre = (pre @ fc1_w.T + fc1_b)[..., 0]
    pre = jax.nn.sigmoid(pre)[:, None, :]
    return (pre, target, pos_learned)

if __name__ == "__main__":
    import jax
    _d = setup_inputs()
    print(jax.jit(kernel)(*tuple(_d.values())))

</pallas_src>

<mosaic_0001>
#map = affine_map<(d0, d1) -> (0, 0)>
module attributes {stable_mosaic.version = 14 : i64} {
  func.func @_m_sc_body(%arg0: i32, %arg1: i32, %arg2: memref<32x128xi32, #tpu.memory_space<hbm>>, %arg3: memref<32x128xi32, #tpu.memory_space<hbm>>, %arg4: memref<128x16xf32, #tpu.memory_space<hbm>>, %arg5: memref<4096x16xf32, #tpu.memory_space<hbm>>, %arg6: memref<3968x16xf32, #tpu.memory_space<hbm>>, %arg7: memref<128xi32, #tpu.memory_space<vmem>>, %arg8: memref<128xi32, #tpu.memory_space<vmem>>, %arg9: memref<128xi32, #tpu.memory_space<vmem>>, %arg10: memref<128x16xf32, #tpu.memory_space<vmem>>, %arg11: memref<4096x16xf32, #tpu.memory_space<vmem_shared>>) attributes {dimension_semantics = [#tpu.dimension_semantics<core_parallel>, #tpu.dimension_semantics<subcore_parallel>], iteration_bounds = array<i64: 2, 16>, scalar_prefetch = 0 : i64, scratch_operands = 5 : i64, tpu.core_type = #tpu.core_type<sc_vector_subcore>, window_params = [{transform_indices = #map}, {transform_indices = #map}, {transform_indices = #map}, {transform_indices = #map}, {transform_indices = #map}]} {
    %eq3A = arith.constant 0 : i32
    %eq3A_0 = arith.cmpi eq, %arg0, %eq3A : i32
    %convert_element_type3A = arith.extui %eq3A_0 : i1 to i32
    %cond3A = arith.constant 0 : i32
    %cond3A_1 = arith.cmpi ne, %convert_element_type3A, %cond3A : i32
    scf.if %cond3A_1 {
      "tpu.region"() ({
        %run_scoped3A = tpu.sem_alloc : memref<!tpu.dma_semaphore, #tpu.memory_space<semaphore_mem>>
        tpu.enqueue_dma source(%arg4 : memref<128x16xf32, #tpu.memory_space<hbm>>) target(%arg10 : memref<128x16xf32, #tpu.memory_space<vmem>>) target_semaphore(%run_scoped3A : memref<!tpu.dma_semaphore, #tpu.memory_space<semaphore_mem>>)
        tpu.wait_dma2 semaphore(%run_scoped3A : memref<!tpu.dma_semaphore, #tpu.memory_space<semaphore_mem>>) src(%arg4 : memref<128x16xf32, #tpu.memory_space<hbm>>) dst(%arg10 : memref<128x16xf32, #tpu.memory_space<vmem>>)
        tpu.yield
      }) : () -> ()
      %eq3A_2 = arith.constant 0 : i32
      %eq3A_3 = arith.cmpi eq, %arg1, %eq3A_2 : i32
      %convert_element_type3A_4 = arith.extui %eq3A_3 : i1 to i32
      %cond3A_5 = arith.constant 0 : i32
      %cond3A_6 = arith.cmpi ne, %convert_element_type3A_4, %cond3A_5 : i32
      scf.if %cond3A_6 {
        "tpu.region"() ({
          %run_scoped3A = tpu.sem_alloc : memref<!tpu.dma_semaphore, #tpu.memory_space<semaphore_mem>>
          tpu.enqueue_dma source(%arg5 : memref<4096x16xf32, #tpu.memory_space<hbm>>) target(%arg11 : memref<4096x16xf32, #tpu.memory_space<vmem_shared>>) target_semaphore(%run_scoped3A : memref<!tpu.dma_semaphore, #tpu.memory_space<semaphore_mem>>)
          tpu.wait_dma2 semaphore(%run_scoped3A : memref<!tpu.dma_semaphore, #tpu.memory_space<semaphore_mem>>) src(%arg5 : memref<4096x16xf32, #tpu.memory_space<hbm>>) dst(%arg11 : memref<4096x16xf32, #tpu.memory_space<vmem_shared>>)
          tpu.yield
        }) : () -> ()
      } else {
      }
      %barrier3A = arith.constant 0 : index
      tpu.barrier barrier_id(%barrier3A)
      %mul3A = arith.constant 2 : i32
      %mul3A_7 = arith.muli %arg1, %mul3A : i32
      %add3A = arith.constant 0 : i32
      %add3A_8 = arith.addi %mul3A_7, %add3A : i32
      "tpu.region"() ({
        %run_scoped3A = tpu.sem_alloc : memref<!tpu.dma_semaphore, #tpu.memory_space<semaphore_mem>>
        %dma_start3A = arith.constant 0 : i32
        %dma_start3A_241 = tpu.memref_slice %arg2[%add3A_8, %dma_start3A] : memref<32x128xi32, #tpu.memory_space<hbm>> -> memref<1x128xi32, #tpu.memory_space<hbm>>
        %dma_start3A_242 = tpu.memref_squeeze %dma_start3A_241 : memref<1x128xi32, #tpu.memory_space<hbm>> -> memref<128xi32, #tpu.memory_space<hbm>>
        %dma_start3A_243 = arith.constant 0 : i32
        %dma_start3A_244 = tpu.memref_slice %arg2[%add3A_8, %dma_start3A_243] : memref<32x128xi32, #tpu.memory_space<hbm>> -> memref<1x128xi32, #tpu.memory_space<hbm>>
        %dma_start3A_245 = tpu.memref_squeeze %dma_start3A_244 : memref<1x128xi32, #tpu.memory_space<hbm>> -> memref<128xi32, #tpu.memory_space<hbm>>
        tpu.enqueue_dma source(%dma_start3A_245 : memref<128xi32, #tpu.memory_space<hbm>>) target(%arg7 : memref<128xi32, #tpu.memory_space<vmem>>) target_semaphore(%run_scoped3A : memref<!tpu.dma_semaphore, #tpu.memory_space<semaphore_mem>>)
        %dma_wait3A = arith.constant 0 : i32
        %dma_wait3A_246 = tpu.memref_slice %arg2[%add3A_8, %dma_wait3A] : memref<32x128xi32, #tpu.memory_space<hbm>> -> memref<1x128xi32, #tpu.memory_space<hbm>>
        %dma_wait3A_247 = tpu.memref_squeeze %dma_wait3A_246 : memref<1x128xi32, #tpu.memory_space<hbm>> -> memref<128xi32, #tpu.memory_space<hbm>>
        %dma_wait3A_248 = arith.constant 0 : i32
        %dma_wait3A_249 = tpu.memref_slice %arg2[%add3A_8, %dma_wait3A_248] : memref<32x128xi32, #tpu.memory_space<hbm>> -> memref<1x128xi32, #tpu.memory_space<hbm>>
        %dma_wait3A_250 = tpu.memref_squeeze %dma_wait3A_249 : memref<1x128xi32, #tpu.memory_space<hbm>> -> memref<128xi32, #tpu.memory_space<hbm>>
        tpu.wait_dma2 semaphore(%run_scoped3A : memref<!tpu.dma_semaphore, #tpu.memory_space<semaphore_mem>>) src(%dma_wait3A_250 : memref<128xi32, #tpu.memory_space<hbm>>) dst(%arg7 : memref<128xi32, #tpu.memory_space<vmem>>)
        tpu.yield
      }) : () -> ()
      "tpu.region"() ({
        %run_scoped3A = tpu.sem_alloc : memref<!tpu.dma_semaphore, #tpu.memory_space<semaphore_mem>>
        %dma_start3A = arith.constant 0 : i32
        %dma_start3A_241 = tpu.memref_slice %arg3[%add3A_8, %dma_start3A] : memref<32x128xi32, #tpu.memory_space<hbm>> -> memref<1x128xi32, #tpu.memory_space<hbm>>
        %dma_start3A_242 = tpu.memref_squeeze %dma_start3A_241 : memref<1x128xi32, #tpu.memory_space<hbm>> -> memref<128xi32, #tpu.memory_space<hbm>>
        %dma_start3A_243 = arith.constant 0 : i32
        %dma_start3A_244 = tpu.memref_slice %arg3[%add3A_8, %dma_start3A_243] : memref<32x128xi32, #tpu.memory_space<hbm>> -> memref<1x128xi32, #tpu.memory_space<hbm>>
        %dma_start3A_245 = tpu.memref_squeeze %dma_start3A_244 : memref<1x128xi32, #tpu.memory_space<hbm>> -> memref<128xi32, #tpu.memory_space<hbm>>
        tpu.enqueue_dma source(%dma_start3A_245 : memref<128xi32, #tpu.memory_space<hbm>>) target(%arg8 : memref<128xi32, #tpu.memory_space<vmem>>) target_semaphore(%run_scoped3A : memref<!tpu.dma_semaphore, #tpu.memory_space<semaphore_mem>>)
        %dma_wait3A = arith.constant 0 : i32
        %dma_wait3A_246 = tpu.memref_slice %arg3[%add3A_8, %dma_wait3A] : memref<32x128xi32, #tpu.memory_space<hbm>> -> memref<1x128xi32, #tpu.memory_space<hbm>>
        %dma_wait3A_247 = tpu.memref_squeeze %dma_wait3A_246 : memref<1x128xi32, #tpu.memory_space<hbm>> -> memref<128xi32, #tpu.memory_space<hbm>>
        %dma_wait3A_248 = arith.constant 0 : i32
        %dma_wait3A_249 = tpu.memref_slice %arg3[%add3A_8, %dma_wait3A_248] : memref<32x128xi32, #tpu.memory_space<hbm>> -> memref<1x128xi32, #tpu.memory_space<hbm>>
        %dma_wait3A_250 = tpu.memref_squeeze %dma_wait3A_249 : memref<1x128xi32, #tpu.memory_space<hbm>> -> memref<128xi32, #tpu.memory_space<hbm>>
        tpu.wait_dma2 semaphore(%run_scoped3A : memref<!tpu.dma_semaphore, #tpu.memory_space<semaphore_mem>>) src(%dma_wait3A_250 : memref<128xi32, #tpu.memory_space<hbm>>) dst(%arg8 : memref<128xi32, #tpu.memory_space<vmem>>)
        tpu.yield
      }) : () -> ()
      %get3A = arith.constant 0 : index
      %get3A_9 = tpu.vector_load %arg8[%get3A] {strides = array<i32>} : memref<128xi32, #tpu.memory_space<vmem>>, vector<16xi32>,
      %get3A_10 = vector.shape_cast %get3A_9 : vector<16xi32> to vector<16xi32>
      %mul3A_11 = arith.constant 62 : i32
      %mul3A_12 = vector.broadcast %mul3A_11 : i32 to vector<16xi32>
      %mul3A_13 = arith.muli %get3A_10, %mul3A_12 : vector<16xi32>
      %get3A_14 = arith.constant 0 : index
      %get3A_15 = tpu.vector_load %arg7[%get3A_14] {strides = array<i32>} : memref<128xi32, #tpu.memory_space<vmem>>, vector<16xi32>,
      %get3A_16 = vector.shape_cast %get3A_15 : vector<16xi32> to vector<16xi32>
      %add3A_17 = arith.addi %mul3A_13, %get3A_16 : vector<16xi32>
      %swap3A = arith.constant 0 : index
      %swap3A_18 = tpu.vector_load %arg9[%swap3A] {strides = array<i32>} : memref<128xi32, #tpu.memory_space<vmem>>, vector<16xi32>,
      %swap3A_19 = vector.shape_cast %swap3A_18 : vector<16xi32> to vector<16xi32>
      %swap3A_20 = vector.shape_cast %add3A_17 : vector<16xi32> to vector<16xi32>
      tpu.vector_store %arg9[%swap3A], %swap3A_20 {strides = array<i32>} : memref<128xi32, #tpu.memory_space<vmem>>, vector<16xi32>,
      %get3A_21 = arith.constant 16 : index
      %get3A_22 = tpu.vector_load %arg8[%get3A_21] {strides = array<i32>} : memref<128xi32, #tpu.memory_space<vmem>>, vector<16xi32>,
      %get3A_23 = vector.shape_cast %get3A_22 : vector<16xi32> to vector<16xi32>
      %mul3A_24 = arith.constant 62 : i32
      %mul3A_25 = vector.broadcast %mul3A_24 : i32 to vector<16xi32>
      %mul3A_26 = arith.muli %get3A_23, %mul3A_25 : vector<16xi32>
      %get3A_27 = arith.constant 16 : index
      %get3A_28 = tpu.vector_load %arg7[%get3A_27] {strides = array<i32>} : memref<128xi32, #tpu.memory_space<vmem>>, vector<16xi32>,
      %get3A_29 = vector.shape_cast %get3A_28 : vector<16xi32> to vector<16xi32>
      %add3A_30 = arith.addi %mul3A_26, %get3A_29 : vector<16xi32>
      %swap3A_31 = arith.constant 16 : index
      %swap3A_32 = tpu.vector_load %arg9[%swap3A_31] {strides = array<i32>} : memref<128xi32, #tpu.memory_space<vmem>>, vector<16xi32>,
      %swap3A_33 = vector.shape_cast %swap3A_32 : vector<16xi32> to vector<16xi32>
      %swap3A_34 = vector.shape_cast %add3A_30 : vector<16xi32> to vector<16xi32>
      tpu.vector_store %arg9[%swap3A_31], %swap3A_34 {strides = array<i32>} : memref<128xi32, #tpu.memory_space<vmem>>, vector<16xi32>,
      %get3A_35 = arith.constant 32 : index
      %get3A_36 = tpu.vector_load %arg8[%get3A_35] {strides = array<i32>} : memref<128xi32, #tpu.memory_space<vmem>>, vector<16xi32>,
      %get3A_37 = vector.shape_cast %get3A_36 : vector<16xi32> to vector<16xi32>
      %mul3A_38 = arith.constant 62 : i32
      %mul3A_39 = vector.broadcast %mul3A_38 : i32 to vector<16xi32>
      %mul3A_40 = arith.muli %get3A_37, %mul3A_39 : vector<16xi32>
      %get3A_41 = arith.constant 32 : index
      %get3A_42 = tpu.vector_load %arg7[%get3A_41] {strides = array<i32>} : memref<128xi32, #tpu.memory_space<vmem>>, vector<16xi32>,
      %get3A_43 = vector.shape_cast %get3A_42 : vector<16xi32> to vector<16xi32>
      %add3A_44 = arith.addi %mul3A_40, %get3A_43 : vector<16xi32>
      %swap3A_45 = arith.constant 32 : index
      %swap3A_46 = tpu.vector_load %arg9[%swap3A_45] {strides = array<i32>} : memref<128xi32, #tpu.memory_space<vmem>>, vector<16xi32>,
      %swap3A_47 = vector.shape_cast %swap3A_46 : vector<16xi32> to vector<16xi32>
      %swap3A_48 = vector.shape_cast %add3A_44 : vector<16xi32> to vector<16xi32>
      tpu.vector_store %arg9[%swap3A_45], %swap3A_48 {strides = array<i32>} : memref<128xi32, #tpu.memory_space<vmem>>, vector<16xi32>,
      %get3A_49 = arith.constant 48 : index
      %get3A_50 = tpu.vector_load %arg8[%get3A_49] {strides = array<i32>} : memref<128xi32, #tpu.memory_space<vmem>>, vector<16xi32>,
      %get3A_51 = vector.shape_cast %get3A_50 : vector<16xi32> to vector<16xi32>
      %mul3A_52 = arith.constant 62 : i32
      %mul3A_53 = vector.broadcast %mul3A_52 : i32 to vector<16xi32>
      %mul3A_54 = arith.muli %get3A_51, %mul3A_53 : vector<16xi32>
      %get3A_55 = arith.constant 48 : index
      %get3A_56 = tpu.vector_load %arg7[%get3A_55] {strides = array<i32>} : memref<128xi32, #tpu.memory_space<vmem>>, vector<16xi32>,
      %get3A_57 = vector.shape_cast %get3A_56 : vector<16xi32> to vector<16xi32>
      %add3A_58 = arith.addi %mul3A_54, %get3A_57 : vector<16xi32>
      %swap3A_59 = arith.constant 48 : index
      %swap3A_60 = tpu.vector_load %arg9[%swap3A_59] {strides = array<i32>} : memref<128xi32, #tpu.memory_space<vmem>>, vector<16xi32>,
      %swap3A_61 = vector.shape_cast %swap3A_60 : vector<16xi32> to vector<16xi32>
      %swap3A_62 = vector.shape_cast %add3A_58 : vector<16xi32> to vector<16xi32>
      tpu.vector_store %arg9[%swap3A_59], %swap3A_62 {strides = array<i32>} : memref<128xi32, #tpu.memory_space<vmem>>, vector<16xi32>,
      %get3A_63 = arith.constant 64 : index
      %get3A_64 = tpu.vector_load %arg8[%get3A_63] {strides = array<i32>} : memref<128xi32, #tpu.memory_space<vmem>>, vector<16xi32>,
      %get3A_65 = vector.shape_cast %get3A_64 : vector<16xi32> to vector<16xi32>
      %mul3A_66 = arith.constant 62 : i32
      %mul3A_67 = vector.broadcast %mul3A_66 : i32 to vector<16xi32>
      %mul3A_68 = arith.muli %get3A_65, %mul3A_67 : vector<16xi32>
      %get3A_69 = arith.constant 64 : index
      %get3A_70 = tpu.vector_load %arg7[%get3A_69] {strides = array<i32>} : memref<128xi32, #tpu.memory_space<vmem>>, vector<16xi32>,
      %get3A_71 = vector.shape_cast %get3A_70 : vector<16xi32> to vector<16xi32>
      %add3A_72 = arith.addi %mul3A_68, %get3A_71 : vector<16xi32>
      %swap3A_73 = arith.constant 64 : index
      %swap3A_74 = tpu.vector_load %arg9[%swap3A_73] {strides = array<i32>} : memref<128xi32, #tpu.memory_space<vmem>>, vector<16xi32>,
      %swap3A_75 = vector.shape_cast %swap3A_74 : vector<16xi32> to vector<16xi32>
      %swap3A_76 = vector.shape_cast %add3A_72 : vector<16xi32> to vector<16xi32>
      tpu.vector_store %arg9[%swap3A_73], %swap3A_76 {strides = array<i32>} : memref<128xi32, #tpu.memory_space<vmem>>, vector<16xi32>,
      %get3A_77 = arith.constant 80 : index
      %get3A_78 = tpu.vector_load %arg8[%get3A_77] {strides = array<i32>} : memref<128xi32, #tpu.memory_space<vmem>>, vector<16xi32>,
      %get3A_79 = vector.shape_cast %get3A_78 : vector<16xi32> to vector<16xi32>
      %mul3A_80 = arith.constant 62 : i32
      %mul3A_81 = vector.broadcast %mul3A_80 : i32 to vector<16xi32>
      %mul3A_82 = arith.muli %get3A_79, %mul3A_81 : vector<16xi32>
      %get3A_83 = arith.constant 80 : index
      %get3A_84 = tpu.vector_load %arg7[%get3A_83] {strides = array<i32>} : memref<128xi32, #tpu.memory_space<vmem>>, vector<16xi32>,
      %get3A_85 = vector.shape_cast %get3A_84 : vector<16xi32> to vector<16xi32>
      %add3A_86 = arith.addi %mul3A_82, %get3A_85 : vector<16xi32>
      %swap3A_87 = arith.constant 80 : index
      %swap3A_88 = tpu.vector_load %arg9[%swap3A_87] {strides = array<i32>} : memref<128xi32, #tpu.memory_space<vmem>>, vector<16xi32>,
      %swap3A_89 = vector.shape_cast %swap3A_88 : vector<16xi32> to vector<16xi32>
      %swap3A_90 = vector.shape_cast %add3A_86 : vector<16xi32> to vector<16xi32>
      tpu.vector_store %arg9[%swap3A_87], %swap3A_90 {strides = array<i32>} : memref<128xi32, #tpu.memory_space<vmem>>, vector<16xi32>,
      %get3A_91 = arith.constant 96 : index
      %get3A_92 = tpu.vector_load %arg8[%get3A_91] {strides = array<i32>} : memref<128xi32, #tpu.memory_space<vmem>>, vector<16xi32>,
      %get3A_93 = vector.shape_cast %get3A_92 : vector<16xi32> to vector<16xi32>
      %mul3A_94 = arith.constant 62 : i32
      %mul3A_95 = vector.broadcast %mul3A_94 : i32 to vector<16xi32>
      %mul3A_96 = arith.muli %get3A_93, %mul3A_95 : vector<16xi32>
      %get3A_97 = arith.constant 96 : index
      %get3A_98 = tpu.vector_load %arg7[%get3A_97] {strides = array<i32>} : memref<128xi32, #tpu.memory_space<vmem>>, vector<16xi32>,
      %get3A_99 = vector.shape_cast %get3A_98 : vector<16xi32> to vector<16xi32>
      %add3A_100 = arith.addi %mul3A_96, %get3A_99 : vector<16xi32>
      %swap3A_101 = arith.constant 96 : index
      %swap3A_102 = tpu.vector_load %arg9[%swap3A_101] {strides = array<i32>} : memref<128xi32, #tpu.memory_space<vmem>>, vector<16xi32>,
      %swap3A_103 = vector.shape_cast %swap3A_102 : vector<16xi32> to vector<16xi32>
      %swap3A_104 = vector.shape_cast %add3A_100 : vector<16xi32> to vector<16xi32>
      tpu.vector_store %arg9[%swap3A_101], %swap3A_104 {strides = array<i32>} : memref<128xi32, #tpu.memory_space<vmem>>, vector<16xi32>,
      %get3A_105 = arith.constant 112 : index
      %get3A_106 = tpu.vector_load %arg8[%get3A_105] {strides = array<i32>} : memref<128xi32, #tpu.memory_space<vmem>>, vector<16xi32>,
      %get3A_107 = vector.shape_cast %get3A_106 : vector<16xi32> to vector<16xi32>
      %mul3A_108 = arith.constant 62 : i32
      %mul3A_109 = vector.broadcast %mul3A_108 : i32 to vector<16xi32>
      %mul3A_110 = arith.muli %get3A_107, %mul3A_109 : vector<16xi32>
      %get3A_111 = arith.constant 112 : index
      %get3A_112 = tpu.vector_load %arg7[%get3A_111] {strides = array<i32>} : memref<128xi32, #tpu.memory_space<vmem>>, vector<16xi32>,
      %get3A_113 = vector.shape_cast %get3A_112 : vector<16xi32> to vector<16xi32>
      %add3A_114 = arith.addi %mul3A_110, %get3A_113 : vector<16xi32>
      %swap3A_115 = arith.constant 112 : index
      %swap3A_116 = tpu.vector_load %arg9[%swap3A_115] {strides = array<i32>} : memref<128xi32, #tpu.memory_space<vmem>>, vector<16xi32>,
      %swap3A_117 = vector.shape_cast %swap3A_116 : vector<16xi32> to vector<16xi32>
      %swap3A_118 = vector.shape_cast %add3A_114 : vector<16xi32> to vector<16xi32>
      tpu.vector_store %arg9[%swap3A_115], %swap3A_118 {strides = array<i32>} : memref<128xi32, #tpu.memory_space<vmem>>, vector<16xi32>,
      "tpu.region"() ({
        %run_scoped3A = tpu.sem_alloc : memref<!tpu.dma_semaphore, #tpu.memory_space<semaphore_mem>>
        %dma_start3A = arith.constant 0 : i32
        %dma_start3A_241 = arith.constant 0 : i32
        %dma_start3A_242 = tpu.memref_slice %arg11[%dma_start3A, %dma_start3A_241] : memref<4096x16xf32, #tpu.memory_space<vmem_shared>> -> memref<4096x16xf32, #tpu.memory_space<vmem_shared>>
        tpu.enqueue_indirect_dma source(%arg10 : memref<128x16xf32, #tpu.memory_space<vmem>>) target(%dma_start3A_242 : memref<4096x16xf32, #tpu.memory_space<vmem_shared>>) offsets(%arg9 : memref<128xi32, #tpu.memory_space<vmem>>) semaphore(%run_scoped3A : memref<!tpu.dma_semaphore, #tpu.memory_space<semaphore_mem>>) {add = true}
        %dma_wait3A = arith.constant 0 : i32
        %dma_wait3A_243 = arith.constant 0 : i32
        %dma_wait3A_244 = tpu.memref_slice %arg11[%dma_wait3A, %dma_wait3A_243] : memref<4096x16xf32, #tpu.memory_space<vmem_shared>> -> memref<4096x16xf32, #tpu.memory_space<vmem_shared>>
        tpu.wait_indirect_dma semaphore(%run_scoped3A : memref<!tpu.dma_semaphore, #tpu.memory_space<semaphore_mem>>) src(%arg10 : memref<128x16xf32, #tpu.memory_space<vmem>>) dst(%dma_wait3A_244 : memref<4096x16xf32, #tpu.memory_space<vmem_shared>>)
        tpu.yield
      }) : () -> ()
      %mul3A_119 = arith.constant 2 : i32
      %mul3A_120 = arith.muli %arg1, %mul3A_119 : i32
      %add3A_121 = arith.constant 1 : i32
      %add3A_122 = arith.addi %mul3A_120, %add3A_121 : i32
      "tpu.region"() ({
        %run_scoped3A = tpu.sem_alloc : memref<!tpu.dma_semaphore, #tpu.memory_space<semaphore_mem>>
        %dma_start3A = arith.constant 0 : i32
        %dma_start3A_241 = tpu.memref_slice %arg2[%add3A_122, %dma_start3A] : memref<32x128xi32, #tpu.memory_space<hbm>> -> memref<1x128xi32, #tpu.memory_space<hbm>>
        %dma_start3A_242 = tpu.memref_squeeze %dma_start3A_241 : memref<1x128xi32, #tpu.memory_space<hbm>> -> memref<128xi32, #tpu.memory_space<hbm>>
        %dma_start3A_243 = arith.constant 0 : i32
        %dma_start3A_244 = tpu.memref_slice %arg2[%add3A_122, %dma_start3A_243] : memref<32x128xi32, #tpu.memory_space<hbm>> -> memref<1x128xi32, #tpu.memory_space<hbm>>
        %dma_start3A_245 = tpu.memref_squeeze %dma_start3A_244 : memref<1x128xi32, #tpu.memory_space<hbm>> -> memref<128xi32, #tpu.memory_space<hbm>>
        tpu.enqueue_dma source(%dma_start3A_245 : memref<128xi32, #tpu.memory_space<hbm>>) target(%arg7 : memref<128xi32, #tpu.memory_space<vmem>>) target_semaphore(%run_scoped3A : memref<!tpu.dma_semaphore, #tpu.memory_space<semaphore_mem>>)
        %dma_wait3A = arith.constant 0 : i32
        %dma_wait3A_246 = tpu.memref_slice %arg2[%add3A_122, %dma_wait3A] : memref<32x128xi32, #tpu.memory_space<hbm>> -> memref<1x128xi32, #tpu.memory_space<hbm>>
        %dma_wait3A_247 = tpu.memref_squeeze %dma_wait3A_246 : memref<1x128xi32, #tpu.memory_space<hbm>> -> memref<128xi32, #tpu.memory_space<hbm>>
        %dma_wait3A_248 = arith.constant 0 : i32
        %dma_wait3A_249 = tpu.memref_slice %arg2[%add3A_122, %dma_wait3A_248] : memref<32x128xi32, #tpu.memory_space<hbm>> -> memref<1x128xi32, #tpu.memory_space<hbm>>
        %dma_wait3A_250 = tpu.memref_squeeze %dma_wait3A_249 : memref<1x128xi32, #tpu.memory_space<hbm>> -> memref<128xi32, #tpu.memory_space<hbm>>
        tpu.wait_dma2 semaphore(%run_scoped3A : memref<!tpu.dma_semaphore, #tpu.memory_space<semaphore_mem>>) src(%dma_wait3A_250 : memref<128xi32, #tpu.memory_space<hbm>>) dst(%arg7 : memref<128xi32, #tpu.memory_space<vmem>>)
        tpu.yield
      }) : () -> ()
      "tpu.region"() ({
        %run_scoped3A = tpu.sem_alloc : memref<!tpu.dma_semaphore, #tpu.memory_space<semaphore_mem>>
        %dma_start3A = arith.constant 0 : i32
        %dma_start3A_241 = tpu.memref_slice %arg3[%add3A_122, %dma_start3A] : memref<32x128xi32, #tpu.memory_space<hbm>> -> memref<1x128xi32, #tpu.memory_space<hbm>>
        %dma_start3A_242 = tpu.memref_squeeze %dma_start3A_241 : memref<1x128xi32, #tpu.memory_space<hbm>> -> memref<128xi32, #tpu.memory_space<hbm>>
        %dma_start3A_243 = arith.constant 0 : i32
        %dma_start3A_244 = tpu.memref_slice %arg3[%add3A_122, %dma_start3A_243] : memref<32x128xi32, #tpu.memory_space<hbm>> -> memref<1x128xi32, #tpu.memory_space<hbm>>
        %dma_start3A_245 = tpu.memref_squeeze %dma_start3A_244 : memref<1x128xi32, #tpu.memory_space<hbm>> -> memref<128xi32, #tpu.memory_space<hbm>>
        tpu.enqueue_dma source(%dma_start3A_245 : memref<128xi32, #tpu.memory_space<hbm>>) target(%arg8 : memref<128xi32, #tpu.memory_space<vmem>>) target_semaphore(%run_scoped3A : memref<!tpu.dma_semaphore, #tpu.memory_space<semaphore_mem>>)
        %dma_wait3A = arith.constant 0 : i32
        %dma_wait3A_246 = tpu.memref_slice %arg3[%add3A_122, %dma_wait3A] : memref<32x128xi32, #tpu.memory_space<hbm>> -> memref<1x128xi32, #tpu.memory_space<hbm>>
        %dma_wait3A_247 = tpu.memref_squeeze %dma_wait3A_246 : memref<1x128xi32, #tpu.memory_space<hbm>> -> memref<128xi32, #tpu.memory_space<hbm>>
        %dma_wait3A_248 = arith.constant 0 : i32
        %dma_wait3A_249 = tpu.memref_slice %arg3[%add3A_122, %dma_wait3A_248] : memref<32x128xi32, #tpu.memory_space<hbm>> -> memref<1x128xi32, #tpu.memory_space<hbm>>
        %dma_wait3A_250 = tpu.memref_squeeze %dma_wait3A_249 : memref<1x128xi32, #tpu.memory_space<hbm>> -> memref<128xi32, #tpu.memory_space<hbm>>
        tpu.wait_dma2 semaphore(%run_scoped3A : memref<!tpu.dma_semaphore, #tpu.memory_space<semaphore_mem>>) src(%dma_wait3A_250 : memref<128xi32, #tpu.memory_space<hbm>>) dst(%arg8 : memref<128xi32, #tpu.memory_space<vmem>>)
        tpu.yield
      }) : () -> ()
      %get3A_123 = arith.constant 0 : index
      %get3A_124 = tpu.vector_load %arg8[%get3A_123] {strides = array<i32>} : memref<128xi32, #tpu.memory_space<vmem>>, vector<16xi32>,
      %get3A_125 = vector.shape_cast %get3A_124 : vector<16xi32> to vector<16xi32>
      %mul3A_126 = arith.constant 62 : i32
      %mul3A_127 = vector.broadcast %mul3A_126 : i32 to vector<16xi32>
      %mul3A_128 = arith.muli %get3A_125, %mul3A_127 : vector<16xi32>
      %get3A_129 = arith.constant 0 : index
      %get3A_130 = tpu.vector_load %arg7[%get3A_129] {strides = array<i32>} : memref<128xi32, #tpu.memory_space<vmem>>, vector<16xi32>,
      %get3A_131 = vector.shape_cast %get3A_130 : vector<16xi32> to vector<16xi32>
      %add3A_132 = arith.addi %mul3A_128, %get3A_131 : vector<16xi32>
      %swap3A_133 = arith.constant 0 : index
      %swap3A_134 = tpu.vector_load %arg9[%swap3A_133] {strides = array<i32>} : memref<128xi32, #tpu.memory_space<vmem>>, vector<16xi32>,
      %swap3A_135 = vector.shape_cast %swap3A_134 : vector<16xi32> to vector<16xi32>
      %swap3A_136 = vector.shape_cast %add3A_132 : vector<16xi32> to vector<16xi32>
      tpu.vector_store %arg9[%swap3A_133], %swap3A_136 {strides = array<i32>} : memref<128xi32, #tpu.memory_space<vmem>>, vector<16xi32>,
      %get3A_137 = arith.constant 16 : index
      %get3A_138 = tpu.vector_load %arg8[%get3A_137] {strides = array<i32>} : memref<128xi32, #tpu.memory_space<vmem>>, vector<16xi32>,
      %get3A_139 = vector.shape_cast %get3A_138 : vector<16xi32> to vector<16xi32>
      %mul3A_140 = arith.constant 62 : i32
      %mul3A_141 = vector.broadcast %mul3A_140 : i32 to vector<16xi32>
      %mul3A_142 = arith.muli %get3A_139, %mul3A_141 : vector<16xi32>
      %get3A_143 = arith.constant 16 : index
      %get3A_144 = tpu.vector_load %arg7[%get3A_143] {strides = array<i32>} : memref<128xi32, #tpu.memory_space<vmem>>, vector<16xi32>,
      %get3A_145 = vector.shape_cast %get3A_144 : vector<16xi32> to vector<16xi32>
      %add3A_146 = arith.addi %mul3A_142, %get3A_145 : vector<16xi32>
      %swap3A_147 = arith.constant 16 : index
      %swap3A_148 = tpu.vector_load %arg9[%swap3A_147] {strides = array<i32>} : memref<128xi32, #tpu.memory_space<vmem>>, vector<16xi32>,
      %swap3A_149 = vector.shape_cast %swap3A_148 : vector<16xi32> to vector<16xi32>
      %swap3A_150 = vector.shape_cast %add3A_146 : vector<16xi32> to vector<16xi32>
      tpu.vector_store %arg9[%swap3A_147], %swap3A_150 {strides = array<i32>} : memref<128xi32, #tpu.memory_space<vmem>>, vector<16xi32>,
      %get3A_151 = arith.constant 32 : index
      %get3A_152 = tpu.vector_load %arg8[%get3A_151] {strides = array<i32>} : memref<128xi32, #tpu.memory_space<vmem>>, vector<16xi32>,
      %get3A_153 = vector.shape_cast %get3A_152 : vector<16xi32> to vector<16xi32>
      %mul3A_154 = arith.constant 62 : i32
      %mul3A_155 = vector.broadcast %mul3A_154 : i32 to vector<16xi32>
      %mul3A_156 = arith.muli %get3A_153, %mul3A_155 : vector<16xi32>
      %get3A_157 = arith.constant 32 : index
      %get3A_158 = tpu.vector_load %arg7[%get3A_157] {strides = array<i32>} : memref<128xi32, #tpu.memory_space<vmem>>, vector<16xi32>,
      %get3A_159 = vector.shape_cast %get3A_158 : vector<16xi32> to vector<16xi32>
      %add3A_160 = arith.addi %mul3A_156, %get3A_159 : vector<16xi32>
      %swap3A_161 = arith.constant 32 : index
      %swap3A_162 = tpu.vector_load %arg9[%swap3A_161] {strides = array<i32>} : memref<128xi32, #tpu.memory_space<vmem>>, vector<16xi32>,
      %swap3A_163 = vector.shape_cast %swap3A_162 : vector<16xi32> to vector<16xi32>
      %swap3A_164 = vector.shape_cast %add3A_160 : vector<16xi32> to vector<16xi32>
      tpu.vector_store %arg9[%swap3A_161], %swap3A_164 {strides = array<i32>} : memref<128xi32, #tpu.memory_space<vmem>>, vector<16xi32>,
      %get3A_165 = arith.constant 48 : index
      %get3A_166 = tpu.vector_load %arg8[%get3A_165] {strides = array<i32>} : memref<128xi32, #tpu.memory_space<vmem>>, vector<16xi32>,
      %get3A_167 = vector.shape_cast %get3A_166 : vector<16xi32> to vector<16xi32>
      %mul3A_168 = arith.constant 62 : i32
      %mul3A_169 = vector.broadcast %mul3A_168 : i32 to vector<16xi32>
      %mul3A_170 = arith.muli %get3A_167, %mul3A_169 : vector<16xi32>
      %get3A_171 = arith.constant 48 : index
      %get3A_172 = tpu.vector_load %arg7[%get3A_171] {strides = array<i32>} : memref<128xi32, #tpu.memory_space<vmem>>, vector<16xi32>,
      %get3A_173 = vector.shape_cast %get3A_172 : vector<16xi32> to vector<16xi32>
      %add3A_174 = arith.addi %mul3A_170, %get3A_173 : vector<16xi32>
      %swap3A_175 = arith.constant 48 : index
      %swap3A_176 = tpu.vector_load %arg9[%swap3A_175] {strides = array<i32>} : memref<128xi32, #tpu.memory_space<vmem>>, vector<16xi32>,
      %swap3A_177 = vector.shape_cast %swap3A_176 : vector<16xi32> to vector<16xi32>
      %swap3A_178 = vector.shape_cast %add3A_174 : vector<16xi32> to vector<16xi32>
      tpu.vector_store %arg9[%swap3A_175], %swap3A_178 {strides = array<i32>} : memref<128xi32, #tpu.memory_space<vmem>>, vector<16xi32>,
      %get3A_179 = arith.constant 64 : index
      %get3A_180 = tpu.vector_load %arg8[%get3A_179] {strides = array<i32>} : memref<128xi32, #tpu.memory_space<vmem>>, vector<16xi32>,
      %get3A_181 = vector.shape_cast %get3A_180 : vector<16xi32> to vector<16xi32>
      %mul3A_182 = arith.constant 62 : i32
      %mul3A_183 = vector.broadcast %mul3A_182 : i32 to vector<16xi32>
      %mul3A_184 = arith.muli %get3A_181, %mul3A_183 : vector<16xi32>
      %get3A_185 = arith.constant 64 : index
      %get3A_186 = tpu.vector_load %arg7[%get3A_185] {strides = array<i32>} : memref<128xi32, #tpu.memory_space<vmem>>, vector<16xi32>,
      %get3A_187 = vector.shape_cast %get3A_186 : vector<16xi32> to vector<16xi32>
      %add3A_188 = arith.addi %mul3A_184, %get3A_187 : vector<16xi32>
      %swap3A_189 = arith.constant 64 : index
      %swap3A_190 = tpu.vector_load %arg9[%swap3A_189] {strides = array<i32>} : memref<128xi32, #tpu.memory_space<vmem>>, vector<16xi32>,
      %swap3A_191 = vector.shape_cast %swap3A_190 : vector<16xi32> to vector<16xi32>
      %swap3A_192 = vector.shape_cast %add3A_188 : vector<16xi32> to vector<16xi32>
      tpu.vector_store %arg9[%swap3A_189], %swap3A_192 {strides = array<i32>} : memref<128xi32, #tpu.memory_space<vmem>>, vector<16xi32>,
      %get3A_193 = arith.constant 80 : index
      %get3A_194 = tpu.vector_load %arg8[%get3A_193] {strides = array<i32>} : memref<128xi32, #tpu.memory_space<vmem>>, vector<16xi32>,
      %get3A_195 = vector.shape_cast %get3A_194 : vector<16xi32> to vector<16xi32>
      %mul3A_196 = arith.constant 62 : i32
      %mul3A_197 = vector.broadcast %mul3A_196 : i32 to vector<16xi32>
      %mul3A_198 = arith.muli %get3A_195, %mul3A_197 : vector<16xi32>
      %get3A_199 = arith.constant 80 : index
      %get3A_200 = tpu.vector_load %arg7[%get3A_199] {strides = array<i32>} : memref<128xi32, #tpu.memory_space<vmem>>, vector<16xi32>,
      %get3A_201 = vector.shape_cast %get3A_200 : vector<16xi32> to vector<16xi32>
      %add3A_202 = arith.addi %mul3A_198, %get3A_201 : vector<16xi32>
      %swap3A_203 = arith.constant 80 : index
      %swap3A_204 = tpu.vector_load %arg9[%swap3A_203] {strides = array<i32>} : memref<128xi32, #tpu.memory_space<vmem>>, vector<16xi32>,
      %swap3A_205 = vector.shape_cast %swap3A_204 : vector<16xi32> to vector<16xi32>
      %swap3A_206 = vector.shape_cast %add3A_202 : vector<16xi32> to vector<16xi32>
      tpu.vector_store %arg9[%swap3A_203], %swap3A_206 {strides = array<i32>} : memref<128xi32, #tpu.memory_space<vmem>>, vector<16xi32>,
      %get3A_207 = arith.constant 96 : index
      %get3A_208 = tpu.vector_load %arg8[%get3A_207] {strides = array<i32>} : memref<128xi32, #tpu.memory_space<vmem>>, vector<16xi32>,
      %get3A_209 = vector.shape_cast %get3A_208 : vector<16xi32> to vector<16xi32>
      %mul3A_210 = arith.constant 62 : i32
      %mul3A_211 = vector.broadcast %mul3A_210 : i32 to vector<16xi32>
      %mul3A_212 = arith.muli %get3A_209, %mul3A_211 : vector<16xi32>
      %get3A_213 = arith.constant 96 : index
      %get3A_214 = tpu.vector_load %arg7[%get3A_213] {strides = array<i32>} : memref<128xi32, #tpu.memory_space<vmem>>, vector<16xi32>,
      %get3A_215 = vector.shape_cast %get3A_214 : vector<16xi32> to vector<16xi32>
      %add3A_216 = arith.addi %mul3A_212, %get3A_215 : vector<16xi32>
      %swap3A_217 = arith.constant 96 : index
      %swap3A_218 = tpu.vector_load %arg9[%swap3A_217] {strides = array<i32>} : memref<128xi32, #tpu.memory_space<vmem>>, vector<16xi32>,
      %swap3A_219 = vector.shape_cast %swap3A_218 : vector<16xi32> to vector<16xi32>
      %swap3A_220 = vector.shape_cast %add3A_216 : vector<16xi32> to vector<16xi32>
      tpu.vector_store %arg9[%swap3A_217], %swap3A_220 {strides = array<i32>} : memref<128xi32, #tpu.memory_space<vmem>>, vector<16xi32>,
      %get3A_221 = arith.constant 112 : index
      %get3A_222 = tpu.vector_load %arg8[%get3A_221] {strides = array<i32>} : memref<128xi32, #tpu.memory_space<vmem>>, vector<16xi32>,
      %get3A_223 = vector.shape_cast %get3A_222 : vector<16xi32> to vector<16xi32>
      %mul3A_224 = arith.constant 62 : i32
      %mul3A_225 = vector.broadcast %mul3A_224 : i32 to vector<16xi32>
      %mul3A_226 = arith.muli %get3A_223, %mul3A_225 : vector<16xi32>
      %get3A_227 = arith.constant 112 : index
      %get3A_228 = tpu.vector_load %arg7[%get3A_227] {strides = array<i32>} : memref<128xi32, #tpu.memory_space<vmem>>, vector<16xi32>,
      %get3A_229 = vector.shape_cast %get3A_228 : vector<16xi32> to vector<16xi32>
      %add3A_230 = arith.addi %mul3A_226, %get3A_229 : vector<16xi32>
      %swap3A_231 = arith.constant 112 : index
      %swap3A_232 = tpu.vector_load %arg9[%swap3A_231] {strides = array<i32>} : memref<128xi32, #tpu.memory_space<vmem>>, vector<16xi32>,
      %swap3A_233 = vector.shape_cast %swap3A_232 : vector<16xi32> to vector<16xi32>
      %swap3A_234 = vector.shape_cast %add3A_230 : vector<16xi32> to vector<16xi32>
      tpu.vector_store %arg9[%swap3A_231], %swap3A_234 {strides = array<i32>} : memref<128xi32, #tpu.memory_space<vmem>>, vector<16xi32>,
      "tpu.region"() ({
        %run_scoped3A = tpu.sem_alloc : memref<!tpu.dma_semaphore, #tpu.memory_space<semaphore_mem>>
        %dma_start3A = arith.constant 0 : i32
        %dma_start3A_241 = arith.constant 0 : i32
        %dma_start3A_242 = tpu.memref_slice %arg11[%dma_start3A, %dma_start3A_241] : memref<4096x16xf32, #tpu.memory_space<vmem_shared>> -> memref<4096x16xf32, #tpu.memory_space<vmem_shared>>
        tpu.enqueue_indirect_dma source(%arg10 : memref<128x16xf32, #tpu.memory_space<vmem>>) target(%dma_start3A_242 : memref<4096x16xf32, #tpu.memory_space<vmem_shared>>) offsets(%arg9 : memref<128xi32, #tpu.memory_space<vmem>>) semaphore(%run_scoped3A : memref<!tpu.dma_semaphore, #tpu.memory_space<semaphore_mem>>) {add = true}
        %dma_wait3A = arith.constant 0 : i32
        %dma_wait3A_243 = arith.constant 0 : i32
        %dma_wait3A_244 = tpu.memref_slice %arg11[%dma_wait3A, %dma_wait3A_243] : memref<4096x16xf32, #tpu.memory_space<vmem_shared>> -> memref<4096x16xf32, #tpu.memory_space<vmem_shared>>
        tpu.wait_indirect_dma semaphore(%run_scoped3A : memref<!tpu.dma_semaphore, #tpu.memory_space<semaphore_mem>>) src(%arg10 : memref<128x16xf32, #tpu.memory_space<vmem>>) dst(%dma_wait3A_244 : memref<4096x16xf32, #tpu.memory_space<vmem_shared>>)
        tpu.yield
      }) : () -> ()
      %barrier3A_235 = arith.constant 0 : index
      tpu.barrier barrier_id(%barrier3A_235)
      %eq3A_236 = arith.constant 0 : i32
      %eq3A_237 = arith.cmpi eq, %arg1, %eq3A_236 : i32
      %convert_element_type3A_238 = arith.extui %eq3A_237 : i1 to i32
      %cond3A_239 = arith.constant 0 : i32
      %cond3A_240 = arith.cmpi ne, %convert_element_type3A_238, %cond3A_239 : i32
      scf.if %cond3A_240 {
        "tpu.region"() ({
          %run_scoped3A = tpu.sem_alloc : memref<!tpu.dma_semaphore, #tpu.memory_space<semaphore_mem>>
          %dma_start3A = arith.constant 0 : i32
          %dma_start3A_241 = arith.constant 0 : i32
          %dma_start3A_242 = tpu.memref_slice %arg11[%dma_start3A, %dma_start3A_241] : memref<4096x16xf32, #tpu.memory_space<vmem_shared>> -> memref<3968x16xf32, #tpu.memory_space<vmem_shared>>
          tpu.enqueue_dma source(%dma_start3A_242 : memref<3968x16xf32, #tpu.memory_space<vmem_shared>>) target(%arg6 : memref<3968x16xf32, #tpu.memory_space<hbm>>) target_semaphore(%run_scoped3A : memref<!tpu.dma_semaphore, #tpu.memory_space<semaphore_mem>>)
          %dma_wait3A = arith.constant 0 : i32
          %dma_wait3A_243 = arith.constant 0 : i32
          %dma_wait3A_244 = tpu.memref_slice %arg11[%dma_wait3A, %dma_wait3A_243] : memref<4096x16xf32, #tpu.memory_space<vmem_shared>> -> memref<3968x16xf32, #tpu.memory_space<vmem_shared>>
          tpu.wait_dma2 semaphore(%run_scoped3A : memref<!tpu.dma_semaphore, #tpu.memory_space<semaphore_mem>>) src(%dma_wait3A_244 : memref<3968x16xf32, #tpu.memory_space<vmem_shared>>) dst(%arg6 : memref<3968x16xf32, #tpu.memory_space<hbm>>)
          tpu.yield
        }) : () -> ()
      } else {
      }
    } else {
    }
    return
  }
}

module attributes {stable_mosaic.version = 14 : i64} {
  func.func @_wk(%arg0: memref<16x64xf32, #tpu.memory_space<vmem>>, %arg1: memref<16x64xf32, #tpu.memory_space<vmem>>, %arg2: memref<16x64xf32, #tpu.memory_space<vmem>>, %arg3: memref<16x1xf32, #tpu.memory_space<vmem>>, %arg4: memref<16x1xf32, #tpu.memory_space<vmem>>, %arg5: memref<16x1xf32, #tpu.memory_space<vmem>>, %arg6: memref<16x32xf32, #tpu.memory_space<vmem>>, %arg7: memref<16x32xf32, #tpu.memory_space<vmem>>, %arg8: memref<16x32xf32, #tpu.memory_space<vmem>>, %arg9: memref<16x1xf32, #tpu.memory_space<vmem>>, %arg10: memref<16x1xf32, #tpu.memory_space<vmem>>, %arg11: memref<16x1xf32, #tpu.memory_space<vmem>>, %arg12: memref<16x32xf32, #tpu.memory_space<vmem>>, %arg13: memref<16x32xf32, #tpu.memory_space<vmem>>, %arg14: memref<16x32xf32, #tpu.memory_space<vmem>>, %arg15: memref<16x1xf32, #tpu.memory_space<vmem>>, %arg16: memref<16x1xf32, #tpu.memory_space<vmem>>, %arg17: memref<16x1xf32, #tpu.memory_space<vmem>>, %arg18: memref<32x1xf32, #tpu.memory_space<vmem>>, %arg19: memref<32x1xf32, #tpu.memory_space<vmem>>, %arg20: memref<32x16xf32, #tpu.memory_space<vmem>>, %arg21: memref<32x1xf32, #tpu.memory_space<vmem>>, %arg22: memref<1x8xf32, #tpu.memory_space<vmem>>, %arg23: memref<1x1xf32, #tpu.memory_space<vmem>>, %arg24: memref<1x62xf32, #tpu.memory_space<vmem>>, %arg25: memref<1x1xf32, #tpu.memory_space<vmem>>, %arg26: memref<8x64xf32, #tpu.memory_space<vmem>>, %arg27: memref<2x4000xi32, #tpu.memory_space<vmem>>, %arg28: memref<64x1024xf32, #tpu.memory_space<vmem>>, %arg29: memref<64x1024xf32, #tpu.memory_space<vmem>>, %arg30: memref<64x1024xf32, #tpu.memory_space<vmem>>, %arg31: memref<16x64xf32, #tpu.memory_space<vmem>>, %arg32: memref<16x64xf32, #tpu.memory_space<vmem>>, %arg33: memref<16x64xf32, #tpu.memory_space<vmem>>, %arg34: memref<512x256xf32, #tpu.memory_space<vmem>>, %arg35: memref<512x256xf32, #tpu.memory_space<vmem>>, %arg36: memref<512x256xf32, #tpu.memory_space<vmem>>, %arg37: memref<8x256xf32, #tpu.memory_space<vmem>>, %arg38: memref<8x256xf32, #tpu.memory_space<vmem>>, %arg39: memref<8x256xf32, #tpu.memory_space<vmem>>, %arg40: memref<16x16xf32, #tpu.memory_space<vmem>>, %arg41: memref<16x16xf32, #tpu.memory_space<vmem>>, %arg42: memref<16x16xf32, #tpu.memory_space<vmem>>, %arg43: memref<256x512xf32, #tpu.memory_space<vmem>>, %arg44: memref<1x512xf32, #tpu.memory_space<vmem>>, %arg45: memref<512x64xf32, #tpu.memory_space<vmem>>, %arg46: memref<1x64xf32, #tpu.memory_space<vmem>>, %arg47: memref<62x62xf32, #tpu.memory_space<vmem>>) attributes {dimension_semantics = [], scalar_prefetch = 0 : i64, scratch_operands = 0 : i64, tpu.core_type = #tpu.core_type<tc>} {
    %iota3A = tpu.iota {dimensions = array<i32: 0>} : vector<64x32xi32>
    %iota3A_0 = tpu.iota {dimensions = array<i32: 1>} : vector<64x32xi32>
    %mul3A = arith.constant 2 : i32
    %mul3A_1 = vector.broadcast %mul3A : i32 to vector<64x32xi32>
    %mul3A_2 = arith.muli %iota3A_0, %mul3A_1 : vector<64x32xi32>
    %add3A = arith.constant 0 : i32
    %add3A_3 = vector.broadcast %add3A : i32 to vector<64x32xi32>
    %add3A_4 = arith.addi %mul3A_2, %add3A_3 : vector<64x32xi32>
    %eq3A = arith.cmpi eq, %iota3A, %add3A_4 : vector<64x32xi32>
    %convert_element_type3A = arith.extui %eq3A : vector<64x32xi1> to vector<64x32xi32>
    %convert_element_type3A_5 = arith.sitofp %convert_element_type3A : vector<64x32xi32> to vector<64x32xf32>
    %iota3A_6 = tpu.iota {dimensions = array<i32: 0>} : vector<64x32xi32>
    %iota3A_7 = tpu.iota {dimensions = array<i32: 1>} : vector<64x32xi32>
    %mul3A_8 = arith.constant 2 : i32
    %mul3A_9 = vector.broadcast %mul3A_8 : i32 to vector<64x32xi32>
    %mul3A_10 = arith.muli %iota3A_7, %mul3A_9 : vector<64x32xi32>
    %add3A_11 = arith.constant 1 : i32
    %add3A_12 = vector.broadcast %add3A_11 : i32 to vector<64x32xi32>
    %add3A_13 = arith.addi %mul3A_10, %add3A_12 : vector<64x32xi32>
    %eq3A_14 = arith.cmpi eq, %iota3A_6, %add3A_13 : vector<64x32xi32>
    %convert_element_type3A_15 = arith.extui %eq3A_14 : vector<64x32xi1> to vector<64x32xi32>
    %convert_element_type3A_16 = arith.sitofp %convert_element_type3A_15 : vector<64x32xi32> to vector<64x32xf32>
    %iota3A_17 = tpu.iota {dimensions = array<i32: 0>} : vector<32x16xi32>
    %iota3A_18 = tpu.iota {dimensions = array<i32: 1>} : vector<32x16xi32>
    %mul3A_19 = arith.constant 2 : i32
    %mul3A_20 = vector.broadcast %mul3A_19 : i32 to vector<32x16xi32>
    %mul3A_21 = arith.muli %iota3A_18, %mul3A_20 : vector<32x16xi32>
    %add3A_22 = arith.constant 0 : i32
    %add3A_23 = vector.broadcast %add3A_22 : i32 to vector<32x16xi32>
    %add3A_24 = arith.addi %mul3A_21, %add3A_23 : vector<32x16xi32>
    %eq3A_25 = arith.cmpi eq, %iota3A_17, %add3A_24 : vector<32x16xi32>
    %convert_element_type3A_26 = arith.extui %eq3A_25 : vector<32x16xi1> to vector<32x16xi32>
    %convert_element_type3A_27 = arith.sitofp %convert_element_type3A_26 : vector<32x16xi32> to vector<32x16xf32>
    %iota3A_28 = tpu.iota {dimensions = array<i32: 0>} : vector<32x16xi32>
    %iota3A_29 = tpu.iota {dimensions = array<i32: 1>} : vector<32x16xi32>
    %mul3A_30 = arith.constant 2 : i32
    %mul3A_31 = vector.broadcast %mul3A_30 : i32 to vector<32x16xi32>
    %mul3A_32 = arith.muli %iota3A_29, %mul3A_31 : vector<32x16xi32>
    %add3A_33 = arith.constant 1 : i32
    %add3A_34 = vector.broadcast %add3A_33 : i32 to vector<32x16xi32>
    %add3A_35 = arith.addi %mul3A_32, %add3A_34 : vector<32x16xi32>
    %eq3A_36 = arith.cmpi eq, %iota3A_28, %add3A_35 : vector<32x16xi32>
    %convert_element_type3A_37 = arith.extui %eq3A_36 : vector<32x16xi1> to vector<32x16xi32>
    %convert_element_type3A_38 = arith.sitofp %convert_element_type3A_37 : vector<32x16xi32> to vector<32x16xf32>
    %get3A = arith.constant 0 : index
    %get3A_39 = arith.constant 0 : index
    %get3A_40 = vector.load %arg18[%get3A, %get3A_39] : memref<32x1xf32, #tpu.memory_space<vmem>>, vector<32x1xf32>
    %get3A_41 = arith.constant 0 : index
    %get3A_42 = arith.constant 0 : index
    %get3A_43 = vector.load %arg19[%get3A_41, %get3A_42] : memref<32x1xf32, #tpu.memory_space<vmem>>, vector<32x1xf32>
    %iota3A_44 = tpu.iota {dimensions = array<i32: 1>} : vector<1x80xi32>
    %iota3A_45 = tpu.iota {dimensions = array<i32: 1>} : vector<64x1024xi32>
    %jit3A = arith.constant 64 : i32
    %eq3A_46 = arith.constant 0 : i32
    %eq3A_47 = arith.cmpi eq, %jit3A, %eq3A_46 : i32
    %jit3A_48 = arith.constant 1 : i32
    %select_n3A = arith.select %eq3A_47, %jit3A_48, %jit3A : i32
    %rem3A = vector.broadcast %select_n3A : i32 to vector<64x1024xi32>
    %rem3A_49 = arith.remsi %iota3A_45, %rem3A : vector<64x1024xi32>
    %ne3A = arith.constant 0 : i32
    %ne3A_50 = vector.broadcast %ne3A : i32 to vector<64x1024xi32>
    %ne3A_51 = arith.cmpi ne, %rem3A_49, %ne3A_50 : vector<64x1024xi32>
    %lt3A = arith.constant 0 : i32
    %lt3A_52 = vector.broadcast %lt3A : i32 to vector<64x1024xi32>
    %lt3A_53 = arith.cmpi slt, %rem3A_49, %lt3A_52 : vector<64x1024xi32>
    %lt3A_54 = arith.constant 0 : i32
    %lt3A_55 = arith.cmpi slt, %select_n3A, %lt3A_54 : i32
    %ne3A_56 = vector.broadcast %lt3A_55 : i1 to vector<64x1024xi1>
    %ne3A_57 = vector.broadcast %ne3A_56 : vector<64x1024xi1> to vector<64x1024xi1>
    %ne3A_58 = arith.xori %lt3A_53, %ne3A_57 : vector<64x1024xi1>
    %and3A = arith.andi %ne3A_58, %ne3A_51 : vector<64x1024xi1>
    %add3A_59 = vector.broadcast %select_n3A : i32 to vector<64x1024xi32>
    %add3A_60 = arith.addi %rem3A_49, %add3A_59 : vector<64x1024xi32>
    %select_n3A_61 = arith.select %and3A, %add3A_60, %rem3A_49 : vector<64x1024xi1>, vector<64x1024xi32>
    %iota3A_62 = tpu.iota {dimensions = array<i32: 0>} : vector<64x1024xi32>
    %sub3A = arith.subi %select_n3A_61, %iota3A_62 : vector<64x1024xi32>
    %iota3A_63 = tpu.iota {dimensions = array<i32: 1>} : vector<512x256xi32>
    %jit3A_64 = arith.constant 16 : i32
    %eq3A_65 = arith.constant 0 : i32
    %eq3A_66 = arith.cmpi eq, %jit3A_64, %eq3A_65 : i32
    %jit3A_67 = arith.constant 1 : i32
    %select_n3A_68 = arith.select %eq3A_66, %jit3A_67, %jit3A_64 : i32
    %rem3A_69 = vector.broadcast %select_n3A_68 : i32 to vector<512x256xi32>
    %rem3A_70 = arith.remsi %iota3A_63, %rem3A_69 : vector<512x256xi32>
    %ne3A_71 = arith.constant 0 : i32
    %ne3A_72 = vector.broadcast %ne3A_71 : i32 to vector<512x256xi32>
    %ne3A_73 = arith.cmpi ne, %rem3A_70, %ne3A_72 : vector<512x256xi32>
    %lt3A_74 = arith.constant 0 : i32
    %lt3A_75 = vector.broadcast %lt3A_74 : i32 to vector<512x256xi32>
    %lt3A_76 = arith.cmpi slt, %rem3A_70, %lt3A_75 : vector<512x256xi32>
    %lt3A_77 = arith.constant 0 : i32
    %lt3A_78 = arith.cmpi slt, %select_n3A_68, %lt3A_77 : i32
    %ne3A_79 = vector.broadcast %lt3A_78 : i1 to vector<512x256xi1>
    %ne3A_80 = vector.broadcast %ne3A_79 : vector<512x256xi1> to vector<512x256xi1>
    %ne3A_81 = arith.xori %lt3A_76, %ne3A_80 : vector<512x256xi1>
    %and3A_82 = arith.andi %ne3A_81, %ne3A_73 : vector<512x256xi1>
    %add3A_83 = vector.broadcast %select_n3A_68 : i32 to vector<512x256xi32>
    %add3A_84 = arith.addi %rem3A_70, %add3A_83 : vector<512x256xi32>
    %select_n3A_85 = arith.select %and3A_82, %add3A_84, %rem3A_70 : vector<512x256xi1>, vector<512x256xi32>
    %iota3A_86 = tpu.iota {dimensions = array<i32: 0>} : vector<512x256xi32>
    %jit3A_87 = arith.constant 16 : i32
    %eq3A_88 = arith.constant 0 : i32
    %eq3A_89 = arith.cmpi eq, %jit3A_87, %eq3A_88 : i32
    %jit3A_90 = arith.constant 1 : i32
    %select_n3A_91 = arith.select %eq3A_89, %jit3A_90, %jit3A_87 : i32
    %rem3A_92 = vector.broadcast %select_n3A_91 : i32 to vector<512x256xi32>
    %rem3A_93 = arith.remsi %iota3A_86, %rem3A_92 : vector<512x256xi32>
    %ne3A_94 = arith.constant 0 : i32
    %ne3A_95 = vector.broadcast %ne3A_94 : i32 to vector<512x256xi32>
    %ne3A_96 = arith.cmpi ne, %rem3A_93, %ne3A_95 : vector<512x256xi32>
    %lt3A_97 = arith.constant 0 : i32
    %lt3A_98 = vector.broadcast %lt3A_97 : i32 to vector<512x256xi32>
    %lt3A_99 = arith.cmpi slt, %rem3A_93, %lt3A_98 : vector<512x256xi32>
    %lt3A_100 = arith.constant 0 : i32
    %lt3A_101 = arith.cmpi slt, %select_n3A_91, %lt3A_100 : i32
    %ne3A_102 = vector.broadcast %lt3A_101 : i1 to vector<512x256xi1>
    %ne3A_103 = vector.broadcast %ne3A_102 : vector<512x256xi1> to vector<512x256xi1>
    %ne3A_104 = arith.xori %lt3A_99, %ne3A_103 : vector<512x256xi1>
    %and3A_105 = arith.andi %ne3A_104, %ne3A_96 : vector<512x256xi1>
    %add3A_106 = vector.broadcast %select_n3A_91 : i32 to vector<512x256xi32>
    %add3A_107 = arith.addi %rem3A_93, %add3A_106 : vector<512x256xi32>
    %select_n3A_108 = arith.select %and3A_105, %add3A_107, %rem3A_93 : vector<512x256xi1>, vector<512x256xi32>
    %sub3A_109 = arith.subi %select_n3A_85, %select_n3A_108 : vector<512x256xi32>
    %iota3A_110 = tpu.iota {dimensions = array<i32: 1>} : vector<8x256xi32>
    %jit3A_111 = arith.constant 16 : i32
    %eq3A_112 = arith.constant 0 : i32
    %eq3A_113 = arith.cmpi eq, %jit3A_111, %eq3A_112 : i32
    %jit3A_114 = arith.constant 1 : i32
    %select_n3A_115 = arith.select %eq3A_113, %jit3A_114, %jit3A_111 : i32
    %rem3A_116 = vector.broadcast %select_n3A_115 : i32 to vector<8x256xi32>
    %rem3A_117 = arith.remsi %iota3A_110, %rem3A_116 : vector<8x256xi32>
    %ne3A_118 = arith.constant 0 : i32
    %ne3A_119 = vector.broadcast %ne3A_118 : i32 to vector<8x256xi32>
    %ne3A_120 = arith.cmpi ne, %rem3A_117, %ne3A_119 : vector<8x256xi32>
    %lt3A_121 = arith.constant 0 : i32
    %lt3A_122 = vector.broadcast %lt3A_121 : i32 to vector<8x256xi32>
    %lt3A_123 = arith.cmpi slt, %rem3A_117, %lt3A_122 : vector<8x256xi32>
    %lt3A_124 = arith.constant 0 : i32
    %lt3A_125 = arith.cmpi slt, %select_n3A_115, %lt3A_124 : i32
    %ne3A_126 = vector.broadcast %lt3A_125 : i1 to vector<8x256xi1>
    %ne3A_127 = vector.broadcast %ne3A_126 : vector<8x256xi1> to vector<8x256xi1>
    %ne3A_128 = arith.xori %lt3A_123, %ne3A_127 : vector<8x256xi1>
    %and3A_129 = arith.andi %ne3A_128, %ne3A_120 : vector<8x256xi1>
    %add3A_130 = vector.broadcast %select_n3A_115 : i32 to vector<8x256xi32>
    %add3A_131 = arith.addi %rem3A_117, %add3A_130 : vector<8x256xi32>
    %select_n3A_132 = arith.select %and3A_129, %add3A_131, %rem3A_117 : vector<8x256xi1>, vector<8x256xi32>
    %iota3A_133 = tpu.iota {dimensions = array<i32: 0>} : vector<8x256xi32>
    %iota3A_134 = tpu.iota {dimensions = array<i32: 0>} : vector<16x1024xi32>
    %iota3A_135 = tpu.iota {dimensions = array<i32: 1>} : vector<16x1024xi32>
    %jit3A_136 = arith.constant 64 : i32
    %div3A = vector.broadcast %jit3A_136 : i32 to vector<16x1024xi32>
    %div3A_137 = arith.divsi %iota3A_135, %div3A : vector<16x1024xi32>
    %sign3A = arith.constant 0 : i32
    %sign3A_138 = vector.broadcast %sign3A : i32 to vector<16x1024xi32>
    %sign3A_139 = arith.cmpi sgt, %iota3A_135, %sign3A_138 : vector<16x1024xi32>
    %sign3A_140 = arith.extui %sign3A_139 : vector<16x1024xi1> to vector<16x1024xi32>
    %sign3A_141 = arith.constant 0 : i32
    %sign3A_142 = vector.broadcast %sign3A_141 : i32 to vector<16x1024xi32>
    %sign3A_143 = arith.cmpi slt, %iota3A_135, %sign3A_142 : vector<16x1024xi32>
    %sign3A_144 = arith.extui %sign3A_143 : vector<16x1024xi1> to vector<16x1024xi32>
    %sign3A_145 = arith.subi %sign3A_140, %sign3A_144 : vector<16x1024xi32>
    %sign3A_146 = arith.constant 0 : i32
    %sign3A_147 = arith.cmpi sgt, %jit3A_136, %sign3A_146 : i32
    %sign3A_148 = arith.extui %sign3A_147 : i1 to i32
    %sign3A_149 = arith.constant 0 : i32
    %sign3A_150 = arith.cmpi slt, %jit3A_136, %sign3A_149 : i32
    %sign3A_151 = arith.extui %sign3A_150 : i1 to i32
    %sign3A_152 = arith.subi %sign3A_148, %sign3A_151 : i32
    %ne3A_153 = vector.broadcast %sign3A_152 : i32 to vector<16x1024xi32>
    %ne3A_154 = arith.cmpi ne, %sign3A_145, %ne3A_153 : vector<16x1024xi32>
    %rem3A_155 = vector.broadcast %jit3A_136 : i32 to vector<16x1024xi32>
    %rem3A_156 = arith.remsi %iota3A_135, %rem3A_155 : vector<16x1024xi32>
    %ne3A_157 = arith.constant 0 : i32
    %ne3A_158 = vector.broadcast %ne3A_157 : i32 to vector<16x1024xi32>
    %ne3A_159 = arith.cmpi ne, %rem3A_156, %ne3A_158 : vector<16x1024xi32>
    %and3A_160 = arith.andi %ne3A_154, %ne3A_159 : vector<16x1024xi1>
    %sub3A_161 = arith.constant 1 : i32
    %sub3A_162 = vector.broadcast %sub3A_161 : i32 to vector<16x1024xi32>
    %sub3A_163 = arith.subi %div3A_137, %sub3A_162 : vector<16x1024xi32>
    %select_n3A_164 = arith.select %and3A_160, %sub3A_163, %div3A_137 : vector<16x1024xi1>, vector<16x1024xi32>
    %eq3A_165 = arith.cmpi eq, %iota3A_134, %select_n3A_164 : vector<16x1024xi32>
    %convert_element_type3A_166 = arith.extui %eq3A_165 : vector<16x1024xi1> to vector<16x1024xi32>
    %convert_element_type3A_167 = arith.sitofp %convert_element_type3A_166 : vector<16x1024xi32> to vector<16x1024xf32>
    %iota3A_168 = tpu.iota {dimensions = array<i32: 0>} : vector<16x256xi32>
    %iota3A_169 = tpu.iota {dimensions = array<i32: 1>} : vector<16x256xi32>
    %jit3A_170 = arith.constant 16 : i32
    %div3A_171 = vector.broadcast %jit3A_170 : i32 to vector<16x256xi32>
    %div3A_172 = arith.divsi %iota3A_169, %div3A_171 : vector<16x256xi32>
    %sign3A_173 = arith.constant 0 : i32
    %sign3A_174 = vector.broadcast %sign3A_173 : i32 to vector<16x256xi32>
    %sign3A_175 = arith.cmpi sgt, %iota3A_169, %sign3A_174 : vector<16x256xi32>
    %sign3A_176 = arith.extui %sign3A_175 : vector<16x256xi1> to vector<16x256xi32>
    %sign3A_177 = arith.constant 0 : i32
    %sign3A_178 = vector.broadcast %sign3A_177 : i32 to vector<16x256xi32>
    %sign3A_179 = arith.cmpi slt, %iota3A_169, %sign3A_178 : vector<16x256xi32>
    %sign3A_180 = arith.extui %sign3A_179 : vector<16x256xi1> to vector<16x256xi32>
    %sign3A_181 = arith.subi %sign3A_176, %sign3A_180 : vector<16x256xi32>
    %sign3A_182 = arith.constant 0 : i32
    %sign3A_183 = arith.cmpi sgt, %jit3A_170, %sign3A_182 : i32
    %sign3A_184 = arith.extui %sign3A_183 : i1 to i32
    %sign3A_185 = arith.constant 0 : i32
    %sign3A_186 = arith.cmpi slt, %jit3A_170, %sign3A_185 : i32
    %sign3A_187 = arith.extui %sign3A_186 : i1 to i32
    %sign3A_188 = arith.subi %sign3A_184, %sign3A_187 : i32
    %ne3A_189 = vector.broadcast %sign3A_188 : i32 to vector<16x256xi32>
    %ne3A_190 = arith.cmpi ne, %sign3A_181, %ne3A_189 : vector<16x256xi32>
    %rem3A_191 = vector.broadcast %jit3A_170 : i32 to vector<16x256xi32>
    %rem3A_192 = arith.remsi %iota3A_169, %rem3A_191 : vector<16x256xi32>
    %ne3A_193 = arith.constant 0 : i32
    %ne3A_194 = vector.broadcast %ne3A_193 : i32 to vector<16x256xi32>
    %ne3A_195 = arith.cmpi ne, %rem3A_192, %ne3A_194 : vector<16x256xi32>
    %and3A_196 = arith.andi %ne3A_190, %ne3A_195 : vector<16x256xi1>
    %sub3A_197 = arith.constant 1 : i32
    %sub3A_198 = vector.broadcast %sub3A_197 : i32 to vector<16x256xi32>
    %sub3A_199 = arith.subi %div3A_172, %sub3A_198 : vector<16x256xi32>
    %select_n3A_200 = arith.select %and3A_196, %sub3A_199, %div3A_172 : vector<16x256xi1>, vector<16x256xi32>
    %eq3A_201 = arith.cmpi eq, %iota3A_168, %select_n3A_200 : vector<16x256xi32>
    %convert_element_type3A_202 = arith.extui %eq3A_201 : vector<16x256xi1> to vector<16x256xi32>
    %convert_element_type3A_203 = arith.sitofp %convert_element_type3A_202 : vector<16x256xi32> to vector<16x256xf32>
    %iota3A_204 = tpu.iota {dimensions = array<i32: 0>} : vector<512x32xi32>
    %jit3A_205 = arith.constant 16 : i32
    %div3A_206 = vector.broadcast %jit3A_205 : i32 to vector<512x32xi32>
    %div3A_207 = arith.divsi %iota3A_204, %div3A_206 : vector<512x32xi32>
    %sign3A_208 = arith.constant 0 : i32
    %sign3A_209 = vector.broadcast %sign3A_208 : i32 to vector<512x32xi32>
    %sign3A_210 = arith.cmpi sgt, %iota3A_204, %sign3A_209 : vector<512x32xi32>
    %sign3A_211 = arith.extui %sign3A_210 : vector<512x32xi1> to vector<512x32xi32>
    %sign3A_212 = arith.constant 0 : i32
    %sign3A_213 = vector.broadcast %sign3A_212 : i32 to vector<512x32xi32>
    %sign3A_214 = arith.cmpi slt, %iota3A_204, %sign3A_213 : vector<512x32xi32>
    %sign3A_215 = arith.extui %sign3A_214 : vector<512x32xi1> to vector<512x32xi32>
    %sign3A_216 = arith.subi %sign3A_211, %sign3A_215 : vector<512x32xi32>
    %sign3A_217 = arith.constant 0 : i32
    %sign3A_218 = arith.cmpi sgt, %jit3A_205, %sign3A_217 : i32
    %sign3A_219 = arith.extui %sign3A_218 : i1 to i32
    %sign3A_220 = arith.constant 0 : i32
    %sign3A_221 = arith.cmpi slt, %jit3A_205, %sign3A_220 : i32
    %sign3A_222 = arith.extui %sign3A_221 : i1 to i32
    %sign3A_223 = arith.subi %sign3A_219, %sign3A_222 : i32
    %ne3A_224 = vector.broadcast %sign3A_223 : i32 to vector<512x32xi32>
    %ne3A_225 = arith.cmpi ne, %sign3A_216, %ne3A_224 : vector<512x32xi32>
    %rem3A_226 = vector.broadcast %jit3A_205 : i32 to vector<512x32xi32>
    %rem3A_227 = arith.remsi %iota3A_204, %rem3A_226 : vector<512x32xi32>
    %ne3A_228 = arith.constant 0 : i32
    %ne3A_229 = vector.broadcast %ne3A_228 : i32 to vector<512x32xi32>
    %ne3A_230 = arith.cmpi ne, %rem3A_227, %ne3A_229 : vector<512x32xi32>
    %and3A_231 = arith.andi %ne3A_225, %ne3A_230 : vector<512x32xi1>
    %sub3A_232 = arith.constant 1 : i32
    %sub3A_233 = vector.broadcast %sub3A_232 : i32 to vector<512x32xi32>
    %sub3A_234 = arith.subi %div3A_207, %sub3A_233 : vector<512x32xi32>
    %select_n3A_235 = arith.select %and3A_231, %sub3A_234, %div3A_207 : vector<512x32xi1>, vector<512x32xi32>
    %iota3A_236 = tpu.iota {dimensions = array<i32: 1>} : vector<512x32xi32>
    %eq3A_237 = arith.cmpi eq, %select_n3A_235, %iota3A_236 : vector<512x32xi32>
    %convert_element_type3A_238 = arith.extui %eq3A_237 : vector<512x32xi1> to vector<512x32xi32>
    %convert_element_type3A_239 = arith.sitofp %convert_element_type3A_238 : vector<512x32xi32> to vector<512x32xf32>
    %iota3A_240 = tpu.iota {dimensions = array<i32: 0>} : vector<16x256xi32>
    %iota3A_241 = tpu.iota {dimensions = array<i32: 1>} : vector<16x256xi32>
    %jit3A_242 = arith.constant 16 : i32
    %div3A_243 = vector.broadcast %jit3A_242 : i32 to vector<16x256xi32>
    %div3A_244 = arith.divsi %iota3A_241, %div3A_243 : vector<16x256xi32>
    %sign3A_245 = arith.constant 0 : i32
    %sign3A_246 = vector.broadcast %sign3A_245 : i32 to vector<16x256xi32>
    %sign3A_247 = arith.cmpi sgt, %iota3A_241, %sign3A_246 : vector<16x256xi32>
    %sign3A_248 = arith.extui %sign3A_247 : vector<16x256xi1> to vector<16x256xi32>
    %sign3A_249 = arith.constant 0 : i32
    %sign3A_250 = vector.broadcast %sign3A_249 : i32 to vector<16x256xi32>
    %sign3A_251 = arith.cmpi slt, %iota3A_241, %sign3A_250 : vector<16x256xi32>
    %sign3A_252 = arith.extui %sign3A_251 : vector<16x256xi1> to vector<16x256xi32>
    %sign3A_253 = arith.subi %sign3A_248, %sign3A_252 : vector<16x256xi32>
    %sign3A_254 = arith.constant 0 : i32
    %sign3A_255 = arith.cmpi sgt, %jit3A_242, %sign3A_254 : i32
    %sign3A_256 = arith.extui %sign3A_255 : i1 to i32
    %sign3A_257 = arith.constant 0 : i32
    %sign3A_258 = arith.cmpi slt, %jit3A_242, %sign3A_257 : i32
    %sign3A_259 = arith.extui %sign3A_258 : i1 to i32
    %sign3A_260 = arith.subi %sign3A_256, %sign3A_259 : i32
    %ne3A_261 = vector.broadcast %sign3A_260 : i32 to vector<16x256xi32>
    %ne3A_262 = arith.cmpi ne, %sign3A_253, %ne3A_261 : vector<16x256xi32>
    %rem3A_263 = vector.broadcast %jit3A_242 : i32 to vector<16x256xi32>
    %rem3A_264 = arith.remsi %iota3A_241, %rem3A_263 : vector<16x256xi32>
    %ne3A_265 = arith.constant 0 : i32
    %ne3A_266 = vector.broadcast %ne3A_265 : i32 to vector<16x256xi32>
    %ne3A_267 = arith.cmpi ne, %rem3A_264, %ne3A_266 : vector<16x256xi32>
    %and3A_268 = arith.andi %ne3A_262, %ne3A_267 : vector<16x256xi1>
    %sub3A_269 = arith.constant 1 : i32
    %sub3A_270 = vector.broadcast %sub3A_269 : i32 to vector<16x256xi32>
    %sub3A_271 = arith.subi %div3A_244, %sub3A_270 : vector<16x256xi32>
    %select_n3A_272 = arith.select %and3A_268, %sub3A_271, %div3A_244 : vector<16x256xi1>, vector<16x256xi32>
    %eq3A_273 = arith.cmpi eq, %iota3A_240, %select_n3A_272 : vector<16x256xi32>
    %convert_element_type3A_274 = arith.extui %eq3A_273 : vector<16x256xi1> to vector<16x256xi32>
    %convert_element_type3A_275 = arith.sitofp %convert_element_type3A_274 : vector<16x256xi32> to vector<16x256xf32>
    %get3A_276 = arith.constant 0 : index
    %get3A_277 = arith.constant 0 : index
    %get3A_278 = vector.load %arg0[%get3A_276, %get3A_277] : memref<16x64xf32, #tpu.memory_space<vmem>>, vector<16x64xf32>
    %get3A_279 = arith.constant 0 : index
    %get3A_280 = arith.constant 0 : index
    %get3A_281 = vector.load %arg6[%get3A_279, %get3A_280] : memref<16x32xf32, #tpu.memory_space<vmem>>, vector<16x32xf32>
    %get3A_282 = arith.constant 0 : index
    %get3A_283 = arith.constant 0 : index
    %get3A_284 = vector.load %arg12[%get3A_282, %get3A_283] : memref<16x32xf32, #tpu.memory_space<vmem>>, vector<16x32xf32>
    %dot_general3A = arith.constant dense<0.000000e+00> : vector<16x32xf32>
    %dot_general3A_285 = tpu.matmul %get3A_278, %convert_element_type3A_16, %dot_general3A {dimension_numbers = #tpu.dot_dimension_numbers<[1], [0], [0], [1], [0, 0, 1, 1], [], []>, transpose_lhs_hint = false} : vector<16x64xf32>, vector<64x32xf32>, vector<16x32xf32> -> vector<16x32xf32>
    %dot_general3A_286 = arith.constant dense<0.000000e+00> : vector<16x32xf32>
    %dot_general3A_287 = tpu.matmul %get3A_278, %convert_element_type3A_5, %dot_general3A_286 {dimension_numbers = #tpu.dot_dimension_numbers<[1], [0], [0], [1], [0, 0, 1, 1], [], []>, transpose_lhs_hint = false} : vector<16x64xf32>, vector<64x32xf32>, vector<16x32xf32> -> vector<16x32xf32>
    %dot_general3A_288 = arith.constant dense<0.000000e+00> : vector<16x16xf32>
    %dot_general3A_289 = tpu.matmul %get3A_281, %convert_element_type3A_38, %dot_general3A_288 {dimension_numbers = #tpu.dot_dimension_numbers<[1], [0], [0], [1], [0, 0, 1, 1], [], []>, transpose_lhs_hint = false} : vector<16x32xf32>, vector<32x16xf32>, vector<16x16xf32> -> vector<16x16xf32>
    %dot_general3A_290 = arith.constant dense<0.000000e+00> : vector<16x16xf32>
    %dot_general3A_291 = tpu.matmul %get3A_281, %convert_element_type3A_27, %dot_general3A_290 {dimension_numbers = #tpu.dot_dimension_numbers<[1], [0], [0], [1], [0, 0, 1, 1], [], []>, transpose_lhs_hint = false} : vector<16x32xf32>, vector<32x16xf32>, vector<16x16xf32> -> vector<16x16xf32>
    %dot_general3A_292 = arith.constant dense<0.000000e+00> : vector<16x16xf32>
    %dot_general3A_293 = tpu.matmul %get3A_284, %convert_element_type3A_38, %dot_general3A_292 {dimension_numbers = #tpu.dot_dimension_numbers<[1], [0], [0], [1], [0, 0, 1, 1], [], []>, transpose_lhs_hint = false} : vector<16x32xf32>, vector<32x16xf32>, vector<16x16xf32> -> vector<16x16xf32>
    %dot_general3A_294 = arith.constant dense<0.000000e+00> : vector<16x16xf32>
    %dot_general3A_295 = tpu.matmul %get3A_284, %convert_element_type3A_27, %dot_general3A_294 {dimension_numbers = #tpu.dot_dimension_numbers<[1], [0], [0], [1], [0, 0, 1, 1], [], []>, transpose_lhs_hint = false} : vector<16x32xf32>, vector<32x16xf32>, vector<16x16xf32> -> vector<16x16xf32>
    %concatenate3A = tpu.concatenate %dot_general3A_293, %dot_general3A_295 in 0 : vector<16x16xf32>, vector<16x16xf32> -> vector<32x16xf32>
    %concatenate3A_296 = tpu.concatenate %dot_general3A_285, %dot_general3A_287 in 1 : vector<16x32xf32>, vector<16x32xf32> -> vector<16x64xf32>
    %dot_general3A_297 = arith.constant dense<0.000000e+00> : vector<16x64xf32>
    %dot_general3A_298 = tpu.matmul %dot_general3A_289, %concatenate3A_296, %dot_general3A_297 {dimension_numbers = #tpu.dot_dimension_numbers<[1], [0], [0], [1], [0, 0, 1, 1], [], []>, transpose_lhs_hint = false} : vector<16x16xf32>, vector<16x64xf32>, vector<16x64xf32> -> vector<16x64xf32>
    %dot_general3A_299 = arith.constant dense<0.000000e+00> : vector<16x64xf32>
    %dot_general3A_300 = tpu.matmul %dot_general3A_291, %concatenate3A_296, %dot_general3A_299 {dimension_numbers = #tpu.dot_dimension_numbers<[1], [0], [0], [1], [0, 0, 1, 1], [], []>, transpose_lhs_hint = false} : vector<16x16xf32>, vector<16x64xf32>, vector<16x64xf32> -> vector<16x64xf32>
    %concatenate3A_301 = tpu.concatenate %dot_general3A_298, %dot_general3A_300 in 1 : vector<16x64xf32>, vector<16x64xf32> -> vector<16x128xf32>
    %dot_general3A_302 = arith.constant dense<0.000000e+00> : vector<32x128xf32>
    %dot_general3A_303 = tpu.matmul %concatenate3A, %concatenate3A_301, %dot_general3A_302 {dimension_numbers = #tpu.dot_dimension_numbers<[1], [0], [0], [1], [0, 0, 1, 1], [], []>, transpose_lhs_hint = false} : vector<32x16xf32>, vector<16x128xf32>, vector<32x128xf32> -> vector<32x128xf32>
    %broadcast_in_dim3A = arith.constant 0.000000e+00 : f32
    %broadcast_in_dim3A_304 = vector.broadcast %broadcast_in_dim3A : f32 to vector<64x1024xf32>
    %broadcast_in_dim3A_305 = arith.constant 0.000000e+00 : f32
    %broadcast_in_dim3A_306 = vector.broadcast %broadcast_in_dim3A_305 : f32 to vector<512x256xf32>
    %broadcast_in_dim3A_307 = arith.constant 0.000000e+00 : f32
    %broadcast_in_dim3A_308 = vector.broadcast %broadcast_in_dim3A_307 : f32 to vector<8x256xf32>
    %get3A_309 = arith.constant 0 : index
    %get3A_310 = arith.constant 0 : index
    %get3A_311 = vector.load %arg15[%get3A_309, %get3A_310] : memref<16x1xf32, #tpu.memory_space<vmem>>, vector<16x1xf32>
    %broadcast_in_dim3A_312 = arith.constant 1.000000e+00 : f32
    %broadcast_in_dim3A_313 = vector.broadcast %broadcast_in_dim3A_312 : f32 to vector<1x80xf32>
    %mul3A_314 = vector.broadcast %get3A_311 : vector<16x1xf32> to vector<16x80xf32>
    %mul3A_315 = vector.broadcast %broadcast_in_dim3A_313 : vector<1x80xf32> to vector<16x80xf32>
    %mul3A_316 = arith.mulf %mul3A_314, %mul3A_315 : vector<16x80xf32>
    %concatenate3A_317 = tpu.concatenate %dot_general3A_289, %dot_general3A_291 in 1 : vector<16x16xf32>, vector<16x16xf32> -> vector<16x32xf32>
    %dot_general3A_318 = arith.constant dense<0.000000e+00> : vector<32x32xf32>
    %dot_general3A_319 = tpu.matmul %concatenate3A, %concatenate3A_317, %dot_general3A_318 {dimension_numbers = #tpu.dot_dimension_numbers<[1], [0], [0], [1], [0, 0, 1, 1], [], []>, transpose_lhs_hint = false} : vector<32x16xf32>, vector<16x32xf32>, vector<32x32xf32> -> vector<32x32xf32>
    %slice3A = vector.extract_strided_slice %dot_general3A_319 {offsets = [0, 0], sizes = [16, 16], strides = [1, 1]} : vector<32x32xf32> to vector<16x16xf32>
    %get3A_320 = arith.constant 0 : index
    %get3A_321 = arith.constant 0 : index
    %get3A_322 = vector.load %arg3[%get3A_320, %get3A_321] : memref<16x1xf32, #tpu.memory_space<vmem>>, vector<16x1xf32>
    %dot_general3A_323 = arith.constant dense<0.000000e+00> : vector<16x1xf32>
    %dot_general3A_324 = tpu.matmul %slice3A, %get3A_322, %dot_general3A_323 {dimension_numbers = #tpu.dot_dimension_numbers<[1], [0], [0], [1], [0, 0, 1, 1], [], []>, transpose_lhs_hint = false} : vector<16x16xf32>, vector<16x1xf32>, vector<16x1xf32> -> vector<16x1xf32>
    %ge3A = arith.constant 0 : i32
    %ge3A_325 = vector.broadcast %ge3A : i32 to vector<1x80xi32>
    %ge3A_326 = arith.cmpi sge, %iota3A_44, %ge3A_325 : vector<1x80xi32>
    %convert_element_type3A_327 = arith.extui %ge3A_326 : vector<1x80xi1> to vector<1x80xi32>
    %convert_element_type3A_328 = arith.sitofp %convert_element_type3A_327 : vector<1x80xi32> to vector<1x80xf32>
    %mul3A_329 = vector.broadcast %dot_general3A_324 : vector<16x1xf32> to vector<16x80xf32>
    %mul3A_330 = vector.broadcast %convert_element_type3A_328 : vector<1x80xf32> to vector<16x80xf32>
    %mul3A_331 = arith.mulf %mul3A_329, %mul3A_330 : vector<16x80xf32>
    %add3A_332 = arith.addf %mul3A_316, %mul3A_331 : vector<16x80xf32>
    %slice3A_333 = vector.extract_strided_slice %dot_general3A_319 {offsets = [0, 16], sizes = [16, 16], strides = [1, 1]} : vector<32x32xf32> to vector<16x16xf32>
    %get3A_334 = arith.constant 0 : index
    %get3A_335 = arith.constant 0 : index
    %get3A_336 = vector.load %arg3[%get3A_334, %get3A_335] : memref<16x1xf32, #tpu.memory_space<vmem>>, vector<16x1xf32>
    %dot_general3A_337 = arith.constant dense<0.000000e+00> : vector<16x1xf32>
    %dot_general3A_338 = tpu.matmul %slice3A_333, %get3A_336, %dot_general3A_337 {dimension_numbers = #tpu.dot_dimension_numbers<[1], [0], [0], [1], [0, 0, 1, 1], [], []>, transpose_lhs_hint = false} : vector<16x16xf32>, vector<16x1xf32>, vector<16x1xf32> -> vector<16x1xf32>
    %ge3A_339 = arith.constant 2 : i32
    %ge3A_340 = vector.broadcast %ge3A_339 : i32 to vector<1x80xi32>
    %ge3A_341 = arith.cmpi sge, %iota3A_44, %ge3A_340 : vector<1x80xi32>
    %convert_element_type3A_342 = arith.extui %ge3A_341 : vector<1x80xi1> to vector<1x80xi32>
    %convert_element_type3A_343 = arith.sitofp %convert_element_type3A_342 : vector<1x80xi32> to vector<1x80xf32>
    %mul3A_344 = vector.broadcast %dot_general3A_338 : vector<16x1xf32> to vector<16x80xf32>
    %mul3A_345 = vector.broadcast %convert_element_type3A_343 : vector<1x80xf32> to vector<16x80xf32>
    %mul3A_346 = arith.mulf %mul3A_344, %mul3A_345 : vector<16x80xf32>
    %add3A_347 = arith.addf %add3A_332, %mul3A_346 : vector<16x80xf32>
    %get3A_348 = arith.constant 0 : index
    %get3A_349 = arith.constant 0 : index
    %get3A_350 = vector.load %arg9[%get3A_348, %get3A_349] : memref<16x1xf32, #tpu.memory_space<vmem>>, vector<16x1xf32>
    %dot_general3A_351 = arith.constant dense<0.000000e+00> : vector<16x1xf32>
    %dot_general3A_352 = tpu.matmul %dot_general3A_293, %get3A_350, %dot_general3A_351 {dimension_numbers = #tpu.dot_dimension_numbers<[1], [0], [0], [1], [0, 0, 1, 1], [], []>, transpose_lhs_hint = false} : vector<16x16xf32>, vector<16x1xf32>, vector<16x1xf32> -> vector<16x1xf32>
    %ge3A_353 = arith.constant 0 : i32
    %ge3A_354 = vector.broadcast %ge3A_353 : i32 to vector<1x80xi32>
    %ge3A_355 = arith.cmpi sge, %iota3A_44, %ge3A_354 : vector<1x80xi32>
    %convert_element_type3A_356 = arith.extui %ge3A_355 : vector<1x80xi1> to vector<1x80xi32>
    %convert_element_type3A_357 = arith.sitofp %convert_element_type3A_356 : vector<1x80xi32> to vector<1x80xf32>
    %mul3A_358 = vector.broadcast %dot_general3A_352 : vector<16x1xf32> to vector<16x80xf32>
    %mul3A_359 = vector.broadcast %convert_element_type3A_357 : vector<1x80xf32> to vector<16x80xf32>
    %mul3A_360 = arith.mulf %mul3A_358, %mul3A_359 : vector<16x80xf32>
    %add3A_361 = arith.addf %add3A_347, %mul3A_360 : vector<16x80xf32>
    %slice3A_362 = vector.extract_strided_slice %dot_general3A_319 {offsets = [16, 0], sizes = [16, 16], strides = [1, 1]} : vector<32x32xf32> to vector<16x16xf32>
    %get3A_363 = arith.constant 0 : index
    %get3A_364 = arith.constant 0 : index
    %get3A_365 = vector.load %arg3[%get3A_363, %get3A_364] : memref<16x1xf32, #tpu.memory_space<vmem>>, vector<16x1xf32>
    %dot_general3A_366 = arith.constant dense<0.000000e+00> : vector<16x1xf32>
    %dot_general3A_367 = tpu.matmul %slice3A_362, %get3A_365, %dot_general3A_366 {dimension_numbers = #tpu.dot_dimension_numbers<[1], [0], [0], [1], [0, 0, 1, 1], [], []>, transpose_lhs_hint = false} : vector<16x16xf32>, vector<16x1xf32>, vector<16x1xf32> -> vector<16x1xf32>
    %ge3A_368 = arith.constant 4 : i32
    %ge3A_369 = vector.broadcast %ge3A_368 : i32 to vector<1x80xi32>
    %ge3A_370 = arith.cmpi sge, %iota3A_44, %ge3A_369 : vector<1x80xi32>
    %convert_element_type3A_371 = arith.extui %ge3A_370 : vector<1x80xi1> to vector<1x80xi32>
    %convert_element_type3A_372 = arith.sitofp %convert_element_type3A_371 : vector<1x80xi32> to vector<1x80xf32>
    %mul3A_373 = vector.broadcast %dot_general3A_367 : vector<16x1xf32> to vector<16x80xf32>
    %mul3A_374 = vector.broadcast %convert_element_type3A_372 : vector<1x80xf32> to vector<16x80xf32>
    %mul3A_375 = arith.mulf %mul3A_373, %mul3A_374 : vector<16x80xf32>
    %add3A_376 = arith.addf %add3A_361, %mul3A_375 : vector<16x80xf32>
    %slice3A_377 = vector.extract_strided_slice %dot_general3A_319 {offsets = [16, 16], sizes = [16, 16], strides = [1, 1]} : vector<32x32xf32> to vector<16x16xf32>
    %get3A_378 = arith.constant 0 : index
    %get3A_379 = arith.constant 0 : index
    %get3A_380 = vector.load %arg3[%get3A_378, %get3A_379] : memref<16x1xf32, #tpu.memory_space<vmem>>, vector<16x1xf32>
    %dot_general3A_381 = arith.constant dense<0.000000e+00> : vector<16x1xf32>
    %dot_general3A_382 = tpu.matmul %slice3A_377, %get3A_380, %dot_general3A_381 {dimension_numbers = #tpu.dot_dimension_numbers<[1], [0], [0], [1], [0, 0, 1, 1], [], []>, transpose_lhs_hint = false} : vector<16x16xf32>, vector<16x1xf32>, vector<16x1xf32> -> vector<16x1xf32>
    %ge3A_383 = arith.constant 6 : i32
    %ge3A_384 = vector.broadcast %ge3A_383 : i32 to vector<1x80xi32>
    %ge3A_385 = arith.cmpi sge, %iota3A_44, %ge3A_384 : vector<1x80xi32>
    %convert_element_type3A_386 = arith.extui %ge3A_385 : vector<1x80xi1> to vector<1x80xi32>
    %convert_element_type3A_387 = arith.sitofp %convert_element_type3A_386 : vector<1x80xi32> to vector<1x80xf32>
    %mul3A_388 = vector.broadcast %dot_general3A_382 : vector<16x1xf32> to vector<16x80xf32>
    %mul3A_389 = vector.broadcast %convert_element_type3A_387 : vector<1x80xf32> to vector<16x80xf32>
    %mul3A_390 = arith.mulf %mul3A_388, %mul3A_389 : vector<16x80xf32>
    %add3A_391 = arith.addf %add3A_376, %mul3A_390 : vector<16x80xf32>
    %get3A_392 = arith.constant 0 : index
    %get3A_393 = arith.constant 0 : index
    %get3A_394 = vector.load %arg9[%get3A_392, %get3A_393] : memref<16x1xf32, #tpu.memory_space<vmem>>, vector<16x1xf32>
    %dot_general3A_395 = arith.constant dense<0.000000e+00> : vector<16x1xf32>
    %dot_general3A_396 = tpu.matmul %dot_general3A_295, %get3A_394, %dot_general3A_395 {dimension_numbers = #tpu.dot_dimension_numbers<[1], [0], [0], [1], [0, 0, 1, 1], [], []>, transpose_lhs_hint = false} : vector<16x16xf32>, vector<16x1xf32>, vector<16x1xf32> -> vector<16x1xf32>
    %ge3A_397 = arith.constant 4 : i32
    %ge3A_398 = vector.broadcast %ge3A_397 : i32 to vector<1x80xi32>
    %ge3A_399 = arith.cmpi sge, %iota3A_44, %ge3A_398 : vector<1x80xi32>
    %convert_element_type3A_400 = arith.extui %ge3A_399 : vector<1x80xi1> to vector<1x80xi32>
    %convert_element_type3A_401 = arith.sitofp %convert_element_type3A_400 : vector<1x80xi32> to vector<1x80xf32>
    %mul3A_402 = vector.broadcast %dot_general3A_396 : vector<16x1xf32> to vector<16x80xf32>
    %mul3A_403 = vector.broadcast %convert_element_type3A_401 : vector<1x80xf32> to vector<16x80xf32>
    %mul3A_404 = arith.mulf %mul3A_402, %mul3A_403 : vector<16x80xf32>
    %add3A_405 = arith.addf %add3A_391, %mul3A_404 : vector<16x80xf32>
    %slice3A_406 = vector.extract_strided_slice %dot_general3A_303 {offsets = [0, 0], sizes = [16, 32], strides = [1, 1]} : vector<32x128xf32> to vector<16x32xf32>
    %dot_general3A_407 = arith.constant dense<0.000000e+00> : vector<1x16xf32>
    %dot_general3A_408 = tpu.matmul %get3A_40, %slice3A_406, %dot_general3A_407 {dimension_numbers = #tpu.dot_dimension_numbers<[0], [1], [1], [0], [0, 1, 1, 0], [], []>, transpose_lhs_hint = false} : vector<32x1xf32>, vector<16x32xf32>, vector<1x16xf32> -> vector<1x16xf32>
    %dot_general3A_409 = arith.constant dense<0.000000e+00> : vector<16x1xf32>
    %dot_general3A_410 = tpu.matmul %slice3A_406, %get3A_43, %dot_general3A_409 {dimension_numbers = #tpu.dot_dimension_numbers<[1], [0], [0], [1], [0, 0, 1, 1], [], []>, transpose_lhs_hint = false} : vector<16x32xf32>, vector<32x1xf32>, vector<16x1xf32> -> vector<16x1xf32>
    %ge3A_411 = arith.constant 0 : i32
    %ge3A_412 = vector.broadcast %ge3A_411 : i32 to vector<1x80xi32>
    %ge3A_413 = arith.cmpi sge, %iota3A_44, %ge3A_412 : vector<1x80xi32>
    %lt3A_414 = arith.constant 64 : i32
    %lt3A_415 = vector.broadcast %lt3A_414 : i32 to vector<1x80xi32>
    %lt3A_416 = arith.cmpi slt, %iota3A_44, %lt3A_415 : vector<1x80xi32>
    %and3A_417 = arith.andi %ge3A_413, %lt3A_416 : vector<1x80xi1>
    %convert_element_type3A_418 = arith.extui %and3A_417 : vector<1x80xi1> to vector<1x80xi32>
    %convert_element_type3A_419 = arith.sitofp %convert_element_type3A_418 : vector<1x80xi32> to vector<1x80xf32>
    %mul3A_420 = vector.broadcast %dot_general3A_410 : vector<16x1xf32> to vector<16x80xf32>
    %mul3A_421 = vector.broadcast %convert_element_type3A_419 : vector<1x80xf32> to vector<16x80xf32>
    %mul3A_422 = arith.mulf %mul3A_420, %mul3A_421 : vector<16x80xf32>
    %add3A_423 = arith.addf %add3A_405, %mul3A_422 : vector<16x80xf32>
    %eq3A_424 = arith.constant 0 : i32
    %eq3A_425 = vector.broadcast %eq3A_424 : i32 to vector<64x1024xi32>
    %eq3A_426 = arith.cmpi eq, %sub3A, %eq3A_425 : vector<64x1024xi32>
    %convert_element_type3A_427 = arith.extui %eq3A_426 : vector<64x1024xi1> to vector<64x1024xi32>
    %convert_element_type3A_428 = arith.sitofp %convert_element_type3A_427 : vector<64x1024xi32> to vector<64x1024xf32>
    %dot_general3A_429 = arith.constant dense<0.000000e+00> : vector<1x1024xf32>
    %dot_general3A_430 = tpu.matmul %dot_general3A_408, %convert_element_type3A_167, %dot_general3A_429 {dimension_numbers = #tpu.dot_dimension_numbers<[1], [0], [0], [1], [0, 0, 1, 1], [], []>, transpose_lhs_hint = false} : vector<1x16xf32>, vector<16x1024xf32>, vector<1x1024xf32> -> vector<1x1024xf32>
    %mul3A_431 = vector.broadcast %dot_general3A_430 : vector<1x1024xf32> to vector<64x1024xf32>
    %mul3A_432 = arith.mulf %convert_element_type3A_428, %mul3A_431 : vector<64x1024xf32>
    %add3A_433 = arith.addf %broadcast_in_dim3A_304, %mul3A_432 : vector<64x1024xf32>
    %dot_general3A_434 = arith.constant dense<0.000000e+00> : vector<512x16xf32>
    %dot_general3A_435 = tpu.matmul %convert_element_type3A_239, %slice3A_406, %dot_general3A_434 {dimension_numbers = #tpu.dot_dimension_numbers<[1], [1], [0], [0], [0, 0, 1, 0], [], []>, transpose_lhs_hint = false} : vector<512x32xf32>, vector<16x32xf32>, vector<512x16xf32> -> vector<512x16xf32>
    %eq3A_436 = arith.constant 0 : i32
    %eq3A_437 = vector.broadcast %eq3A_436 : i32 to vector<512x256xi32>
    %eq3A_438 = arith.cmpi eq, %sub3A_109, %eq3A_437 : vector<512x256xi32>
    %convert_element_type3A_439 = arith.extui %eq3A_438 : vector<512x256xi1> to vector<512x256xi32>
    %convert_element_type3A_440 = arith.sitofp %convert_element_type3A_439 : vector<512x256xi32> to vector<512x256xf32>
    %dot_general3A_441 = arith.constant dense<0.000000e+00> : vector<512x256xf32>
    %dot_general3A_442 = tpu.matmul %dot_general3A_435, %convert_element_type3A_275, %dot_general3A_441 {dimension_numbers = #tpu.dot_dimension_numbers<[1], [0], [0], [1], [0, 0, 1, 1], [], []>, transpose_lhs_hint = false} : vector<512x16xf32>, vector<16x256xf32>, vector<512x256xf32> -> vector<512x256xf32>
    %mul3A_443 = arith.mulf %convert_element_type3A_440, %dot_general3A_442 : vector<512x256xf32>
    %add3A_444 = arith.addf %broadcast_in_dim3A_306, %mul3A_443 : vector<512x256xf32>
    %slice3A_445 = vector.extract_strided_slice %dot_general3A_303 {offsets = [0, 32], sizes = [16, 32], strides = [1, 1]} : vector<32x128xf32> to vector<16x32xf32>
    %dot_general3A_446 = arith.constant dense<0.000000e+00> : vector<1x16xf32>
    %dot_general3A_447 = tpu.matmul %get3A_40, %slice3A_445, %dot_general3A_446 {dimension_numbers = #tpu.dot_dimension_numbers<[0], [1], [1], [0], [0, 1, 1, 0], [], []>, transpose_lhs_hint = false} : vector<32x1xf32>, vector<16x32xf32>, vector<1x16xf32> -> vector<1x16xf32>
    %dot_general3A_448 = arith.constant dense<0.000000e+00> : vector<16x1xf32>
    %dot_general3A_449 = tpu.matmul %slice3A_445, %get3A_43, %dot_general3A_448 {dimension_numbers = #tpu.dot_dimension_numbers<[1], [0], [0], [1], [0, 0, 1, 1], [], []>, transpose_lhs_hint = false} : vector<16x32xf32>, vector<32x1xf32>, vector<16x1xf32> -> vector<16x1xf32>
    %ge3A_450 = arith.constant 1 : i32
    %ge3A_451 = vector.broadcast %ge3A_450 : i32 to vector<1x80xi32>
    %ge3A_452 = arith.cmpi sge, %iota3A_44, %ge3A_451 : vector<1x80xi32>
    %lt3A_453 = arith.constant 65 : i32
    %lt3A_454 = vector.broadcast %lt3A_453 : i32 to vector<1x80xi32>
    %lt3A_455 = arith.cmpi slt, %iota3A_44, %lt3A_454 : vector<1x80xi32>
    %and3A_456 = arith.andi %ge3A_452, %lt3A_455 : vector<1x80xi1>
    %convert_element_type3A_457 = arith.extui %and3A_456 : vector<1x80xi1> to vector<1x80xi32>
    %convert_element_type3A_458 = arith.sitofp %convert_element_type3A_457 : vector<1x80xi32> to vector<1x80xf32>
    %mul3A_459 = vector.broadcast %dot_general3A_449 : vector<16x1xf32> to vector<16x80xf32>
    %mul3A_460 = vector.broadcast %convert_element_type3A_458 : vector<1x80xf32> to vector<16x80xf32>
    %mul3A_461 = arith.mulf %mul3A_459, %mul3A_460 : vector<16x80xf32>
    %add3A_462 = arith.addf %add3A_423, %mul3A_461 : vector<16x80xf32>
    %eq3A_463 = arith.constant 1 : i32
    %eq3A_464 = vector.broadcast %eq3A_463 : i32 to vector<64x1024xi32>
    %eq3A_465 = arith.cmpi eq, %sub3A, %eq3A_464 : vector<64x1024xi32>
    %convert_element_type3A_466 = arith.extui %eq3A_465 : vector<64x1024xi1> to vector<64x1024xi32>
    %convert_element_type3A_467 = arith.sitofp %convert_element_type3A_466 : vector<64x1024xi32> to vector<64x1024xf32>
    %dot_general3A_468 = arith.constant dense<0.000000e+00> : vector<1x1024xf32>
    %dot_general3A_469 = tpu.matmul %dot_general3A_447, %convert_element_type3A_167, %dot_general3A_468 {dimension_numbers = #tpu.dot_dimension_numbers<[1], [0], [0], [1], [0, 0, 1, 1], [], []>, transpose_lhs_hint = false} : vector<1x16xf32>, vector<16x1024xf32>, vector<1x1024xf32> -> vector<1x1024xf32>
    %mul3A_470 = vector.broadcast %dot_general3A_469 : vector<1x1024xf32> to vector<64x1024xf32>
    %mul3A_471 = arith.mulf %convert_element_type3A_467, %mul3A_470 : vector<64x1024xf32>
    %add3A_472 = arith.addf %add3A_433, %mul3A_471 : vector<64x1024xf32>
    %dot_general3A_473 = arith.constant dense<0.000000e+00> : vector<512x16xf32>
    %dot_general3A_474 = tpu.matmul %convert_element_type3A_239, %slice3A_445, %dot_general3A_473 {dimension_numbers = #tpu.dot_dimension_numbers<[1], [1], [0], [0], [0, 0, 1, 0], [], []>, transpose_lhs_hint = false} : vector<512x32xf32>, vector<16x32xf32>, vector<512x16xf32> -> vector<512x16xf32>
    %eq3A_475 = arith.constant 1 : i32
    %eq3A_476 = vector.broadcast %eq3A_475 : i32 to vector<512x256xi32>
    %eq3A_477 = arith.cmpi eq, %sub3A_109, %eq3A_476 : vector<512x256xi32>
    %convert_element_type3A_478 = arith.extui %eq3A_477 : vector<512x256xi1> to vector<512x256xi32>
    %convert_element_type3A_479 = arith.sitofp %convert_element_type3A_478 : vector<512x256xi32> to vector<512x256xf32>
    %dot_general3A_480 = arith.constant dense<0.000000e+00> : vector<512x256xf32>
    %dot_general3A_481 = tpu.matmul %dot_general3A_474, %convert_element_type3A_275, %dot_general3A_480 {dimension_numbers = #tpu.dot_dimension_numbers<[1], [0], [0], [1], [0, 0, 1, 1], [], []>, transpose_lhs_hint = false} : vector<512x16xf32>, vector<16x256xf32>, vector<512x256xf32> -> vector<512x256xf32>
    %mul3A_482 = arith.mulf %convert_element_type3A_479, %dot_general3A_481 : vector<512x256xf32>
    %add3A_483 = arith.addf %add3A_444, %mul3A_482 : vector<512x256xf32>
    %sub3A_484 = arith.constant 8 : i32
    %sub3A_485 = vector.broadcast %sub3A_484 : i32 to vector<8x256xi32>
    %sub3A_486 = arith.subi %iota3A_133, %sub3A_485 : vector<8x256xi32>
    %add3A_487 = arith.constant 1 : i32
    %add3A_488 = vector.broadcast %add3A_487 : i32 to vector<8x256xi32>
    %add3A_489 = arith.addi %sub3A_486, %add3A_488 : vector<8x256xi32>
    %eq3A_490 = arith.cmpi eq, %select_n3A_132, %add3A_489 : vector<8x256xi32>
    %convert_element_type3A_491 = arith.extui %eq3A_490 : vector<8x256xi1> to vector<8x256xi32>
    %convert_element_type3A_492 = arith.sitofp %convert_element_type3A_491 : vector<8x256xi32> to vector<8x256xf32>
    %dot_general3A_493 = arith.constant dense<0.000000e+00> : vector<1x256xf32>
    %dot_general3A_494 = tpu.matmul %dot_general3A_447, %convert_element_type3A_203, %dot_general3A_493 {dimension_numbers = #tpu.dot_dimension_numbers<[1], [0], [0], [1], [0, 0, 1, 1], [], []>, transpose_lhs_hint = false} : vector<1x16xf32>, vector<16x256xf32>, vector<1x256xf32> -> vector<1x256xf32>
    %mul3A_495 = vector.broadcast %dot_general3A_494 : vector<1x256xf32> to vector<8x256xf32>
    %mul3A_496 = arith.mulf %convert_element_type3A_492, %mul3A_495 : vector<8x256xf32>
    %add3A_497 = arith.addf %broadcast_in_dim3A_308, %mul3A_496 : vector<8x256xf32>
    %slice3A_498 = vector.extract_strided_slice %dot_general3A_303 {offsets = [0, 64], sizes = [16, 32], strides = [1, 1]} : vector<32x128xf32> to vector<16x32xf32>
    %dot_general3A_499 = arith.constant dense<0.000000e+00> : vector<1x16xf32>
    %dot_general3A_500 = tpu.matmul %get3A_40, %slice3A_498, %dot_general3A_499 {dimension_numbers = #tpu.dot_dimension_numbers<[0], [1], [1], [0], [0, 1, 1, 0], [], []>, transpose_lhs_hint = false} : vector<32x1xf32>, vector<16x32xf32>, vector<1x16xf32> -> vector<1x16xf32>
    %dot_general3A_501 = arith.constant dense<0.000000e+00> : vector<16x1xf32>
    %dot_general3A_502 = tpu.matmul %slice3A_498, %get3A_43, %dot_general3A_501 {dimension_numbers = #tpu.dot_dimension_numbers<[1], [0], [0], [1], [0, 0, 1, 1], [], []>, transpose_lhs_hint = false} : vector<16x32xf32>, vector<32x1xf32>, vector<16x1xf32> -> vector<16x1xf32>
    %ge3A_503 = arith.constant 2 : i32
    %ge3A_504 = vector.broadcast %ge3A_503 : i32 to vector<1x80xi32>
    %ge3A_505 = arith.cmpi sge, %iota3A_44, %ge3A_504 : vector<1x80xi32>
    %lt3A_506 = arith.constant 66 : i32
    %lt3A_507 = vector.broadcast %lt3A_506 : i32 to vector<1x80xi32>
    %lt3A_508 = arith.cmpi slt, %iota3A_44, %lt3A_507 : vector<1x80xi32>
    %and3A_509 = arith.andi %ge3A_505, %lt3A_508 : vector<1x80xi1>
    %convert_element_type3A_510 = arith.extui %and3A_509 : vector<1x80xi1> to vector<1x80xi32>
    %convert_element_type3A_511 = arith.sitofp %convert_element_type3A_510 : vector<1x80xi32> to vector<1x80xf32>
    %mul3A_512 = vector.broadcast %dot_general3A_502 : vector<16x1xf32> to vector<16x80xf32>
    %mul3A_513 = vector.broadcast %convert_element_type3A_511 : vector<1x80xf32> to vector<16x80xf32>
    %mul3A_514 = arith.mulf %mul3A_512, %mul3A_513 : vector<16x80xf32>
    %add3A_515 = arith.addf %add3A_462, %mul3A_514 : vector<16x80xf32>
    %eq3A_516 = arith.constant 2 : i32
    %eq3A_517 = vector.broadcast %eq3A_516 : i32 to vector<64x1024xi32>
    %eq3A_518 = arith.cmpi eq, %sub3A, %eq3A_517 : vector<64x1024xi32>
    %convert_element_type3A_519 = arith.extui %eq3A_518 : vector<64x1024xi1> to vector<64x1024xi32>
    %convert_element_type3A_520 = arith.sitofp %convert_element_type3A_519 : vector<64x1024xi32> to vector<64x1024xf32>
    %dot_general3A_521 = arith.constant dense<0.000000e+00> : vector<1x1024xf32>
    %dot_general3A_522 = tpu.matmul %dot_general3A_500, %convert_element_type3A_167, %dot_general3A_521 {dimension_numbers = #tpu.dot_dimension_numbers<[1], [0], [0], [1], [0, 0, 1, 1], [], []>, transpose_lhs_hint = false} : vector<1x16xf32>, vector<16x1024xf32>, vector<1x1024xf32> -> vector<1x1024xf32>
    %mul3A_523 = vector.broadcast %dot_general3A_522 : vector<1x1024xf32> to vector<64x1024xf32>
    %mul3A_524 = arith.mulf %convert_element_type3A_520, %mul3A_523 : vector<64x1024xf32>
    %add3A_525 = arith.addf %add3A_472, %mul3A_524 : vector<64x1024xf32>
    %dot_general3A_526 = arith.constant dense<0.000000e+00> : vector<512x16xf32>
    %dot_general3A_527 = tpu.matmul %convert_element_type3A_239, %slice3A_498, %dot_general3A_526 {dimension_numbers = #tpu.dot_dimension_numbers<[1], [1], [0], [0], [0, 0, 1, 0], [], []>, transpose_lhs_hint = false} : vector<512x32xf32>, vector<16x32xf32>, vector<512x16xf32> -> vector<512x16xf32>
    %eq3A_528 = arith.constant 2 : i32
    %eq3A_529 = vector.broadcast %eq3A_528 : i32 to vector<512x256xi32>
    %eq3A_530 = arith.cmpi eq, %sub3A_109, %eq3A_529 : vector<512x256xi32>
    %convert_element_type3A_531 = arith.extui %eq3A_530 : vector<512x256xi1> to vector<512x256xi32>
    %convert_element_type3A_532 = arith.sitofp %convert_element_type3A_531 : vector<512x256xi32> to vector<512x256xf32>
    %dot_general3A_533 = arith.constant dense<0.000000e+00> : vector<512x256xf32>
    %dot_general3A_534 = tpu.matmul %dot_general3A_527, %convert_element_type3A_275, %dot_general3A_533 {dimension_numbers = #tpu.dot_dimension_numbers<[1], [0], [0], [1], [0, 0, 1, 1], [], []>, transpose_lhs_hint = false} : vector<512x16xf32>, vector<16x256xf32>, vector<512x256xf32> -> vector<512x256xf32>
    %mul3A_535 = arith.mulf %convert_element_type3A_532, %dot_general3A_534 : vector<512x256xf32>
    %add3A_536 = arith.addf %add3A_483, %mul3A_535 : vector<512x256xf32>
    %sub3A_537 = arith.constant 8 : i32
    %sub3A_538 = vector.broadcast %sub3A_537 : i32 to vector<8x256xi32>
    %sub3A_539 = arith.subi %iota3A_133, %sub3A_538 : vector<8x256xi32>
    %add3A_540 = arith.constant 2 : i32
    %add3A_541 = vector.broadcast %add3A_540 : i32 to vector<8x256xi32>
    %add3A_542 = arith.addi %sub3A_539, %add3A_541 : vector<8x256xi32>
    %eq3A_543 = arith.cmpi eq, %select_n3A_132, %add3A_542 : vector<8x256xi32>
    %convert_element_type3A_544 = arith.extui %eq3A_543 : vector<8x256xi1> to vector<8x256xi32>
    %convert_element_type3A_545 = arith.sitofp %convert_element_type3A_544 : vector<8x256xi32> to vector<8x256xf32>
    %dot_general3A_546 = arith.constant dense<0.000000e+00> : vector<1x256xf32>
    %dot_general3A_547 = tpu.matmul %dot_general3A_500, %convert_element_type3A_203, %dot_general3A_546 {dimension_numbers = #tpu.dot_dimension_numbers<[1], [0], [0], [1], [0, 0, 1, 1], [], []>, transpose_lhs_hint = false} : vector<1x16xf32>, vector<16x256xf32>, vector<1x256xf32> -> vector<1x256xf32>
    %mul3A_548 = vector.broadcast %dot_general3A_547 : vector<1x256xf32> to vector<8x256xf32>
    %mul3A_549 = arith.mulf %convert_element_type3A_545, %mul3A_548 : vector<8x256xf32>
    %add3A_550 = arith.addf %add3A_497, %mul3A_549 : vector<8x256xf32>
    %slice3A_551 = vector.extract_strided_slice %dot_general3A_303 {offsets = [0, 96], sizes = [16, 32], strides = [1, 1]} : vector<32x128xf32> to vector<16x32xf32>
    %dot_general3A_552 = arith.constant dense<0.000000e+00> : vector<1x16xf32>
    %dot_general3A_553 = tpu.matmul %get3A_40, %slice3A_551, %dot_general3A_552 {dimension_numbers = #tpu.dot_dimension_numbers<[0], [1], [1], [0], [0, 1, 1, 0], [], []>, transpose_lhs_hint = false} : vector<32x1xf32>, vector<16x32xf32>, vector<1x16xf32> -> vector<1x16xf32>
    %dot_general3A_554 = arith.constant dense<0.000000e+00> : vector<16x1xf32>
    %dot_general3A_555 = tpu.matmul %slice3A_551, %get3A_43, %dot_general3A_554 {dimension_numbers = #tpu.dot_dimension_numbers<[1], [0], [0], [1], [0, 0, 1, 1], [], []>, transpose_lhs_hint = false} : vector<16x32xf32>, vector<32x1xf32>, vector<16x1xf32> -> vector<16x1xf32>
    %ge3A_556 = arith.constant 3 : i32
    %ge3A_557 = vector.broadcast %ge3A_556 : i32 to vector<1x80xi32>
    %ge3A_558 = arith.cmpi sge, %iota3A_44, %ge3A_557 : vector<1x80xi32>
    %lt3A_559 = arith.constant 67 : i32
    %lt3A_560 = vector.broadcast %lt3A_559 : i32 to vector<1x80xi32>
    %lt3A_561 = arith.cmpi slt, %iota3A_44, %lt3A_560 : vector<1x80xi32>
    %and3A_562 = arith.andi %ge3A_558, %lt3A_561 : vector<1x80xi1>
    %convert_element_type3A_563 = arith.extui %and3A_562 : vector<1x80xi1> to vector<1x80xi32>
    %convert_element_type3A_564 = arith.sitofp %convert_element_type3A_563 : vector<1x80xi32> to vector<1x80xf32>
    %mul3A_565 = vector.broadcast %dot_general3A_555 : vector<16x1xf32> to vector<16x80xf32>
    %mul3A_566 = vector.broadcast %convert_element_type3A_564 : vector<1x80xf32> to vector<16x80xf32>
    %mul3A_567 = arith.mulf %mul3A_565, %mul3A_566 : vector<16x80xf32>
    %add3A_568 = arith.addf %add3A_515, %mul3A_567 : vector<16x80xf32>
    %eq3A_569 = arith.constant 3 : i32
    %eq3A_570 = vector.broadcast %eq3A_569 : i32 to vector<64x1024xi32>
    %eq3A_571 = arith.cmpi eq, %sub3A, %eq3A_570 : vector<64x1024xi32>
    %convert_element_type3A_572 = arith.extui %eq3A_571 : vector<64x1024xi1> to vector<64x1024xi32>
    %convert_element_type3A_573 = arith.sitofp %convert_element_type3A_572 : vector<64x1024xi32> to vector<64x1024xf32>
    %dot_general3A_574 = arith.constant dense<0.000000e+00> : vector<1x1024xf32>
    %dot_general3A_575 = tpu.matmul %dot_general3A_553, %convert_element_type3A_167, %dot_general3A_574 {dimension_numbers = #tpu.dot_dimension_numbers<[1], [0], [0], [1], [0, 0, 1, 1], [], []>, transpose_lhs_hint = false} : vector<1x16xf32>, vector<16x1024xf32>, vector<1x1024xf32> -> vector<1x1024xf32>
    %mul3A_576 = vector.broadcast %dot_general3A_575 : vector<1x1024xf32> to vector<64x1024xf32>
    %mul3A_577 = arith.mulf %convert_element_type3A_573, %mul3A_576 : vector<64x1024xf32>
    %add3A_578 = arith.addf %add3A_525, %mul3A_577 : vector<64x1024xf32>
    %dot_general3A_579 = arith.constant dense<0.000000e+00> : vector<512x16xf32>
    %dot_general3A_580 = tpu.matmul %convert_element_type3A_239, %slice3A_551, %dot_general3A_579 {dimension_numbers = #tpu.dot_dimension_numbers<[1], [1], [0], [0], [0, 0, 1, 0], [], []>, transpose_lhs_hint = false} : vector<512x32xf32>, vector<16x32xf32>, vector<512x16xf32> -> vector<512x16xf32>
    %eq3A_581 = arith.constant 3 : i32
    %eq3A_582 = vector.broadcast %eq3A_581 : i32 to vector<512x256xi32>
    %eq3A_583 = arith.cmpi eq, %sub3A_109, %eq3A_582 : vector<512x256xi32>
    %convert_element_type3A_584 = arith.extui %eq3A_583 : vector<512x256xi1> to vector<512x256xi32>
    %convert_element_type3A_585 = arith.sitofp %convert_element_type3A_584 : vector<512x256xi32> to vector<512x256xf32>
    %dot_general3A_586 = arith.constant dense<0.000000e+00> : vector<512x256xf32>
    %dot_general3A_587 = tpu.matmul %dot_general3A_580, %convert_element_type3A_275, %dot_general3A_586 {dimension_numbers = #tpu.dot_dimension_numbers<[1], [0], [0], [1], [0, 0, 1, 1], [], []>, transpose_lhs_hint = false} : vector<512x16xf32>, vector<16x256xf32>, vector<512x256xf32> -> vector<512x256xf32>
    %mul3A_588 = arith.mulf %convert_element_type3A_585, %dot_general3A_587 : vector<512x256xf32>
    %add3A_589 = arith.addf %add3A_536, %mul3A_588 : vector<512x256xf32>
    %sub3A_590 = arith.constant 8 : i32
    %sub3A_591 = vector.broadcast %sub3A_590 : i32 to vector<8x256xi32>
    %sub3A_592 = arith.subi %iota3A_133, %sub3A_591 : vector<8x256xi32>
    %add3A_593 = arith.constant 3 : i32
    %add3A_594 = vector.broadcast %add3A_593 : i32 to vector<8x256xi32>
    %add3A_595 = arith.addi %sub3A_592, %add3A_594 : vector<8x256xi32>
    %eq3A_596 = arith.cmpi eq, %select_n3A_132, %add3A_595 : vector<8x256xi32>
    %convert_element_type3A_597 = arith.extui %eq3A_596 : vector<8x256xi1> to vector<8x256xi32>
    %convert_element_type3A_598 = arith.sitofp %convert_element_type3A_597 : vector<8x256xi32> to vector<8x256xf32>
    %dot_general3A_599 = arith.constant dense<0.000000e+00> : vector<1x256xf32>
    %dot_general3A_600 = tpu.matmul %dot_general3A_553, %convert_element_type3A_203, %dot_general3A_599 {dimension_numbers = #tpu.dot_dimension_numbers<[1], [0], [0], [1], [0, 0, 1, 1], [], []>, transpose_lhs_hint = false} : vector<1x16xf32>, vector<16x256xf32>, vector<1x256xf32> -> vector<1x256xf32>
    %mul3A_601 = vector.broadcast %dot_general3A_600 : vector<1x256xf32> to vector<8x256xf32>
    %mul3A_602 = arith.mulf %convert_element_type3A_598, %mul3A_601 : vector<8x256xf32>
    %add3A_603 = arith.addf %add3A_550, %mul3A_602 : vector<8x256xf32>
    %slice3A_604 = vector.extract_strided_slice %dot_general3A_303 {offsets = [16, 0], sizes = [16, 32], strides = [1, 1]} : vector<32x128xf32> to vector<16x32xf32>
    %dot_general3A_605 = arith.constant dense<0.000000e+00> : vector<1x16xf32>
    %dot_general3A_606 = tpu.matmul %get3A_40, %slice3A_604, %dot_general3A_605 {dimension_numbers = #tpu.dot_dimension_numbers<[0], [1], [1], [0], [0, 1, 1, 0], [], []>, transpose_lhs_hint = false} : vector<32x1xf32>, vector<16x32xf32>, vector<1x16xf32> -> vector<1x16xf32>
    %dot_general3A_607 = arith.constant dense<0.000000e+00> : vector<16x1xf32>
    %dot_general3A_608 = tpu.matmul %slice3A_604, %get3A_43, %dot_general3A_607 {dimension_numbers = #tpu.dot_dimension_numbers<[1], [0], [0], [1], [0, 0, 1, 1], [], []>, transpose_lhs_hint = false} : vector<16x32xf32>, vector<32x1xf32>, vector<16x1xf32> -> vector<16x1xf32>
    %ge3A_609 = arith.constant 4 : i32
    %ge3A_610 = vector.broadcast %ge3A_609 : i32 to vector<1x80xi32>
    %ge3A_611 = arith.cmpi sge, %iota3A_44, %ge3A_610 : vector<1x80xi32>
    %lt3A_612 = arith.constant 68 : i32
    %lt3A_613 = vector.broadcast %lt3A_612 : i32 to vector<1x80xi32>
    %lt3A_614 = arith.cmpi slt, %iota3A_44, %lt3A_613 : vector<1x80xi32>
    %and3A_615 = arith.andi %ge3A_611, %lt3A_614 : vector<1x80xi1>
    %convert_element_type3A_616 = arith.extui %and3A_615 : vector<1x80xi1> to vector<1x80xi32>
    %convert_element_type3A_617 = arith.sitofp %convert_element_type3A_616 : vector<1x80xi32> to vector<1x80xf32>
    %mul3A_618 = vector.broadcast %dot_general3A_608 : vector<16x1xf32> to vector<16x80xf32>
    %mul3A_619 = vector.broadcast %convert_element_type3A_617 : vector<1x80xf32> to vector<16x80xf32>
    %mul3A_620 = arith.mulf %mul3A_618, %mul3A_619 : vector<16x80xf32>
    %add3A_621 = arith.addf %add3A_568, %mul3A_620 : vector<16x80xf32>
    %eq3A_622 = arith.constant 4 : i32
    %eq3A_623 = vector.broadcast %eq3A_622 : i32 to vector<64x1024xi32>
    %eq3A_624 = arith.cmpi eq, %sub3A, %eq3A_623 : vector<64x1024xi32>
    %convert_element_type3A_625 = arith.extui %eq3A_624 : vector<64x1024xi1> to vector<64x1024xi32>
    %convert_element_type3A_626 = arith.sitofp %convert_element_type3A_625 : vector<64x1024xi32> to vector<64x1024xf32>
    %dot_general3A_627 = arith.constant dense<0.000000e+00> : vector<1x1024xf32>
    %dot_general3A_628 = tpu.matmul %dot_general3A_606, %convert_element_type3A_167, %dot_general3A_627 {dimension_numbers = #tpu.dot_dimension_numbers<[1], [0], [0], [1], [0, 0, 1, 1], [], []>, transpose_lhs_hint = false} : vector<1x16xf32>, vector<16x1024xf32>, vector<1x1024xf32> -> vector<1x1024xf32>
    %mul3A_629 = vector.broadcast %dot_general3A_628 : vector<1x1024xf32> to vector<64x1024xf32>
    %mul3A_630 = arith.mulf %convert_element_type3A_626, %mul3A_629 : vector<64x1024xf32>
    %add3A_631 = arith.addf %add3A_578, %mul3A_630 : vector<64x1024xf32>
    %dot_general3A_632 = arith.constant dense<0.000000e+00> : vector<512x16xf32>
    %dot_general3A_633 = tpu.matmul %convert_element_type3A_239, %slice3A_604, %dot_general3A_632 {dimension_numbers = #tpu.dot_dimension_numbers<[1], [1], [0], [0], [0, 0, 1, 0], [], []>, transpose_lhs_hint = false} : vector<512x32xf32>, vector<16x32xf32>, vector<512x16xf32> -> vector<512x16xf32>
    %eq3A_634 = arith.constant 4 : i32
    %eq3A_635 = vector.broadcast %eq3A_634 : i32 to vector<512x256xi32>
    %eq3A_636 = arith.cmpi eq, %sub3A_109, %eq3A_635 : vector<512x256xi32>
    %convert_element_type3A_637 = arith.extui %eq3A_636 : vector<512x256xi1> to vector<512x256xi32>
    %convert_element_type3A_638 = arith.sitofp %convert_element_type3A_637 : vector<512x256xi32> to vector<512x256xf32>
    %dot_general3A_639 = arith.constant dense<0.000000e+00> : vector<512x256xf32>
    %dot_general3A_640 = tpu.matmul %dot_general3A_633, %convert_element_type3A_275, %dot_general3A_639 {dimension_numbers = #tpu.dot_dimension_numbers<[1], [0], [0], [1], [0, 0, 1, 1], [], []>, transpose_lhs_hint = false} : vector<512x16xf32>, vector<16x256xf32>, vector<512x256xf32> -> vector<512x256xf32>
    %mul3A_641 = arith.mulf %convert_element_type3A_638, %dot_general3A_640 : vector<512x256xf32>
    %add3A_642 = arith.addf %add3A_589, %mul3A_641 : vector<512x256xf32>
    %sub3A_643 = arith.constant 8 : i32
    %sub3A_644 = vector.broadcast %sub3A_643 : i32 to vector<8x256xi32>
    %sub3A_645 = arith.subi %iota3A_133, %sub3A_644 : vector<8x256xi32>
    %add3A_646 = arith.constant 4 : i32
    %add3A_647 = vector.broadcast %add3A_646 : i32 to vector<8x256xi32>
    %add3A_648 = arith.addi %sub3A_645, %add3A_647 : vector<8x256xi32>
    %eq3A_649 = arith.cmpi eq, %select_n3A_132, %add3A_648 : vector<8x256xi32>
    %convert_element_type3A_650 = arith.extui %eq3A_649 : vector<8x256xi1> to vector<8x256xi32>
    %convert_element_type3A_651 = arith.sitofp %convert_element_type3A_650 : vector<8x256xi32> to vector<8x256xf32>
    %dot_general3A_652 = arith.constant dense<0.000000e+00> : vector<1x256xf32>
    %dot_general3A_653 = tpu.matmul %dot_general3A_606, %convert_element_type3A_203, %dot_general3A_652 {dimension_numbers = #tpu.dot_dimension_numbers<[1], [0], [0], [1], [0, 0, 1, 1], [], []>, transpose_lhs_hint = false} : vector<1x16xf32>, vector<16x256xf32>, vector<1x256xf32> -> vector<1x256xf32>
    %mul3A_654 = vector.broadcast %dot_general3A_653 : vector<1x256xf32> to vector<8x256xf32>
    %mul3A_655 = arith.mulf %convert_element_type3A_651, %mul3A_654 : vector<8x256xf32>
    %add3A_656 = arith.addf %add3A_603, %mul3A_655 : vector<8x256xf32>
    %slice3A_657 = vector.extract_strided_slice %dot_general3A_303 {offsets = [16, 32], sizes = [16, 32], strides = [1, 1]} : vector<32x128xf32> to vector<16x32xf32>
    %dot_general3A_658 = arith.constant dense<0.000000e+00> : vector<1x16xf32>
    %dot_general3A_659 = tpu.matmul %get3A_40, %slice3A_657, %dot_general3A_658 {dimension_numbers = #tpu.dot_dimension_numbers<[0], [1], [1], [0], [0, 1, 1, 0], [], []>, transpose_lhs_hint = false} : vector<32x1xf32>, vector<16x32xf32>, vector<1x16xf32> -> vector<1x16xf32>
    %dot_general3A_660 = arith.constant dense<0.000000e+00> : vector<16x1xf32>
    %dot_general3A_661 = tpu.matmul %slice3A_657, %get3A_43, %dot_general3A_660 {dimension_numbers = #tpu.dot_dimension_numbers<[1], [0], [0], [1], [0, 0, 1, 1], [], []>, transpose_lhs_hint = false} : vector<16x32xf32>, vector<32x1xf32>, vector<16x1xf32> -> vector<16x1xf32>
    %ge3A_662 = arith.constant 5 : i32
    %ge3A_663 = vector.broadcast %ge3A_662 : i32 to vector<1x80xi32>
    %ge3A_664 = arith.cmpi sge, %iota3A_44, %ge3A_663 : vector<1x80xi32>
    %lt3A_665 = arith.constant 69 : i32
    %lt3A_666 = vector.broadcast %lt3A_665 : i32 to vector<1x80xi32>
    %lt3A_667 = arith.cmpi slt, %iota3A_44, %lt3A_666 : vector<1x80xi32>
    %and3A_668 = arith.andi %ge3A_664, %lt3A_667 : vector<1x80xi1>
    %convert_element_type3A_669 = arith.extui %and3A_668 : vector<1x80xi1> to vector<1x80xi32>
    %convert_element_type3A_670 = arith.sitofp %convert_element_type3A_669 : vector<1x80xi32> to vector<1x80xf32>
    %mul3A_671 = vector.broadcast %dot_general3A_661 : vector<16x1xf32> to vector<16x80xf32>
    %mul3A_672 = vector.broadcast %convert_element_type3A_670 : vector<1x80xf32> to vector<16x80xf32>
    %mul3A_673 = arith.mulf %mul3A_671, %mul3A_672 : vector<16x80xf32>
    %add3A_674 = arith.addf %add3A_621, %mul3A_673 : vector<16x80xf32>
    %eq3A_675 = arith.constant 5 : i32
    %eq3A_676 = vector.broadcast %eq3A_675 : i32 to vector<64x1024xi32>
    %eq3A_677 = arith.cmpi eq, %sub3A, %eq3A_676 : vector<64x1024xi32>
    %convert_element_type3A_678 = arith.extui %eq3A_677 : vector<64x1024xi1> to vector<64x1024xi32>
    %convert_element_type3A_679 = arith.sitofp %convert_element_type3A_678 : vector<64x1024xi32> to vector<64x1024xf32>
    %dot_general3A_680 = arith.constant dense<0.000000e+00> : vector<1x1024xf32>
    %dot_general3A_681 = tpu.matmul %dot_general3A_659, %convert_element_type3A_167, %dot_general3A_680 {dimension_numbers = #tpu.dot_dimension_numbers<[1], [0], [0], [1], [0, 0, 1, 1], [], []>, transpose_lhs_hint = false} : vector<1x16xf32>, vector<16x1024xf32>, vector<1x1024xf32> -> vector<1x1024xf32>
    %mul3A_682 = vector.broadcast %dot_general3A_681 : vector<1x1024xf32> to vector<64x1024xf32>
    %mul3A_683 = arith.mulf %convert_element_type3A_679, %mul3A_682 : vector<64x1024xf32>
    %add3A_684 = arith.addf %add3A_631, %mul3A_683 : vector<64x1024xf32>
    %dot_general3A_685 = arith.constant dense<0.000000e+00> : vector<512x16xf32>
    %dot_general3A_686 = tpu.matmul %convert_element_type3A_239, %slice3A_657, %dot_general3A_685 {dimension_numbers = #tpu.dot_dimension_numbers<[1], [1], [0], [0], [0, 0, 1, 0], [], []>, transpose_lhs_hint = false} : vector<512x32xf32>, vector<16x32xf32>, vector<512x16xf32> -> vector<512x16xf32>
    %eq3A_687 = arith.constant 5 : i32
    %eq3A_688 = vector.broadcast %eq3A_687 : i32 to vector<512x256xi32>
    %eq3A_689 = arith.cmpi eq, %sub3A_109, %eq3A_688 : vector<512x256xi32>
    %convert_element_type3A_690 = arith.extui %eq3A_689 : vector<512x256xi1> to vector<512x256xi32>
    %convert_element_type3A_691 = arith.sitofp %convert_element_type3A_690 : vector<512x256xi32> to vector<512x256xf32>
    %dot_general3A_692 = arith.constant dense<0.000000e+00> : vector<512x256xf32>
    %dot_general3A_693 = tpu.matmul %dot_general3A_686, %convert_element_type3A_275, %dot_general3A_692 {dimension_numbers = #tpu.dot_dimension_numbers<[1], [0], [0], [1], [0, 0, 1, 1], [], []>, transpose_lhs_hint = false} : vector<512x16xf32>, vector<16x256xf32>, vector<512x256xf32> -> vector<512x256xf32>
    %mul3A_694 = arith.mulf %convert_element_type3A_691, %dot_general3A_693 : vector<512x256xf32>
    %add3A_695 = arith.addf %add3A_642, %mul3A_694 : vector<512x256xf32>
    %sub3A_696 = arith.constant 8 : i32
    %sub3A_697 = vector.broadcast %sub3A_696 : i32 to vector<8x256xi32>
    %sub3A_698 = arith.subi %iota3A_133, %sub3A_697 : vector<8x256xi32>
    %add3A_699 = arith.constant 5 : i32
    %add3A_700 = vector.broadcast %add3A_699 : i32 to vector<8x256xi32>
    %add3A_701 = arith.addi %sub3A_698, %add3A_700 : vector<8x256xi32>
    %eq3A_702 = arith.cmpi eq, %select_n3A_132, %add3A_701 : vector<8x256xi32>
    %convert_element_type3A_703 = arith.extui %eq3A_702 : vector<8x256xi1> to vector<8x256xi32>
    %convert_element_type3A_704 = arith.sitofp %convert_element_type3A_703 : vector<8x256xi32> to vector<8x256xf32>
    %dot_general3A_705 = arith.constant dense<0.000000e+00> : vector<1x256xf32>
    %dot_general3A_706 = tpu.matmul %dot_general3A_659, %convert_element_type3A_203, %dot_general3A_705 {dimension_numbers = #tpu.dot_dimension_numbers<[1], [0], [0], [1], [0, 0, 1, 1], [], []>, transpose_lhs_hint = false} : vector<1x16xf32>, vector<16x256xf32>, vector<1x256xf32> -> vector<1x256xf32>
    %mul3A_707 = vector.broadcast %dot_general3A_706 : vector<1x256xf32> to vector<8x256xf32>
    %mul3A_708 = arith.mulf %convert_element_type3A_704, %mul3A_707 : vector<8x256xf32>
    %add3A_709 = arith.addf %add3A_656, %mul3A_708 : vector<8x256xf32>
    %slice3A_710 = vector.extract_strided_slice %dot_general3A_303 {offsets = [16, 64], sizes = [16, 32], strides = [1, 1]} : vector<32x128xf32> to vector<16x32xf32>
    %dot_general3A_711 = arith.constant dense<0.000000e+00> : vector<1x16xf32>
    %dot_general3A_712 = tpu.matmul %get3A_40, %slice3A_710, %dot_general3A_711 {dimension_numbers = #tpu.dot_dimension_numbers<[0], [1], [1], [0], [0, 1, 1, 0], [], []>, transpose_lhs_hint = false} : vector<32x1xf32>, vector<16x32xf32>, vector<1x16xf32> -> vector<1x16xf32>
    %dot_general3A_713 = arith.constant dense<0.000000e+00> : vector<16x1xf32>
    %dot_general3A_714 = tpu.matmul %slice3A_710, %get3A_43, %dot_general3A_713 {dimension_numbers = #tpu.dot_dimension_numbers<[1], [0], [0], [1], [0, 0, 1, 1], [], []>, transpose_lhs_hint = false} : vector<16x32xf32>, vector<32x1xf32>, vector<16x1xf32> -> vector<16x1xf32>
    %ge3A_715 = arith.constant 6 : i32
    %ge3A_716 = vector.broadcast %ge3A_715 : i32 to vector<1x80xi32>
    %ge3A_717 = arith.cmpi sge, %iota3A_44, %ge3A_716 : vector<1x80xi32>
    %lt3A_718 = arith.constant 70 : i32
    %lt3A_719 = vector.broadcast %lt3A_718 : i32 to vector<1x80xi32>
    %lt3A_720 = arith.cmpi slt, %iota3A_44, %lt3A_719 : vector<1x80xi32>
    %and3A_721 = arith.andi %ge3A_717, %lt3A_720 : vector<1x80xi1>
    %convert_element_type3A_722 = arith.extui %and3A_721 : vector<1x80xi1> to vector<1x80xi32>
    %convert_element_type3A_723 = arith.sitofp %convert_element_type3A_722 : vector<1x80xi32> to vector<1x80xf32>
    %mul3A_724 = vector.broadcast %dot_general3A_714 : vector<16x1xf32> to vector<16x80xf32>
    %mul3A_725 = vector.broadcast %convert_element_type3A_723 : vector<1x80xf32> to vector<16x80xf32>
    %mul3A_726 = arith.mulf %mul3A_724, %mul3A_725 : vector<16x80xf32>
    %add3A_727 = arith.addf %add3A_674, %mul3A_726 : vector<16x80xf32>
    %eq3A_728 = arith.constant 6 : i32
    %eq3A_729 = vector.broadcast %eq3A_728 : i32 to vector<64x1024xi32>
    %eq3A_730 = arith.cmpi eq, %sub3A, %eq3A_729 : vector<64x1024xi32>
    %convert_element_type3A_731 = arith.extui %eq3A_730 : vector<64x1024xi1> to vector<64x1024xi32>
    %convert_element_type3A_732 = arith.sitofp %convert_element_type3A_731 : vector<64x1024xi32> to vector<64x1024xf32>
    %dot_general3A_733 = arith.constant dense<0.000000e+00> : vector<1x1024xf32>
    %dot_general3A_734 = tpu.matmul %dot_general3A_712, %convert_element_type3A_167, %dot_general3A_733 {dimension_numbers = #tpu.dot_dimension_numbers<[1], [0], [0], [1], [0, 0, 1, 1], [], []>, transpose_lhs_hint = false} : vector<1x16xf32>, vector<16x1024xf32>, vector<1x1024xf32> -> vector<1x1024xf32>
    %mul3A_735 = vector.broadcast %dot_general3A_734 : vector<1x1024xf32> to vector<64x1024xf32>
    %mul3A_736 = arith.mulf %convert_element_type3A_732, %mul3A_735 : vector<64x1024xf32>
    %add3A_737 = arith.addf %add3A_684, %mul3A_736 : vector<64x1024xf32>
    %dot_general3A_738 = arith.constant dense<0.000000e+00> : vector<512x16xf32>
    %dot_general3A_739 = tpu.matmul %convert_element_type3A_239, %slice3A_710, %dot_general3A_738 {dimension_numbers = #tpu.dot_dimension_numbers<[1], [1], [0], [0], [0, 0, 1, 0], [], []>, transpose_lhs_hint = false} : vector<512x32xf32>, vector<16x32xf32>, vector<512x16xf32> -> vector<512x16xf32>
    %eq3A_740 = arith.constant 6 : i32
    %eq3A_741 = vector.broadcast %eq3A_740 : i32 to vector<512x256xi32>
    %eq3A_742 = arith.cmpi eq, %sub3A_109, %eq3A_741 : vector<512x256xi32>
    %convert_element_type3A_743 = arith.extui %eq3A_742 : vector<512x256xi1> to vector<512x256xi32>
    %convert_element_type3A_744 = arith.sitofp %convert_element_type3A_743 : vector<512x256xi32> to vector<512x256xf32>
    %dot_general3A_745 = arith.constant dense<0.000000e+00> : vector<512x256xf32>
    %dot_general3A_746 = tpu.matmul %dot_general3A_739, %convert_element_type3A_275, %dot_general3A_745 {dimension_numbers = #tpu.dot_dimension_numbers<[1], [0], [0], [1], [0, 0, 1, 1], [], []>, transpose_lhs_hint = false} : vector<512x16xf32>, vector<16x256xf32>, vector<512x256xf32> -> vector<512x256xf32>
    %mul3A_747 = arith.mulf %convert_element_type3A_744, %dot_general3A_746 : vector<512x256xf32>
    %add3A_748 = arith.addf %add3A_695, %mul3A_747 : vector<512x256xf32>
    %sub3A_749 = arith.constant 8 : i32
    %sub3A_750 = vector.broadcast %sub3A_749 : i32 to vector<8x256xi32>
    %sub3A_751 = arith.subi %iota3A_133, %sub3A_750 : vector<8x256xi32>
    %add3A_752 = arith.constant 6 : i32
    %add3A_753 = vector.broadcast %add3A_752 : i32 to vector<8x256xi32>
    %add3A_754 = arith.addi %sub3A_751, %add3A_753 : vector<8x256xi32>
    %eq3A_755 = arith.cmpi eq, %select_n3A_132, %add3A_754 : vector<8x256xi32>
    %convert_element_type3A_756 = arith.extui %eq3A_755 : vector<8x256xi1> to vector<8x256xi32>
    %convert_element_type3A_757 = arith.sitofp %convert_element_type3A_756 : vector<8x256xi32> to vector<8x256xf32>
    %dot_general3A_758 = arith.constant dense<0.000000e+00> : vector<1x256xf32>
    %dot_general3A_759 = tpu.matmul %dot_general3A_712, %convert_element_type3A_203, %dot_general3A_758 {dimension_numbers = #tpu.dot_dimension_numbers<[1], [0], [0], [1], [0, 0, 1, 1], [], []>, transpose_lhs_hint = false} : vector<1x16xf32>, vector<16x256xf32>, vector<1x256xf32> -> vector<1x256xf32>
    %mul3A_760 = vector.broadcast %dot_general3A_759 : vector<1x256xf32> to vector<8x256xf32>
    %mul3A_761 = arith.mulf %convert_element_type3A_757, %mul3A_760 : vector<8x256xf32>
    %add3A_762 = arith.addf %add3A_709, %mul3A_761 : vector<8x256xf32>
    %slice3A_763 = vector.extract_strided_slice %dot_general3A_303 {offsets = [16, 96], sizes = [16, 32], strides = [1, 1]} : vector<32x128xf32> to vector<16x32xf32>
    %dot_general3A_764 = arith.constant dense<0.000000e+00> : vector<1x16xf32>
    %dot_general3A_765 = tpu.matmul %get3A_40, %slice3A_763, %dot_general3A_764 {dimension_numbers = #tpu.dot_dimension_numbers<[0], [1], [1], [0], [0, 1, 1, 0], [], []>, transpose_lhs_hint = false} : vector<32x1xf32>, vector<16x32xf32>, vector<1x16xf32> -> vector<1x16xf32>
    %dot_general3A_766 = arith.constant dense<0.000000e+00> : vector<16x1xf32>
    %dot_general3A_767 = tpu.matmul %slice3A_763, %get3A_43, %dot_general3A_766 {dimension_numbers = #tpu.dot_dimension_numbers<[1], [0], [0], [1], [0, 0, 1, 1], [], []>, transpose_lhs_hint = false} : vector<16x32xf32>, vector<32x1xf32>, vector<16x1xf32> -> vector<16x1xf32>
    %ge3A_768 = arith.constant 7 : i32
    %ge3A_769 = vector.broadcast %ge3A_768 : i32 to vector<1x80xi32>
    %ge3A_770 = arith.cmpi sge, %iota3A_44, %ge3A_769 : vector<1x80xi32>
    %lt3A_771 = arith.constant 71 : i32
    %lt3A_772 = vector.broadcast %lt3A_771 : i32 to vector<1x80xi32>
    %lt3A_773 = arith.cmpi slt, %iota3A_44, %lt3A_772 : vector<1x80xi32>
    %and3A_774 = arith.andi %ge3A_770, %lt3A_773 : vector<1x80xi1>
    %convert_element_type3A_775 = arith.extui %and3A_774 : vector<1x80xi1> to vector<1x80xi32>
    %convert_element_type3A_776 = arith.sitofp %convert_element_type3A_775 : vector<1x80xi32> to vector<1x80xf32>
    %mul3A_777 = vector.broadcast %dot_general3A_767 : vector<16x1xf32> to vector<16x80xf32>
    %mul3A_778 = vector.broadcast %convert_element_type3A_776 : vector<1x80xf32> to vector<16x80xf32>
    %mul3A_779 = arith.mulf %mul3A_777, %mul3A_778 : vector<16x80xf32>
    %add3A_780 = arith.addf %add3A_727, %mul3A_779 : vector<16x80xf32>
    %eq3A_781 = arith.constant 7 : i32
    %eq3A_782 = vector.broadcast %eq3A_781 : i32 to vector<64x1024xi32>
    %eq3A_783 = arith.cmpi eq, %sub3A, %eq3A_782 : vector<64x1024xi32>
    %convert_element_type3A_784 = arith.extui %eq3A_783 : vector<64x1024xi1> to vector<64x1024xi32>
    %convert_element_type3A_785 = arith.sitofp %convert_element_type3A_784 : vector<64x1024xi32> to vector<64x1024xf32>
    %dot_general3A_786 = arith.constant dense<0.000000e+00> : vector<1x1024xf32>
    %dot_general3A_787 = tpu.matmul %dot_general3A_765, %convert_element_type3A_167, %dot_general3A_786 {dimension_numbers = #tpu.dot_dimension_numbers<[1], [0], [0], [1], [0, 0, 1, 1], [], []>, transpose_lhs_hint = false} : vector<1x16xf32>, vector<16x1024xf32>, vector<1x1024xf32> -> vector<1x1024xf32>
    %mul3A_788 = vector.broadcast %dot_general3A_787 : vector<1x1024xf32> to vector<64x1024xf32>
    %mul3A_789 = arith.mulf %convert_element_type3A_785, %mul3A_788 : vector<64x1024xf32>
    %add3A_790 = arith.addf %add3A_737, %mul3A_789 : vector<64x1024xf32>
    %dot_general3A_791 = arith.constant dense<0.000000e+00> : vector<512x16xf32>
    %dot_general3A_792 = tpu.matmul %convert_element_type3A_239, %slice3A_763, %dot_general3A_791 {dimension_numbers = #tpu.dot_dimension_numbers<[1], [1], [0], [0], [0, 0, 1, 0], [], []>, transpose_lhs_hint = false} : vector<512x32xf32>, vector<16x32xf32>, vector<512x16xf32> -> vector<512x16xf32>
    %eq3A_793 = arith.constant 7 : i32
    %eq3A_794 = vector.broadcast %eq3A_793 : i32 to vector<512x256xi32>
    %eq3A_795 = arith.cmpi eq, %sub3A_109, %eq3A_794 : vector<512x256xi32>
    %convert_element_type3A_796 = arith.extui %eq3A_795 : vector<512x256xi1> to vector<512x256xi32>
    %convert_element_type3A_797 = arith.sitofp %convert_element_type3A_796 : vector<512x256xi32> to vector<512x256xf32>
    %dot_general3A_798 = arith.constant dense<0.000000e+00> : vector<512x256xf32>
    %dot_general3A_799 = tpu.matmul %dot_general3A_792, %convert_element_type3A_275, %dot_general3A_798 {dimension_numbers = #tpu.dot_dimension_numbers<[1], [0], [0], [1], [0, 0, 1, 1], [], []>, transpose_lhs_hint = false} : vector<512x16xf32>, vector<16x256xf32>, vector<512x256xf32> -> vector<512x256xf32>
    %mul3A_800 = arith.mulf %convert_element_type3A_797, %dot_general3A_799 : vector<512x256xf32>
    %add3A_801 = arith.addf %add3A_748, %mul3A_800 : vector<512x256xf32>
    %sub3A_802 = arith.constant 8 : i32
    %sub3A_803 = vector.broadcast %sub3A_802 : i32 to vector<8x256xi32>
    %sub3A_804 = arith.subi %iota3A_133, %sub3A_803 : vector<8x256xi32>
    %add3A_805 = arith.constant 7 : i32
    %add3A_806 = vector.broadcast %add3A_805 : i32 to vector<8x256xi32>
    %add3A_807 = arith.addi %sub3A_804, %add3A_806 : vector<8x256xi32>
    %eq3A_808 = arith.cmpi eq, %select_n3A_132, %add3A_807 : vector<8x256xi32>
    %convert_element_type3A_809 = arith.extui %eq3A_808 : vector<8x256xi1> to vector<8x256xi32>
    %convert_element_type3A_810 = arith.sitofp %convert_element_type3A_809 : vector<8x256xi32> to vector<8x256xf32>
    %dot_general3A_811 = arith.constant dense<0.000000e+00> : vector<1x256xf32>
    %dot_general3A_812 = tpu.matmul %dot_general3A_765, %convert_element_type3A_203, %dot_general3A_811 {dimension_numbers = #tpu.dot_dimension_numbers<[1], [0], [0], [1], [0, 0, 1, 1], [], []>, transpose_lhs_hint = false} : vector<1x16xf32>, vector<16x256xf32>, vector<1x256xf32> -> vector<1x256xf32>
    %mul3A_813 = vector.broadcast %dot_general3A_812 : vector<1x256xf32> to vector<8x256xf32>
    %mul3A_814 = arith.mulf %convert_element_type3A_810, %mul3A_813 : vector<8x256xf32>
    %add3A_815 = arith.addf %add3A_762, %mul3A_814 : vector<8x256xf32>
    %swap3A = arith.constant 0 : index
    %swap3A_816 = arith.constant 0 : index
    %swap3A_817 = vector.load %arg28[%swap3A, %swap3A_816] : memref<64x1024xf32, #tpu.memory_space<vmem>>, vector<64x1024xf32>
    tpu.vector_store %arg28[%swap3A, %swap3A_816], %add3A_790 {strides = array<i32>} : memref<64x1024xf32, #tpu.memory_space<vmem>>, vector<64x1024xf32>,
    %slice3A_818 = vector.extract_strided_slice %add3A_780 {offsets = [0, 0], sizes = [16, 64], strides = [1, 1]} : vector<16x80xf32> to vector<16x64xf32>
    %swap3A_819 = arith.constant 0 : index
    %swap3A_820 = arith.constant 0 : index
    %swap3A_821 = vector.load %arg31[%swap3A_819, %swap3A_820] : memref<16x64xf32, #tpu.memory_space<vmem>>, vector<16x64xf32>
    tpu.vector_store %arg31[%swap3A_819, %swap3A_820], %slice3A_818 {strides = array<i32>} : memref<16x64xf32, #tpu.memory_space<vmem>>, vector<16x64xf32>,
    %slice3A_822 = vector.extract_strided_slice %add3A_780 {offsets = [0, 64], sizes = [16, 16], strides = [1, 1]} : vector<16x80xf32> to vector<16x16xf32>
    %swap3A_823 = arith.constant 0 : index
    %swap3A_824 = arith.constant 0 : index
    %swap3A_825 = vector.load %arg40[%swap3A_823, %swap3A_824] : memref<16x16xf32, #tpu.memory_space<vmem>>, vector<16x16xf32>
    tpu.vector_store %arg40[%swap3A_823, %swap3A_824], %slice3A_822 {strides = array<i32>} : memref<16x16xf32, #tpu.memory_space<vmem>>, vector<16x16xf32>,
    %swap3A_826 = arith.constant 0 : index
    %swap3A_827 = arith.constant 0 : index
    %swap3A_828 = vector.load %arg34[%swap3A_826, %swap3A_827] : memref<512x256xf32, #tpu.memory_space<vmem>>, vector<512x256xf32>
    tpu.vector_store %arg34[%swap3A_826, %swap3A_827], %add3A_801 {strides = array<i32>} : memref<512x256xf32, #tpu.memory_space<vmem>>, vector<512x256xf32>,
    %swap3A_829 = arith.constant 0 : index
    %swap3A_830 = arith.constant 0 : index
    %swap3A_831 = vector.load %arg37[%swap3A_829, %swap3A_830] : memref<8x256xf32, #tpu.memory_space<vmem>>, vector<8x256xf32>
    tpu.vector_store %arg37[%swap3A_829, %swap3A_830], %add3A_815 {strides = array<i32>} : memref<8x256xf32, #tpu.memory_space<vmem>>, vector<8x256xf32>,
    %get3A_832 = arith.constant 0 : index
    %get3A_833 = arith.constant 0 : index
    %get3A_834 = vector.load %arg1[%get3A_832, %get3A_833] : memref<16x64xf32, #tpu.memory_space<vmem>>, vector<16x64xf32>
    %get3A_835 = arith.constant 0 : index
    %get3A_836 = arith.constant 0 : index
    %get3A_837 = vector.load %arg7[%get3A_835, %get3A_836] : memref<16x32xf32, #tpu.memory_space<vmem>>, vector<16x32xf32>
    %get3A_838 = arith.constant 0 : index
    %get3A_839 = arith.constant 0 : index
    %get3A_840 = vector.load %arg13[%get3A_838, %get3A_839] : memref<16x32xf32, #tpu.memory_space<vmem>>, vector<16x32xf32>
    %dot_general3A_841 = arith.constant dense<0.000000e+00> : vector<16x32xf32>
    %dot_general3A_842 = tpu.matmul %get3A_834, %convert_element_type3A_16, %dot_general3A_841 {dimension_numbers = #tpu.dot_dimension_numbers<[1], [0], [0], [1], [0, 0, 1, 1], [], []>, transpose_lhs_hint = false} : vector<16x64xf32>, vector<64x32xf32>, vector<16x32xf32> -> vector<16x32xf32>
    %dot_general3A_843 = arith.constant dense<0.000000e+00> : vector<16x32xf32>
    %dot_general3A_844 = tpu.matmul %get3A_834, %convert_element_type3A_5, %dot_general3A_843 {dimension_numbers = #tpu.dot_dimension_numbers<[1], [0], [0], [1], [0, 0, 1, 1], [], []>, transpose_lhs_hint = false} : vector<16x64xf32>, vector<64x32xf32>, vector<16x32xf32> -> vector<16x32xf32>
    %dot_general3A_845 = arith.constant dense<0.000000e+00> : vector<16x16xf32>
    %dot_general3A_846 = tpu.matmul %get3A_837, %convert_element_type3A_38, %dot_general3A_845 {dimension_numbers = #tpu.dot_dimension_numbers<[1], [0], [0], [1], [0, 0, 1, 1], [], []>, transpose_lhs_hint = false} : vector<16x32xf32>, vector<32x16xf32>, vector<16x16xf32> -> vector<16x16xf32>
    %dot_general3A_847 = arith.constant dense<0.000000e+00> : vector<16x16xf32>
    %dot_general3A_848 = tpu.matmul %get3A_837, %convert_element_type3A_27, %dot_general3A_847 {dimension_numbers = #tpu.dot_dimension_numbers<[1], [0], [0], [1], [0, 0, 1, 1], [], []>, transpose_lhs_hint = false} : vector<16x32xf32>, vector<32x16xf32>, vector<16x16xf32> -> vector<16x16xf32>
    %dot_general3A_849 = arith.constant dense<0.000000e+00> : vector<16x16xf32>
    %dot_general3A_850 = tpu.matmul %get3A_840, %convert_element_type3A_38, %dot_general3A_849 {dimension_numbers = #tpu.dot_dimension_numbers<[1], [0], [0], [1], [0, 0, 1, 1], [], []>, transpose_lhs_hint = false} : vector<16x32xf32>, vector<32x16xf32>, vector<16x16xf32> -> vector<16x16xf32>
    %dot_general3A_851 = arith.constant dense<0.000000e+00> : vector<16x16xf32>
    %dot_general3A_852 = tpu.matmul %get3A_840, %convert_element_type3A_27, %dot_general3A_851 {dimension_numbers = #tpu.dot_dimension_numbers<[1], [0], [0], [1], [0, 0, 1, 1], [], []>, transpose_lhs_hint = false} : vector<16x32xf32>, vector<32x16xf32>, vector<16x16xf32> -> vector<16x16xf32>
    %concatenate3A_853 = tpu.concatenate %dot_general3A_850, %dot_general3A_852 in 0 : vector<16x16xf32>, vector<16x16xf32> -> vector<32x16xf32>
    %concatenate3A_854 = tpu.concatenate %dot_general3A_842, %dot_general3A_844 in 1 : vector<16x32xf32>, vector<16x32xf32> -> vector<16x64xf32>
    %dot_general3A_855 = arith.constant dense<0.000000e+00> : vector<16x64xf32>
    %dot_general3A_856 = tpu.matmul %dot_general3A_846, %concatenate3A_854, %dot_general3A_855 {dimension_numbers = #tpu.dot_dimension_numbers<[1], [0], [0], [1], [0, 0, 1, 1], [], []>, transpose_lhs_hint = false} : vector<16x16xf32>, vector<16x64xf32>, vector<16x64xf32> -> vector<16x64xf32>
    %dot_general3A_857 = arith.constant dense<0.000000e+00> : vector<16x64xf32>
    %dot_general3A_858 = tpu.matmul %dot_general3A_848, %concatenate3A_854, %dot_general3A_857 {dimension_numbers = #tpu.dot_dimension_numbers<[1], [0], [0], [1], [0, 0, 1, 1], [], []>, transpose_lhs_hint = false} : vector<16x16xf32>, vector<16x64xf32>, vector<16x64xf32> -> vector<16x64xf32>
    %concatenate3A_859 = tpu.concatenate %dot_general3A_856, %dot_general3A_858 in 1 : vector<16x64xf32>, vector<16x64xf32> -> vector<16x128xf32>
    %dot_general3A_860 = arith.constant dense<0.000000e+00> : vector<32x128xf32>
    %dot_general3A_861 = tpu.matmul %concatenate3A_853, %concatenate3A_859, %dot_general3A_860 {dimension_numbers = #tpu.dot_dimension_numbers<[1], [0], [0], [1], [0, 0, 1, 1], [], []>, transpose_lhs_hint = false} : vector<32x16xf32>, vector<16x128xf32>, vector<32x128xf32> -> vector<32x128xf32>
    %broadcast_in_dim3A_862 = arith.constant 0.000000e+00 : f32
    %broadcast_in_dim3A_863 = vector.broadcast %broadcast_in_dim3A_862 : f32 to vector<64x1024xf32>
    %broadcast_in_dim3A_864 = arith.constant 0.000000e+00 : f32
    %broadcast_in_dim3A_865 = vector.broadcast %broadcast_in_dim3A_864 : f32 to vector<512x256xf32>
    %broadcast_in_dim3A_866 = arith.constant 0.000000e+00 : f32
    %broadcast_in_dim3A_867 = vector.broadcast %broadcast_in_dim3A_866 : f32 to vector<8x256xf32>
    %get3A_868 = arith.constant 0 : index
    %get3A_869 = arith.constant 0 : index
    %get3A_870 = vector.load %arg16[%get3A_868, %get3A_869] : memref<16x1xf32, #tpu.memory_space<vmem>>, vector<16x1xf32>
    %broadcast_in_dim3A_871 = arith.constant 1.000000e+00 : f32
    %broadcast_in_dim3A_872 = vector.broadcast %broadcast_in_dim3A_871 : f32 to vector<1x80xf32>
    %mul3A_873 = vector.broadcast %get3A_870 : vector<16x1xf32> to vector<16x80xf32>
    %mul3A_874 = vector.broadcast %broadcast_in_dim3A_872 : vector<1x80xf32> to vector<16x80xf32>
    %mul3A_875 = arith.mulf %mul3A_873, %mul3A_874 : vector<16x80xf32>
    %concatenate3A_876 = tpu.concatenate %dot_general3A_846, %dot_general3A_848 in 1 : vector<16x16xf32>, vector<16x16xf32> -> vector<16x32xf32>
    %dot_general3A_877 = arith.constant dense<0.000000e+00> : vector<32x32xf32>
    %dot_general3A_878 = tpu.matmul %concatenate3A_853, %concatenate3A_876, %dot_general3A_877 {dimension_numbers = #tpu.dot_dimension_numbers<[1], [0], [0], [1], [0, 0, 1, 1], [], []>, transpose_lhs_hint = false} : vector<32x16xf32>, vector<16x32xf32>, vector<32x32xf32> -> vector<32x32xf32>
    %slice3A_879 = vector.extract_strided_slice %dot_general3A_878 {offsets = [0, 0], sizes = [16, 16], strides = [1, 1]} : vector<32x32xf32> to vector<16x16xf32>
    %get3A_880 = arith.constant 0 : index
    %get3A_881 = arith.constant 0 : index
    %get3A_882 = vector.load %arg4[%get3A_880, %get3A_881] : memref<16x1xf32, #tpu.memory_space<vmem>>, vector<16x1xf32>
    %dot_general3A_883 = arith.constant dense<0.000000e+00> : vector<16x1xf32>
    %dot_general3A_884 = tpu.matmul %slice3A_879, %get3A_882, %dot_general3A_883 {dimension_numbers = #tpu.dot_dimension_numbers<[1], [0], [0], [1], [0, 0, 1, 1], [], []>, transpose_lhs_hint = false} : vector<16x16xf32>, vector<16x1xf32>, vector<16x1xf32> -> vector<16x1xf32>
    %ge3A_885 = arith.constant 0 : i32
    %ge3A_886 = vector.broadcast %ge3A_885 : i32 to vector<1x80xi32>
    %ge3A_887 = arith.cmpi sge, %iota3A_44, %ge3A_886 : vector<1x80xi32>
    %convert_element_type3A_888 = arith.extui %ge3A_887 : vector<1x80xi1> to vector<1x80xi32>
    %convert_element_type3A_889 = arith.sitofp %convert_element_type3A_888 : vector<1x80xi32> to vector<1x80xf32>
    %mul3A_890 = vector.broadcast %dot_general3A_884 : vector<16x1xf32> to vector<16x80xf32>
    %mul3A_891 = vector.broadcast %convert_element_type3A_889 : vector<1x80xf32> to vector<16x80xf32>
    %mul3A_892 = arith.mulf %mul3A_890, %mul3A_891 : vector<16x80xf32>
    %add3A_893 = arith.addf %mul3A_875, %mul3A_892 : vector<16x80xf32>
    %slice3A_894 = vector.extract_strided_slice %dot_general3A_878 {offsets = [0, 16], sizes = [16, 16], strides = [1, 1]} : vector<32x32xf32> to vector<16x16xf32>
    %get3A_895 = arith.constant 0 : index
    %get3A_896 = arith.constant 0 : index
    %get3A_897 = vector.load %arg4[%get3A_895, %get3A_896] : memref<16x1xf32, #tpu.memory_space<vmem>>, vector<16x1xf32>
    %dot_general3A_898 = arith.constant dense<0.000000e+00> : vector<16x1xf32>
    %dot_general3A_899 = tpu.matmul %slice3A_894, %get3A_897, %dot_general3A_898 {dimension_numbers = #tpu.dot_dimension_numbers<[1], [0], [0], [1], [0, 0, 1, 1], [], []>, transpose_lhs_hint = false} : vector<16x16xf32>, vector<16x1xf32>, vector<16x1xf32> -> vector<16x1xf32>
    %ge3A_900 = arith.constant 2 : i32
    %ge3A_901 = vector.broadcast %ge3A_900 : i32 to vector<1x80xi32>
    %ge3A_902 = arith.cmpi sge, %iota3A_44, %ge3A_901 : vector<1x80xi32>
    %convert_element_type3A_903 = arith.extui %ge3A_902 : vector<1x80xi1> to vector<1x80xi32>
    %convert_element_type3A_904 = arith.sitofp %convert_element_type3A_903 : vector<1x80xi32> to vector<1x80xf32>
    %mul3A_905 = vector.broadcast %dot_general3A_899 : vector<16x1xf32> to vector<16x80xf32>
    %mul3A_906 = vector.broadcast %convert_element_type3A_904 : vector<1x80xf32> to vector<16x80xf32>
    %mul3A_907 = arith.mulf %mul3A_905, %mul3A_906 : vector<16x80xf32>
    %add3A_908 = arith.addf %add3A_893, %mul3A_907 : vector<16x80xf32>
    %get3A_909 = arith.constant 0 : index
    %get3A_910 = arith.constant 0 : index
    %get3A_911 = vector.load %arg10[%get3A_909, %get3A_910] : memref<16x1xf32, #tpu.memory_space<vmem>>, vector<16x1xf32>
    %dot_general3A_912 = arith.constant dense<0.000000e+00> : vector<16x1xf32>
    %dot_general3A_913 = tpu.matmul %dot_general3A_850, %get3A_911, %dot_general3A_912 {dimension_numbers = #tpu.dot_dimension_numbers<[1], [0], [0], [1], [0, 0, 1, 1], [], []>, transpose_lhs_hint = false} : vector<16x16xf32>, vector<16x1xf32>, vector<16x1xf32> -> vector<16x1xf32>
    %ge3A_914 = arith.constant 0 : i32
    %ge3A_915 = vector.broadcast %ge3A_914 : i32 to vector<1x80xi32>
    %ge3A_916 = arith.cmpi sge, %iota3A_44, %ge3A_915 : vector<1x80xi32>
    %convert_element_type3A_917 = arith.extui %ge3A_916 : vector<1x80xi1> to vector<1x80xi32>
    %convert_element_type3A_918 = arith.sitofp %convert_element_type3A_917 : vector<1x80xi32> to vector<1x80xf32>
    %mul3A_919 = vector.broadcast %dot_general3A_913 : vector<16x1xf32> to vector<16x80xf32>
    %mul3A_920 = vector.broadcast %convert_element_type3A_918 : vector<1x80xf32> to vector<16x80xf32>
    %mul3A_921 = arith.mulf %mul3A_919, %mul3A_920 : vector<16x80xf32>
    %add3A_922 = arith.addf %add3A_908, %mul3A_921 : vector<16x80xf32>
    %slice3A_923 = vector.extract_strided_slice %dot_general3A_878 {offsets = [16, 0], sizes = [16, 16], strides = [1, 1]} : vector<32x32xf32> to vector<16x16xf32>
    %get3A_924 = arith.constant 0 : index
    %get3A_925 = arith.constant 0 : index
    %get3A_926 = vector.load %arg4[%get3A_924, %get3A_925] : memref<16x1xf32, #tpu.memory_space<vmem>>, vector<16x1xf32>
    %dot_general3A_927 = arith.constant dense<0.000000e+00> : vector<16x1xf32>
    %dot_general3A_928 = tpu.matmul %slice3A_923, %get3A_926, %dot_general3A_927 {dimension_numbers = #tpu.dot_dimension_numbers<[1], [0], [0], [1], [0, 0, 1, 1], [], []>, transpose_lhs_hint = false} : vector<16x16xf32>, vector<16x1xf32>, vector<16x1xf32> -> vector<16x1xf32>
    %ge3A_929 = arith.constant 4 : i32
    %ge3A_930 = vector.broadcast %ge3A_929 : i32 to vector<1x80xi32>
    %ge3A_931 = arith.cmpi sge, %iota3A_44, %ge3A_930 : vector<1x80xi32>
    %convert_element_type3A_932 = arith.extui %ge3A_931 : vector<1x80xi1> to vector<1x80xi32>
    %convert_element_type3A_933 = arith.sitofp %convert_element_type3A_932 : vector<1x80xi32> to vector<1x80xf32>
    %mul3A_934 = vector.broadcast %dot_general3A_928 : vector<16x1xf32> to vector<16x80xf32>
    %mul3A_935 = vector.broadcast %convert_element_type3A_933 : vector<1x80xf32> to vector<16x80xf32>
    %mul3A_936 = arith.mulf %mul3A_934, %mul3A_935 : vector<16x80xf32>
    %add3A_937 = arith.addf %add3A_922, %mul3A_936 : vector<16x80xf32>
    %slice3A_938 = vector.extract_strided_slice %dot_general3A_878 {offsets = [16, 16], sizes = [16, 16], strides = [1, 1]} : vector<32x32xf32> to vector<16x16xf32>
    %get3A_939 = arith.constant 0 : index
    %get3A_940 = arith.constant 0 : index
    %get3A_941 = vector.load %arg4[%get3A_939, %get3A_940] : memref<16x1xf32, #tpu.memory_space<vmem>>, vector<16x1xf32>
    %dot_general3A_942 = arith.constant dense<0.000000e+00> : vector<16x1xf32>
    %dot_general3A_943 = tpu.matmul %slice3A_938, %get3A_941, %dot_general3A_942 {dimension_numbers = #tpu.dot_dimension_numbers<[1], [0], [0], [1], [0, 0, 1, 1], [], []>, transpose_lhs_hint = false} : vector<16x16xf32>, vector<16x1xf32>, vector<16x1xf32> -> vector<16x1xf32>
    %ge3A_944 = arith.constant 6 : i32
    %ge3A_945 = vector.broadcast %ge3A_944 : i32 to vector<1x80xi32>
    %ge3A_946 = arith.cmpi sge, %iota3A_44, %ge3A_945 : vector<1x80xi32>
    %convert_element_type3A_947 = arith.extui %ge3A_946 : vector<1x80xi1> to vector<1x80xi32>
    %convert_element_type3A_948 = arith.sitofp %convert_element_type3A_947 : vector<1x80xi32> to vector<1x80xf32>
    %mul3A_949 = vector.broadcast %dot_general3A_943 : vector<16x1xf32> to vector<16x80xf32>
    %mul3A_950 = vector.broadcast %convert_element_type3A_948 : vector<1x80xf32> to vector<16x80xf32>
    %mul3A_951 = arith.mulf %mul3A_949, %mul3A_950 : vector<16x80xf32>
    %add3A_952 = arith.addf %add3A_937, %mul3A_951 : vector<16x80xf32>
    %get3A_953 = arith.constant 0 : index
    %get3A_954 = arith.constant 0 : index
    %get3A_955 = vector.load %arg10[%get3A_953, %get3A_954] : memref<16x1xf32, #tpu.memory_space<vmem>>, vector<16x1xf32>
    %dot_general3A_956 = arith.constant dense<0.000000e+00> : vector<16x1xf32>
    %dot_general3A_957 = tpu.matmul %dot_general3A_852, %get3A_955, %dot_general3A_956 {dimension_numbers = #tpu.dot_dimension_numbers<[1], [0], [0], [1], [0, 0, 1, 1], [], []>, transpose_lhs_hint = false} : vector<16x16xf32>, vector<16x1xf32>, vector<16x1xf32> -> vector<16x1xf32>
    %ge3A_958 = arith.constant 4 : i32
    %ge3A_959 = vector.broadcast %ge3A_958 : i32 to vector<1x80xi32>
    %ge3A_960 = arith.cmpi sge, %iota3A_44, %ge3A_959 : vector<1x80xi32>
    %convert_element_type3A_961 = arith.extui %ge3A_960 : vector<1x80xi1> to vector<1x80xi32>
    %convert_element_type3A_962 = arith.sitofp %convert_element_type3A_961 : vector<1x80xi32> to vector<1x80xf32>
    %mul3A_963 = vector.broadcast %dot_general3A_957 : vector<16x1xf32> to vector<16x80xf32>
    %mul3A_964 = vector.broadcast %convert_element_type3A_962 : vector<1x80xf32> to vector<16x80xf32>
    %mul3A_965 = arith.mulf %mul3A_963, %mul3A_964 : vector<16x80xf32>
    %add3A_966 = arith.addf %add3A_952, %mul3A_965 : vector<16x80xf32>
    %slice3A_967 = vector.extract_strided_slice %dot_general3A_861 {offsets = [0, 0], sizes = [16, 32], strides = [1, 1]} : vector<32x128xf32> to vector<16x32xf32>
    %dot_general3A_968 = arith.constant dense<0.000000e+00> : vector<1x16xf32>
    %dot_general3A_969 = tpu.matmul %get3A_40, %slice3A_967, %dot_general3A_968 {dimension_numbers = #tpu.dot_dimension_numbers<[0], [1], [1], [0], [0, 1, 1, 0], [], []>, transpose_lhs_hint = false} : vector<32x1xf32>, vector<16x32xf32>, vector<1x16xf32> -> vector<1x16xf32>
    %dot_general3A_970 = arith.constant dense<0.000000e+00> : vector<16x1xf32>
    %dot_general3A_971 = tpu.matmul %slice3A_967, %get3A_43, %dot_general3A_970 {dimension_numbers = #tpu.dot_dimension_numbers<[1], [0], [0], [1], [0, 0, 1, 1], [], []>, transpose_lhs_hint = false} : vector<16x32xf32>, vector<32x1xf32>, vector<16x1xf32> -> vector<16x1xf32>
    %ge3A_972 = arith.constant 0 : i32
    %ge3A_973 = vector.broadcast %ge3A_972 : i32 to vector<1x80xi32>
    %ge3A_974 = arith.cmpi sge, %iota3A_44, %ge3A_973 : vector<1x80xi32>
    %lt3A_975 = arith.constant 64 : i32
    %lt3A_976 = vector.broadcast %lt3A_975 : i32 to vector<1x80xi32>
    %lt3A_977 = arith.cmpi slt, %iota3A_44, %lt3A_976 : vector<1x80xi32>
    %and3A_978 = arith.andi %ge3A_974, %lt3A_977 : vector<1x80xi1>
    %convert_element_type3A_979 = arith.extui %and3A_978 : vector<1x80xi1> to vector<1x80xi32>
    %convert_element_type3A_980 = arith.sitofp %convert_element_type3A_979 : vector<1x80xi32> to vector<1x80xf32>
    %mul3A_981 = vector.broadcast %dot_general3A_971 : vector<16x1xf32> to vector<16x80xf32>
    %mul3A_982 = vector.broadcast %convert_element_type3A_980 : vector<1x80xf32> to vector<16x80xf32>
    %mul3A_983 = arith.mulf %mul3A_981, %mul3A_982 : vector<16x80xf32>
    %add3A_984 = arith.addf %add3A_966, %mul3A_983 : vector<16x80xf32>
    %eq3A_985 = arith.constant 0 : i32
    %eq3A_986 = vector.broadcast %eq3A_985 : i32 to vector<64x1024xi32>
    %eq3A_987 = arith.cmpi eq, %sub3A, %eq3A_986 : vector<64x1024xi32>
    %convert_element_type3A_988 = arith.extui %eq3A_987 : vector<64x1024xi1> to vector<64x1024xi32>
    %convert_element_type3A_989 = arith.sitofp %convert_element_type3A_988 : vector<64x1024xi32> to vector<64x1024xf32>
    %dot_general3A_990 = arith.constant dense<0.000000e+00> : vector<1x1024xf32>
    %dot_general3A_991 = tpu.matmul %dot_general3A_969, %convert_element_type3A_167, %dot_general3A_990 {dimension_numbers = #tpu.dot_dimension_numbers<[1], [0], [0], [1], [0, 0, 1, 1], [], []>, transpose_lhs_hint = false} : vector<1x16xf32>, vector<16x1024xf32>, vector<1x1024xf32> -> vector<1x1024xf32>
    %mul3A_992 = vector.broadcast %dot_general3A_991 : vector<1x1024xf32> to vector<64x1024xf32>
    %mul3A_993 = arith.mulf %convert_element_type3A_989, %mul3A_992 : vector<64x1024xf32>
    %add3A_994 = arith.addf %broadcast_in_dim3A_863, %mul3A_993 : vector<64x1024xf32>
    %dot_general3A_995 = arith.constant dense<0.000000e+00> : vector<512x16xf32>
    %dot_general3A_996 = tpu.matmul %convert_element_type3A_239, %slice3A_967, %dot_general3A_995 {dimension_numbers = #tpu.dot_dimension_numbers<[1], [1], [0], [0], [0, 0, 1, 0], [], []>, transpose_lhs_hint = false} : vector<512x32xf32>, vector<16x32xf32>, vector<512x16xf32> -> vector<512x16xf32>
    %eq3A_997 = arith.constant 0 : i32
    %eq3A_998 = vector.broadcast %eq3A_997 : i32 to vector<512x256xi32>
    %eq3A_999 = arith.cmpi eq, %sub3A_109, %eq3A_998 : vector<512x256xi32>
    %convert_element_type3A_1000 = arith.extui %eq3A_999 : vector<512x256xi1> to vector<512x256xi32>
    %convert_element_type3A_1001 = arith.sitofp %convert_element_type3A_1000 : vector<512x256xi32> to vector<512x256xf32>
    %dot_general3A_1002 = arith.constant dense<0.000000e+00> : vector<512x256xf32>
    %dot_general3A_1003 = tpu.matmul %dot_general3A_996, %convert_element_type3A_275, %dot_general3A_1002 {dimension_numbers = #tpu.dot_dimension_numbers<[1], [0], [0], [1], [0, 0, 1, 1], [], []>, transpose_lhs_hint = false} : vector<512x16xf32>, vector<16x256xf32>, vector<512x256xf32> -> vector<512x256xf32>
    %mul3A_1004 = arith.mulf %convert_element_type3A_1001, %dot_general3A_1003 : vector<512x256xf32>
    %add3A_1005 = arith.addf %broadcast_in_dim3A_865, %mul3A_1004 : vector<512x256xf32>
    %slice3A_1006 = vector.extract_strided_slice %dot_general3A_861 {offsets = [0, 32], sizes = [16, 32], strides = [1, 1]} : vector<32x128xf32> to vector<16x32xf32>
    %dot_general3A_1007 = arith.constant dense<0.000000e+00> : vector<1x16xf32>
    %dot_general3A_1008 = tpu.matmul %get3A_40, %slice3A_1006, %dot_general3A_1007 {dimension_numbers = #tpu.dot_dimension_numbers<[0], [1], [1], [0], [0, 1, 1, 0], [], []>, transpose_lhs_hint = false} : vector<32x1xf32>, vector<16x32xf32>, vector<1x16xf32> -> vector<1x16xf32>
    %dot_general3A_1009 = arith.constant dense<0.000000e+00> : vector<16x1xf32>
    %dot_general3A_1010 = tpu.matmul %slice3A_1006, %get3A_43, %dot_general3A_1009 {dimension_numbers = #tpu.dot_dimension_numbers<[1], [0], [0], [1], [0, 0, 1, 1], [], []>, transpose_lhs_hint = false} : vector<16x32xf32>, vector<32x1xf32>, vector<16x1xf32> -> vector<16x1xf32>
    %ge3A_1011 = arith.constant 1 : i32
    %ge3A_1012 = vector.broadcast %ge3A_1011 : i32 to vector<1x80xi32>
    %ge3A_1013 = arith.cmpi sge, %iota3A_44, %ge3A_1012 : vector<1x80xi32>
    %lt3A_1014 = arith.constant 65 : i32
    %lt3A_1015 = vector.broadcast %lt3A_1014 : i32 to vector<1x80xi32>
    %lt3A_1016 = arith.cmpi slt, %iota3A_44, %lt3A_1015 : vector<1x80xi32>
    %and3A_1017 = arith.andi %ge3A_1013, %lt3A_1016 : vector<1x80xi1>
    %convert_element_type3A_1018 = arith.extui %and3A_1017 : vector<1x80xi1> to vector<1x80xi32>
    %convert_element_type3A_1019 = arith.sitofp %convert_element_type3A_1018 : vector<1x80xi32> to vector<1x80xf32>
    %mul3A_1020 = vector.broadcast %dot_general3A_1010 : vector<16x1xf32> to vector<16x80xf32>
    %mul3A_1021 = vector.broadcast %convert_element_type3A_1019 : vector<1x80xf32> to vector<16x80xf32>
    %mul3A_1022 = arith.mulf %mul3A_1020, %mul3A_1021 : vector<16x80xf32>
    %add3A_1023 = arith.addf %add3A_984, %mul3A_1022 : vector<16x80xf32>
    %eq3A_1024 = arith.constant 1 : i32
    %eq3A_1025 = vector.broadcast %eq3A_1024 : i32 to vector<64x1024xi32>
    %eq3A_1026 = arith.cmpi eq, %sub3A, %eq3A_1025 : vector<64x1024xi32>
    %convert_element_type3A_1027 = arith.extui %eq3A_1026 : vector<64x1024xi1> to vector<64x1024xi32>
    %convert_element_type3A_1028 = arith.sitofp %convert_element_type3A_1027 : vector<64x1024xi32> to vector<64x1024xf32>
    %dot_general3A_1029 = arith.constant dense<0.000000e+00> : vector<1x1024xf32>
    %dot_general3A_1030 = tpu.matmul %dot_general3A_1008, %convert_element_type3A_167, %dot_general3A_1029 {dimension_numbers = #tpu.dot_dimension_numbers<[1], [0], [0], [1], [0, 0, 1, 1], [], []>, transpose_lhs_hint = false} : vector<1x16xf32>, vector<16x1024xf32>, vector<1x1024xf32> -> vector<1x1024xf32>
    %mul3A_1031 = vector.broadcast %dot_general3A_1030 : vector<1x1024xf32> to vector<64x1024xf32>
    %mul3A_1032 = arith.mulf %convert_element_type3A_1028, %mul3A_1031 : vector<64x1024xf32>
    %add3A_1033 = arith.addf %add3A_994, %mul3A_1032 : vector<64x1024xf32>
    %dot_general3A_1034 = arith.constant dense<0.000000e+00> : vector<512x16xf32>
    %dot_general3A_1035 = tpu.matmul %convert_element_type3A_239, %slice3A_1006, %dot_general3A_1034 {dimension_numbers = #tpu.dot_dimension_numbers<[1], [1], [0], [0], [0, 0, 1, 0], [], []>, transpose_lhs_hint = false} : vector<512x32xf32>, vector<16x32xf32>, vector<512x16xf32> -> vector<512x16xf32>
    %eq3A_1036 = arith.constant 1 : i32
    %eq3A_1037 = vector.broadcast %eq3A_1036 : i32 to vector<512x256xi32>
    %eq3A_1038 = arith.cmpi eq, %sub3A_109, %eq3A_1037 : vector<512x256xi32>
    %convert_element_type3A_1039 = arith.extui %eq3A_1038 : vector<512x256xi1> to vector<512x256xi32>
    %convert_element_type3A_1040 = arith.sitofp %convert_element_type3A_1039 : vector<512x256xi32> to vector<512x256xf32>
    %dot_general3A_1041 = arith.constant dense<0.000000e+00> : vector<512x256xf32>
    %dot_general3A_1042 = tpu.matmul %dot_general3A_1035, %convert_element_type3A_275, %dot_general3A_1041 {dimension_numbers = #tpu.dot_dimension_numbers<[1], [0], [0], [1], [0, 0, 1, 1], [], []>, transpose_lhs_hint = false} : vector<512x16xf32>, vector<16x256xf32>, vector<512x256xf32> -> vector<512x256xf32>
    %mul3A_1043 = arith.mulf %convert_element_type3A_1040, %dot_general3A_1042 : vector<512x256xf32>
    %add3A_1044 = arith.addf %add3A_1005, %mul3A_1043 : vector<512x256xf32>
    %sub3A_1045 = arith.constant 8 : i32
    %sub3A_1046 = vector.broadcast %sub3A_1045 : i32 to vector<8x256xi32>
    %sub3A_1047 = arith.subi %iota3A_133, %sub3A_1046 : vector<8x256xi32>
    %add3A_1048 = arith.constant 1 : i32
    %add3A_1049 = vector.broadcast %add3A_1048 : i32 to vector<8x256xi32>
    %add3A_1050 = arith.addi %sub3A_1047, %add3A_1049 : vector<8x256xi32>
    %eq3A_1051 = arith.cmpi eq, %select_n3A_132, %add3A_1050 : vector<8x256xi32>
    %convert_element_type3A_1052 = arith.extui %eq3A_1051 : vector<8x256xi1> to vector<8x256xi32>
    %convert_element_type3A_1053 = arith.sitofp %convert_element_type3A_1052 : vector<8x256xi32> to vector<8x256xf32>
    %dot_general3A_1054 = arith.constant dense<0.000000e+00> : vector<1x256xf32>
    %dot_general3A_1055 = tpu.matmul %dot_general3A_1008, %convert_element_type3A_203, %dot_general3A_1054 {dimension_numbers = #tpu.dot_dimension_numbers<[1], [0], [0], [1], [0, 0, 1, 1], [], []>, transpose_lhs_hint = false} : vector<1x16xf32>, vector<16x256xf32>, vector<1x256xf32> -> vector<1x256xf32>
    %mul3A_1056 = vector.broadcast %dot_general3A_1055 : vector<1x256xf32> to vector<8x256xf32>
    %mul3A_1057 = arith.mulf %convert_element_type3A_1053, %mul3A_1056 : vector<8x256xf32>
    %add3A_1058 = arith.addf %broadcast_in_dim3A_867, %mul3A_1057 : vector<8x256xf32>
    %slice3A_1059 = vector.extract_strided_slice %dot_general3A_861 {offsets = [0, 64], sizes = [16, 32], strides = [1, 1]} : vector<32x128xf32> to vector<16x32xf32>
    %dot_general3A_1060 = arith.constant dense<0.000000e+00> : vector<1x16xf32>
    %dot_general3A_1061 = tpu.matmul %get3A_40, %slice3A_1059, %dot_general3A_1060 {dimension_numbers = #tpu.dot_dimension_numbers<[0], [1], [1], [0], [0, 1, 1, 0], [], []>, transpose_lhs_hint = false} : vector<32x1xf32>, vector<16x32xf32>, vector<1x16xf32> -> vector<1x16xf32>
    %dot_general3A_1062 = arith.constant dense<0.000000e+00> : vector<16x1xf32>
    %dot_general3A_1063 = tpu.matmul %slice3A_1059, %get3A_43, %dot_general3A_1062 {dimension_numbers = #tpu.dot_dimension_numbers<[1], [0], [0], [1], [0, 0, 1, 1], [], []>, transpose_lhs_hint = false} : vector<16x32xf32>, vector<32x1xf32>, vector<16x1xf32> -> vector<16x1xf32>
    %ge3A_1064 = arith.constant 2 : i32
    %ge3A_1065 = vector.broadcast %ge3A_1064 : i32 to vector<1x80xi32>
    %ge3A_1066 = arith.cmpi sge, %iota3A_44, %ge3A_1065 : vector<1x80xi32>
    %lt3A_1067 = arith.constant 66 : i32
    %lt3A_1068 = vector.broadcast %lt3A_1067 : i32 to vector<1x80xi32>
    %lt3A_1069 = arith.cmpi slt, %iota3A_44, %lt3A_1068 : vector<1x80xi32>
    %and3A_1070 = arith.andi %ge3A_1066, %lt3A_1069 : vector<1x80xi1>
    %convert_element_type3A_1071 = arith.extui %and3A_1070 : vector<1x80xi1> to vector<1x80xi32>
    %convert_element_type3A_1072 = arith.sitofp %convert_element_type3A_1071 : vector<1x80xi32> to vector<1x80xf32>
    %mul3A_1073 = vector.broadcast %dot_general3A_1063 : vector<16x1xf32> to vector<16x80xf32>
    %mul3A_1074 = vector.broadcast %convert_element_type3A_1072 : vector<1x80xf32> to vector<16x80xf32>
    %mul3A_1075 = arith.mulf %mul3A_1073, %mul3A_1074 : vector<16x80xf32>
    %add3A_1076 = arith.addf %add3A_1023, %mul3A_1075 : vector<16x80xf32>
    %eq3A_1077 = arith.constant 2 : i32
    %eq3A_1078 = vector.broadcast %eq3A_1077 : i32 to vector<64x1024xi32>
    %eq3A_1079 = arith.cmpi eq, %sub3A, %eq3A_1078 : vector<64x1024xi32>
    %convert_element_type3A_1080 = arith.extui %eq3A_1079 : vector<64x1024xi1> to vector<64x1024xi32>
    %convert_element_type3A_1081 = arith.sitofp %convert_element_type3A_1080 : vector<64x1024xi32> to vector<64x1024xf32>
    %dot_general3A_1082 = arith.constant dense<0.000000e+00> : vector<1x1024xf32>
    %dot_general3A_1083 = tpu.matmul %dot_general3A_1061, %convert_element_type3A_167, %dot_general3A_1082 {dimension_numbers = #tpu.dot_dimension_numbers<[1], [0], [0], [1], [0, 0, 1, 1], [], []>, transpose_lhs_hint = false} : vector<1x16xf32>, vector<16x1024xf32>, vector<1x1024xf32> -> vector<1x1024xf32>
    %mul3A_1084 = vector.broadcast %dot_general3A_1083 : vector<1x1024xf32> to vector<64x1024xf32>
    %mul3A_1085 = arith.mulf %convert_element_type3A_1081, %mul3A_1084 : vector<64x1024xf32>
    %add3A_1086 = arith.addf %add3A_1033, %mul3A_1085 : vector<64x1024xf32>
    %dot_general3A_1087 = arith.constant dense<0.000000e+00> : vector<512x16xf32>
    %dot_general3A_1088 = tpu.matmul %convert_element_type3A_239, %slice3A_1059, %dot_general3A_1087 {dimension_numbers = #tpu.dot_dimension_numbers<[1], [1], [0], [0], [0, 0, 1, 0], [], []>, transpose_lhs_hint = false} : vector<512x32xf32>, vector<16x32xf32>, vector<512x16xf32> -> vector<512x16xf32>
    %eq3A_1089 = arith.constant 2 : i32
    %eq3A_1090 = vector.broadcast %eq3A_1089 : i32 to vector<512x256xi32>
    %eq3A_1091 = arith.cmpi eq, %sub3A_109, %eq3A_1090 : vector<512x256xi32>
    %convert_element_type3A_1092 = arith.extui %eq3A_1091 : vector<512x256xi1> to vector<512x256xi32>
    %convert_element_type3A_1093 = arith.sitofp %convert_element_type3A_1092 : vector<512x256xi32> to vector<512x256xf32>
    %dot_general3A_1094 = arith.constant dense<0.000000e+00> : vector<512x256xf32>
    %dot_general3A_1095 = tpu.matmul %dot_general3A_1088, %convert_element_type3A_275, %dot_general3A_1094 {dimension_numbers = #tpu.dot_dimension_numbers<[1], [0], [0], [1], [0, 0, 1, 1], [], []>, transpose_lhs_hint = false} : vector<512x16xf32>, vector<16x256xf32>, vector<512x256xf32> -> vector<512x256xf32>
    %mul3A_1096 = arith.mulf %convert_element_type3A_1093, %dot_general3A_1095 : vector<512x256xf32>
    %add3A_1097 = arith.addf %add3A_1044, %mul3A_1096 : vector<512x256xf32>
    %sub3A_1098 = arith.constant 8 : i32
    %sub3A_1099 = vector.broadcast %sub3A_1098 : i32 to vector<8x256xi32>
    %sub3A_1100 = arith.subi %iota3A_133, %sub3A_1099 : vector<8x256xi32>
    %add3A_1101 = arith.constant 2 : i32
    %add3A_1102 = vector.broadcast %add3A_1101 : i32 to vector<8x256xi32>
    %add3A_1103 = arith.addi %sub3A_1100, %add3A_1102 : vector<8x256xi32>
    %eq3A_1104 = arith.cmpi eq, %select_n3A_132, %add3A_1103 : vector<8x256xi32>
    %convert_element_type3A_1105 = arith.extui %eq3A_1104 : vector<8x256xi1> to vector<8x256xi32>
    %convert_element_type3A_1106 = arith.sitofp %convert_element_type3A_1105 : vector<8x256xi32> to vector<8x256xf32>
    %dot_general3A_1107 = arith.constant dense<0.000000e+00> : vector<1x256xf32>
    %dot_general3A_1108 = tpu.matmul %dot_general3A_1061, %convert_element_type3A_203, %dot_general3A_1107 {dimension_numbers = #tpu.dot_dimension_numbers<[1], [0], [0], [1], [0, 0, 1, 1], [], []>, transpose_lhs_hint = false} : vector<1x16xf32>, vector<16x256xf32>, vector<1x256xf32> -> vector<1x256xf32>
    %mul3A_1109 = vector.broadcast %dot_general3A_1108 : vector<1x256xf32> to vector<8x256xf32>
    %mul3A_1110 = arith.mulf %convert_element_type3A_1106, %mul3A_1109 : vector<8x256xf32>
    %add3A_1111 = arith.addf %add3A_1058, %mul3A_1110 : vector<8x256xf32>
    %slice3A_1112 = vector.extract_strided_slice %dot_general3A_861 {offsets = [0, 96], sizes = [16, 32], strides = [1, 1]} : vector<32x128xf32> to vector<16x32xf32>
    %dot_general3A_1113 = arith.constant dense<0.000000e+00> : vector<1x16xf32>
    %dot_general3A_1114 = tpu.matmul %get3A_40, %slice3A_1112, %dot_general3A_1113 {dimension_numbers = #tpu.dot_dimension_numbers<[0], [1], [1], [0], [0, 1, 1, 0], [], []>, transpose_lhs_hint = false} : vector<32x1xf32>, vector<16x32xf32>, vector<1x16xf32> -> vector<1x16xf32>
    %dot_general3A_1115 = arith.constant dense<0.000000e+00> : vector<16x1xf32>
    %dot_general3A_1116 = tpu.matmul %slice3A_1112, %get3A_43, %dot_general3A_1115 {dimension_numbers = #tpu.dot_dimension_numbers<[1], [0], [0], [1], [0, 0, 1, 1], [], []>, transpose_lhs_hint = false} : vector<16x32xf32>, vector<32x1xf32>, vector<16x1xf32> -> vector<16x1xf32>
    %ge3A_1117 = arith.constant 3 : i32
    %ge3A_1118 = vector.broadcast %ge3A_1117 : i32 to vector<1x80xi32>
    %ge3A_1119 = arith.cmpi sge, %iota3A_44, %ge3A_1118 : vector<1x80xi32>
    %lt3A_1120 = arith.constant 67 : i32
    %lt3A_1121 = vector.broadcast %lt3A_1120 : i32 to vector<1x80xi32>
    %lt3A_1122 = arith.cmpi slt, %iota3A_44, %lt3A_1121 : vector<1x80xi32>
    %and3A_1123 = arith.andi %ge3A_1119, %lt3A_1122 : vector<1x80xi1>
    %convert_element_type3A_1124 = arith.extui %and3A_1123 : vector<1x80xi1> to vector<1x80xi32>
    %convert_element_type3A_1125 = arith.sitofp %convert_element_type3A_1124 : vector<1x80xi32> to vector<1x80xf32>
    %mul3A_1126 = vector.broadcast %dot_general3A_1116 : vector<16x1xf32> to vector<16x80xf32>
    %mul3A_1127 = vector.broadcast %convert_element_type3A_1125 : vector<1x80xf32> to vector<16x80xf32>
    %mul3A_1128 = arith.mulf %mul3A_1126, %mul3A_1127 : vector<16x80xf32>
    %add3A_1129 = arith.addf %add3A_1076, %mul3A_1128 : vector<16x80xf32>
    %eq3A_1130 = arith.constant 3 : i32
    %eq3A_1131 = vector.broadcast %eq3A_1130 : i32 to vector<64x1024xi32>
    %eq3A_1132 = arith.cmpi eq, %sub3A, %eq3A_1131 : vector<64x1024xi32>
    %convert_element_type3A_1133 = arith.extui %eq3A_1132 : vector<64x1024xi1> to vector<64x1024xi32>
    %convert_element_type3A_1134 = arith.sitofp %convert_element_type3A_1133 : vector<64x1024xi32> to vector<64x1024xf32>
    %dot_general3A_1135 = arith.constant dense<0.000000e+00> : vector<1x1024xf32>
    %dot_general3A_1136 = tpu.matmul %dot_general3A_1114, %convert_element_type3A_167, %dot_general3A_1135 {dimension_numbers = #tpu.dot_dimension_numbers<[1], [0], [0], [1], [0, 0, 1, 1], [], []>, transpose_lhs_hint = false} : vector<1x16xf32>, vector<16x1024xf32>, vector<1x1024xf32> -> vector<1x1024xf32>
    %mul3A_1137 = vector.broadcast %dot_general3A_1136 : vector<1x1024xf32> to vector<64x1024xf32>
    %mul3A_1138 = arith.mulf %convert_element_type3A_1134, %mul3A_1137 : vector<64x1024xf32>
    %add3A_1139 = arith.addf %add3A_1086, %mul3A_1138 : vector<64x1024xf32>
    %dot_general3A_1140 = arith.constant dense<0.000000e+00> : vector<512x16xf32>
    %dot_general3A_1141 = tpu.matmul %convert_element_type3A_239, %slice3A_1112, %dot_general3A_1140 {dimension_numbers = #tpu.dot_dimension_numbers<[1], [1], [0], [0], [0, 0, 1, 0], [], []>, transpose_lhs_hint = false} : vector<512x32xf32>, vector<16x32xf32>, vector<512x16xf32> -> vector<512x16xf32>
    %eq3A_1142 = arith.constant 3 : i32
    %eq3A_1143 = vector.broadcast %eq3A_1142 : i32 to vector<512x256xi32>
    %eq3A_1144 = arith.cmpi eq, %sub3A_109, %eq3A_1143 : vector<512x256xi32>
    %convert_element_type3A_1145 = arith.extui %eq3A_1144 : vector<512x256xi1> to vector<512x256xi32>
    %convert_element_type3A_1146 = arith.sitofp %convert_element_type3A_1145 : vector<512x256xi32> to vector<512x256xf32>
    %dot_general3A_1147 = arith.constant dense<0.000000e+00> : vector<512x256xf32>
    %dot_general3A_1148 = tpu.matmul %dot_general3A_1141, %convert_element_type3A_275, %dot_general3A_1147 {dimension_numbers = #tpu.dot_dimension_numbers<[1], [0], [0], [1], [0, 0, 1, 1], [], []>, transpose_lhs_hint = false} : vector<512x16xf32>, vector<16x256xf32>, vector<512x256xf32> -> vector<512x256xf32>
    %mul3A_1149 = arith.mulf %convert_element_type3A_1146, %dot_general3A_1148 : vector<512x256xf32>
    %add3A_1150 = arith.addf %add3A_1097, %mul3A_1149 : vector<512x256xf32>
    %sub3A_1151 = arith.constant 8 : i32
    %sub3A_1152 = vector.broadcast %sub3A_1151 : i32 to vector<8x256xi32>
    %sub3A_1153 = arith.subi %iota3A_133, %sub3A_1152 : vector<8x256xi32>
    %add3A_1154 = arith.constant 3 : i32
    %add3A_1155 = vector.broadcast %add3A_1154 : i32 to vector<8x256xi32>
    %add3A_1156 = arith.addi %sub3A_1153, %add3A_1155 : vector<8x256xi32>
    %eq3A_1157 = arith.cmpi eq, %select_n3A_132, %add3A_1156 : vector<8x256xi32>
    %convert_element_type3A_1158 = arith.extui %eq3A_1157 : vector<8x256xi1> to vector<8x256xi32>
    %convert_element_type3A_1159 = arith.sitofp %convert_element_type3A_1158 : vector<8x256xi32> to vector<8x256xf32>
    %dot_general3A_1160 = arith.constant dense<0.000000e+00> : vector<1x256xf32>
    %dot_general3A_1161 = tpu.matmul %dot_general3A_1114, %convert_element_type3A_203, %dot_general3A_1160 {dimension_numbers = #tpu.dot_dimension_numbers<[1], [0], [0], [1], [0, 0, 1, 1], [], []>, transpose_lhs_hint = false} : vector<1x16xf32>, vector<16x256xf32>, vector<1x256xf32> -> vector<1x256xf32>
    %mul3A_1162 = vector.broadcast %dot_general3A_1161 : vector<1x256xf32> to vector<8x256xf32>
    %mul3A_1163 = arith.mulf %convert_element_type3A_1159, %mul3A_1162 : vector<8x256xf32>
    %add3A_1164 = arith.addf %add3A_1111, %mul3A_1163 : vector<8x256xf32>
    %slice3A_1165 = vector.extract_strided_slice %dot_general3A_861 {offsets = [16, 0], sizes = [16, 32], strides = [1, 1]} : vector<32x128xf32> to vector<16x32xf32>
    %dot_general3A_1166 = arith.constant dense<0.000000e+00> : vector<1x16xf32>
    %dot_general3A_1167 = tpu.matmul %get3A_40, %slice3A_1165, %dot_general3A_1166 {dimension_numbers = #tpu.dot_dimension_numbers<[0], [1], [1], [0], [0, 1, 1, 0], [], []>, transpose_lhs_hint = false} : vector<32x1xf32>, vector<16x32xf32>, vector<1x16xf32> -> vector<1x16xf32>
    %dot_general3A_1168 = arith.constant dense<0.000000e+00> : vector<16x1xf32>
    %dot_general3A_1169 = tpu.matmul %slice3A_1165, %get3A_43, %dot_general3A_1168 {dimension_numbers = #tpu.dot_dimension_numbers<[1], [0], [0], [1], [0, 0, 1, 1], [], []>, transpose_lhs_hint = false} : vector<16x32xf32>, vector<32x1xf32>, vector<16x1xf32> -> vector<16x1xf32>
    %ge3A_1170 = arith.constant 4 : i32
    %ge3A_1171 = vector.broadcast %ge3A_1170 : i32 to vector<1x80xi32>
    %ge3A_1172 = arith.cmpi sge, %iota3A_44, %ge3A_1171 : vector<1x80xi32>
    %lt3A_1173 = arith.constant 68 : i32
    %lt3A_1174 = vector.broadcast %lt3A_1173 : i32 to vector<1x80xi32>
    %lt3A_1175 = arith.cmpi slt, %iota3A_44, %lt3A_1174 : vector<1x80xi32>
    %and3A_1176 = arith.andi %ge3A_1172, %lt3A_1175 : vector<1x80xi1>
    %convert_element_type3A_1177 = arith.extui %and3A_1176 : vector<1x80xi1> to vector<1x80xi32>
    %convert_element_type3A_1178 = arith.sitofp %convert_element_type3A_1177 : vector<1x80xi32> to vector<1x80xf32>
    %mul3A_1179 = vector.broadcast %dot_general3A_1169 : vector<16x1xf32> to vector<16x80xf32>
    %mul3A_1180 = vector.broadcast %convert_element_type3A_1178 : vector<1x80xf32> to vector<16x80xf32>
    %mul3A_1181 = arith.mulf %mul3A_1179, %mul3A_1180 : vector<16x80xf32>
    %add3A_1182 = arith.addf %add3A_1129, %mul3A_1181 : vector<16x80xf32>
    %eq3A_1183 = arith.constant 4 : i32
    %eq3A_1184 = vector.broadcast %eq3A_1183 : i32 to vector<64x1024xi32>
    %eq3A_1185 = arith.cmpi eq, %sub3A, %eq3A_1184 : vector<64x1024xi32>
    %convert_element_type3A_1186 = arith.extui %eq3A_1185 : vector<64x1024xi1> to vector<64x1024xi32>
    %convert_element_type3A_1187 = arith.sitofp %convert_element_type3A_1186 : vector<64x1024xi32> to vector<64x1024xf32>
    %dot_general3A_1188 = arith.constant dense<0.000000e+00> : vector<1x1024xf32>
    %dot_general3A_1189 = tpu.matmul %dot_general3A_1167, %convert_element_type3A_167, %dot_general3A_1188 {dimension_numbers = #tpu.dot_dimension_numbers<[1], [0], [0], [1], [0, 0, 1, 1], [], []>, transpose_lhs_hint = false} : vector<1x16xf32>, vector<16x1024xf32>, vector<1x1024xf32> -> vector<1x1024xf32>
    %mul3A_1190 = vector.broadcast %dot_general3A_1189 : vector<1x1024xf32> to vector<64x1024xf32>
    %mul3A_1191 = arith.mulf %convert_element_type3A_1187, %mul3A_1190 : vector<64x1024xf32>
    %add3A_1192 = arith.addf %add3A_1139, %mul3A_1191 : vector<64x1024xf32>
    %dot_general3A_1193 = arith.constant dense<0.000000e+00> : vector<512x16xf32>
    %dot_general3A_1194 = tpu.matmul %convert_element_type3A_239, %slice3A_1165, %dot_general3A_1193 {dimension_numbers = #tpu.dot_dimension_numbers<[1], [1], [0], [0], [0, 0, 1, 0], [], []>, transpose_lhs_hint = false} : vector<512x32xf32>, vector<16x32xf32>, vector<512x16xf32> -> vector<512x16xf32>
    %eq3A_1195 = arith.constant 4 : i32
    %eq3A_1196 = vector.broadcast %eq3A_1195 : i32 to vector<512x256xi32>
    %eq3A_1197 = arith.cmpi eq, %sub3A_109, %eq3A_1196 : vector<512x256xi32>
    %convert_element_type3A_1198 = arith.extui %eq3A_1197 : vector<512x256xi1> to vector<512x256xi32>
    %convert_element_type3A_1199 = arith.sitofp %convert_element_type3A_1198 : vector<512x256xi32> to vector<512x256xf32>
    %dot_general3A_1200 = arith.constant dense<0.000000e+00> : vector<512x256xf32>
    %dot_general3A_1201 = tpu.matmul %dot_general3A_1194, %convert_element_type3A_275, %dot_general3A_1200 {dimension_numbers = #tpu.dot_dimension_numbers<[1], [0], [0], [1], [0, 0, 1, 1], [], []>, transpose_lhs_hint = false} : vector<512x16xf32>, vector<16x256xf32>, vector<512x256xf32> -> vector<512x256xf32>
    %mul3A_1202 = arith.mulf %convert_element_type3A_1199, %dot_general3A_1201 : vector<512x256xf32>
    %add3A_1203 = arith.addf %add3A_1150, %mul3A_1202 : vector<512x256xf32>
    %sub3A_1204 = arith.constant 8 : i32
    %sub3A_1205 = vector.broadcast %sub3A_1204 : i32 to vector<8x256xi32>
    %sub3A_1206 = arith.subi %iota3A_133, %sub3A_1205 : vector<8x256xi32>
    %add3A_1207 = arith.constant 4 : i32
    %add3A_1208 = vector.broadcast %add3A_1207 : i32 to vector<8x256xi32>
    %add3A_1209 = arith.addi %sub3A_1206, %add3A_1208 : vector<8x256xi32>
    %eq3A_1210 = arith.cmpi eq, %select_n3A_132, %add3A_1209 : vector<8x256xi32>
    %convert_element_type3A_1211 = arith.extui %eq3A_1210 : vector<8x256xi1> to vector<8x256xi32>
    %convert_element_type3A_1212 = arith.sitofp %convert_element_type3A_1211 : vector<8x256xi32> to vector<8x256xf32>
    %dot_general3A_1213 = arith.constant dense<0.000000e+00> : vector<1x256xf32>
    %dot_general3A_1214 = tpu.matmul %dot_general3A_1167, %convert_element_type3A_203, %dot_general3A_1213 {dimension_numbers = #tpu.dot_dimension_numbers<[1], [0], [0], [1], [0, 0, 1, 1], [], []>, transpose_lhs_hint = false} : vector<1x16xf32>, vector<16x256xf32>, vector<1x256xf32> -> vector<1x256xf32>
    %mul3A_1215 = vector.broadcast %dot_general3A_1214 : vector<1x256xf32> to vector<8x256xf32>
    %mul3A_1216 = arith.mulf %convert_element_type3A_1212, %mul3A_1215 : vector<8x256xf32>
    %add3A_1217 = arith.addf %add3A_1164, %mul3A_1216 : vector<8x256xf32>
    %slice3A_1218 = vector.extract_strided_slice %dot_general3A_861 {offsets = [16, 32], sizes = [16, 32], strides = [1, 1]} : vector<32x128xf32> to vector<16x32xf32>
    %dot_general3A_1219 = arith.constant dense<0.000000e+00> : vector<1x16xf32>
    %dot_general3A_1220 = tpu.matmul %get3A_40, %slice3A_1218, %dot_general3A_1219 {dimension_numbers = #tpu.dot_dimension_numbers<[0], [1], [1], [0], [0, 1, 1, 0], [], []>, transpose_lhs_hint = false} : vector<32x1xf32>, vector<16x32xf32>, vector<1x16xf32> -> vector<1x16xf32>
    %dot_general3A_1221 = arith.constant dense<0.000000e+00> : vector<16x1xf32>
    %dot_general3A_1222 = tpu.matmul %slice3A_1218, %get3A_43, %dot_general3A_1221 {dimension_numbers = #tpu.dot_dimension_numbers<[1], [0], [0], [1], [0, 0, 1, 1], [], []>, transpose_lhs_hint = false} : vector<16x32xf32>, vector<32x1xf32>, vector<16x1xf32> -> vector<16x1xf32>
    %ge3A_1223 = arith.constant 5 : i32
    %ge3A_1224 = vector.broadcast %ge3A_1223 : i32 to vector<1x80xi32>
    %ge3A_1225 = arith.cmpi sge, %iota3A_44, %ge3A_1224 : vector<1x80xi32>
    %lt3A_1226 = arith.constant 69 : i32
    %lt3A_1227 = vector.broadcast %lt3A_1226 : i32 to vector<1x80xi32>
    %lt3A_1228 = arith.cmpi slt, %iota3A_44, %lt3A_1227 : vector<1x80xi32>
    %and3A_1229 = arith.andi %ge3A_1225, %lt3A_1228 : vector<1x80xi1>
    %convert_element_type3A_1230 = arith.extui %and3A_1229 : vector<1x80xi1> to vector<1x80xi32>
    %convert_element_type3A_1231 = arith.sitofp %convert_element_type3A_1230 : vector<1x80xi32> to vector<1x80xf32>
    %mul3A_1232 = vector.broadcast %dot_general3A_1222 : vector<16x1xf32> to vector<16x80xf32>
    %mul3A_1233 = vector.broadcast %convert_element_type3A_1231 : vector<1x80xf32> to vector<16x80xf32>
    %mul3A_1234 = arith.mulf %mul3A_1232, %mul3A_1233 : vector<16x80xf32>
    %add3A_1235 = arith.addf %add3A_1182, %mul3A_1234 : vector<16x80xf32>
    %eq3A_1236 = arith.constant 5 : i32
    %eq3A_1237 = vector.broadcast %eq3A_1236 : i32 to vector<64x1024xi32>
    %eq3A_1238 = arith.cmpi eq, %sub3A, %eq3A_1237 : vector<64x1024xi32>
    %convert_element_type3A_1239 = arith.extui %eq3A_1238 : vector<64x1024xi1> to vector<64x1024xi32>
    %convert_element_type3A_1240 = arith.sitofp %convert_element_type3A_1239 : vector<64x1024xi32> to vector<64x1024xf32>
    %dot_general3A_1241 = arith.constant dense<0.000000e+00> : vector<1x1024xf32>
    %dot_general3A_1242 = tpu.matmul %dot_general3A_1220, %convert_element_type3A_167, %dot_general3A_1241 {dimension_numbers = #tpu.dot_dimension_numbers<[1], [0], [0], [1], [0, 0, 1, 1], [], []>, transpose_lhs_hint = false} : vector<1x16xf32>, vector<16x1024xf32>, vector<1x1024xf32> -> vector<1x1024xf32>
    %mul3A_1243 = vector.broadcast %dot_general3A_1242 : vector<1x1024xf32> to vector<64x1024xf32>
    %mul3A_1244 = arith.mulf %convert_element_type3A_1240, %mul3A_1243 : vector<64x1024xf32>
    %add3A_1245 = arith.addf %add3A_1192, %mul3A_1244 : vector<64x1024xf32>
    %dot_general3A_1246 = arith.constant dense<0.000000e+00> : vector<512x16xf32>
    %dot_general3A_1247 = tpu.matmul %convert_element_type3A_239, %slice3A_1218, %dot_general3A_1246 {dimension_numbers = #tpu.dot_dimension_numbers<[1], [1], [0], [0], [0, 0, 1, 0], [], []>, transpose_lhs_hint = false} : vector<512x32xf32>, vector<16x32xf32>, vector<512x16xf32> -> vector<512x16xf32>
    %eq3A_1248 = arith.constant 5 : i32
    %eq3A_1249 = vector.broadcast %eq3A_1248 : i32 to vector<512x256xi32>
    %eq3A_1250 = arith.cmpi eq, %sub3A_109, %eq3A_1249 : vector<512x256xi32>
    %convert_element_type3A_1251 = arith.extui %eq3A_1250 : vector<512x256xi1> to vector<512x256xi32>
    %convert_element_type3A_1252 = arith.sitofp %convert_element_type3A_1251 : vector<512x256xi32> to vector<512x256xf32>
    %dot_general3A_1253 = arith.constant dense<0.000000e+00> : vector<512x256xf32>
    %dot_general3A_1254 = tpu.matmul %dot_general3A_1247, %convert_element_type3A_275, %dot_general3A_1253 {dimension_numbers = #tpu.dot_dimension_numbers<[1], [0], [0], [1], [0, 0, 1, 1], [], []>, transpose_lhs_hint = false} : vector<512x16xf32>, vector<16x256xf32>, vector<512x256xf32> -> vector<512x256xf32>
    %mul3A_1255 = arith.mulf %convert_element_type3A_1252, %dot_general3A_1254 : vector<512x256xf32>
    %add3A_1256 = arith.addf %add3A_1203, %mul3A_1255 : vector<512x256xf32>
    %sub3A_1257 = arith.constant 8 : i32
    %sub3A_1258 = vector.broadcast %sub3A_1257 : i32 to vector<8x256xi32>
    %sub3A_1259 = arith.subi %iota3A_133, %sub3A_1258 : vector<8x256xi32>
    %add3A_1260 = arith.constant 5 : i32
    %add3A_1261 = vector.broadcast %add3A_1260 : i32 to vector<8x256xi32>
    %add3A_1262 = arith.addi %sub3A_1259, %add3A_1261 : vector<8x256xi32>
    %eq3A_1263 = arith.cmpi eq, %select_n3A_132, %add3A_1262 : vector<8x256xi32>
    %convert_element_type3A_1264 = arith.extui %eq3A_1263 : vector<8x256xi1> to vector<8x256xi32>
    %convert_element_type3A_1265 = arith.sitofp %convert_element_type3A_1264 : vector<8x256xi32> to vector<8x256xf32>
    %dot_general3A_1266 = arith.constant dense<0.000000e+00> : vector<1x256xf32>
    %dot_general3A_1267 = tpu.matmul %dot_general3A_1220, %convert_element_type3A_203, %dot_general3A_1266 {dimension_numbers = #tpu.dot_dimension_numbers<[1], [0], [0], [1], [0, 0, 1, 1], [], []>, transpose_lhs_hint = false} : vector<1x16xf32>, vector<16x256xf32>, vector<1x256xf32> -> vector<1x256xf32>
    %mul3A_1268 = vector.broadcast %dot_general3A_1267 : vector<1x256xf32> to vector<8x256xf32>
    %mul3A_1269 = arith.mulf %convert_element_type3A_1265, %mul3A_1268 : vector<8x256xf32>
    %add3A_1270 = arith.addf %add3A_1217, %mul3A_1269 : vector<8x256xf32>
    %slice3A_1271 = vector.extract_strided_slice %dot_general3A_861 {offsets = [16, 64], sizes = [16, 32], strides = [1, 1]} : vector<32x128xf32> to vector<16x32xf32>
    %dot_general3A_1272 = arith.constant dense<0.000000e+00> : vector<1x16xf32>
    %dot_general3A_1273 = tpu.matmul %get3A_40, %slice3A_1271, %dot_general3A_1272 {dimension_numbers = #tpu.dot_dimension_numbers<[0], [1], [1], [0], [0, 1, 1, 0], [], []>, transpose_lhs_hint = false} : vector<32x1xf32>, vector<16x32xf32>, vector<1x16xf32> -> vector<1x16xf32>
    %dot_general3A_1274 = arith.constant dense<0.000000e+00> : vector<16x1xf32>
    %dot_general3A_1275 = tpu.matmul %slice3A_1271, %get3A_43, %dot_general3A_1274 {dimension_numbers = #tpu.dot_dimension_numbers<[1], [0], [0], [1], [0, 0, 1, 1], [], []>, transpose_lhs_hint = false} : vector<16x32xf32>, vector<32x1xf32>, vector<16x1xf32> -> vector<16x1xf32>
    %ge3A_1276 = arith.constant 6 : i32
    %ge3A_1277 = vector.broadcast %ge3A_1276 : i32 to vector<1x80xi32>
    %ge3A_1278 = arith.cmpi sge, %iota3A_44, %ge3A_1277 : vector<1x80xi32>
    %lt3A_1279 = arith.constant 70 : i32
    %lt3A_1280 = vector.broadcast %lt3A_1279 : i32 to vector<1x80xi32>
    %lt3A_1281 = arith.cmpi slt, %iota3A_44, %lt3A_1280 : vector<1x80xi32>
    %and3A_1282 = arith.andi %ge3A_1278, %lt3A_1281 : vector<1x80xi1>
    %convert_element_type3A_1283 = arith.extui %and3A_1282 : vector<1x80xi1> to vector<1x80xi32>
    %convert_element_type3A_1284 = arith.sitofp %convert_element_type3A_1283 : vector<1x80xi32> to vector<1x80xf32>
    %mul3A_1285 = vector.broadcast %dot_general3A_1275 : vector<16x1xf32> to vector<16x80xf32>
    %mul3A_1286 = vector.broadcast %convert_element_type3A_1284 : vector<1x80xf32> to vector<16x80xf32>
    %mul3A_1287 = arith.mulf %mul3A_1285, %mul3A_1286 : vector<16x80xf32>
    %add3A_1288 = arith.addf %add3A_1235, %mul3A_1287 : vector<16x80xf32>
    %eq3A_1289 = arith.constant 6 : i32
    %eq3A_1290 = vector.broadcast %eq3A_1289 : i32 to vector<64x1024xi32>
    %eq3A_1291 = arith.cmpi eq, %sub3A, %eq3A_1290 : vector<64x1024xi32>
    %convert_element_type3A_1292 = arith.extui %eq3A_1291 : vector<64x1024xi1> to vector<64x1024xi32>
    %convert_element_type3A_1293 = arith.sitofp %convert_element_type3A_1292 : vector<64x1024xi32> to vector<64x1024xf32>
    %dot_general3A_1294 = arith.constant dense<0.000000e+00> : vector<1x1024xf32>
    %dot_general3A_1295 = tpu.matmul %dot_general3A_1273, %convert_element_type3A_167, %dot_general3A_1294 {dimension_numbers = #tpu.dot_dimension_numbers<[1], [0], [0], [1], [0, 0, 1, 1], [], []>, transpose_lhs_hint = false} : vector<1x16xf32>, vector<16x1024xf32>, vector<1x1024xf32> -> vector<1x1024xf32>
    %mul3A_1296 = vector.broadcast %dot_general3A_1295 : vector<1x1024xf32> to vector<64x1024xf32>
    %mul3A_1297 = arith.mulf %convert_element_type3A_1293, %mul3A_1296 : vector<64x1024xf32>
    %add3A_1298 = arith.addf %add3A_1245, %mul3A_1297 : vector<64x1024xf32>
    %dot_general3A_1299 = arith.constant dense<0.000000e+00> : vector<512x16xf32>
    %dot_general3A_1300 = tpu.matmul %convert_element_type3A_239, %slice3A_1271, %dot_general3A_1299 {dimension_numbers = #tpu.dot_dimension_numbers<[1], [1], [0], [0], [0, 0, 1, 0], [], []>, transpose_lhs_hint = false} : vector<512x32xf32>, vector<16x32xf32>, vector<512x16xf32> -> vector<512x16xf32>
    %eq3A_1301 = arith.constant 6 : i32
    %eq3A_1302 = vector.broadcast %eq3A_1301 : i32 to vector<512x256xi32>
    %eq3A_1303 = arith.cmpi eq, %sub3A_109, %eq3A_1302 : vector<512x256xi32>
    %convert_element_type3A_1304 = arith.extui %eq3A_1303 : vector<512x256xi1> to vector<512x256xi32>
    %convert_element_type3A_1305 = arith.sitofp %convert_element_type3A_1304 : vector<512x256xi32> to vector<512x256xf32>
    %dot_general3A_1306 = arith.constant dense<0.000000e+00> : vector<512x256xf32>
    %dot_general3A_1307 = tpu.matmul %dot_general3A_1300, %convert_element_type3A_275, %dot_general3A_1306 {dimension_numbers = #tpu.dot_dimension_numbers<[1], [0], [0], [1], [0, 0, 1, 1], [], []>, transpose_lhs_hint = false} : vector<512x16xf32>, vector<16x256xf32>, vector<512x256xf32> -> vector<512x256xf32>
    %mul3A_1308 = arith.mulf %convert_element_type3A_1305, %dot_general3A_1307 : vector<512x256xf32>
    %add3A_1309 = arith.addf %add3A_1256, %mul3A_1308 : vector<512x256xf32>
    %sub3A_1310 = arith.constant 8 : i32
    %sub3A_1311 = vector.broadcast %sub3A_1310 : i32 to vector<8x256xi32>
    %sub3A_1312 = arith.subi %iota3A_133, %sub3A_1311 : vector<8x256xi32>
    %add3A_1313 = arith.constant 6 : i32
    %add3A_1314 = vector.broadcast %add3A_1313 : i32 to vector<8x256xi32>
    %add3A_1315 = arith.addi %sub3A_1312, %add3A_1314 : vector<8x256xi32>
    %eq3A_1316 = arith.cmpi eq, %select_n3A_132, %add3A_1315 : vector<8x256xi32>
    %convert_element_type3A_1317 = arith.extui %eq3A_1316 : vector<8x256xi1> to vector<8x256xi32>
    %convert_element_type3A_1318 = arith.sitofp %convert_element_type3A_1317 : vector<8x256xi32> to vector<8x256xf32>
    %dot_general3A_1319 = arith.constant dense<0.000000e+00> : vector<1x256xf32>
    %dot_general3A_1320 = tpu.matmul %dot_general3A_1273, %convert_element_type3A_203, %dot_general3A_1319 {dimension_numbers = #tpu.dot_dimension_numbers<[1], [0], [0], [1], [0, 0, 1, 1], [], []>, transpose_lhs_hint = false} : vector<1x16xf32>, vector<16x256xf32>, vector<1x256xf32> -> vector<1x256xf32>
    %mul3A_1321 = vector.broadcast %dot_general3A_1320 : vector<1x256xf32> to vector<8x256xf32>
    %mul3A_1322 = arith.mulf %convert_element_type3A_1318, %mul3A_1321 : vector<8x256xf32>
    %add3A_1323 = arith.addf %add3A_1270, %mul3A_1322 : vector<8x256xf32>
    %slice3A_1324 = vector.extract_strided_slice %dot_general3A_861 {offsets = [16, 96], sizes = [16, 32], strides = [1, 1]} : vector<32x128xf32> to vector<16x32xf32>
    %dot_general3A_1325 = arith.constant dense<0.000000e+00> : vector<1x16xf32>
    %dot_general3A_1326 = tpu.matmul %get3A_40, %slice3A_1324, %dot_general3A_1325 {dimension_numbers = #tpu.dot_dimension_numbers<[0], [1], [1], [0], [0, 1, 1, 0], [], []>, transpose_lhs_hint = false} : vector<32x1xf32>, vector<16x32xf32>, vector<1x16xf32> -> vector<1x16xf32>
    %dot_general3A_1327 = arith.constant dense<0.000000e+00> : vector<16x1xf32>
    %dot_general3A_1328 = tpu.matmul %slice3A_1324, %get3A_43, %dot_general3A_1327 {dimension_numbers = #tpu.dot_dimension_numbers<[1], [0], [0], [1], [0, 0, 1, 1], [], []>, transpose_lhs_hint = false} : vector<16x32xf32>, vector<32x1xf32>, vector<16x1xf32> -> vector<16x1xf32>
    %ge3A_1329 = arith.constant 7 : i32
    %ge3A_1330 = vector.broadcast %ge3A_1329 : i32 to vector<1x80xi32>
    %ge3A_1331 = arith.cmpi sge, %iota3A_44, %ge3A_1330 : vector<1x80xi32>
    %lt3A_1332 = arith.constant 71 : i32
    %lt3A_1333 = vector.broadcast %lt3A_1332 : i32 to vector<1x80xi32>
    %lt3A_1334 = arith.cmpi slt, %iota3A_44, %lt3A_1333 : vector<1x80xi32>
    %and3A_1335 = arith.andi %ge3A_1331, %lt3A_1334 : vector<1x80xi1>
    %convert_element_type3A_1336 = arith.extui %and3A_1335 : vector<1x80xi1> to vector<1x80xi32>
    %convert_element_type3A_1337 = arith.sitofp %convert_element_type3A_1336 : vector<1x80xi32> to vector<1x80xf32>
    %mul3A_1338 = vector.broadcast %dot_general3A_1328 : vector<16x1xf32> to vector<16x80xf32>
    %mul3A_1339 = vector.broadcast %convert_element_type3A_1337 : vector<1x80xf32> to vector<16x80xf32>
    %mul3A_1340 = arith.mulf %mul3A_1338, %mul3A_1339 : vector<16x80xf32>
    %add3A_1341 = arith.addf %add3A_1288, %mul3A_1340 : vector<16x80xf32>
    %eq3A_1342 = arith.constant 7 : i32
    %eq3A_1343 = vector.broadcast %eq3A_1342 : i32 to vector<64x1024xi32>
    %eq3A_1344 = arith.cmpi eq, %sub3A, %eq3A_1343 : vector<64x1024xi32>
    %convert_element_type3A_1345 = arith.extui %eq3A_1344 : vector<64x1024xi1> to vector<64x1024xi32>
    %convert_element_type3A_1346 = arith.sitofp %convert_element_type3A_1345 : vector<64x1024xi32> to vector<64x1024xf32>
    %dot_general3A_1347 = arith.constant dense<0.000000e+00> : vector<1x1024xf32>
    %dot_general3A_1348 = tpu.matmul %dot_general3A_1326, %convert_element_type3A_167, %dot_general3A_1347 {dimension_numbers = #tpu.dot_dimension_numbers<[1], [0], [0], [1], [0, 0, 1, 1], [], []>, transpose_lhs_hint = false} : vector<1x16xf32>, vector<16x1024xf32>, vector<1x1024xf32> -> vector<1x1024xf32>
    %mul3A_1349 = vector.broadcast %dot_general3A_1348 : vector<1x1024xf32> to vector<64x1024xf32>
    %mul3A_1350 = arith.mulf %convert_element_type3A_1346, %mul3A_1349 : vector<64x1024xf32>
    %add3A_1351 = arith.addf %add3A_1298, %mul3A_1350 : vector<64x1024xf32>
    %dot_general3A_1352 = arith.constant dense<0.000000e+00> : vector<512x16xf32>
    %dot_general3A_1353 = tpu.matmul %convert_element_type3A_239, %slice3A_1324, %dot_general3A_1352 {dimension_numbers = #tpu.dot_dimension_numbers<[1], [1], [0], [0], [0, 0, 1, 0], [], []>, transpose_lhs_hint = false} : vector<512x32xf32>, vector<16x32xf32>, vector<512x16xf32> -> vector<512x16xf32>
    %eq3A_1354 = arith.constant 7 : i32
    %eq3A_1355 = vector.broadcast %eq3A_1354 : i32 to vector<512x256xi32>
    %eq3A_1356 = arith.cmpi eq, %sub3A_109, %eq3A_1355 : vector<512x256xi32>
    %convert_element_type3A_1357 = arith.extui %eq3A_1356 : vector<512x256xi1> to vector<512x256xi32>
    %convert_element_type3A_1358 = arith.sitofp %convert_element_type3A_1357 : vector<512x256xi32> to vector<512x256xf32>
    %dot_general3A_1359 = arith.constant dense<0.000000e+00> : vector<512x256xf32>
    %dot_general3A_1360 = tpu.matmul %dot_general3A_1353, %convert_element_type3A_275, %dot_general3A_1359 {dimension_numbers = #tpu.dot_dimension_numbers<[1], [0], [0], [1], [0, 0, 1, 1], [], []>, transpose_lhs_hint = false} : vector<512x16xf32>, vector<16x256xf32>, vector<512x256xf32> -> vector<512x256xf32>
    %mul3A_1361 = arith.mulf %convert_element_type3A_1358, %dot_general3A_1360 : vector<512x256xf32>
    %add3A_1362 = arith.addf %add3A_1309, %mul3A_1361 : vector<512x256xf32>
    %sub3A_1363 = arith.constant 8 : i32
    %sub3A_1364 = vector.broadcast %sub3A_1363 : i32 to vector<8x256xi32>
    %sub3A_1365 = arith.subi %iota3A_133, %sub3A_1364 : vector<8x256xi32>
    %add3A_1366 = arith.constant 7 : i32
    %add3A_1367 = vector.broadcast %add3A_1366 : i32 to vector<8x256xi32>
    %add3A_1368 = arith.addi %sub3A_1365, %add3A_1367 : vector<8x256xi32>
    %eq3A_1369 = arith.cmpi eq, %select_n3A_132, %add3A_1368 : vector<8x256xi32>
    %convert_element_type3A_1370 = arith.extui %eq3A_1369 : vector<8x256xi1> to vector<8x256xi32>
    %convert_element_type3A_1371 = arith.sitofp %convert_element_type3A_1370 : vector<8x256xi32> to vector<8x256xf32>
    %dot_general3A_1372 = arith.constant dense<0.000000e+00> : vector<1x256xf32>
    %dot_general3A_1373 = tpu.matmul %dot_general3A_1326, %convert_element_type3A_203, %dot_general3A_1372 {dimension_numbers = #tpu.dot_dimension_numbers<[1], [0], [0], [1], [0, 0, 1, 1], [], []>, transpose_lhs_hint = false} : vector<1x16xf32>, vector<16x256xf32>, vector<1x256xf32> -> vector<1x256xf32>
    %mul3A_1374 = vector.broadcast %dot_general3A_1373 : vector<1x256xf32> to vector<8x256xf32>
    %mul3A_1375 = arith.mulf %convert_element_type3A_1371, %mul3A_1374 : vector<8x256xf32>
    %add3A_1376 = arith.addf %add3A_1323, %mul3A_1375 : vector<8x256xf32>
    %swap3A_1377 = arith.constant 0 : index
    %swap3A_1378 = arith.constant 0 : index
    %swap3A_1379 = vector.load %arg29[%swap3A_1377, %swap3A_1378] : memref<64x1024xf32, #tpu.memory_space<vmem>>, vector<64x1024xf32>
    tpu.vector_store %arg29[%swap3A_1377, %swap3A_1378], %add3A_1351 {strides = array<i32>} : memref<64x1024xf32, #tpu.memory_space<vmem>>, vector<64x1024xf32>,
    %slice3A_1380 = vector.extract_strided_slice %add3A_1341 {offsets = [0, 0], sizes = [16, 64], strides = [1, 1]} : vector<16x80xf32> to vector<16x64xf32>
    %swap3A_1381 = arith.constant 0 : index
    %swap3A_1382 = arith.constant 0 : index
    %swap3A_1383 = vector.load %arg32[%swap3A_1381, %swap3A_1382] : memref<16x64xf32, #tpu.memory_space<vmem>>, vector<16x64xf32>
    tpu.vector_store %arg32[%swap3A_1381, %swap3A_1382], %slice3A_1380 {strides = array<i32>} : memref<16x64xf32, #tpu.memory_space<vmem>>, vector<16x64xf32>,
    %slice3A_1384 = vector.extract_strided_slice %add3A_1341 {offsets = [0, 64], sizes = [16, 16], strides = [1, 1]} : vector<16x80xf32> to vector<16x16xf32>
    %swap3A_1385 = arith.constant 0 : index
    %swap3A_1386 = arith.constant 0 : index
    %swap3A_1387 = vector.load %arg41[%swap3A_1385, %swap3A_1386] : memref<16x16xf32, #tpu.memory_space<vmem>>, vector<16x16xf32>
    tpu.vector_store %arg41[%swap3A_1385, %swap3A_1386], %slice3A_1384 {strides = array<i32>} : memref<16x16xf32, #tpu.memory_space<vmem>>, vector<16x16xf32>,
    %swap3A_1388 = arith.constant 0 : index
    %swap3A_1389 = arith.constant 0 : index
    %swap3A_1390 = vector.load %arg35[%swap3A_1388, %swap3A_1389] : memref<512x256xf32, #tpu.memory_space<vmem>>, vector<512x256xf32>
    tpu.vector_store %arg35[%swap3A_1388, %swap3A_1389], %add3A_1362 {strides = array<i32>} : memref<512x256xf32, #tpu.memory_space<vmem>>, vector<512x256xf32>,
    %swap3A_1391 = arith.constant 0 : index
    %swap3A_1392 = arith.constant 0 : index
    %swap3A_1393 = vector.load %arg38[%swap3A_1391, %swap3A_1392] : memref<8x256xf32, #tpu.memory_space<vmem>>, vector<8x256xf32>
    tpu.vector_store %arg38[%swap3A_1391, %swap3A_1392], %add3A_1376 {strides = array<i32>} : memref<8x256xf32, #tpu.memory_space<vmem>>, vector<8x256xf32>,
    %get3A_1394 = arith.constant 0 : index
    %get3A_1395 = arith.constant 0 : index
    %get3A_1396 = vector.load %arg2[%get3A_1394, %get3A_1395] : memref<16x64xf32, #tpu.memory_space<vmem>>, vector<16x64xf32>
    %get3A_1397 = arith.constant 0 : index
    %get3A_1398 = arith.constant 0 : index
    %get3A_1399 = vector.load %arg8[%get3A_1397, %get3A_1398] : memref<16x32xf32, #tpu.memory_space<vmem>>, vector<16x32xf32>
    %get3A_1400 = arith.constant 0 : index
    %get3A_1401 = arith.constant 0 : index
    %get3A_1402 = vector.load %arg14[%get3A_1400, %get3A_1401] : memref<16x32xf32, #tpu.memory_space<vmem>>, vector<16x32xf32>
    %dot_general3A_1403 = arith.constant dense<0.000000e+00> : vector<16x32xf32>
    %dot_general3A_1404 = tpu.matmul %get3A_1396, %convert_element_type3A_16, %dot_general3A_1403 {dimension_numbers = #tpu.dot_dimension_numbers<[1], [0], [0], [1], [0, 0, 1, 1], [], []>, transpose_lhs_hint = false} : vector<16x64xf32>, vector<64x32xf32>, vector<16x32xf32> -> vector<16x32xf32>
    %dot_general3A_1405 = arith.constant dense<0.000000e+00> : vector<16x32xf32>
    %dot_general3A_1406 = tpu.matmul %get3A_1396, %convert_element_type3A_5, %dot_general3A_1405 {dimension_numbers = #tpu.dot_dimension_numbers<[1], [0], [0], [1], [0, 0, 1, 1], [], []>, transpose_lhs_hint = false} : vector<16x64xf32>, vector<64x32xf32>, vector<16x32xf32> -> vector<16x32xf32>
    %dot_general3A_1407 = arith.constant dense<0.000000e+00> : vector<16x16xf32>
    %dot_general3A_1408 = tpu.matmul %get3A_1399, %convert_element_type3A_38, %dot_general3A_1407 {dimension_numbers = #tpu.dot_dimension_numbers<[1], [0], [0], [1], [0, 0, 1, 1], [], []>, transpose_lhs_hint = false} : vector<16x32xf32>, vector<32x16xf32>, vector<16x16xf32> -> vector<16x16xf32>
    %dot_general3A_1409 = arith.constant dense<0.000000e+00> : vector<16x16xf32>
    %dot_general3A_1410 = tpu.matmul %get3A_1399, %convert_element_type3A_27, %dot_general3A_1409 {dimension_numbers = #tpu.dot_dimension_numbers<[1], [0], [0], [1], [0, 0, 1, 1], [], []>, transpose_lhs_hint = false} : vector<16x32xf32>, vector<32x16xf32>, vector<16x16xf32> -> vector<16x16xf32>
    %dot_general3A_1411 = arith.constant dense<0.000000e+00> : vector<16x16xf32>
    %dot_general3A_1412 = tpu.matmul %get3A_1402, %convert_element_type3A_38, %dot_general3A_1411 {dimension_numbers = #tpu.dot_dimension_numbers<[1], [0], [0], [1], [0, 0, 1, 1], [], []>, transpose_lhs_hint = false} : vector<16x32xf32>, vector<32x16xf32>, vector<16x16xf32> -> vector<16x16xf32>
    %dot_general3A_1413 = arith.constant dense<0.000000e+00> : vector<16x16xf32>
    %dot_general3A_1414 = tpu.matmul %get3A_1402, %convert_element_type3A_27, %dot_general3A_1413 {dimension_numbers = #tpu.dot_dimension_numbers<[1], [0], [0], [1], [0, 0, 1, 1], [], []>, transpose_lhs_hint = false} : vector<16x32xf32>, vector<32x16xf32>, vector<16x16xf32> -> vector<16x16xf32>
    %concatenate3A_1415 = tpu.concatenate %dot_general3A_1412, %dot_general3A_1414 in 0 : vector<16x16xf32>, vector<16x16xf32> -> vector<32x16xf32>
    %concatenate3A_1416 = tpu.concatenate %dot_general3A_1404, %dot_general3A_1406 in 1 : vector<16x32xf32>, vector<16x32xf32> -> vector<16x64xf32>
    %dot_general3A_1417 = arith.constant dense<0.000000e+00> : vector<16x64xf32>
    %dot_general3A_1418 = tpu.matmul %dot_general3A_1408, %concatenate3A_1416, %dot_general3A_1417 {dimension_numbers = #tpu.dot_dimension_numbers<[1], [0], [0], [1], [0, 0, 1, 1], [], []>, transpose_lhs_hint = false} : vector<16x16xf32>, vector<16x64xf32>, vector<16x64xf32> -> vector<16x64xf32>
    %dot_general3A_1419 = arith.constant dense<0.000000e+00> : vector<16x64xf32>
    %dot_general3A_1420 = tpu.matmul %dot_general3A_1410, %concatenate3A_1416, %dot_general3A_1419 {dimension_numbers = #tpu.dot_dimension_numbers<[1], [0], [0], [1], [0, 0, 1, 1], [], []>, transpose_lhs_hint = false} : vector<16x16xf32>, vector<16x64xf32>, vector<16x64xf32> -> vector<16x64xf32>
    %concatenate3A_1421 = tpu.concatenate %dot_general3A_1418, %dot_general3A_1420 in 1 : vector<16x64xf32>, vector<16x64xf32> -> vector<16x128xf32>
    %dot_general3A_1422 = arith.constant dense<0.000000e+00> : vector<32x128xf32>
    %dot_general3A_1423 = tpu.matmul %concatenate3A_1415, %concatenate3A_1421, %dot_general3A_1422 {dimension_numbers = #tpu.dot_dimension_numbers<[1], [0], [0], [1], [0, 0, 1, 1], [], []>, transpose_lhs_hint = false} : vector<32x16xf32>, vector<16x128xf32>, vector<32x128xf32> -> vector<32x128xf32>
    %broadcast_in_dim3A_1424 = arith.constant 0.000000e+00 : f32
    %broadcast_in_dim3A_1425 = vector.broadcast %broadcast_in_dim3A_1424 : f32 to vector<64x1024xf32>
    %broadcast_in_dim3A_1426 = arith.constant 0.000000e+00 : f32
    %broadcast_in_dim3A_1427 = vector.broadcast %broadcast_in_dim3A_1426 : f32 to vector<512x256xf32>
    %broadcast_in_dim3A_1428 = arith.constant 0.000000e+00 : f32
    %broadcast_in_dim3A_1429 = vector.broadcast %broadcast_in_dim3A_1428 : f32 to vector<8x256xf32>
    %get3A_1430 = arith.constant 0 : index
    %get3A_1431 = arith.constant 0 : index
    %get3A_1432 = vector.load %arg17[%get3A_1430, %get3A_1431] : memref<16x1xf32, #tpu.memory_space<vmem>>, vector<16x1xf32>
    %broadcast_in_dim3A_1433 = arith.constant 1.000000e+00 : f32
    %broadcast_in_dim3A_1434 = vector.broadcast %broadcast_in_dim3A_1433 : f32 to vector<1x80xf32>
    %mul3A_1435 = vector.broadcast %get3A_1432 : vector<16x1xf32> to vector<16x80xf32>
    %mul3A_1436 = vector.broadcast %broadcast_in_dim3A_1434 : vector<1x80xf32> to vector<16x80xf32>
    %mul3A_1437 = arith.mulf %mul3A_1435, %mul3A_1436 : vector<16x80xf32>
    %concatenate3A_1438 = tpu.concatenate %dot_general3A_1408, %dot_general3A_1410 in 1 : vector<16x16xf32>, vector<16x16xf32> -> vector<16x32xf32>
    %dot_general3A_1439 = arith.constant dense<0.000000e+00> : vector<32x32xf32>
    %dot_general3A_1440 = tpu.matmul %concatenate3A_1415, %concatenate3A_1438, %dot_general3A_1439 {dimension_numbers = #tpu.dot_dimension_numbers<[1], [0], [0], [1], [0, 0, 1, 1], [], []>, transpose_lhs_hint = false} : vector<32x16xf32>, vector<16x32xf32>, vector<32x32xf32> -> vector<32x32xf32>
    %slice3A_1441 = vector.extract_strided_slice %dot_general3A_1440 {offsets = [0, 0], sizes = [16, 16], strides = [1, 1]} : vector<32x32xf32> to vector<16x16xf32>
    %get3A_1442 = arith.constant 0 : index
    %get3A_1443 = arith.constant 0 : index
    %get3A_1444 = vector.load %arg5[%get3A_1442, %get3A_1443] : memref<16x1xf32, #tpu.memory_space<vmem>>, vector<16x1xf32>
    %dot_general3A_1445 = arith.constant dense<0.000000e+00> : vector<16x1xf32>
    %dot_general3A_1446 = tpu.matmul %slice3A_1441, %get3A_1444, %dot_general3A_1445 {dimension_numbers = #tpu.dot_dimension_numbers<[1], [0], [0], [1], [0, 0, 1, 1], [], []>, transpose_lhs_hint = false} : vector<16x16xf32>, vector<16x1xf32>, vector<16x1xf32> -> vector<16x1xf32>
    %ge3A_1447 = arith.constant 0 : i32
    %ge3A_1448 = vector.broadcast %ge3A_1447 : i32 to vector<1x80xi32>
    %ge3A_1449 = arith.cmpi sge, %iota3A_44, %ge3A_1448 : vector<1x80xi32>
    %convert_element_type3A_1450 = arith.extui %ge3A_1449 : vector<1x80xi1> to vector<1x80xi32>
    %convert_element_type3A_1451 = arith.sitofp %convert_element_type3A_1450 : vector<1x80xi32> to vector<1x80xf32>
    %mul3A_1452 = vector.broadcast %dot_general3A_1446 : vector<16x1xf32> to vector<16x80xf32>
    %mul3A_1453 = vector.broadcast %convert_element_type3A_1451 : vector<1x80xf32> to vector<16x80xf32>
    %mul3A_1454 = arith.mulf %mul3A_1452, %mul3A_1453 : vector<16x80xf32>
    %add3A_1455 = arith.addf %mul3A_1437, %mul3A_1454 : vector<16x80xf32>
    %slice3A_1456 = vector.extract_strided_slice %dot_general3A_1440 {offsets = [0, 16], sizes = [16, 16], strides = [1, 1]} : vector<32x32xf32> to vector<16x16xf32>
    %get3A_1457 = arith.constant 0 : index
    %get3A_1458 = arith.constant 0 : index
    %get3A_1459 = vector.load %arg5[%get3A_1457, %get3A_1458] : memref<16x1xf32, #tpu.memory_space<vmem>>, vector<16x1xf32>
    %dot_general3A_1460 = arith.constant dense<0.000000e+00> : vector<16x1xf32>
    %dot_general3A_1461 = tpu.matmul %slice3A_1456, %get3A_1459, %dot_general3A_1460 {dimension_numbers = #tpu.dot_dimension_numbers<[1], [0], [0], [1], [0, 0, 1, 1], [], []>, transpose_lhs_hint = false} : vector<16x16xf32>, vector<16x1xf32>, vector<16x1xf32> -> vector<16x1xf32>
    %ge3A_1462 = arith.constant 2 : i32
    %ge3A_1463 = vector.broadcast %ge3A_1462 : i32 to vector<1x80xi32>
    %ge3A_1464 = arith.cmpi sge, %iota3A_44, %ge3A_1463 : vector<1x80xi32>
    %convert_element_type3A_1465 = arith.extui %ge3A_1464 : vector<1x80xi1> to vector<1x80xi32>
    %convert_element_type3A_1466 = arith.sitofp %convert_element_type3A_1465 : vector<1x80xi32> to vector<1x80xf32>
    %mul3A_1467 = vector.broadcast %dot_general3A_1461 : vector<16x1xf32> to vector<16x80xf32>
    %mul3A_1468 = vector.broadcast %convert_element_type3A_1466 : vector<1x80xf32> to vector<16x80xf32>
    %mul3A_1469 = arith.mulf %mul3A_1467, %mul3A_1468 : vector<16x80xf32>
    %add3A_1470 = arith.addf %add3A_1455, %mul3A_1469 : vector<16x80xf32>
    %get3A_1471 = arith.constant 0 : index
    %get3A_1472 = arith.constant 0 : index
    %get3A_1473 = vector.load %arg11[%get3A_1471, %get3A_1472] : memref<16x1xf32, #tpu.memory_space<vmem>>, vector<16x1xf32>
    %dot_general3A_1474 = arith.constant dense<0.000000e+00> : vector<16x1xf32>
    %dot_general3A_1475 = tpu.matmul %dot_general3A_1412, %get3A_1473, %dot_general3A_1474 {dimension_numbers = #tpu.dot_dimension_numbers<[1], [0], [0], [1], [0, 0, 1, 1], [], []>, transpose_lhs_hint = false} : vector<16x16xf32>, vector<16x1xf32>, vector<16x1xf32> -> vector<16x1xf32>
    %ge3A_1476 = arith.constant 0 : i32
    %ge3A_1477 = vector.broadcast %ge3A_1476 : i32 to vector<1x80xi32>
    %ge3A_1478 = arith.cmpi sge, %iota3A_44, %ge3A_1477 : vector<1x80xi32>
    %convert_element_type3A_1479 = arith.extui %ge3A_1478 : vector<1x80xi1> to vector<1x80xi32>
    %convert_element_type3A_1480 = arith.sitofp %convert_element_type3A_1479 : vector<1x80xi32> to vector<1x80xf32>
    %mul3A_1481 = vector.broadcast %dot_general3A_1475 : vector<16x1xf32> to vector<16x80xf32>
    %mul3A_1482 = vector.broadcast %convert_element_type3A_1480 : vector<1x80xf32> to vector<16x80xf32>
    %mul3A_1483 = arith.mulf %mul3A_1481, %mul3A_1482 : vector<16x80xf32>
    %add3A_1484 = arith.addf %add3A_1470, %mul3A_1483 : vector<16x80xf32>
    %slice3A_1485 = vector.extract_strided_slice %dot_general3A_1440 {offsets = [16, 0], sizes = [16, 16], strides = [1, 1]} : vector<32x32xf32> to vector<16x16xf32>
    %get3A_1486 = arith.constant 0 : index
    %get3A_1487 = arith.constant 0 : index
    %get3A_1488 = vector.load %arg5[%get3A_1486, %get3A_1487] : memref<16x1xf32, #tpu.memory_space<vmem>>, vector<16x1xf32>
    %dot_general3A_1489 = arith.constant dense<0.000000e+00> : vector<16x1xf32>
    %dot_general3A_1490 = tpu.matmul %slice3A_1485, %get3A_1488, %dot_general3A_1489 {dimension_numbers = #tpu.dot_dimension_numbers<[1], [0], [0], [1], [0, 0, 1, 1], [], []>, transpose_lhs_hint = false} : vector<16x16xf32>, vector<16x1xf32>, vector<16x1xf32> -> vector<16x1xf32>
    %ge3A_1491 = arith.constant 4 : i32
    %ge3A_1492 = vector.broadcast %ge3A_1491 : i32 to vector<1x80xi32>
    %ge3A_1493 = arith.cmpi sge, %iota3A_44, %ge3A_1492 : vector<1x80xi32>
    %convert_element_type3A_1494 = arith.extui %ge3A_1493 : vector<1x80xi1> to vector<1x80xi32>
    %convert_element_type3A_1495 = arith.sitofp %convert_element_type3A_1494 : vector<1x80xi32> to vector<1x80xf32>
    %mul3A_1496 = vector.broadcast %dot_general3A_1490 : vector<16x1xf32> to vector<16x80xf32>
    %mul3A_1497 = vector.broadcast %convert_element_type3A_1495 : vector<1x80xf32> to vector<16x80xf32>
    %mul3A_1498 = arith.mulf %mul3A_1496, %mul3A_1497 : vector<16x80xf32>
    %add3A_1499 = arith.addf %add3A_1484, %mul3A_1498 : vector<16x80xf32>
    %slice3A_1500 = vector.extract_strided_slice %dot_general3A_1440 {offsets = [16, 16], sizes = [16, 16], strides = [1, 1]} : vector<32x32xf32> to vector<16x16xf32>
    %get3A_1501 = arith.constant 0 : index
    %get3A_1502 = arith.constant 0 : index
    %get3A_1503 = vector.load %arg5[%get3A_1501, %get3A_1502] : memref<16x1xf32, #tpu.memory_space<vmem>>, vector<16x1xf32>
    %dot_general3A_1504 = arith.constant dense<0.000000e+00> : vector<16x1xf32>
    %dot_general3A_1505 = tpu.matmul %slice3A_1500, %get3A_1503, %dot_general3A_1504 {dimension_numbers = #tpu.dot_dimension_numbers<[1], [0], [0], [1], [0, 0, 1, 1], [], []>, transpose_lhs_hint = false} : vector<16x16xf32>, vector<16x1xf32>, vector<16x1xf32> -> vector<16x1xf32>
    %ge3A_1506 = arith.constant 6 : i32
    %ge3A_1507 = vector.broadcast %ge3A_1506 : i32 to vector<1x80xi32>
    %ge3A_1508 = arith.cmpi sge, %iota3A_44, %ge3A_1507 : vector<1x80xi32>
    %convert_element_type3A_1509 = arith.extui %ge3A_1508 : vector<1x80xi1> to vector<1x80xi32>
    %convert_element_type3A_1510 = arith.sitofp %convert_element_type3A_1509 : vector<1x80xi32> to vector<1x80xf32>
    %mul3A_1511 = vector.broadcast %dot_general3A_1505 : vector<16x1xf32> to vector<16x80xf32>
    %mul3A_1512 = vector.broadcast %convert_element_type3A_1510 : vector<1x80xf32> to vector<16x80xf32>
    %mul3A_1513 = arith.mulf %mul3A_1511, %mul3A_1512 : vector<16x80xf32>
    %add3A_1514 = arith.addf %add3A_1499, %mul3A_1513 : vector<16x80xf32>
    %get3A_1515 = arith.constant 0 : index
    %get3A_1516 = arith.constant 0 : index
    %get3A_1517 = vector.load %arg11[%get3A_1515, %get3A_1516] : memref<16x1xf32, #tpu.memory_space<vmem>>, vector<16x1xf32>
    %dot_general3A_1518 = arith.constant dense<0.000000e+00> : vector<16x1xf32>
    %dot_general3A_1519 = tpu.matmul %dot_general3A_1414, %get3A_1517, %dot_general3A_1518 {dimension_numbers = #tpu.dot_dimension_numbers<[1], [0], [0], [1], [0, 0, 1, 1], [], []>, transpose_lhs_hint = false} : vector<16x16xf32>, vector<16x1xf32>, vector<16x1xf32> -> vector<16x1xf32>
    %ge3A_1520 = arith.constant 4 : i32
    %ge3A_1521 = vector.broadcast %ge3A_1520 : i32 to vector<1x80xi32>
    %ge3A_1522 = arith.cmpi sge, %iota3A_44, %ge3A_1521 : vector<1x80xi32>
    %convert_element_type3A_1523 = arith.extui %ge3A_1522 : vector<1x80xi1> to vector<1x80xi32>
    %convert_element_type3A_1524 = arith.sitofp %convert_element_type3A_1523 : vector<1x80xi32> to vector<1x80xf32>
    %mul3A_1525 = vector.broadcast %dot_general3A_1519 : vector<16x1xf32> to vector<16x80xf32>
    %mul3A_1526 = vector.broadcast %convert_element_type3A_1524 : vector<1x80xf32> to vector<16x80xf32>
    %mul3A_1527 = arith.mulf %mul3A_1525, %mul3A_1526 : vector<16x80xf32>
    %add3A_1528 = arith.addf %add3A_1514, %mul3A_1527 : vector<16x80xf32>
    %slice3A_1529 = vector.extract_strided_slice %dot_general3A_1423 {offsets = [0, 0], sizes = [16, 32], strides = [1, 1]} : vector<32x128xf32> to vector<16x32xf32>
    %dot_general3A_1530 = arith.constant dense<0.000000e+00> : vector<1x16xf32>
    %dot_general3A_1531 = tpu.matmul %get3A_40, %slice3A_1529, %dot_general3A_1530 {dimension_numbers = #tpu.dot_dimension_numbers<[0], [1], [1], [0], [0, 1, 1, 0], [], []>, transpose_lhs_hint = false} : vector<32x1xf32>, vector<16x32xf32>, vector<1x16xf32> -> vector<1x16xf32>
    %dot_general3A_1532 = arith.constant dense<0.000000e+00> : vector<16x1xf32>
    %dot_general3A_1533 = tpu.matmul %slice3A_1529, %get3A_43, %dot_general3A_1532 {dimension_numbers = #tpu.dot_dimension_numbers<[1], [0], [0], [1], [0, 0, 1, 1], [], []>, transpose_lhs_hint = false} : vector<16x32xf32>, vector<32x1xf32>, vector<16x1xf32> -> vector<16x1xf32>
    %ge3A_1534 = arith.constant 0 : i32
    %ge3A_1535 = vector.broadcast %ge3A_1534 : i32 to vector<1x80xi32>
    %ge3A_1536 = arith.cmpi sge, %iota3A_44, %ge3A_1535 : vector<1x80xi32>
    %lt3A_1537 = arith.constant 64 : i32
    %lt3A_1538 = vector.broadcast %lt3A_1537 : i32 to vector<1x80xi32>
    %lt3A_1539 = arith.cmpi slt, %iota3A_44, %lt3A_1538 : vector<1x80xi32>
    %and3A_1540 = arith.andi %ge3A_1536, %lt3A_1539 : vector<1x80xi1>
    %convert_element_type3A_1541 = arith.extui %and3A_1540 : vector<1x80xi1> to vector<1x80xi32>
    %convert_element_type3A_1542 = arith.sitofp %convert_element_type3A_1541 : vector<1x80xi32> to vector<1x80xf32>
    %mul3A_1543 = vector.broadcast %dot_general3A_1533 : vector<16x1xf32> to vector<16x80xf32>
    %mul3A_1544 = vector.broadcast %convert_element_type3A_1542 : vector<1x80xf32> to vector<16x80xf32>
    %mul3A_1545 = arith.mulf %mul3A_1543, %mul3A_1544 : vector<16x80xf32>
    %add3A_1546 = arith.addf %add3A_1528, %mul3A_1545 : vector<16x80xf32>
    %eq3A_1547 = arith.constant 0 : i32
    %eq3A_1548 = vector.broadcast %eq3A_1547 : i32 to vector<64x1024xi32>
    %eq3A_1549 = arith.cmpi eq, %sub3A, %eq3A_1548 : vector<64x1024xi32>
    %convert_element_type3A_1550 = arith.extui %eq3A_1549 : vector<64x1024xi1> to vector<64x1024xi32>
    %convert_element_type3A_1551 = arith.sitofp %convert_element_type3A_1550 : vector<64x1024xi32> to vector<64x1024xf32>
    %dot_general3A_1552 = arith.constant dense<0.000000e+00> : vector<1x1024xf32>
    %dot_general3A_1553 = tpu.matmul %dot_general3A_1531, %convert_element_type3A_167, %dot_general3A_1552 {dimension_numbers = #tpu.dot_dimension_numbers<[1], [0], [0], [1], [0, 0, 1, 1], [], []>, transpose_lhs_hint = false} : vector<1x16xf32>, vector<16x1024xf32>, vector<1x1024xf32> -> vector<1x1024xf32>
    %mul3A_1554 = vector.broadcast %dot_general3A_1553 : vector<1x1024xf32> to vector<64x1024xf32>
    %mul3A_1555 = arith.mulf %convert_element_type3A_1551, %mul3A_1554 : vector<64x1024xf32>
    %add3A_1556 = arith.addf %broadcast_in_dim3A_1425, %mul3A_1555 : vector<64x1024xf32>
    %dot_general3A_1557 = arith.constant dense<0.000000e+00> : vector<512x16xf32>
    %dot_general3A_1558 = tpu.matmul %convert_element_type3A_239, %slice3A_1529, %dot_general3A_1557 {dimension_numbers = #tpu.dot_dimension_numbers<[1], [1], [0], [0], [0, 0, 1, 0], [], []>, transpose_lhs_hint = false} : vector<512x32xf32>, vector<16x32xf32>, vector<512x16xf32> -> vector<512x16xf32>
    %eq3A_1559 = arith.constant 0 : i32
    %eq3A_1560 = vector.broadcast %eq3A_1559 : i32 to vector<512x256xi32>
    %eq3A_1561 = arith.cmpi eq, %sub3A_109, %eq3A_1560 : vector<512x256xi32>
    %convert_element_type3A_1562 = arith.extui %eq3A_1561 : vector<512x256xi1> to vector<512x256xi32>
    %convert_element_type3A_1563 = arith.sitofp %convert_element_type3A_1562 : vector<512x256xi32> to vector<512x256xf32>
    %dot_general3A_1564 = arith.constant dense<0.000000e+00> : vector<512x256xf32>
    %dot_general3A_1565 = tpu.matmul %dot_general3A_1558, %convert_element_type3A_275, %dot_general3A_1564 {dimension_numbers = #tpu.dot_dimension_numbers<[1], [0], [0], [1], [0, 0, 1, 1], [], []>, transpose_lhs_hint = false} : vector<512x16xf32>, vector<16x256xf32>, vector<512x256xf32> -> vector<512x256xf32>
    %mul3A_1566 = arith.mulf %convert_element_type3A_1563, %dot_general3A_1565 : vector<512x256xf32>
    %add3A_1567 = arith.addf %broadcast_in_dim3A_1427, %mul3A_1566 : vector<512x256xf32>
    %slice3A_1568 = vector.extract_strided_slice %dot_general3A_1423 {offsets = [0, 32], sizes = [16, 32], strides = [1, 1]} : vector<32x128xf32> to vector<16x32xf32>
    %dot_general3A_1569 = arith.constant dense<0.000000e+00> : vector<1x16xf32>
    %dot_general3A_1570 = tpu.matmul %get3A_40, %slice3A_1568, %dot_general3A_1569 {dimension_numbers = #tpu.dot_dimension_numbers<[0], [1], [1], [0], [0, 1, 1, 0], [], []>, transpose_lhs_hint = false} : vector<32x1xf32>, vector<16x32xf32>, vector<1x16xf32> -> vector<1x16xf32>
    %dot_general3A_1571 = arith.constant dense<0.000000e+00> : vector<16x1xf32>
    %dot_general3A_1572 = tpu.matmul %slice3A_1568, %get3A_43, %dot_general3A_1571 {dimension_numbers = #tpu.dot_dimension_numbers<[1], [0], [0], [1], [0, 0, 1, 1], [], []>, transpose_lhs_hint = false} : vector<16x32xf32>, vector<32x1xf32>, vector<16x1xf32> -> vector<16x1xf32>
    %ge3A_1573 = arith.constant 1 : i32
    %ge3A_1574 = vector.broadcast %ge3A_1573 : i32 to vector<1x80xi32>
    %ge3A_1575 = arith.cmpi sge, %iota3A_44, %ge3A_1574 : vector<1x80xi32>
    %lt3A_1576 = arith.constant 65 : i32
    %lt3A_1577 = vector.broadcast %lt3A_1576 : i32 to vector<1x80xi32>
    %lt3A_1578 = arith.cmpi slt, %iota3A_44, %lt3A_1577 : vector<1x80xi32>
    %and3A_1579 = arith.andi %ge3A_1575, %lt3A_1578 : vector<1x80xi1>
    %convert_element_type3A_1580 = arith.extui %and3A_1579 : vector<1x80xi1> to vector<1x80xi32>
    %convert_element_type3A_1581 = arith.sitofp %convert_element_type3A_1580 : vector<1x80xi32> to vector<1x80xf32>
    %mul3A_1582 = vector.broadcast %dot_general3A_1572 : vector<16x1xf32> to vector<16x80xf32>
    %mul3A_1583 = vector.broadcast %convert_element_type3A_1581 : vector<1x80xf32> to vector<16x80xf32>
    %mul3A_1584 = arith.mulf %mul3A_1582, %mul3A_1583 : vector<16x80xf32>
    %add3A_1585 = arith.addf %add3A_1546, %mul3A_1584 : vector<16x80xf32>
    %eq3A_1586 = arith.constant 1 : i32
    %eq3A_1587 = vector.broadcast %eq3A_1586 : i32 to vector<64x1024xi32>
    %eq3A_1588 = arith.cmpi eq, %sub3A, %eq3A_1587 : vector<64x1024xi32>
    %convert_element_type3A_1589 = arith.extui %eq3A_1588 : vector<64x1024xi1> to vector<64x1024xi32>
    %convert_element_type3A_1590 = arith.sitofp %convert_element_type3A_1589 : vector<64x1024xi32> to vector<64x1024xf32>
    %dot_general3A_1591 = arith.constant dense<0.000000e+00> : vector<1x1024xf32>
    %dot_general3A_1592 = tpu.matmul %dot_general3A_1570, %convert_element_type3A_167, %dot_general3A_1591 {dimension_numbers = #tpu.dot_dimension_numbers<[1], [0], [0], [1], [0, 0, 1, 1], [], []>, transpose_lhs_hint = false} : vector<1x16xf32>, vector<16x1024xf32>, vector<1x1024xf32> -> vector<1x1024xf32>
    %mul3A_1593 = vector.broadcast %dot_general3A_1592 : vector<1x1024xf32> to vector<64x1024xf32>
    %mul3A_1594 = arith.mulf %convert_element_type3A_1590, %mul3A_1593 : vector<64x1024xf32>
    %add3A_1595 = arith.addf %add3A_1556, %mul3A_1594 : vector<64x1024xf32>
    %dot_general3A_1596 = arith.constant dense<0.000000e+00> : vector<512x16xf32>
    %dot_general3A_1597 = tpu.matmul %convert_element_type3A_239, %slice3A_1568, %dot_general3A_1596 {dimension_numbers = #tpu.dot_dimension_numbers<[1], [1], [0], [0], [0, 0, 1, 0], [], []>, transpose_lhs_hint = false} : vector<512x32xf32>, vector<16x32xf32>, vector<512x16xf32> -> vector<512x16xf32>
    %eq3A_1598 = arith.constant 1 : i32
    %eq3A_1599 = vector.broadcast %eq3A_1598 : i32 to vector<512x256xi32>
    %eq3A_1600 = arith.cmpi eq, %sub3A_109, %eq3A_1599 : vector<512x256xi32>
    %convert_element_type3A_1601 = arith.extui %eq3A_1600 : vector<512x256xi1> to vector<512x256xi32>
    %convert_element_type3A_1602 = arith.sitofp %convert_element_type3A_1601 : vector<512x256xi32> to vector<512x256xf32>
    %dot_general3A_1603 = arith.constant dense<0.000000e+00> : vector<512x256xf32>
    %dot_general3A_1604 = tpu.matmul %dot_general3A_1597, %convert_element_type3A_275, %dot_general3A_1603 {dimension_numbers = #tpu.dot_dimension_numbers<[1], [0], [0], [1], [0, 0, 1, 1], [], []>, transpose_lhs_hint = false} : vector<512x16xf32>, vector<16x256xf32>, vector<512x256xf32> -> vector<512x256xf32>
    %mul3A_1605 = arith.mulf %convert_element_type3A_1602, %dot_general3A_1604 : vector<512x256xf32>
    %add3A_1606 = arith.addf %add3A_1567, %mul3A_1605 : vector<512x256xf32>
    %sub3A_1607 = arith.constant 8 : i32
    %sub3A_1608 = vector.broadcast %sub3A_1607 : i32 to vector<8x256xi32>
    %sub3A_1609 = arith.subi %iota3A_133, %sub3A_1608 : vector<8x256xi32>
    %add3A_1610 = arith.constant 1 : i32
    %add3A_1611 = vector.broadcast %add3A_1610 : i32 to vector<8x256xi32>
    %add3A_1612 = arith.addi %sub3A_1609, %add3A_1611 : vector<8x256xi32>
    %eq3A_1613 = arith.cmpi eq, %select_n3A_132, %add3A_1612 : vector<8x256xi32>
    %convert_element_type3A_1614 = arith.extui %eq3A_1613 : vector<8x256xi1> to vector<8x256xi32>
    %convert_element_type3A_1615 = arith.sitofp %convert_element_type3A_1614 : vector<8x256xi32> to vector<8x256xf32>
    %dot_general3A_1616 = arith.constant dense<0.000000e+00> : vector<1x256xf32>
    %dot_general3A_1617 = tpu.matmul %dot_general3A_1570, %convert_element_type3A_203, %dot_general3A_1616 {dimension_numbers = #tpu.dot_dimension_numbers<[1], [0], [0], [1], [0, 0, 1, 1], [], []>, transpose_lhs_hint = false} : vector<1x16xf32>, vector<16x256xf32>, vector<1x256xf32> -> vector<1x256xf32>
    %mul3A_1618 = vector.broadcast %dot_general3A_1617 : vector<1x256xf32> to vector<8x256xf32>
    %mul3A_1619 = arith.mulf %convert_element_type3A_1615, %mul3A_1618 : vector<8x256xf32>
    %add3A_1620 = arith.addf %broadcast_in_dim3A_1429, %mul3A_1619 : vector<8x256xf32>
    %slice3A_1621 = vector.extract_strided_slice %dot_general3A_1423 {offsets = [0, 64], sizes = [16, 32], strides = [1, 1]} : vector<32x128xf32> to vector<16x32xf32>
    %dot_general3A_1622 = arith.constant dense<0.000000e+00> : vector<1x16xf32>
    %dot_general3A_1623 = tpu.matmul %get3A_40, %slice3A_1621, %dot_general3A_1622 {dimension_numbers = #tpu.dot_dimension_numbers<[0], [1], [1], [0], [0, 1, 1, 0], [], []>, transpose_lhs_hint = false} : vector<32x1xf32>, vector<16x32xf32>, vector<1x16xf32> -> vector<1x16xf32>
    %dot_general3A_1624 = arith.constant dense<0.000000e+00> : vector<16x1xf32>
    %dot_general3A_1625 = tpu.matmul %slice3A_1621, %get3A_43, %dot_general3A_1624 {dimension_numbers = #tpu.dot_dimension_numbers<[1], [0], [0], [1], [0, 0, 1, 1], [], []>, transpose_lhs_hint = false} : vector<16x32xf32>, vector<32x1xf32>, vector<16x1xf32> -> vector<16x1xf32>
    %ge3A_1626 = arith.constant 2 : i32
    %ge3A_1627 = vector.broadcast %ge3A_1626 : i32 to vector<1x80xi32>
    %ge3A_1628 = arith.cmpi sge, %iota3A_44, %ge3A_1627 : vector<1x80xi32>
    %lt3A_1629 = arith.constant 66 : i32
    %lt3A_1630 = vector.broadcast %lt3A_1629 : i32 to vector<1x80xi32>
    %lt3A_1631 = arith.cmpi slt, %iota3A_44, %lt3A_1630 : vector<1x80xi32>
    %and3A_1632 = arith.andi %ge3A_1628, %lt3A_1631 : vector<1x80xi1>
    %convert_element_type3A_1633 = arith.extui %and3A_1632 : vector<1x80xi1> to vector<1x80xi32>
    %convert_element_type3A_1634 = arith.sitofp %convert_element_type3A_1633 : vector<1x80xi32> to vector<1x80xf32>
    %mul3A_1635 = vector.broadcast %dot_general3A_1625 : vector<16x1xf32> to vector<16x80xf32>
    %mul3A_1636 = vector.broadcast %convert_element_type3A_1634 : vector<1x80xf32> to vector<16x80xf32>
    %mul3A_1637 = arith.mulf %mul3A_1635, %mul3A_1636 : vector<16x80xf32>
    %add3A_1638 = arith.addf %add3A_1585, %mul3A_1637 : vector<16x80xf32>
    %eq3A_1639 = arith.constant 2 : i32
    %eq3A_1640 = vector.broadcast %eq3A_1639 : i32 to vector<64x1024xi32>
    %eq3A_1641 = arith.cmpi eq, %sub3A, %eq3A_1640 : vector<64x1024xi32>
    %convert_element_type3A_1642 = arith.extui %eq3A_1641 : vector<64x1024xi1> to vector<64x1024xi32>
    %convert_element_type3A_1643 = arith.sitofp %convert_element_type3A_1642 : vector<64x1024xi32> to vector<64x1024xf32>
    %dot_general3A_1644 = arith.constant dense<0.000000e+00> : vector<1x1024xf32>
    %dot_general3A_1645 = tpu.matmul %dot_general3A_1623, %convert_element_type3A_167, %dot_general3A_1644 {dimension_numbers = #tpu.dot_dimension_numbers<[1], [0], [0], [1], [0, 0, 1, 1], [], []>, transpose_lhs_hint = false} : vector<1x16xf32>, vector<16x1024xf32>, vector<1x1024xf32> -> vector<1x1024xf32>
    %mul3A_1646 = vector.broadcast %dot_general3A_1645 : vector<1x1024xf32> to vector<64x1024xf32>
    %mul3A_1647 = arith.mulf %convert_element_type3A_1643, %mul3A_1646 : vector<64x1024xf32>
    %add3A_1648 = arith.addf %add3A_1595, %mul3A_1647 : vector<64x1024xf32>
    %dot_general3A_1649 = arith.constant dense<0.000000e+00> : vector<512x16xf32>
    %dot_general3A_1650 = tpu.matmul %convert_element_type3A_239, %slice3A_1621, %dot_general3A_1649 {dimension_numbers = #tpu.dot_dimension_numbers<[1], [1], [0], [0], [0, 0, 1, 0], [], []>, transpose_lhs_hint = false} : vector<512x32xf32>, vector<16x32xf32>, vector<512x16xf32> -> vector<512x16xf32>
    %eq3A_1651 = arith.constant 2 : i32
    %eq3A_1652 = vector.broadcast %eq3A_1651 : i32 to vector<512x256xi32>
    %eq3A_1653 = arith.cmpi eq, %sub3A_109, %eq3A_1652 : vector<512x256xi32>
    %convert_element_type3A_1654 = arith.extui %eq3A_1653 : vector<512x256xi1> to vector<512x256xi32>
    %convert_element_type3A_1655 = arith.sitofp %convert_element_type3A_1654 : vector<512x256xi32> to vector<512x256xf32>
    %dot_general3A_1656 = arith.constant dense<0.000000e+00> : vector<512x256xf32>
    %dot_general3A_1657 = tpu.matmul %dot_general3A_1650, %convert_element_type3A_275, %dot_general3A_1656 {dimension_numbers = #tpu.dot_dimension_numbers<[1], [0], [0], [1], [0, 0, 1, 1], [], []>, transpose_lhs_hint = false} : vector<512x16xf32>, vector<16x256xf32>, vector<512x256xf32> -> vector<512x256xf32>
    %mul3A_1658 = arith.mulf %convert_element_type3A_1655, %dot_general3A_1657 : vector<512x256xf32>
    %add3A_1659 = arith.addf %add3A_1606, %mul3A_1658 : vector<512x256xf32>
    %sub3A_1660 = arith.constant 8 : i32
    %sub3A_1661 = vector.broadcast %sub3A_1660 : i32 to vector<8x256xi32>
    %sub3A_1662 = arith.subi %iota3A_133, %sub3A_1661 : vector<8x256xi32>
    %add3A_1663 = arith.constant 2 : i32
    %add3A_1664 = vector.broadcast %add3A_1663 : i32 to vector<8x256xi32>
    %add3A_1665 = arith.addi %sub3A_1662, %add3A_1664 : vector<8x256xi32>
    %eq3A_1666 = arith.cmpi eq, %select_n3A_132, %add3A_1665 : vector<8x256xi32>
    %convert_element_type3A_1667 = arith.extui %eq3A_1666 : vector<8x256xi1> to vector<8x256xi32>
    %convert_element_type3A_1668 = arith.sitofp %convert_element_type3A_1667 : vector<8x256xi32> to vector<8x256xf32>
    %dot_general3A_1669 = arith.constant dense<0.000000e+00> : vector<1x256xf32>
    %dot_general3A_1670 = tpu.matmul %dot_general3A_1623, %convert_element_type3A_203, %dot_general3A_1669 {dimension_numbers = #tpu.dot_dimension_numbers<[1], [0], [0], [1], [0, 0, 1, 1], [], []>, transpose_lhs_hint = false} : vector<1x16xf32>, vector<16x256xf32>, vector<1x256xf32> -> vector<1x256xf32>
    %mul3A_1671 = vector.broadcast %dot_general3A_1670 : vector<1x256xf32> to vector<8x256xf32>
    %mul3A_1672 = arith.mulf %convert_element_type3A_1668, %mul3A_1671 : vector<8x256xf32>
    %add3A_1673 = arith.addf %add3A_1620, %mul3A_1672 : vector<8x256xf32>
    %slice3A_1674 = vector.extract_strided_slice %dot_general3A_1423 {offsets = [0, 96], sizes = [16, 32], strides = [1, 1]} : vector<32x128xf32> to vector<16x32xf32>
    %dot_general3A_1675 = arith.constant dense<0.000000e+00> : vector<1x16xf32>
    %dot_general3A_1676 = tpu.matmul %get3A_40, %slice3A_1674, %dot_general3A_1675 {dimension_numbers = #tpu.dot_dimension_numbers<[0], [1], [1], [0], [0, 1, 1, 0], [], []>, transpose_lhs_hint = false} : vector<32x1xf32>, vector<16x32xf32>, vector<1x16xf32> -> vector<1x16xf32>
    %dot_general3A_1677 = arith.constant dense<0.000000e+00> : vector<16x1xf32>
    %dot_general3A_1678 = tpu.matmul %slice3A_1674, %get3A_43, %dot_general3A_1677 {dimension_numbers = #tpu.dot_dimension_numbers<[1], [0], [0], [1], [0, 0, 1, 1], [], []>, transpose_lhs_hint = false} : vector<16x32xf32>, vector<32x1xf32>, vector<16x1xf32> -> vector<16x1xf32>
    %ge3A_1679 = arith.constant 3 : i32
    %ge3A_1680 = vector.broadcast %ge3A_1679 : i32 to vector<1x80xi32>
    %ge3A_1681 = arith.cmpi sge, %iota3A_44, %ge3A_1680 : vector<1x80xi32>
    %lt3A_1682 = arith.constant 67 : i32
    %lt3A_1683 = vector.broadcast %lt3A_1682 : i32 to vector<1x80xi32>
    %lt3A_1684 = arith.cmpi slt, %iota3A_44, %lt3A_1683 : vector<1x80xi32>
    %and3A_1685 = arith.andi %ge3A_1681, %lt3A_1684 : vector<1x80xi1>
    %convert_element_type3A_1686 = arith.extui %and3A_1685 : vector<1x80xi1> to vector<1x80xi32>
    %convert_element_type3A_1687 = arith.sitofp %convert_element_type3A_1686 : vector<1x80xi32> to vector<1x80xf32>
    %mul3A_1688 = vector.broadcast %dot_general3A_1678 : vector<16x1xf32> to vector<16x80xf32>
    %mul3A_1689 = vector.broadcast %convert_element_type3A_1687 : vector<1x80xf32> to vector<16x80xf32>
    %mul3A_1690 = arith.mulf %mul3A_1688, %mul3A_1689 : vector<16x80xf32>
    %add3A_1691 = arith.addf %add3A_1638, %mul3A_1690 : vector<16x80xf32>
    %eq3A_1692 = arith.constant 3 : i32
    %eq3A_1693 = vector.broadcast %eq3A_1692 : i32 to vector<64x1024xi32>
    %eq3A_1694 = arith.cmpi eq, %sub3A, %eq3A_1693 : vector<64x1024xi32>
    %convert_element_type3A_1695 = arith.extui %eq3A_1694 : vector<64x1024xi1> to vector<64x1024xi32>
    %convert_element_type3A_1696 = arith.sitofp %convert_element_type3A_1695 : vector<64x1024xi32> to vector<64x1024xf32>
    %dot_general3A_1697 = arith.constant dense<0.000000e+00> : vector<1x1024xf32>
    %dot_general3A_1698 = tpu.matmul %dot_general3A_1676, %convert_element_type3A_167, %dot_general3A_1697 {dimension_numbers = #tpu.dot_dimension_numbers<[1], [0], [0], [1], [0, 0, 1, 1], [], []>, transpose_lhs_hint = false} : vector<1x16xf32>, vector<16x1024xf32>, vector<1x1024xf32> -> vector<1x1024xf32>
    %mul3A_1699 = vector.broadcast %dot_general3A_1698 : vector<1x1024xf32> to vector<64x1024xf32>
    %mul3A_1700 = arith.mulf %convert_element_type3A_1696, %mul3A_1699 : vector<64x1024xf32>
    %add3A_1701 = arith.addf %add3A_1648, %mul3A_1700 : vector<64x1024xf32>
    %dot_general3A_1702 = arith.constant dense<0.000000e+00> : vector<512x16xf32>
    %dot_general3A_1703 = tpu.matmul %convert_element_type3A_239, %slice3A_1674, %dot_general3A_1702 {dimension_numbers = #tpu.dot_dimension_numbers<[1], [1], [0], [0], [0, 0, 1, 0], [], []>, transpose_lhs_hint = false} : vector<512x32xf32>, vector<16x32xf32>, vector<512x16xf32> -> vector<512x16xf32>
    %eq3A_1704 = arith.constant 3 : i32
    %eq3A_1705 = vector.broadcast %eq3A_1704 : i32 to vector<512x256xi32>
    %eq3A_1706 = arith.cmpi eq, %sub3A_109, %eq3A_1705 : vector<512x256xi32>
    %convert_element_type3A_1707 = arith.extui %eq3A_1706 : vector<512x256xi1> to vector<512x256xi32>
    %convert_element_type3A_1708 = arith.sitofp %convert_element_type3A_1707 : vector<512x256xi32> to vector<512x256xf32>
    %dot_general3A_1709 = arith.constant dense<0.000000e+00> : vector<512x256xf32>
    %dot_general3A_1710 = tpu.matmul %dot_general3A_1703, %convert_element_type3A_275, %dot_general3A_1709 {dimension_numbers = #tpu.dot_dimension_numbers<[1], [0], [0], [1], [0, 0, 1, 1], [], []>, transpose_lhs_hint = false} : vector<512x16xf32>, vector<16x256xf32>, vector<512x256xf32> -> vector<512x256xf32>
    %mul3A_1711 = arith.mulf %convert_element_type3A_1708, %dot_general3A_1710 : vector<512x256xf32>
    %add3A_1712 = arith.addf %add3A_1659, %mul3A_1711 : vector<512x256xf32>
    %sub3A_1713 = arith.constant 8 : i32
    %sub3A_1714 = vector.broadcast %sub3A_1713 : i32 to vector<8x256xi32>
    %sub3A_1715 = arith.subi %iota3A_133, %sub3A_1714 : vector<8x256xi32>
    %add3A_1716 = arith.constant 3 : i32
    %add3A_1717 = vector.broadcast %add3A_1716 : i32 to vector<8x256xi32>
    %add3A_1718 = arith.addi %sub3A_1715, %add3A_1717 : vector<8x256xi32>
    %eq3A_1719 = arith.cmpi eq, %select_n3A_132, %add3A_1718 : vector<8x256xi32>
    %convert_element_type3A_1720 = arith.extui %eq3A_1719 : vector<8x256xi1> to vector<8x256xi32>
    %convert_element_type3A_1721 = arith.sitofp %convert_element_type3A_1720 : vector<8x256xi32> to vector<8x256xf32>
    %dot_general3A_1722 = arith.constant dense<0.000000e+00> : vector<1x256xf32>
    %dot_general3A_1723 = tpu.matmul %dot_general3A_1676, %convert_element_type3A_203, %dot_general3A_1722 {dimension_numbers = #tpu.dot_dimension_numbers<[1], [0], [0], [1], [0, 0, 1, 1], [], []>, transpose_lhs_hint = false} : vector<1x16xf32>, vector<16x256xf32>, vector<1x256xf32> -> vector<1x256xf32>
    %mul3A_1724 = vector.broadcast %dot_general3A_1723 : vector<1x256xf32> to vector<8x256xf32>
    %mul3A_1725 = arith.mulf %convert_element_type3A_1721, %mul3A_1724 : vector<8x256xf32>
    %add3A_1726 = arith.addf %add3A_1673, %mul3A_1725 : vector<8x256xf32>
    %slice3A_1727 = vector.extract_strided_slice %dot_general3A_1423 {offsets = [16, 0], sizes = [16, 32], strides = [1, 1]} : vector<32x128xf32> to vector<16x32xf32>
    %dot_general3A_1728 = arith.constant dense<0.000000e+00> : vector<1x16xf32>
    %dot_general3A_1729 = tpu.matmul %get3A_40, %slice3A_1727, %dot_general3A_1728 {dimension_numbers = #tpu.dot_dimension_numbers<[0], [1], [1], [0], [0, 1, 1, 0], [], []>, transpose_lhs_hint = false} : vector<32x1xf32>, vector<16x32xf32>, vector<1x16xf32> -> vector<1x16xf32>
    %dot_general3A_1730 = arith.constant dense<0.000000e+00> : vector<16x1xf32>
    %dot_general3A_1731 = tpu.matmul %slice3A_1727, %get3A_43, %dot_general3A_1730 {dimension_numbers = #tpu.dot_dimension_numbers<[1], [0], [0], [1], [0, 0, 1, 1], [], []>, transpose_lhs_hint = false} : vector<16x32xf32>, vector<32x1xf32>, vector<16x1xf32> -> vector<16x1xf32>
    %ge3A_1732 = arith.constant 4 : i32
    %ge3A_1733 = vector.broadcast %ge3A_1732 : i32 to vector<1x80xi32>
    %ge3A_1734 = arith.cmpi sge, %iota3A_44, %ge3A_1733 : vector<1x80xi32>
    %lt3A_1735 = arith.constant 68 : i32
    %lt3A_1736 = vector.broadcast %lt3A_1735 : i32 to vector<1x80xi32>
    %lt3A_1737 = arith.cmpi slt, %iota3A_44, %lt3A_1736 : vector<1x80xi32>
    %and3A_1738 = arith.andi %ge3A_1734, %lt3A_1737 : vector<1x80xi1>
    %convert_element_type3A_1739 = arith.extui %and3A_1738 : vector<1x80xi1> to vector<1x80xi32>
    %convert_element_type3A_1740 = arith.sitofp %convert_element_type3A_1739 : vector<1x80xi32> to vector<1x80xf32>
    %mul3A_1741 = vector.broadcast %dot_general3A_1731 : vector<16x1xf32> to vector<16x80xf32>
    %mul3A_1742 = vector.broadcast %convert_element_type3A_1740 : vector<1x80xf32> to vector<16x80xf32>
    %mul3A_1743 = arith.mulf %mul3A_1741, %mul3A_1742 : vector<16x80xf32>
    %add3A_1744 = arith.addf %add3A_1691, %mul3A_1743 : vector<16x80xf32>
    %eq3A_1745 = arith.constant 4 : i32
    %eq3A_1746 = vector.broadcast %eq3A_1745 : i32 to vector<64x1024xi32>
    %eq3A_1747 = arith.cmpi eq, %sub3A, %eq3A_1746 : vector<64x1024xi32>
    %convert_element_type3A_1748 = arith.extui %eq3A_1747 : vector<64x1024xi1> to vector<64x1024xi32>
    %convert_element_type3A_1749 = arith.sitofp %convert_element_type3A_1748 : vector<64x1024xi32> to vector<64x1024xf32>
    %dot_general3A_1750 = arith.constant dense<0.000000e+00> : vector<1x1024xf32>
    %dot_general3A_1751 = tpu.matmul %dot_general3A_1729, %convert_element_type3A_167, %dot_general3A_1750 {dimension_numbers = #tpu.dot_dimension_numbers<[1], [0], [0], [1], [0, 0, 1, 1], [], []>, transpose_lhs_hint = false} : vector<1x16xf32>, vector<16x1024xf32>, vector<1x1024xf32> -> vector<1x1024xf32>
    %mul3A_1752 = vector.broadcast %dot_general3A_1751 : vector<1x1024xf32> to vector<64x1024xf32>
    %mul3A_1753 = arith.mulf %convert_element_type3A_1749, %mul3A_1752 : vector<64x1024xf32>
    %add3A_1754 = arith.addf %add3A_1701, %mul3A_1753 : vector<64x1024xf32>
    %dot_general3A_1755 = arith.constant dense<0.000000e+00> : vector<512x16xf32>
    %dot_general3A_1756 = tpu.matmul %convert_element_type3A_239, %slice3A_1727, %dot_general3A_1755 {dimension_numbers = #tpu.dot_dimension_numbers<[1], [1], [0], [0], [0, 0, 1, 0], [], []>, transpose_lhs_hint = false} : vector<512x32xf32>, vector<16x32xf32>, vector<512x16xf32> -> vector<512x16xf32>
    %eq3A_1757 = arith.constant 4 : i32
    %eq3A_1758 = vector.broadcast %eq3A_1757 : i32 to vector<512x256xi32>
    %eq3A_1759 = arith.cmpi eq, %sub3A_109, %eq3A_1758 : vector<512x256xi32>
    %convert_element_type3A_1760 = arith.extui %eq3A_1759 : vector<512x256xi1> to vector<512x256xi32>
    %convert_element_type3A_1761 = arith.sitofp %convert_element_type3A_1760 : vector<512x256xi32> to vector<512x256xf32>
    %dot_general3A_1762 = arith.constant dense<0.000000e+00> : vector<512x256xf32>
    %dot_general3A_1763 = tpu.matmul %dot_general3A_1756, %convert_element_type3A_275, %dot_general3A_1762 {dimension_numbers = #tpu.dot_dimension_numbers<[1], [0], [0], [1], [0, 0, 1, 1], [], []>, transpose_lhs_hint = false} : vector<512x16xf32>, vector<16x256xf32>, vector<512x256xf32> -> vector<512x256xf32>
    %mul3A_1764 = arith.mulf %convert_element_type3A_1761, %dot_general3A_1763 : vector<512x256xf32>
    %add3A_1765 = arith.addf %add3A_1712, %mul3A_1764 : vector<512x256xf32>
    %sub3A_1766 = arith.constant 8 : i32
    %sub3A_1767 = vector.broadcast %sub3A_1766 : i32 to vector<8x256xi32>
    %sub3A_1768 = arith.subi %iota3A_133, %sub3A_1767 : vector<8x256xi32>
    %add3A_1769 = arith.constant 4 : i32
    %add3A_1770 = vector.broadcast %add3A_1769 : i32 to vector<8x256xi32>
    %add3A_1771 = arith.addi %sub3A_1768, %add3A_1770 : vector<8x256xi32>
    %eq3A_1772 = arith.cmpi eq, %select_n3A_132, %add3A_1771 : vector<8x256xi32>
    %convert_element_type3A_1773 = arith.extui %eq3A_1772 : vector<8x256xi1> to vector<8x256xi32>
    %convert_element_type3A_1774 = arith.sitofp %convert_element_type3A_1773 : vector<8x256xi32> to vector<8x256xf32>
    %dot_general3A_1775 = arith.constant dense<0.000000e+00> : vector<1x256xf32>
    %dot_general3A_1776 = tpu.matmul %dot_general3A_1729, %convert_element_type3A_203, %dot_general3A_1775 {dimension_numbers = #tpu.dot_dimension_numbers<[1], [0], [0], [1], [0, 0, 1, 1], [], []>, transpose_lhs_hint = false} : vector<1x16xf32>, vector<16x256xf32>, vector<1x256xf32> -> vector<1x256xf32>
    %mul3A_1777 = vector.broadcast %dot_general3A_1776 : vector<1x256xf32> to vector<8x256xf32>
    %mul3A_1778 = arith.mulf %convert_element_type3A_1774, %mul3A_1777 : vector<8x256xf32>
    %add3A_1779 = arith.addf %add3A_1726, %mul3A_1778 : vector<8x256xf32>
    %slice3A_1780 = vector.extract_strided_slice %dot_general3A_1423 {offsets = [16, 32], sizes = [16, 32], strides = [1, 1]} : vector<32x128xf32> to vector<16x32xf32>
    %dot_general3A_1781 = arith.constant dense<0.000000e+00> : vector<1x16xf32>
    %dot_general3A_1782 = tpu.matmul %get3A_40, %slice3A_1780, %dot_general3A_1781 {dimension_numbers = #tpu.dot_dimension_numbers<[0], [1], [1], [0], [0, 1, 1, 0], [], []>, transpose_lhs_hint = false} : vector<32x1xf32>, vector<16x32xf32>, vector<1x16xf32> -> vector<1x16xf32>
    %dot_general3A_1783 = arith.constant dense<0.000000e+00> : vector<16x1xf32>
    %dot_general3A_1784 = tpu.matmul %slice3A_1780, %get3A_43, %dot_general3A_1783 {dimension_numbers = #tpu.dot_dimension_numbers<[1], [0], [0], [1], [0, 0, 1, 1], [], []>, transpose_lhs_hint = false} : vector<16x32xf32>, vector<32x1xf32>, vector<16x1xf32> -> vector<16x1xf32>
    %ge3A_1785 = arith.constant 5 : i32
    %ge3A_1786 = vector.broadcast %ge3A_1785 : i32 to vector<1x80xi32>
    %ge3A_1787 = arith.cmpi sge, %iota3A_44, %ge3A_1786 : vector<1x80xi32>
    %lt3A_1788 = arith.constant 69 : i32
    %lt3A_1789 = vector.broadcast %lt3A_1788 : i32 to vector<1x80xi32>
    %lt3A_1790 = arith.cmpi slt, %iota3A_44, %lt3A_1789 : vector<1x80xi32>
    %and3A_1791 = arith.andi %ge3A_1787, %lt3A_1790 : vector<1x80xi1>
    %convert_element_type3A_1792 = arith.extui %and3A_1791 : vector<1x80xi1> to vector<1x80xi32>
    %convert_element_type3A_1793 = arith.sitofp %convert_element_type3A_1792 : vector<1x80xi32> to vector<1x80xf32>
    %mul3A_1794 = vector.broadcast %dot_general3A_1784 : vector<16x1xf32> to vector<16x80xf32>
    %mul3A_1795 = vector.broadcast %convert_element_type3A_1793 : vector<1x80xf32> to vector<16x80xf32>
    %mul3A_1796 = arith.mulf %mul3A_1794, %mul3A_1795 : vector<16x80xf32>
    %add3A_1797 = arith.addf %add3A_1744, %mul3A_1796 : vector<16x80xf32>
    %eq3A_1798 = arith.constant 5 : i32
    %eq3A_1799 = vector.broadcast %eq3A_1798 : i32 to vector<64x1024xi32>
    %eq3A_1800 = arith.cmpi eq, %sub3A, %eq3A_1799 : vector<64x1024xi32>
    %convert_element_type3A_1801 = arith.extui %eq3A_1800 : vector<64x1024xi1> to vector<64x1024xi32>
    %convert_element_type3A_1802 = arith.sitofp %convert_element_type3A_1801 : vector<64x1024xi32> to vector<64x1024xf32>
    %dot_general3A_1803 = arith.constant dense<0.000000e+00> : vector<1x1024xf32>
    %dot_general3A_1804 = tpu.matmul %dot_general3A_1782, %convert_element_type3A_167, %dot_general3A_1803 {dimension_numbers = #tpu.dot_dimension_numbers<[1], [0], [0], [1], [0, 0, 1, 1], [], []>, transpose_lhs_hint = false} : vector<1x16xf32>, vector<16x1024xf32>, vector<1x1024xf32> -> vector<1x1024xf32>
    %mul3A_1805 = vector.broadcast %dot_general3A_1804 : vector<1x1024xf32> to vector<64x1024xf32>
    %mul3A_1806 = arith.mulf %convert_element_type3A_1802, %mul3A_1805 : vector<64x1024xf32>
    %add3A_1807 = arith.addf %add3A_1754, %mul3A_1806 : vector<64x1024xf32>
    %dot_general3A_1808 = arith.constant dense<0.000000e+00> : vector<512x16xf32>
    %dot_general3A_1809 = tpu.matmul %convert_element_type3A_239, %slice3A_1780, %dot_general3A_1808 {dimension_numbers = #tpu.dot_dimension_numbers<[1], [1], [0], [0], [0, 0, 1, 0], [], []>, transpose_lhs_hint = false} : vector<512x32xf32>, vector<16x32xf32>, vector<512x16xf32> -> vector<512x16xf32>
    %eq3A_1810 = arith.constant 5 : i32
    %eq3A_1811 = vector.broadcast %eq3A_1810 : i32 to vector<512x256xi32>
    %eq3A_1812 = arith.cmpi eq, %sub3A_109, %eq3A_1811 : vector<512x256xi32>
    %convert_element_type3A_1813 = arith.extui %eq3A_1812 : vector<512x256xi1> to vector<512x256xi32>
    %convert_element_type3A_1814 = arith.sitofp %convert_element_type3A_1813 : vector<512x256xi32> to vector<512x256xf32>
    %dot_general3A_1815 = arith.constant dense<0.000000e+00> : vector<512x256xf32>
    %dot_general3A_1816 = tpu.matmul %dot_general3A_1809, %convert_element_type3A_275, %dot_general3A_1815 {dimension_numbers = #tpu.dot_dimension_numbers<[1], [0], [0], [1], [0, 0, 1, 1], [], []>, transpose_lhs_hint = false} : vector<512x16xf32>, vector<16x256xf32>, vector<512x256xf32> -> vector<512x256xf32>
    %mul3A_1817 = arith.mulf %convert_element_type3A_1814, %dot_general3A_1816 : vector<512x256xf32>
    %add3A_1818 = arith.addf %add3A_1765, %mul3A_1817 : vector<512x256xf32>
    %sub3A_1819 = arith.constant 8 : i32
    %sub3A_1820 = vector.broadcast %sub3A_1819 : i32 to vector<8x256xi32>
    %sub3A_1821 = arith.subi %iota3A_133, %sub3A_1820 : vector<8x256xi32>
    %add3A_1822 = arith.constant 5 : i32
    %add3A_1823 = vector.broadcast %add3A_1822 : i32 to vector<8x256xi32>
    %add3A_1824 = arith.addi %sub3A_1821, %add3A_1823 : vector<8x256xi32>
    %eq3A_1825 = arith.cmpi eq, %select_n3A_132, %add3A_1824 : vector<8x256xi32>
    %convert_element_type3A_1826 = arith.extui %eq3A_1825 : vector<8x256xi1> to vector<8x256xi32>
    %convert_element_type3A_1827 = arith.sitofp %convert_element_type3A_1826 : vector<8x256xi32> to vector<8x256xf32>
    %dot_general3A_1828 = arith.constant dense<0.000000e+00> : vector<1x256xf32>
    %dot_general3A_1829 = tpu.matmul %dot_general3A_1782, %convert_element_type3A_203, %dot_general3A_1828 {dimension_numbers = #tpu.dot_dimension_numbers<[1], [0], [0], [1], [0, 0, 1, 1], [], []>, transpose_lhs_hint = false} : vector<1x16xf32>, vector<16x256xf32>, vector<1x256xf32> -> vector<1x256xf32>
    %mul3A_1830 = vector.broadcast %dot_general3A_1829 : vector<1x256xf32> to vector<8x256xf32>
    %mul3A_1831 = arith.mulf %convert_element_type3A_1827, %mul3A_1830 : vector<8x256xf32>
    %add3A_1832 = arith.addf %add3A_1779, %mul3A_1831 : vector<8x256xf32>
    %slice3A_1833 = vector.extract_strided_slice %dot_general3A_1423 {offsets = [16, 64], sizes = [16, 32], strides = [1, 1]} : vector<32x128xf32> to vector<16x32xf32>
    %dot_general3A_1834 = arith.constant dense<0.000000e+00> : vector<1x16xf32>
    %dot_general3A_1835 = tpu.matmul %get3A_40, %slice3A_1833, %dot_general3A_1834 {dimension_numbers = #tpu.dot_dimension_numbers<[0], [1], [1], [0], [0, 1, 1, 0], [], []>, transpose_lhs_hint = false} : vector<32x1xf32>, vector<16x32xf32>, vector<1x16xf32> -> vector<1x16xf32>
    %dot_general3A_1836 = arith.constant dense<0.000000e+00> : vector<16x1xf32>
    %dot_general3A_1837 = tpu.matmul %slice3A_1833, %get3A_43, %dot_general3A_1836 {dimension_numbers = #tpu.dot_dimension_numbers<[1], [0], [0], [1], [0, 0, 1, 1], [], []>, transpose_lhs_hint = false} : vector<16x32xf32>, vector<32x1xf32>, vector<16x1xf32> -> vector<16x1xf32>
    %ge3A_1838 = arith.constant 6 : i32
    %ge3A_1839 = vector.broadcast %ge3A_1838 : i32 to vector<1x80xi32>
    %ge3A_1840 = arith.cmpi sge, %iota3A_44, %ge3A_1839 : vector<1x80xi32>
    %lt3A_1841 = arith.constant 70 : i32
    %lt3A_1842 = vector.broadcast %lt3A_1841 : i32 to vector<1x80xi32>
    %lt3A_1843 = arith.cmpi slt, %iota3A_44, %lt3A_1842 : vector<1x80xi32>
    %and3A_1844 = arith.andi %ge3A_1840, %lt3A_1843 : vector<1x80xi1>
    %convert_element_type3A_1845 = arith.extui %and3A_1844 : vector<1x80xi1> to vector<1x80xi32>
    %convert_element_type3A_1846 = arith.sitofp %convert_element_type3A_1845 : vector<1x80xi32> to vector<1x80xf32>
    %mul3A_1847 = vector.broadcast %dot_general3A_1837 : vector<16x1xf32> to vector<16x80xf32>
    %mul3A_1848 = vector.broadcast %convert_element_type3A_1846 : vector<1x80xf32> to vector<16x80xf32>
    %mul3A_1849 = arith.mulf %mul3A_1847, %mul3A_1848 : vector<16x80xf32>
    %add3A_1850 = arith.addf %add3A_1797, %mul3A_1849 : vector<16x80xf32>
    %eq3A_1851 = arith.constant 6 : i32
    %eq3A_1852 = vector.broadcast %eq3A_1851 : i32 to vector<64x1024xi32>
    %eq3A_1853 = arith.cmpi eq, %sub3A, %eq3A_1852 : vector<64x1024xi32>
    %convert_element_type3A_1854 = arith.extui %eq3A_1853 : vector<64x1024xi1> to vector<64x1024xi32>
    %convert_element_type3A_1855 = arith.sitofp %convert_element_type3A_1854 : vector<64x1024xi32> to vector<64x1024xf32>
    %dot_general3A_1856 = arith.constant dense<0.000000e+00> : vector<1x1024xf32>
    %dot_general3A_1857 = tpu.matmul %dot_general3A_1835, %convert_element_type3A_167, %dot_general3A_1856 {dimension_numbers = #tpu.dot_dimension_numbers<[1], [0], [0], [1], [0, 0, 1, 1], [], []>, transpose_lhs_hint = false} : vector<1x16xf32>, vector<16x1024xf32>, vector<1x1024xf32> -> vector<1x1024xf32>
    %mul3A_1858 = vector.broadcast %dot_general3A_1857 : vector<1x1024xf32> to vector<64x1024xf32>
    %mul3A_1859 = arith.mulf %convert_element_type3A_1855, %mul3A_1858 : vector<64x1024xf32>
    %add3A_1860 = arith.addf %add3A_1807, %mul3A_1859 : vector<64x1024xf32>
    %dot_general3A_1861 = arith.constant dense<0.000000e+00> : vector<512x16xf32>
    %dot_general3A_1862 = tpu.matmul %convert_element_type3A_239, %slice3A_1833, %dot_general3A_1861 {dimension_numbers = #tpu.dot_dimension_numbers<[1], [1], [0], [0], [0, 0, 1, 0], [], []>, transpose_lhs_hint = false} : vector<512x32xf32>, vector<16x32xf32>, vector<512x16xf32> -> vector<512x16xf32>
    %eq3A_1863 = arith.constant 6 : i32
    %eq3A_1864 = vector.broadcast %eq3A_1863 : i32 to vector<512x256xi32>
    %eq3A_1865 = arith.cmpi eq, %sub3A_109, %eq3A_1864 : vector<512x256xi32>
    %convert_element_type3A_1866 = arith.extui %eq3A_1865 : vector<512x256xi1> to vector<512x256xi32>
    %convert_element_type3A_1867 = arith.sitofp %convert_element_type3A_1866 : vector<512x256xi32> to vector<512x256xf32>
    %dot_general3A_1868 = arith.constant dense<0.000000e+00> : vector<512x256xf32>
    %dot_general3A_1869 = tpu.matmul %dot_general3A_1862, %convert_element_type3A_275, %dot_general3A_1868 {dimension_numbers = #tpu.dot_dimension_numbers<[1], [0], [0], [1], [0, 0, 1, 1], [], []>, transpose_lhs_hint = false} : vector<512x16xf32>, vector<16x256xf32>, vector<512x256xf32> -> vector<512x256xf32>
    %mul3A_1870 = arith.mulf %convert_element_type3A_1867, %dot_general3A_1869 : vector<512x256xf32>
    %add3A_1871 = arith.addf %add3A_1818, %mul3A_1870 : vector<512x256xf32>
    %sub3A_1872 = arith.constant 8 : i32
    %sub3A_1873 = vector.broadcast %sub3A_1872 : i32 to vector<8x256xi32>
    %sub3A_1874 = arith.subi %iota3A_133, %sub3A_1873 : vector<8x256xi32>
    %add3A_1875 = arith.constant 6 : i32
    %add3A_1876 = vector.broadcast %add3A_1875 : i32 to vector<8x256xi32>
    %add3A_1877 = arith.addi %sub3A_1874, %add3A_1876 : vector<8x256xi32>
    %eq3A_1878 = arith.cmpi eq, %select_n3A_132, %add3A_1877 : vector<8x256xi32>
    %convert_element_type3A_1879 = arith.extui %eq3A_1878 : vector<8x256xi1> to vector<8x256xi32>
    %convert_element_type3A_1880 = arith.sitofp %convert_element_type3A_1879 : vector<8x256xi32> to vector<8x256xf32>
    %dot_general3A_1881 = arith.constant dense<0.000000e+00> : vector<1x256xf32>
    %dot_general3A_1882 = tpu.matmul %dot_general3A_1835, %convert_element_type3A_203, %dot_general3A_1881 {dimension_numbers = #tpu.dot_dimension_numbers<[1], [0], [0], [1], [0, 0, 1, 1], [], []>, transpose_lhs_hint = false} : vector<1x16xf32>, vector<16x256xf32>, vector<1x256xf32> -> vector<1x256xf32>
    %mul3A_1883 = vector.broadcast %dot_general3A_1882 : vector<1x256xf32> to vector<8x256xf32>
    %mul3A_1884 = arith.mulf %convert_element_type3A_1880, %mul3A_1883 : vector<8x256xf32>
    %add3A_1885 = arith.addf %add3A_1832, %mul3A_1884 : vector<8x256xf32>
    %slice3A_1886 = vector.extract_strided_slice %dot_general3A_1423 {offsets = [16, 96], sizes = [16, 32], strides = [1, 1]} : vector<32x128xf32> to vector<16x32xf32>
    %dot_general3A_1887 = arith.constant dense<0.000000e+00> : vector<1x16xf32>
    %dot_general3A_1888 = tpu.matmul %get3A_40, %slice3A_1886, %dot_general3A_1887 {dimension_numbers = #tpu.dot_dimension_numbers<[0], [1], [1], [0], [0, 1, 1, 0], [], []>, transpose_lhs_hint = false} : vector<32x1xf32>, vector<16x32xf32>, vector<1x16xf32> -> vector<1x16xf32>
    %dot_general3A_1889 = arith.constant dense<0.000000e+00> : vector<16x1xf32>
    %dot_general3A_1890 = tpu.matmul %slice3A_1886, %get3A_43, %dot_general3A_1889 {dimension_numbers = #tpu.dot_dimension_numbers<[1], [0], [0], [1], [0, 0, 1, 1], [], []>, transpose_lhs_hint = false} : vector<16x32xf32>, vector<32x1xf32>, vector<16x1xf32> -> vector<16x1xf32>
    %ge3A_1891 = arith.constant 7 : i32
    %ge3A_1892 = vector.broadcast %ge3A_1891 : i32 to vector<1x80xi32>
    %ge3A_1893 = arith.cmpi sge, %iota3A_44, %ge3A_1892 : vector<1x80xi32>
    %lt3A_1894 = arith.constant 71 : i32
    %lt3A_1895 = vector.broadcast %lt3A_1894 : i32 to vector<1x80xi32>
    %lt3A_1896 = arith.cmpi slt, %iota3A_44, %lt3A_1895 : vector<1x80xi32>
    %and3A_1897 = arith.andi %ge3A_1893, %lt3A_1896 : vector<1x80xi1>
    %convert_element_type3A_1898 = arith.extui %and3A_1897 : vector<1x80xi1> to vector<1x80xi32>
    %convert_element_type3A_1899 = arith.sitofp %convert_element_type3A_1898 : vector<1x80xi32> to vector<1x80xf32>
    %mul3A_1900 = vector.broadcast %dot_general3A_1890 : vector<16x1xf32> to vector<16x80xf32>
    %mul3A_1901 = vector.broadcast %convert_element_type3A_1899 : vector<1x80xf32> to vector<16x80xf32>
    %mul3A_1902 = arith.mulf %mul3A_1900, %mul3A_1901 : vector<16x80xf32>
    %add3A_1903 = arith.addf %add3A_1850, %mul3A_1902 : vector<16x80xf32>
    %eq3A_1904 = arith.constant 7 : i32
    %eq3A_1905 = vector.broadcast %eq3A_1904 : i32 to vector<64x1024xi32>
    %eq3A_1906 = arith.cmpi eq, %sub3A, %eq3A_1905 : vector<64x1024xi32>
    %convert_element_type3A_1907 = arith.extui %eq3A_1906 : vector<64x1024xi1> to vector<64x1024xi32>
    %convert_element_type3A_1908 = arith.sitofp %convert_element_type3A_1907 : vector<64x1024xi32> to vector<64x1024xf32>
    %dot_general3A_1909 = arith.constant dense<0.000000e+00> : vector<1x1024xf32>
    %dot_general3A_1910 = tpu.matmul %dot_general3A_1888, %convert_element_type3A_167, %dot_general3A_1909 {dimension_numbers = #tpu.dot_dimension_numbers<[1], [0], [0], [1], [0, 0, 1, 1], [], []>, transpose_lhs_hint = false} : vector<1x16xf32>, vector<16x1024xf32>, vector<1x1024xf32> -> vector<1x1024xf32>
    %mul3A_1911 = vector.broadcast %dot_general3A_1910 : vector<1x1024xf32> to vector<64x1024xf32>
    %mul3A_1912 = arith.mulf %convert_element_type3A_1908, %mul3A_1911 : vector<64x1024xf32>
    %add3A_1913 = arith.addf %add3A_1860, %mul3A_1912 : vector<64x1024xf32>
    %dot_general3A_1914 = arith.constant dense<0.000000e+00> : vector<512x16xf32>
    %dot_general3A_1915 = tpu.matmul %convert_element_type3A_239, %slice3A_1886, %dot_general3A_1914 {dimension_numbers = #tpu.dot_dimension_numbers<[1], [1], [0], [0], [0, 0, 1, 0], [], []>, transpose_lhs_hint = false} : vector<512x32xf32>, vector<16x32xf32>, vector<512x16xf32> -> vector<512x16xf32>
    %eq3A_1916 = arith.constant 7 : i32
    %eq3A_1917 = vector.broadcast %eq3A_1916 : i32 to vector<512x256xi32>
    %eq3A_1918 = arith.cmpi eq, %sub3A_109, %eq3A_1917 : vector<512x256xi32>
    %convert_element_type3A_1919 = arith.extui %eq3A_1918 : vector<512x256xi1> to vector<512x256xi32>
    %convert_element_type3A_1920 = arith.sitofp %convert_element_type3A_1919 : vector<512x256xi32> to vector<512x256xf32>
    %dot_general3A_1921 = arith.constant dense<0.000000e+00> : vector<512x256xf32>
    %dot_general3A_1922 = tpu.matmul %dot_general3A_1915, %convert_element_type3A_275, %dot_general3A_1921 {dimension_numbers = #tpu.dot_dimension_numbers<[1], [0], [0], [1], [0, 0, 1, 1], [], []>, transpose_lhs_hint = false} : vector<512x16xf32>, vector<16x256xf32>, vector<512x256xf32> -> vector<512x256xf32>
    %mul3A_1923 = arith.mulf %convert_element_type3A_1920, %dot_general3A_1922 : vector<512x256xf32>
    %add3A_1924 = arith.addf %add3A_1871, %mul3A_1923 : vector<512x256xf32>
    %sub3A_1925 = arith.constant 8 : i32
    %sub3A_1926 = vector.broadcast %sub3A_1925 : i32 to vector<8x256xi32>
    %sub3A_1927 = arith.subi %iota3A_133, %sub3A_1926 : vector<8x256xi32>
    %add3A_1928 = arith.constant 7 : i32
    %add3A_1929 = vector.broadcast %add3A_1928 : i32 to vector<8x256xi32>
    %add3A_1930 = arith.addi %sub3A_1927, %add3A_1929 : vector<8x256xi32>
    %eq3A_1931 = arith.cmpi eq, %select_n3A_132, %add3A_1930 : vector<8x256xi32>
    %convert_element_type3A_1932 = arith.extui %eq3A_1931 : vector<8x256xi1> to vector<8x256xi32>
    %convert_element_type3A_1933 = arith.sitofp %convert_element_type3A_1932 : vector<8x256xi32> to vector<8x256xf32>
    %dot_general3A_1934 = arith.constant dense<0.000000e+00> : vector<1x256xf32>
    %dot_general3A_1935 = tpu.matmul %dot_general3A_1888, %convert_element_type3A_203, %dot_general3A_1934 {dimension_numbers = #tpu.dot_dimension_numbers<[1], [0], [0], [1], [0, 0, 1, 1], [], []>, transpose_lhs_hint = false} : vector<1x16xf32>, vector<16x256xf32>, vector<1x256xf32> -> vector<1x256xf32>
    %mul3A_1936 = vector.broadcast %dot_general3A_1935 : vector<1x256xf32> to vector<8x256xf32>
    %mul3A_1937 = arith.mulf %convert_element_type3A_1933, %mul3A_1936 : vector<8x256xf32>
    %add3A_1938 = arith.addf %add3A_1885, %mul3A_1937 : vector<8x256xf32>
    %swap3A_1939 = arith.constant 0 : index
    %swap3A_1940 = arith.constant 0 : index
    %swap3A_1941 = vector.load %arg30[%swap3A_1939, %swap3A_1940] : memref<64x1024xf32, #tpu.memory_space<vmem>>, vector<64x1024xf32>
    tpu.vector_store %arg30[%swap3A_1939, %swap3A_1940], %add3A_1913 {strides = array<i32>} : memref<64x1024xf32, #tpu.memory_space<vmem>>, vector<64x1024xf32>,
    %slice3A_1942 = vector.extract_strided_slice %add3A_1903 {offsets = [0, 0], sizes = [16, 64], strides = [1, 1]} : vector<16x80xf32> to vector<16x64xf32>
    %swap3A_1943 = arith.constant 0 : index
    %swap3A_1944 = arith.constant 0 : index
    %swap3A_1945 = vector.load %arg33[%swap3A_1943, %swap3A_1944] : memref<16x64xf32, #tpu.memory_space<vmem>>, vector<16x64xf32>
    tpu.vector_store %arg33[%swap3A_1943, %swap3A_1944], %slice3A_1942 {strides = array<i32>} : memref<16x64xf32, #tpu.memory_space<vmem>>, vector<16x64xf32>,
    %slice3A_1946 = vector.extract_strided_slice %add3A_1903 {offsets = [0, 64], sizes = [16, 16], strides = [1, 1]} : vector<16x80xf32> to vector<16x16xf32>
    %swap3A_1947 = arith.constant 0 : index
    %swap3A_1948 = arith.constant 0 : index
    %swap3A_1949 = vector.load %arg42[%swap3A_1947, %swap3A_1948] : memref<16x16xf32, #tpu.memory_space<vmem>>, vector<16x16xf32>
    tpu.vector_store %arg42[%swap3A_1947, %swap3A_1948], %slice3A_1946 {strides = array<i32>} : memref<16x16xf32, #tpu.memory_space<vmem>>, vector<16x16xf32>,
    %swap3A_1950 = arith.constant 0 : index
    %swap3A_1951 = arith.constant 0 : index
    %swap3A_1952 = vector.load %arg36[%swap3A_1950, %swap3A_1951] : memref<512x256xf32, #tpu.memory_space<vmem>>, vector<512x256xf32>
    tpu.vector_store %arg36[%swap3A_1950, %swap3A_1951], %add3A_1924 {strides = array<i32>} : memref<512x256xf32, #tpu.memory_space<vmem>>, vector<512x256xf32>,
    %swap3A_1953 = arith.constant 0 : index
    %swap3A_1954 = arith.constant 0 : index
    %swap3A_1955 = vector.load %arg39[%swap3A_1953, %swap3A_1954] : memref<8x256xf32, #tpu.memory_space<vmem>>, vector<8x256xf32>
    tpu.vector_store %arg39[%swap3A_1953, %swap3A_1954], %add3A_1938 {strides = array<i32>} : memref<8x256xf32, #tpu.memory_space<vmem>>, vector<8x256xf32>,
    %iota3A_1956 = tpu.iota {dimensions = array<i32: 0>} : vector<256x512xi32>
    %jit3A_1957 = arith.constant 16 : i32
    %eq3A_1958 = arith.constant 0 : i32
    %eq3A_1959 = arith.cmpi eq, %jit3A_1957, %eq3A_1958 : i32
    %jit3A_1960 = arith.constant 1 : i32
    %select_n3A_1961 = arith.select %eq3A_1959, %jit3A_1960, %jit3A_1957 : i32
    %rem3A_1962 = vector.broadcast %select_n3A_1961 : i32 to vector<256x512xi32>
    %rem3A_1963 = arith.remsi %iota3A_1956, %rem3A_1962 : vector<256x512xi32>
    %ne3A_1964 = arith.constant 0 : i32
    %ne3A_1965 = vector.broadcast %ne3A_1964 : i32 to vector<256x512xi32>
    %ne3A_1966 = arith.cmpi ne, %rem3A_1963, %ne3A_1965 : vector<256x512xi32>
    %lt3A_1967 = arith.constant 0 : i32
    %lt3A_1968 = vector.broadcast %lt3A_1967 : i32 to vector<256x512xi32>
    %lt3A_1969 = arith.cmpi slt, %rem3A_1963, %lt3A_1968 : vector<256x512xi32>
    %lt3A_1970 = arith.constant 0 : i32
    %lt3A_1971 = arith.cmpi slt, %select_n3A_1961, %lt3A_1970 : i32
    %ne3A_1972 = vector.broadcast %lt3A_1971 : i1 to vector<256x512xi1>
    %ne3A_1973 = vector.broadcast %ne3A_1972 : vector<256x512xi1> to vector<256x512xi1>
    %ne3A_1974 = arith.xori %lt3A_1969, %ne3A_1973 : vector<256x512xi1>
    %and3A_1975 = arith.andi %ne3A_1974, %ne3A_1966 : vector<256x512xi1>
    %add3A_1976 = vector.broadcast %select_n3A_1961 : i32 to vector<256x512xi32>
    %add3A_1977 = arith.addi %rem3A_1963, %add3A_1976 : vector<256x512xi32>
    %select_n3A_1978 = arith.select %and3A_1975, %add3A_1977, %rem3A_1963 : vector<256x512xi1>, vector<256x512xi32>
    %iota3A_1979 = tpu.iota {dimensions = array<i32: 1>} : vector<256x512xi32>
    %jit3A_1980 = arith.constant 16 : i32
    %eq3A_1981 = arith.constant 0 : i32
    %eq3A_1982 = arith.cmpi eq, %jit3A_1980, %eq3A_1981 : i32
    %jit3A_1983 = arith.constant 1 : i32
    %select_n3A_1984 = arith.select %eq3A_1982, %jit3A_1983, %jit3A_1980 : i32
    %rem3A_1985 = vector.broadcast %select_n3A_1984 : i32 to vector<256x512xi32>
    %rem3A_1986 = arith.remsi %iota3A_1979, %rem3A_1985 : vector<256x512xi32>
    %ne3A_1987 = arith.constant 0 : i32
    %ne3A_1988 = vector.broadcast %ne3A_1987 : i32 to vector<256x512xi32>
    %ne3A_1989 = arith.cmpi ne, %rem3A_1986, %ne3A_1988 : vector<256x512xi32>
    %lt3A_1990 = arith.constant 0 : i32
    %lt3A_1991 = vector.broadcast %lt3A_1990 : i32 to vector<256x512xi32>
    %lt3A_1992 = arith.cmpi slt, %rem3A_1986, %lt3A_1991 : vector<256x512xi32>
    %lt3A_1993 = arith.constant 0 : i32
    %lt3A_1994 = arith.cmpi slt, %select_n3A_1984, %lt3A_1993 : i32
    %ne3A_1995 = vector.broadcast %lt3A_1994 : i1 to vector<256x512xi1>
    %ne3A_1996 = vector.broadcast %ne3A_1995 : vector<256x512xi1> to vector<256x512xi1>
    %ne3A_1997 = arith.xori %lt3A_1992, %ne3A_1996 : vector<256x512xi1>
    %and3A_1998 = arith.andi %ne3A_1997, %ne3A_1989 : vector<256x512xi1>
    %add3A_1999 = vector.broadcast %select_n3A_1984 : i32 to vector<256x512xi32>
    %add3A_2000 = arith.addi %rem3A_1986, %add3A_1999 : vector<256x512xi32>
    %select_n3A_2001 = arith.select %and3A_1998, %add3A_2000, %rem3A_1986 : vector<256x512xi1>, vector<256x512xi32>
    %eq3A_2002 = arith.cmpi eq, %select_n3A_1978, %select_n3A_2001 : vector<256x512xi32>
    %convert_element_type3A_2003 = arith.extui %eq3A_2002 : vector<256x512xi1> to vector<256x512xi32>
    %convert_element_type3A_2004 = arith.sitofp %convert_element_type3A_2003 : vector<256x512xi32> to vector<256x512xf32>
    %iota3A_2005 = tpu.iota {dimensions = array<i32: 0>} : vector<256x16xi32>
    %jit3A_2006 = arith.constant 16 : i32
    %div3A_2007 = vector.broadcast %jit3A_2006 : i32 to vector<256x16xi32>
    %div3A_2008 = arith.divsi %iota3A_2005, %div3A_2007 : vector<256x16xi32>
    %sign3A_2009 = arith.constant 0 : i32
    %sign3A_2010 = vector.broadcast %sign3A_2009 : i32 to vector<256x16xi32>
    %sign3A_2011 = arith.cmpi sgt, %iota3A_2005, %sign3A_2010 : vector<256x16xi32>
    %sign3A_2012 = arith.extui %sign3A_2011 : vector<256x16xi1> to vector<256x16xi32>
    %sign3A_2013 = arith.constant 0 : i32
    %sign3A_2014 = vector.broadcast %sign3A_2013 : i32 to vector<256x16xi32>
    %sign3A_2015 = arith.cmpi slt, %iota3A_2005, %sign3A_2014 : vector<256x16xi32>
    %sign3A_2016 = arith.extui %sign3A_2015 : vector<256x16xi1> to vector<256x16xi32>
    %sign3A_2017 = arith.subi %sign3A_2012, %sign3A_2016 : vector<256x16xi32>
    %sign3A_2018 = arith.constant 0 : i32
    %sign3A_2019 = arith.cmpi sgt, %jit3A_2006, %sign3A_2018 : i32
    %sign3A_2020 = arith.extui %sign3A_2019 : i1 to i32
    %sign3A_2021 = arith.constant 0 : i32
    %sign3A_2022 = arith.cmpi slt, %jit3A_2006, %sign3A_2021 : i32
    %sign3A_2023 = arith.extui %sign3A_2022 : i1 to i32
    %sign3A_2024 = arith.subi %sign3A_2020, %sign3A_2023 : i32
    %ne3A_2025 = vector.broadcast %sign3A_2024 : i32 to vector<256x16xi32>
    %ne3A_2026 = arith.cmpi ne, %sign3A_2017, %ne3A_2025 : vector<256x16xi32>
    %rem3A_2027 = vector.broadcast %jit3A_2006 : i32 to vector<256x16xi32>
    %rem3A_2028 = arith.remsi %iota3A_2005, %rem3A_2027 : vector<256x16xi32>
    %ne3A_2029 = arith.constant 0 : i32
    %ne3A_2030 = vector.broadcast %ne3A_2029 : i32 to vector<256x16xi32>
    %ne3A_2031 = arith.cmpi ne, %rem3A_2028, %ne3A_2030 : vector<256x16xi32>
    %and3A_2032 = arith.andi %ne3A_2026, %ne3A_2031 : vector<256x16xi1>
    %sub3A_2033 = arith.constant 1 : i32
    %sub3A_2034 = vector.broadcast %sub3A_2033 : i32 to vector<256x16xi32>
    %sub3A_2035 = arith.subi %div3A_2008, %sub3A_2034 : vector<256x16xi32>
    %select_n3A_2036 = arith.select %and3A_2032, %sub3A_2035, %div3A_2008 : vector<256x16xi1>, vector<256x16xi32>
    %iota3A_2037 = tpu.iota {dimensions = array<i32: 1>} : vector<256x16xi32>
    %eq3A_2038 = arith.cmpi eq, %select_n3A_2036, %iota3A_2037 : vector<256x16xi32>
    %convert_element_type3A_2039 = arith.extui %eq3A_2038 : vector<256x16xi1> to vector<256x16xi32>
    %convert_element_type3A_2040 = arith.sitofp %convert_element_type3A_2039 : vector<256x16xi32> to vector<256x16xf32>
    %get3A_2041 = arith.constant 0 : index
    %get3A_2042 = arith.constant 0 : index
    %get3A_2043 = vector.load %arg20[%get3A_2041, %get3A_2042] : memref<32x16xf32, #tpu.memory_space<vmem>>, vector<32x16xf32>
    %dot_general3A_2044 = arith.constant dense<0.000000e+00> : vector<256x32xf32>
    %dot_general3A_2045 = tpu.matmul %convert_element_type3A_2040, %get3A_2043, %dot_general3A_2044 {dimension_numbers = #tpu.dot_dimension_numbers<[1], [1], [0], [0], [0, 0, 1, 0], [], []>, transpose_lhs_hint = false} : vector<256x16xf32>, vector<32x16xf32>, vector<256x32xf32> -> vector<256x32xf32>
    %iota3A_2046 = tpu.iota {dimensions = array<i32: 0>} : vector<32x512xi32>
    %iota3A_2047 = tpu.iota {dimensions = array<i32: 1>} : vector<32x512xi32>
    %jit3A_2048 = arith.constant 16 : i32
    %div3A_2049 = vector.broadcast %jit3A_2048 : i32 to vector<32x512xi32>
    %div3A_2050 = arith.divsi %iota3A_2047, %div3A_2049 : vector<32x512xi32>
    %sign3A_2051 = arith.constant 0 : i32
    %sign3A_2052 = vector.broadcast %sign3A_2051 : i32 to vector<32x512xi32>
    %sign3A_2053 = arith.cmpi sgt, %iota3A_2047, %sign3A_2052 : vector<32x512xi32>
    %sign3A_2054 = arith.extui %sign3A_2053 : vector<32x512xi1> to vector<32x512xi32>
    %sign3A_2055 = arith.constant 0 : i32
    %sign3A_2056 = vector.broadcast %sign3A_2055 : i32 to vector<32x512xi32>
    %sign3A_2057 = arith.cmpi slt, %iota3A_2047, %sign3A_2056 : vector<32x512xi32>
    %sign3A_2058 = arith.extui %sign3A_2057 : vector<32x512xi1> to vector<32x512xi32>
    %sign3A_2059 = arith.subi %sign3A_2054, %sign3A_2058 : vector<32x512xi32>
    %sign3A_2060 = arith.constant 0 : i32
    %sign3A_2061 = arith.cmpi sgt, %jit3A_2048, %sign3A_2060 : i32
    %sign3A_2062 = arith.extui %sign3A_2061 : i1 to i32
    %sign3A_2063 = arith.constant 0 : i32
    %sign3A_2064 = arith.cmpi slt, %jit3A_2048, %sign3A_2063 : i32
    %sign3A_2065 = arith.extui %sign3A_2064 : i1 to i32
    %sign3A_2066 = arith.subi %sign3A_2062, %sign3A_2065 : i32
    %ne3A_2067 = vector.broadcast %sign3A_2066 : i32 to vector<32x512xi32>
    %ne3A_2068 = arith.cmpi ne, %sign3A_2059, %ne3A_2067 : vector<32x512xi32>
    %rem3A_2069 = vector.broadcast %jit3A_2048 : i32 to vector<32x512xi32>
    %rem3A_2070 = arith.remsi %iota3A_2047, %rem3A_2069 : vector<32x512xi32>
    %ne3A_2071 = arith.constant 0 : i32
    %ne3A_2072 = vector.broadcast %ne3A_2071 : i32 to vector<32x512xi32>
    %ne3A_2073 = arith.cmpi ne, %rem3A_2070, %ne3A_2072 : vector<32x512xi32>
    %and3A_2074 = arith.andi %ne3A_2068, %ne3A_2073 : vector<32x512xi1>
    %sub3A_2075 = arith.constant 1 : i32
    %sub3A_2076 = vector.broadcast %sub3A_2075 : i32 to vector<32x512xi32>
    %sub3A_2077 = arith.subi %div3A_2050, %sub3A_2076 : vector<32x512xi32>
    %select_n3A_2078 = arith.select %and3A_2074, %sub3A_2077, %div3A_2050 : vector<32x512xi1>, vector<32x512xi32>
    %eq3A_2079 = arith.cmpi eq, %iota3A_2046, %select_n3A_2078 : vector<32x512xi32>
    %convert_element_type3A_2080 = arith.extui %eq3A_2079 : vector<32x512xi1> to vector<32x512xi32>
    %convert_element_type3A_2081 = arith.sitofp %convert_element_type3A_2080 : vector<32x512xi32> to vector<32x512xf32>
    %dot_general3A_2082 = arith.constant dense<0.000000e+00> : vector<256x512xf32>
    %dot_general3A_2083 = tpu.matmul %dot_general3A_2045, %convert_element_type3A_2081, %dot_general3A_2082 {dimension_numbers = #tpu.dot_dimension_numbers<[1], [0], [0], [1], [0, 0, 1, 1], [], []>, transpose_lhs_hint = false} : vector<256x32xf32>, vector<32x512xf32>, vector<256x512xf32> -> vector<256x512xf32>
    %mul3A_2084 = arith.mulf %convert_element_type3A_2004, %dot_general3A_2083 : vector<256x512xf32>
    %swap3A_2085 = arith.constant 0 : index
    %swap3A_2086 = arith.constant 0 : index
    %swap3A_2087 = vector.load %arg43[%swap3A_2085, %swap3A_2086] : memref<256x512xf32, #tpu.memory_space<vmem>>, vector<256x512xf32>
    tpu.vector_store %arg43[%swap3A_2085, %swap3A_2086], %mul3A_2084 {strides = array<i32>} : memref<256x512xf32, #tpu.memory_space<vmem>>, vector<256x512xf32>,
    %get3A_2088 = arith.constant 0 : index
    %get3A_2089 = arith.constant 0 : index
    %get3A_2090 = vector.load %arg21[%get3A_2088, %get3A_2089] : memref<32x1xf32, #tpu.memory_space<vmem>>, vector<32x1xf32>
    %iota3A_2091 = tpu.iota {dimensions = array<i32: 0>} : vector<32x512xi32>
    %iota3A_2092 = tpu.iota {dimensions = array<i32: 1>} : vector<32x512xi32>
    %jit3A_2093 = arith.constant 16 : i32
    %div3A_2094 = vector.broadcast %jit3A_2093 : i32 to vector<32x512xi32>
    %div3A_2095 = arith.divsi %iota3A_2092, %div3A_2094 : vector<32x512xi32>
    %sign3A_2096 = arith.constant 0 : i32
    %sign3A_2097 = vector.broadcast %sign3A_2096 : i32 to vector<32x512xi32>
    %sign3A_2098 = arith.cmpi sgt, %iota3A_2092, %sign3A_2097 : vector<32x512xi32>
    %sign3A_2099 = arith.extui %sign3A_2098 : vector<32x512xi1> to vector<32x512xi32>
    %sign3A_2100 = arith.constant 0 : i32
    %sign3A_2101 = vector.broadcast %sign3A_2100 : i32 to vector<32x512xi32>
    %sign3A_2102 = arith.cmpi slt, %iota3A_2092, %sign3A_2101 : vector<32x512xi32>
    %sign3A_2103 = arith.extui %sign3A_2102 : vector<32x512xi1> to vector<32x512xi32>
    %sign3A_2104 = arith.subi %sign3A_2099, %sign3A_2103 : vector<32x512xi32>
    %sign3A_2105 = arith.constant 0 : i32
    %sign3A_2106 = arith.cmpi sgt, %jit3A_2093, %sign3A_2105 : i32
    %sign3A_2107 = arith.extui %sign3A_2106 : i1 to i32
    %sign3A_2108 = arith.constant 0 : i32
    %sign3A_2109 = arith.cmpi slt, %jit3A_2093, %sign3A_2108 : i32
    %sign3A_2110 = arith.extui %sign3A_2109 : i1 to i32
    %sign3A_2111 = arith.subi %sign3A_2107, %sign3A_2110 : i32
    %ne3A_2112 = vector.broadcast %sign3A_2111 : i32 to vector<32x512xi32>
    %ne3A_2113 = arith.cmpi ne, %sign3A_2104, %ne3A_2112 : vector<32x512xi32>
    %rem3A_2114 = vector.broadcast %jit3A_2093 : i32 to vector<32x512xi32>
    %rem3A_2115 = arith.remsi %iota3A_2092, %rem3A_2114 : vector<32x512xi32>
    %ne3A_2116 = arith.constant 0 : i32
    %ne3A_2117 = vector.broadcast %ne3A_2116 : i32 to vector<32x512xi32>
    %ne3A_2118 = arith.cmpi ne, %rem3A_2115, %ne3A_2117 : vector<32x512xi32>
    %and3A_2119 = arith.andi %ne3A_2113, %ne3A_2118 : vector<32x512xi1>
    %sub3A_2120 = arith.constant 1 : i32
    %sub3A_2121 = vector.broadcast %sub3A_2120 : i32 to vector<32x512xi32>
    %sub3A_2122 = arith.subi %div3A_2095, %sub3A_2121 : vector<32x512xi32>
    %select_n3A_2123 = arith.select %and3A_2119, %sub3A_2122, %div3A_2095 : vector<32x512xi1>, vector<32x512xi32>
    %eq3A_2124 = arith.cmpi eq, %iota3A_2091, %select_n3A_2123 : vector<32x512xi32>
    %convert_element_type3A_2125 = arith.extui %eq3A_2124 : vector<32x512xi1> to vector<32x512xi32>
    %convert_element_type3A_2126 = arith.sitofp %convert_element_type3A_2125 : vector<32x512xi32> to vector<32x512xf32>
    %dot_general3A_2127 = arith.constant dense<0.000000e+00> : vector<1x512xf32>
    %dot_general3A_2128 = tpu.matmul %get3A_2090, %convert_element_type3A_2126, %dot_general3A_2127 {dimension_numbers = #tpu.dot_dimension_numbers<[0], [0], [1], [1], [0, 1, 1, 1], [], []>, transpose_lhs_hint = false} : vector<32x1xf32>, vector<32x512xf32>, vector<1x512xf32> -> vector<1x512xf32>
    %swap3A_2129 = arith.constant 0 : index
    %swap3A_2130 = arith.constant 0 : index
    %swap3A_2131 = vector.load %arg44[%swap3A_2129, %swap3A_2130] : memref<1x512xf32, #tpu.memory_space<vmem>>, vector<1x512xf32>
    tpu.vector_store %arg44[%swap3A_2129, %swap3A_2130], %dot_general3A_2128 {strides = array<i32>} : memref<1x512xf32, #tpu.memory_space<vmem>>, vector<1x512xf32>,
    %iota3A_2132 = tpu.iota {dimensions = array<i32: 0>} : vector<512x64xi32>
    %jit3A_2133 = arith.constant 64 : i32
    %eq3A_2134 = arith.constant 0 : i32
    %eq3A_2135 = arith.cmpi eq, %jit3A_2133, %eq3A_2134 : i32
    %jit3A_2136 = arith.constant 1 : i32
    %select_n3A_2137 = arith.select %eq3A_2135, %jit3A_2136, %jit3A_2133 : i32
    %rem3A_2138 = vector.broadcast %select_n3A_2137 : i32 to vector<512x64xi32>
    %rem3A_2139 = arith.remsi %iota3A_2132, %rem3A_2138 : vector<512x64xi32>
    %ne3A_2140 = arith.constant 0 : i32
    %ne3A_2141 = vector.broadcast %ne3A_2140 : i32 to vector<512x64xi32>
    %ne3A_2142 = arith.cmpi ne, %rem3A_2139, %ne3A_2141 : vector<512x64xi32>
    %lt3A_2143 = arith.constant 0 : i32
    %lt3A_2144 = vector.broadcast %lt3A_2143 : i32 to vector<512x64xi32>
    %lt3A_2145 = arith.cmpi slt, %rem3A_2139, %lt3A_2144 : vector<512x64xi32>
    %lt3A_2146 = arith.constant 0 : i32
    %lt3A_2147 = arith.cmpi slt, %select_n3A_2137, %lt3A_2146 : i32
    %ne3A_2148 = vector.broadcast %lt3A_2147 : i1 to vector<512x64xi1>
    %ne3A_2149 = vector.broadcast %ne3A_2148 : vector<512x64xi1> to vector<512x64xi1>
    %ne3A_2150 = arith.xori %lt3A_2145, %ne3A_2149 : vector<512x64xi1>
    %and3A_2151 = arith.andi %ne3A_2150, %ne3A_2142 : vector<512x64xi1>
    %add3A_2152 = vector.broadcast %select_n3A_2137 : i32 to vector<512x64xi32>
    %add3A_2153 = arith.addi %rem3A_2139, %add3A_2152 : vector<512x64xi32>
    %select_n3A_2154 = arith.select %and3A_2151, %add3A_2153, %rem3A_2139 : vector<512x64xi1>, vector<512x64xi32>
    %iota3A_2155 = tpu.iota {dimensions = array<i32: 1>} : vector<512x64xi32>
    %eq3A_2156 = arith.cmpi eq, %select_n3A_2154, %iota3A_2155 : vector<512x64xi32>
    %convert_element_type3A_2157 = arith.extui %eq3A_2156 : vector<512x64xi1> to vector<512x64xi32>
    %convert_element_type3A_2158 = arith.sitofp %convert_element_type3A_2157 : vector<512x64xi32> to vector<512x64xf32>
    %iota3A_2159 = tpu.iota {dimensions = array<i32: 0>} : vector<512x8xi32>
    %jit3A_2160 = arith.constant 64 : i32
    %div3A_2161 = vector.broadcast %jit3A_2160 : i32 to vector<512x8xi32>
    %div3A_2162 = arith.divsi %iota3A_2159, %div3A_2161 : vector<512x8xi32>
    %sign3A_2163 = arith.constant 0 : i32
    %sign3A_2164 = vector.broadcast %sign3A_2163 : i32 to vector<512x8xi32>
    %sign3A_2165 = arith.cmpi sgt, %iota3A_2159, %sign3A_2164 : vector<512x8xi32>
    %sign3A_2166 = arith.extui %sign3A_2165 : vector<512x8xi1> to vector<512x8xi32>
    %sign3A_2167 = arith.constant 0 : i32
    %sign3A_2168 = vector.broadcast %sign3A_2167 : i32 to vector<512x8xi32>
    %sign3A_2169 = arith.cmpi slt, %iota3A_2159, %sign3A_2168 : vector<512x8xi32>
    %sign3A_2170 = arith.extui %sign3A_2169 : vector<512x8xi1> to vector<512x8xi32>
    %sign3A_2171 = arith.subi %sign3A_2166, %sign3A_2170 : vector<512x8xi32>
    %sign3A_2172 = arith.constant 0 : i32
    %sign3A_2173 = arith.cmpi sgt, %jit3A_2160, %sign3A_2172 : i32
    %sign3A_2174 = arith.extui %sign3A_2173 : i1 to i32
    %sign3A_2175 = arith.constant 0 : i32
    %sign3A_2176 = arith.cmpi slt, %jit3A_2160, %sign3A_2175 : i32
    %sign3A_2177 = arith.extui %sign3A_2176 : i1 to i32
    %sign3A_2178 = arith.subi %sign3A_2174, %sign3A_2177 : i32
    %ne3A_2179 = vector.broadcast %sign3A_2178 : i32 to vector<512x8xi32>
    %ne3A_2180 = arith.cmpi ne, %sign3A_2171, %ne3A_2179 : vector<512x8xi32>
    %rem3A_2181 = vector.broadcast %jit3A_2160 : i32 to vector<512x8xi32>
    %rem3A_2182 = arith.remsi %iota3A_2159, %rem3A_2181 : vector<512x8xi32>
    %ne3A_2183 = arith.constant 0 : i32
    %ne3A_2184 = vector.broadcast %ne3A_2183 : i32 to vector<512x8xi32>
    %ne3A_2185 = arith.cmpi ne, %rem3A_2182, %ne3A_2184 : vector<512x8xi32>
    %and3A_2186 = arith.andi %ne3A_2180, %ne3A_2185 : vector<512x8xi1>
    %sub3A_2187 = arith.constant 1 : i32
    %sub3A_2188 = vector.broadcast %sub3A_2187 : i32 to vector<512x8xi32>
    %sub3A_2189 = arith.subi %div3A_2162, %sub3A_2188 : vector<512x8xi32>
    %select_n3A_2190 = arith.select %and3A_2186, %sub3A_2189, %div3A_2162 : vector<512x8xi1>, vector<512x8xi32>
    %iota3A_2191 = tpu.iota {dimensions = array<i32: 1>} : vector<512x8xi32>
    %eq3A_2192 = arith.cmpi eq, %select_n3A_2190, %iota3A_2191 : vector<512x8xi32>
    %convert_element_type3A_2193 = arith.extui %eq3A_2192 : vector<512x8xi1> to vector<512x8xi32>
    %convert_element_type3A_2194 = arith.sitofp %convert_element_type3A_2193 : vector<512x8xi32> to vector<512x8xf32>
    %get3A_2195 = arith.constant 0 : index
    %get3A_2196 = arith.constant 0 : index
    %get3A_2197 = vector.load %arg22[%get3A_2195, %get3A_2196] : memref<1x8xf32, #tpu.memory_space<vmem>>, vector<1x8xf32>
    %dot_general3A_2198 = arith.constant dense<0.000000e+00> : vector<512x1xf32>
    %dot_general3A_2199 = tpu.matmul %convert_element_type3A_2194, %get3A_2197, %dot_general3A_2198 {dimension_numbers = #tpu.dot_dimension_numbers<[1], [1], [0], [0], [0, 0, 1, 0], [], []>, transpose_lhs_hint = false} : vector<512x8xf32>, vector<1x8xf32>, vector<512x1xf32> -> vector<512x1xf32>
    %mul3A_2200 = vector.broadcast %dot_general3A_2199 : vector<512x1xf32> to vector<512x64xf32>
    %mul3A_2201 = arith.mulf %convert_element_type3A_2158, %mul3A_2200 : vector<512x64xf32>
    %swap3A_2202 = arith.constant 0 : index
    %swap3A_2203 = arith.constant 0 : index
    %swap3A_2204 = vector.load %arg45[%swap3A_2202, %swap3A_2203] : memref<512x64xf32, #tpu.memory_space<vmem>>, vector<512x64xf32>
    tpu.vector_store %arg45[%swap3A_2202, %swap3A_2203], %mul3A_2201 {strides = array<i32>} : memref<512x64xf32, #tpu.memory_space<vmem>>, vector<512x64xf32>,
    %get3A_2205 = arith.constant 0 : index
    %get3A_2206 = arith.constant 0 : index
    %get3A_2207 = vector.load %arg22[%get3A_2205, %get3A_2206] : memref<1x8xf32, #tpu.memory_space<vmem>>, vector<1x8xf32>
    %get3A_2208 = arith.constant 0 : index
    %get3A_2209 = arith.constant 0 : index
    %get3A_2210 = vector.load %arg26[%get3A_2208, %get3A_2209] : memref<8x64xf32, #tpu.memory_space<vmem>>, vector<8x64xf32>
    %dot_general3A_2211 = arith.constant dense<0.000000e+00> : vector<1x64xf32>
    %dot_general3A_2212 = tpu.matmul %get3A_2207, %get3A_2210, %dot_general3A_2211 {dimension_numbers = #tpu.dot_dimension_numbers<[1], [0], [0], [1], [0, 0, 1, 1], [], []>, transpose_lhs_hint = false} : vector<1x8xf32>, vector<8x64xf32>, vector<1x64xf32> -> vector<1x64xf32>
    %get3A_2213 = arith.constant 0 : index
    %get3A_2214 = arith.constant 0 : index
    %get3A_2215 = vector.load %arg24[%get3A_2213, %get3A_2214] : memref<1x62xf32, #tpu.memory_space<vmem>>, vector<1x62xf32>
    %reduce_sum3A = arith.constant dense<0.000000e+00> : vector<1xf32>
    %reduce_sum3A_2216 = vector.multi_reduction <add>, %get3A_2215, %reduce_sum3A [1] : vector<1x62xf32> to vector<1xf32>
    %broadcast_in_dim3A_2217 = vector.shape_cast %reduce_sum3A_2216 : vector<1xf32> to vector<1x1xf32>
    %get3A_2218 = arith.constant 0 : index
    %get3A_2219 = arith.constant 0 : index
    %get3A_2220 = vector.load %arg25[%get3A_2218, %get3A_2219] : memref<1x1xf32, #tpu.memory_space<vmem>>, vector<1x1xf32>
    %get3A_2221 = arith.constant 0 : index
    %get3A_2222 = arith.constant 0 : index
    %get3A_2223 = vector.load %arg23[%get3A_2221, %get3A_2222] : memref<1x1xf32, #tpu.memory_space<vmem>>, vector<1x1xf32>
    %mul3A_2224 = arith.mulf %broadcast_in_dim3A_2217, %get3A_2223 : vector<1x1xf32>
    %add3A_2225 = arith.addf %get3A_2220, %mul3A_2224 : vector<1x1xf32>
    %mul3A_2226 = vector.broadcast %broadcast_in_dim3A_2217 : vector<1x1xf32> to vector<1x64xf32>
    %mul3A_2227 = arith.mulf %mul3A_2226, %dot_general3A_2212 : vector<1x64xf32>
    %add3A_2228 = vector.broadcast %add3A_2225 : vector<1x1xf32> to vector<1x64xf32>
    %add3A_2229 = arith.addf %add3A_2228, %mul3A_2227 : vector<1x64xf32>
    %swap3A_2230 = arith.constant 0 : index
    %swap3A_2231 = arith.constant 0 : index
    %swap3A_2232 = vector.load %arg46[%swap3A_2230, %swap3A_2231] : memref<1x64xf32, #tpu.memory_space<vmem>>, vector<1x64xf32>
    tpu.vector_store %arg46[%swap3A_2230, %swap3A_2231], %add3A_2229 {strides = array<i32>} : memref<1x64xf32, #tpu.memory_space<vmem>>, vector<1x64xf32>,
    %get3A_2233 = arith.constant 0 : index
    %get3A_2234 = arith.constant 0 : index
    %get3A_2235 = vector.load %arg27[%get3A_2233, %get3A_2234] : memref<2x4000xi32, #tpu.memory_space<vmem>>, vector<1x4000xi32>
    %get3A_2236 = arith.constant 1 : index
    %get3A_2237 = arith.constant 0 : index
    %get3A_2238 = vector.load %arg27[%get3A_2236, %get3A_2237] : memref<2x4000xi32, #tpu.memory_space<vmem>>, vector<1x4000xi32>
    %iota3A_2239 = tpu.iota {dimensions = array<i32: 0>} : vector<62x4000xi32>
    %eq3A_2240 = vector.broadcast %get3A_2238 : vector<1x4000xi32> to vector<62x4000xi32>
    %eq3A_2241 = arith.cmpi eq, %iota3A_2239, %eq3A_2240 : vector<62x4000xi32>
    %convert_element_type3A_2242 = arith.extui %eq3A_2241 : vector<62x4000xi1> to vector<62x4000xi32>
    %convert_element_type3A_2243 = arith.sitofp %convert_element_type3A_2242 : vector<62x4000xi32> to vector<62x4000xf32>
    %iota3A_2244 = tpu.iota {dimensions = array<i32: 0>} : vector<62x4000xi32>
    %eq3A_2245 = vector.broadcast %get3A_2235 : vector<1x4000xi32> to vector<62x4000xi32>
    %eq3A_2246 = arith.cmpi eq, %iota3A_2244, %eq3A_2245 : vector<62x4000xi32>
    %convert_element_type3A_2247 = arith.extui %eq3A_2246 : vector<62x4000xi1> to vector<62x4000xi32>
    %convert_element_type3A_2248 = arith.sitofp %convert_element_type3A_2247 : vector<62x4000xi32> to vector<62x4000xf32>
    %dot_general3A_2249 = arith.constant dense<0.000000e+00> : vector<62x62xf32>
    %dot_general3A_2250 = tpu.matmul %convert_element_type3A_2243, %convert_element_type3A_2248, %dot_general3A_2249 {dimension_numbers = #tpu.dot_dimension_numbers<[1], [1], [0], [0], [0, 0, 1, 0], [], []>, transpose_lhs_hint = false} : vector<62x4000xf32>, vector<62x4000xf32>, vector<62x62xf32> -> vector<62x62xf32>
    %swap3A_2251 = arith.constant 0 : index
    %swap3A_2252 = arith.constant 0 : index
    %swap3A_2253 = vector.load %arg47[%swap3A_2251, %swap3A_2252] : memref<62x62xf32, #tpu.memory_space<vmem>>, vector<62x62xf32>
    tpu.vector_store %arg47[%swap3A_2251, %swap3A_2252], %dot_general3A_2250 {strides = array<i32>} : memref<62x62xf32, #tpu.memory_space<vmem>>, vector<62x62xf32>,
    return
  }
}

module attributes {stable_mosaic.version = 14 : i64} {
  func.func @_front_body(%arg0: memref<992x64xf32, #tpu.memory_space<vmem>>, %arg1: memref<992x512xf32, #tpu.memory_space<vmem>>, %arg2: memref<64x1024xf32, #tpu.memory_space<vmem>>, %arg3: memref<64x1024xf32, #tpu.memory_space<vmem>>, %arg4: memref<64x1024xf32, #tpu.memory_space<vmem>>, %arg5: memref<1x1024xf32, #tpu.memory_space<vmem>>, %arg6: memref<1x1024xf32, #tpu.memory_space<vmem>>, %arg7: memref<1x1024xf32, #tpu.memory_space<vmem>>, %arg8: memref<512x256xf32, #tpu.memory_space<vmem>>, %arg9: memref<512x256xf32, #tpu.memory_space<vmem>>, %arg10: memref<512x256xf32, #tpu.memory_space<vmem>>, %arg11: memref<8x256xf32, #tpu.memory_space<vmem>>, %arg12: memref<8x256xf32, #tpu.memory_space<vmem>>, %arg13: memref<8x256xf32, #tpu.memory_space<vmem>>, %arg14: memref<1x256xf32, #tpu.memory_space<vmem>>, %arg15: memref<1x256xf32, #tpu.memory_space<vmem>>, %arg16: memref<1x256xf32, #tpu.memory_space<vmem>>, %arg17: memref<256x512xf32, #tpu.memory_space<vmem>>, %arg18: memref<1x512xf32, #tpu.memory_space<vmem>>, %arg19: memref<1024x512xf32, #tpu.memory_space<vmem>>, %arg20: memref<1x512xf32, #tpu.memory_space<vmem>>, %arg21: memref<1024x512xf32, #tpu.memory_space<vmem>>, %arg22: memref<1x512xf32, #tpu.memory_space<vmem>>, %arg23: memref<992x512xf32, #tpu.memory_space<vmem>>, %arg24: memref<992x512xf32, #tpu.memory_space<vmem>>, %arg25: memref<992x512xf32, #tpu.memory_space<vmem>>) attributes {dimension_semantics = [], scalar_prefetch = 0 : i64, scratch_operands = 0 : i64, tpu.core_type = #tpu.core_type<tc>} {
    %get3A = arith.constant 0 : index
    %get3A_0 = arith.constant 0 : index
    %get3A_1 = vector.load %arg0[%get3A, %get3A_0] : memref<992x64xf32, #tpu.memory_space<vmem>>, vector<992x64xf32>
    %slice3A = vector.extract_strided_slice %get3A_1 {offsets = [0, 56], sizes = [992, 8], strides = [1, 1]} : vector<992x64xf32> to vector<992x8xf32>
    %get3A_2 = arith.constant 0 : index
    %get3A_3 = arith.constant 0 : index
    %get3A_4 = vector.load %arg1[%get3A_2, %get3A_3] : memref<992x512xf32, #tpu.memory_space<vmem>>, vector<992x512xf32>
    %get3A_5 = arith.constant 0 : index
    %get3A_6 = arith.constant 0 : index
    %get3A_7 = vector.load %arg2[%get3A_5, %get3A_6] : memref<64x1024xf32, #tpu.memory_space<vmem>>, vector<64x1024xf32>
    %dot_general3A = arith.constant dense<0.000000e+00> : vector<992x1024xf32>
    %dot_general3A_8 = tpu.matmul %get3A_1, %get3A_7, %dot_general3A {dimension_numbers = #tpu.dot_dimension_numbers<[1], [0], [0], [1], [0, 0, 1, 1], [], []>, transpose_lhs_hint = false} : vector<992x64xf32>, vector<64x1024xf32>, vector<992x1024xf32> -> vector<992x1024xf32>
    %get3A_9 = arith.constant 0 : index
    %get3A_10 = arith.constant 0 : index
    %get3A_11 = vector.load %arg5[%get3A_9, %get3A_10] : memref<1x1024xf32, #tpu.memory_space<vmem>>, vector<1x1024xf32>
    %add3A = vector.broadcast %get3A_11 : vector<1x1024xf32> to vector<992x1024xf32>
    %add3A_12 = arith.addf %dot_general3A_8, %add3A : vector<992x1024xf32>
    %get3A_13 = arith.constant 0 : index
    %get3A_14 = arith.constant 0 : index
    %get3A_15 = vector.load %arg3[%get3A_13, %get3A_14] : memref<64x1024xf32, #tpu.memory_space<vmem>>, vector<64x1024xf32>
    %dot_general3A_16 = arith.constant dense<0.000000e+00> : vector<992x1024xf32>
    %dot_general3A_17 = tpu.matmul %get3A_1, %get3A_15, %dot_general3A_16 {dimension_numbers = #tpu.dot_dimension_numbers<[1], [0], [0], [1], [0, 0, 1, 1], [], []>, transpose_lhs_hint = false} : vector<992x64xf32>, vector<64x1024xf32>, vector<992x1024xf32> -> vector<992x1024xf32>
    %get3A_18 = arith.constant 0 : index
    %get3A_19 = arith.constant 0 : index
    %get3A_20 = vector.load %arg6[%get3A_18, %get3A_19] : memref<1x1024xf32, #tpu.memory_space<vmem>>, vector<1x1024xf32>
    %add3A_21 = vector.broadcast %get3A_20 : vector<1x1024xf32> to vector<992x1024xf32>
    %add3A_22 = arith.addf %dot_general3A_17, %add3A_21 : vector<992x1024xf32>
    %get3A_23 = arith.constant 0 : index
    %get3A_24 = arith.constant 0 : index
    %get3A_25 = vector.load %arg4[%get3A_23, %get3A_24] : memref<64x1024xf32, #tpu.memory_space<vmem>>, vector<64x1024xf32>
    %dot_general3A_26 = arith.constant dense<0.000000e+00> : vector<992x1024xf32>
    %dot_general3A_27 = tpu.matmul %get3A_1, %get3A_25, %dot_general3A_26 {dimension_numbers = #tpu.dot_dimension_numbers<[1], [0], [0], [1], [0, 0, 1, 1], [], []>, transpose_lhs_hint = false} : vector<992x64xf32>, vector<64x1024xf32>, vector<992x1024xf32> -> vector<992x1024xf32>
    %get3A_28 = arith.constant 0 : index
    %get3A_29 = arith.constant 0 : index
    %get3A_30 = vector.load %arg7[%get3A_28, %get3A_29] : memref<1x1024xf32, #tpu.memory_space<vmem>>, vector<1x1024xf32>
    %add3A_31 = vector.broadcast %get3A_30 : vector<1x1024xf32> to vector<992x1024xf32>
    %add3A_32 = arith.addf %dot_general3A_27, %add3A_31 : vector<992x1024xf32>
    %tanh3A = math.tanh %add3A_12 : vector<992x1024xf32>
    %logistic3A = arith.negf %add3A_22 : vector<992x1024xf32>
    %logistic3A_33 = math.exp %logistic3A : vector<992x1024xf32>
    %logistic3A_34 = arith.constant 1.000000e+00 : f32
    %logistic3A_35 = vector.broadcast %logistic3A_34 : f32 to vector<992x1024xf32>
    %logistic3A_36 = arith.addf %logistic3A_35, %logistic3A_33 : vector<992x1024xf32>
    %logistic3A_37 = arith.divf %logistic3A_35, %logistic3A_36 : vector<992x1024xf32>
    %mul3A = arith.mulf %tanh3A, %logistic3A_37 : vector<992x1024xf32>
    %add3A_38 = arith.addf %mul3A, %add3A_32 : vector<992x1024xf32>
    %max3A = arith.constant 0.000000e+00 : f32
    %max3A_39 = vector.broadcast %max3A : f32 to vector<992x1024xf32>
    %max3A_40 = arith.maximumf %add3A_38, %max3A_39 : vector<992x1024xf32>
    %get3A_41 = arith.constant 0 : index
    %get3A_42 = arith.constant 0 : index
    %get3A_43 = vector.load %arg8[%get3A_41, %get3A_42] : memref<512x256xf32, #tpu.memory_space<vmem>>, vector<512x256xf32>
    %dot_general3A_44 = arith.constant dense<0.000000e+00> : vector<992x256xf32>
    %dot_general3A_45 = tpu.matmul %get3A_4, %get3A_43, %dot_general3A_44 {dimension_numbers = #tpu.dot_dimension_numbers<[1], [0], [0], [1], [0, 0, 1, 1], [], []>, transpose_lhs_hint = false} : vector<992x512xf32>, vector<512x256xf32>, vector<992x256xf32> -> vector<992x256xf32>
    %get3A_46 = arith.constant 0 : index
    %get3A_47 = arith.constant 0 : index
    %get3A_48 = vector.load %arg11[%get3A_46, %get3A_47] : memref<8x256xf32, #tpu.memory_space<vmem>>, vector<8x256xf32>
    %dot_general3A_49 = arith.constant dense<0.000000e+00> : vector<992x256xf32>
    %dot_general3A_50 = tpu.matmul %slice3A, %get3A_48, %dot_general3A_49 {dimension_numbers = #tpu.dot_dimension_numbers<[1], [0], [0], [1], [0, 0, 1, 1], [], []>, transpose_lhs_hint = false} : vector<992x8xf32>, vector<8x256xf32>, vector<992x256xf32> -> vector<992x256xf32>
    %add3A_51 = arith.addf %dot_general3A_45, %dot_general3A_50 : vector<992x256xf32>
    %get3A_52 = arith.constant 0 : index
    %get3A_53 = arith.constant 0 : index
    %get3A_54 = vector.load %arg14[%get3A_52, %get3A_53] : memref<1x256xf32, #tpu.memory_space<vmem>>, vector<1x256xf32>
    %add3A_55 = vector.broadcast %get3A_54 : vector<1x256xf32> to vector<992x256xf32>
    %add3A_56 = arith.addf %add3A_51, %add3A_55 : vector<992x256xf32>
    %get3A_57 = arith.constant 0 : index
    %get3A_58 = arith.constant 0 : index
    %get3A_59 = vector.load %arg9[%get3A_57, %get3A_58] : memref<512x256xf32, #tpu.memory_space<vmem>>, vector<512x256xf32>
    %dot_general3A_60 = arith.constant dense<0.000000e+00> : vector<992x256xf32>
    %dot_general3A_61 = tpu.matmul %get3A_4, %get3A_59, %dot_general3A_60 {dimension_numbers = #tpu.dot_dimension_numbers<[1], [0], [0], [1], [0, 0, 1, 1], [], []>, transpose_lhs_hint = false} : vector<992x512xf32>, vector<512x256xf32>, vector<992x256xf32> -> vector<992x256xf32>
    %get3A_62 = arith.constant 0 : index
    %get3A_63 = arith.constant 0 : index
    %get3A_64 = vector.load %arg12[%get3A_62, %get3A_63] : memref<8x256xf32, #tpu.memory_space<vmem>>, vector<8x256xf32>
    %dot_general3A_65 = arith.constant dense<0.000000e+00> : vector<992x256xf32>
    %dot_general3A_66 = tpu.matmul %slice3A, %get3A_64, %dot_general3A_65 {dimension_numbers = #tpu.dot_dimension_numbers<[1], [0], [0], [1], [0, 0, 1, 1], [], []>, transpose_lhs_hint = false} : vector<992x8xf32>, vector<8x256xf32>, vector<992x256xf32> -> vector<992x256xf32>
    %add3A_67 = arith.addf %dot_general3A_61, %dot_general3A_66 : vector<992x256xf32>
    %get3A_68 = arith.constant 0 : index
    %get3A_69 = arith.constant 0 : index
    %get3A_70 = vector.load %arg15[%get3A_68, %get3A_69] : memref<1x256xf32, #tpu.memory_space<vmem>>, vector<1x256xf32>
    %add3A_71 = vector.broadcast %get3A_70 : vector<1x256xf32> to vector<992x256xf32>
    %add3A_72 = arith.addf %add3A_67, %add3A_71 : vector<992x256xf32>
    %get3A_73 = arith.constant 0 : index
    %get3A_74 = arith.constant 0 : index
    %get3A_75 = vector.load %arg10[%get3A_73, %get3A_74] : memref<512x256xf32, #tpu.memory_space<vmem>>, vector<512x256xf32>
    %dot_general3A_76 = arith.constant dense<0.000000e+00> : vector<992x256xf32>
    %dot_general3A_77 = tpu.matmul %get3A_4, %get3A_75, %dot_general3A_76 {dimension_numbers = #tpu.dot_dimension_numbers<[1], [0], [0], [1], [0, 0, 1, 1], [], []>, transpose_lhs_hint = false} : vector<992x512xf32>, vector<512x256xf32>, vector<992x256xf32> -> vector<992x256xf32>
    %get3A_78 = arith.constant 0 : index
    %get3A_79 = arith.constant 0 : index
    %get3A_80 = vector.load %arg13[%get3A_78, %get3A_79] : memref<8x256xf32, #tpu.memory_space<vmem>>, vector<8x256xf32>
    %dot_general3A_81 = arith.constant dense<0.000000e+00> : vector<992x256xf32>
    %dot_general3A_82 = tpu.matmul %slice3A, %get3A_80, %dot_general3A_81 {dimension_numbers = #tpu.dot_dimension_numbers<[1], [0], [0], [1], [0, 0, 1, 1], [], []>, transpose_lhs_hint = false} : vector<992x8xf32>, vector<8x256xf32>, vector<992x256xf32> -> vector<992x256xf32>
    %add3A_83 = arith.addf %dot_general3A_77, %dot_general3A_82 : vector<992x256xf32>
    %get3A_84 = arith.constant 0 : index
    %get3A_85 = arith.constant 0 : index
    %get3A_86 = vector.load %arg16[%get3A_84, %get3A_85] : memref<1x256xf32, #tpu.memory_space<vmem>>, vector<1x256xf32>
    %add3A_87 = vector.broadcast %get3A_86 : vector<1x256xf32> to vector<992x256xf32>
    %add3A_88 = arith.addf %add3A_83, %add3A_87 : vector<992x256xf32>
    %tanh3A_89 = math.tanh %add3A_56 : vector<992x256xf32>
    %logistic3A_90 = arith.negf %add3A_72 : vector<992x256xf32>
    %logistic3A_91 = math.exp %logistic3A_90 : vector<992x256xf32>
    %logistic3A_92 = arith.constant 1.000000e+00 : f32
    %logistic3A_93 = vector.broadcast %logistic3A_92 : f32 to vector<992x256xf32>
    %logistic3A_94 = arith.addf %logistic3A_93, %logistic3A_91 : vector<992x256xf32>
    %logistic3A_95 = arith.divf %logistic3A_93, %logistic3A_94 : vector<992x256xf32>
    %mul3A_96 = arith.mulf %tanh3A_89, %logistic3A_95 : vector<992x256xf32>
    %add3A_97 = arith.addf %mul3A_96, %add3A_88 : vector<992x256xf32>
    %max3A_98 = arith.constant 0.000000e+00 : f32
    %max3A_99 = vector.broadcast %max3A_98 : f32 to vector<992x256xf32>
    %max3A_100 = arith.maximumf %add3A_97, %max3A_99 : vector<992x256xf32>
    %get3A_101 = arith.constant 0 : index
    %get3A_102 = arith.constant 0 : index
    %get3A_103 = vector.load %arg19[%get3A_101, %get3A_102] : memref<1024x512xf32, #tpu.memory_space<vmem>>, vector<1024x512xf32>
    %dot_general3A_104 = arith.constant dense<0.000000e+00> : vector<992x512xf32>
    %dot_general3A_105 = tpu.matmul %max3A_40, %get3A_103, %dot_general3A_104 {dimension_numbers = #tpu.dot_dimension_numbers<[1], [0], [0], [1], [0, 0, 1, 1], [], []>, transpose_lhs_hint = false} : vector<992x1024xf32>, vector<1024x512xf32>, vector<992x512xf32> -> vector<992x512xf32>
    %get3A_106 = arith.constant 0 : index
    %get3A_107 = arith.constant 0 : index
    %get3A_108 = vector.load %arg20[%get3A_106, %get3A_107] : memref<1x512xf32, #tpu.memory_space<vmem>>, vector<1x512xf32>
    %add3A_109 = vector.broadcast %get3A_108 : vector<1x512xf32> to vector<992x512xf32>
    %add3A_110 = arith.addf %dot_general3A_105, %add3A_109 : vector<992x512xf32>
    %swap3A = arith.constant 0 : index
    %swap3A_111 = arith.constant 0 : index
    %swap3A_112 = vector.load %arg23[%swap3A, %swap3A_111] : memref<992x512xf32, #tpu.memory_space<vmem>>, vector<992x512xf32>
    tpu.vector_store %arg23[%swap3A, %swap3A_111], %add3A_110 {strides = array<i32>} : memref<992x512xf32, #tpu.memory_space<vmem>>, vector<992x512xf32>,
    %get3A_113 = arith.constant 0 : index
    %get3A_114 = arith.constant 0 : index
    %get3A_115 = vector.load %arg21[%get3A_113, %get3A_114] : memref<1024x512xf32, #tpu.memory_space<vmem>>, vector<1024x512xf32>
    %dot_general3A_116 = arith.constant dense<0.000000e+00> : vector<992x512xf32>
    %dot_general3A_117 = tpu.matmul %max3A_40, %get3A_115, %dot_general3A_116 {dimension_numbers = #tpu.dot_dimension_numbers<[1], [0], [0], [1], [0, 0, 1, 1], [], []>, transpose_lhs_hint = false} : vector<992x1024xf32>, vector<1024x512xf32>, vector<992x512xf32> -> vector<992x512xf32>
    %get3A_118 = arith.constant 0 : index
    %get3A_119 = arith.constant 0 : index
    %get3A_120 = vector.load %arg22[%get3A_118, %get3A_119] : memref<1x512xf32, #tpu.memory_space<vmem>>, vector<1x512xf32>
    %add3A_121 = vector.broadcast %get3A_120 : vector<1x512xf32> to vector<992x512xf32>
    %add3A_122 = arith.addf %dot_general3A_117, %add3A_121 : vector<992x512xf32>
    %swap3A_123 = arith.constant 0 : index
    %swap3A_124 = arith.constant 0 : index
    %swap3A_125 = vector.load %arg24[%swap3A_123, %swap3A_124] : memref<992x512xf32, #tpu.memory_space<vmem>>, vector<992x512xf32>
    tpu.vector_store %arg24[%swap3A_123, %swap3A_124], %add3A_122 {strides = array<i32>} : memref<992x512xf32, #tpu.memory_space<vmem>>, vector<992x512xf32>,
    %get3A_126 = arith.constant 0 : index
    %get3A_127 = arith.constant 0 : index
    %get3A_128 = vector.load %arg17[%get3A_126, %get3A_127] : memref<256x512xf32, #tpu.memory_space<vmem>>, vector<256x512xf32>
    %dot_general3A_129 = arith.constant dense<0.000000e+00> : vector<992x512xf32>
    %dot_general3A_130 = tpu.matmul %max3A_100, %get3A_128, %dot_general3A_129 {dimension_numbers = #tpu.dot_dimension_numbers<[1], [0], [0], [1], [0, 0, 1, 1], [], []>, transpose_lhs_hint = false} : vector<992x256xf32>, vector<256x512xf32>, vector<992x512xf32> -> vector<992x512xf32>
    %get3A_131 = arith.constant 0 : index
    %get3A_132 = arith.constant 0 : index
    %get3A_133 = vector.load %arg18[%get3A_131, %get3A_132] : memref<1x512xf32, #tpu.memory_space<vmem>>, vector<1x512xf32>
    %add3A_134 = vector.broadcast %get3A_133 : vector<1x512xf32> to vector<992x512xf32>
    %add3A_135 = arith.addf %dot_general3A_130, %add3A_134 : vector<992x512xf32>
    %swap3A_136 = arith.constant 0 : index
    %swap3A_137 = arith.constant 0 : index
    %swap3A_138 = vector.load %arg25[%swap3A_136, %swap3A_137] : memref<992x512xf32, #tpu.memory_space<vmem>>, vector<992x512xf32>
    tpu.vector_store %arg25[%swap3A_136, %swap3A_137], %add3A_135 {strides = array<i32>} : memref<992x512xf32, #tpu.memory_space<vmem>>, vector<992x512xf32>,
    return
  }
}

module attributes {stable_mosaic.version = 14 : i64} {
  func.func @_gat_body(%arg0: i32, %arg1: memref<2x62x512xf32, #tpu.memory_space<vmem>>, %arg2: memref<2x62x512xf32, #tpu.memory_space<vmem>>, %arg3: memref<2x256xf32, #tpu.memory_space<vmem>>, %arg4: memref<62x62xf32, #tpu.memory_space<vmem>>, %arg5: memref<1x62xf32, #tpu.memory_space<vmem>>, %arg6: memref<512x64xf32, #tpu.memory_space<vmem>>, %arg7: memref<1x64xf32, #tpu.memory_space<vmem>>, %arg8: memref<2x1x64xf32, #tpu.memory_space<vmem>>) attributes {dimension_semantics = [#tpu.dimension_semantics<arbitrary>], iteration_bounds = array<i64: 8>, scalar_prefetch = 0 : i64, scratch_operands = 0 : i64, tpu.core_type = #tpu.core_type<tc>, window_params = [{transform_indices = @transform_0, window_bounds = array<i64: 2, 62, 512>}, {transform_indices = @transform_1, window_bounds = array<i64: 2, 62, 512>}, {pipeline_mode = #tpu.pipeline_mode<synchronous>, transform_indices = @transform_2, window_bounds = array<i64: 2, 256>}, {pipeline_mode = #tpu.pipeline_mode<synchronous>, transform_indices = @transform_3, window_bounds = array<i64: 62, 62>}, {pipeline_mode = #tpu.pipeline_mode<synchronous>, transform_indices = @transform_4, window_bounds = array<i64: 1, 62>}, {pipeline_mode = #tpu.pipeline_mode<synchronous>, transform_indices = @transform_5, window_bounds = array<i64: 512, 64>}, {pipeline_mode = #tpu.pipeline_mode<synchronous>, transform_indices = @transform_6, window_bounds = array<i64: 1, 64>}, {transform_indices = @transform_7, window_bounds = array<i64: 2, 1, 64>}]} {
    %iota3A = tpu.iota {dimensions = array<i32: 0>} : vector<62x62xi32>
    %iota3A_0 = tpu.iota {dimensions = array<i32: 1>} : vector<62x62xi32>
    %eq3A = arith.cmpi eq, %iota3A, %iota3A_0 : vector<62x62xi32>
    %convert_element_type3A = arith.extui %eq3A : vector<62x62xi1> to vector<62x62xi32>
    %convert_element_type3A_1 = arith.sitofp %convert_element_type3A : vector<62x62xi32> to vector<62x62xf32>
    %get3A = arith.constant 0 : index
    %get3A_2 = arith.constant 0 : index
    %get3A_3 = vector.load %arg4[%get3A, %get3A_2] : memref<62x62xf32, #tpu.memory_space<vmem>>, vector<62x62xf32>
    %add3A = arith.addf %get3A_3, %convert_element_type3A_1 : vector<62x62xf32>
    %gt3A = arith.constant 0.000000e+00 : f32
    %gt3A_4 = vector.broadcast %gt3A : f32 to vector<62x62xf32>
    %gt3A_5 = arith.cmpf ogt, %add3A, %gt3A_4 : vector<62x62xf32>
    %get3A_6 = arith.constant 0 : index
    %get3A_7 = arith.constant 0 : index
    %get3A_8 = arith.constant 0 : index
    %get3A_9 = vector.load %arg1[%get3A_6, %get3A_7, %get3A_8] : memref<2x62x512xf32, #tpu.memory_space<vmem>>, vector<1x62x512xf32>
    %get3A_10 = vector.shape_cast %get3A_9 : vector<1x62x512xf32> to vector<62x512xf32>
    %get3A_11 = arith.constant 0 : index
    %get3A_12 = arith.constant 0 : index
    %get3A_13 = arith.constant 0 : index
    %get3A_14 = vector.load %arg2[%get3A_11, %get3A_12, %get3A_13] : memref<2x62x512xf32, #tpu.memory_space<vmem>>, vector<1x62x512xf32>
    %get3A_15 = vector.shape_cast %get3A_14 : vector<1x62x512xf32> to vector<62x512xf32>
    %slice3A = vector.extract_strided_slice %get3A_10 {offsets = [0, 0], sizes = [62, 256], strides = [1, 1]} : vector<62x512xf32> to vector<62x256xf32>
    %slice3A_16 = vector.extract_strided_slice %get3A_15 {offsets = [0, 0], sizes = [62, 256], strides = [1, 1]} : vector<62x512xf32> to vector<62x256xf32>
    %get3A_17 = arith.constant 0 : index
    %get3A_18 = arith.constant 0 : index
    %get3A_19 = vector.load %arg3[%get3A_17, %get3A_18] : memref<2x256xf32, #tpu.memory_space<vmem>>, vector<2x256xf32>
    %slice3A_20 = vector.extract_strided_slice %get3A_19 {offsets = [0, 0], sizes = [1, 256], strides = [1, 1]} : vector<2x256xf32> to vector<1x256xf32>
    %squeeze3A = vector.shape_cast %slice3A_20 : vector<1x256xf32> to vector<256xf32>
    %broadcast_in_dim3A = vector.shape_cast %squeeze3A : vector<256xf32> to vector<1x1x256xf32>
    %broadcast_in_dim3A_21 = vector.shape_cast %slice3A : vector<62x256xf32> to vector<1x62x256xf32>
    %broadcast_in_dim3A_22 = vector.shape_cast %slice3A_16 : vector<62x256xf32> to vector<62x1x256xf32>
    %add3A_23 = vector.broadcast %broadcast_in_dim3A_21 : vector<1x62x256xf32> to vector<62x62x256xf32>
    %add3A_24 = vector.broadcast %broadcast_in_dim3A_22 : vector<62x1x256xf32> to vector<62x62x256xf32>
    %add3A_25 = arith.addf %add3A_23, %add3A_24 : vector<62x62x256xf32>
    %ge3A = arith.constant 0.000000e+00 : f32
    %ge3A_26 = vector.broadcast %ge3A : f32 to vector<62x62x256xf32>
    %ge3A_27 = arith.cmpf oge, %add3A_25, %ge3A_26 : vector<62x62x256xf32>
    %mul3A = arith.constant 2.000000e-01 : f32
    %mul3A_28 = vector.broadcast %mul3A : f32 to vector<62x62x256xf32>
    %mul3A_29 = arith.mulf %mul3A_28, %add3A_25 : vector<62x62x256xf32>
    %select_n3A = arith.select %ge3A_27, %add3A_25, %mul3A_29 : vector<62x62x256xi1>, vector<62x62x256xf32>
    %mul3A_30 = vector.broadcast %broadcast_in_dim3A : vector<1x1x256xf32> to vector<62x62x256xf32>
    %mul3A_31 = arith.mulf %select_n3A, %mul3A_30 : vector<62x62x256xf32>
    %reduce_sum3A = arith.constant dense<0.000000e+00> : vector<62x62xf32>
    %reduce_sum3A_32 = vector.multi_reduction <add>, %mul3A_31, %reduce_sum3A [2] : vector<62x62x256xf32> to vector<62x62xf32>
    %jit3A = arith.constant -1.000000e+30 : f32
    %broadcast_in_dim3A_33 = vector.broadcast %jit3A : f32 to vector<62x62xf32>
    %select_n3A_34 = arith.select %gt3A_5, %reduce_sum3A_32, %broadcast_in_dim3A_33 : vector<62x62xi1>, vector<62x62xf32>
    %reduce_max3A = arith.constant dense<0xFF800000> : vector<62xf32>
    %reduce_max3A_35 = vector.multi_reduction <maximumf>, %select_n3A_34, %reduce_max3A [1] : vector<62x62xf32> to vector<62xf32>
    %broadcast_in_dim3A_36 = vector.shape_cast %reduce_max3A_35 : vector<62xf32> to vector<62x1xf32>
    %sub3A = vector.broadcast %broadcast_in_dim3A_36 : vector<62x1xf32> to vector<62x62xf32>
    %sub3A_37 = arith.subf %select_n3A_34, %sub3A : vector<62x62xf32>
    %exp3A = math.exp %sub3A_37 : vector<62x62xf32>
    %mul3A_38 = arith.mulf %exp3A, %add3A : vector<62x62xf32>
    %reduce_sum3A_39 = arith.constant dense<0.000000e+00> : vector<62xf32>
    %reduce_sum3A_40 = vector.multi_reduction <add>, %mul3A_38, %reduce_sum3A_39 [1] : vector<62x62xf32> to vector<62xf32>
    %broadcast_in_dim3A_41 = vector.shape_cast %reduce_sum3A_40 : vector<62xf32> to vector<62x1xf32>
    %add3A_42 = arith.constant 1.000000e-16 : f32
    %add3A_43 = vector.broadcast %add3A_42 : f32 to vector<62x1xf32>
    %add3A_44 = arith.addf %broadcast_in_dim3A_41, %add3A_43 : vector<62x1xf32>
    %div3A = vector.broadcast %add3A_44 : vector<62x1xf32> to vector<62x62xf32>
    %div3A_45 = arith.divf %mul3A_38, %div3A : vector<62x62xf32>
    %get3A_46 = arith.constant 0 : index
    %get3A_47 = arith.constant 0 : index
    %get3A_48 = vector.load %arg5[%get3A_46, %get3A_47] : memref<1x62xf32, #tpu.memory_space<vmem>>, vector<1x62xf32>
    %dot_general3A = arith.constant dense<0.000000e+00> : vector<1x62xf32>
    %dot_general3A_49 = tpu.matmul %get3A_48, %div3A_45, %dot_general3A {dimension_numbers = #tpu.dot_dimension_numbers<[1], [0], [0], [1], [0, 0, 1, 1], [], []>, transpose_lhs_hint = false} : vector<1x62xf32>, vector<62x62xf32>, vector<1x62xf32> -> vector<1x62xf32>
    %dot_general3A_50 = arith.constant dense<0.000000e+00> : vector<1x256xf32>
    %dot_general3A_51 = tpu.matmul %dot_general3A_49, %slice3A, %dot_general3A_50 {dimension_numbers = #tpu.dot_dimension_numbers<[1], [0], [0], [1], [0, 0, 1, 1], [], []>, transpose_lhs_hint = false} : vector<1x62xf32>, vector<62x256xf32>, vector<1x256xf32> -> vector<1x256xf32>
    %slice3A_52 = vector.extract_strided_slice %get3A_10 {offsets = [0, 256], sizes = [62, 256], strides = [1, 1]} : vector<62x512xf32> to vector<62x256xf32>
    %slice3A_53 = vector.extract_strided_slice %get3A_15 {offsets = [0, 256], sizes = [62, 256], strides = [1, 1]} : vector<62x512xf32> to vector<62x256xf32>
    %get3A_54 = arith.constant 0 : index
    %get3A_55 = arith.constant 0 : index
    %get3A_56 = vector.load %arg3[%get3A_54, %get3A_55] : memref<2x256xf32, #tpu.memory_space<vmem>>, vector<2x256xf32>
    %slice3A_57 = vector.extract_strided_slice %get3A_56 {offsets = [1, 0], sizes = [1, 256], strides = [1, 1]} : vector<2x256xf32> to vector<1x256xf32>
    %squeeze3A_58 = vector.shape_cast %slice3A_57 : vector<1x256xf32> to vector<256xf32>
    %broadcast_in_dim3A_59 = vector.shape_cast %squeeze3A_58 : vector<256xf32> to vector<1x1x256xf32>
    %broadcast_in_dim3A_60 = vector.shape_cast %slice3A_52 : vector<62x256xf32> to vector<1x62x256xf32>
    %broadcast_in_dim3A_61 = vector.shape_cast %slice3A_53 : vector<62x256xf32> to vector<62x1x256xf32>
    %add3A_62 = vector.broadcast %broadcast_in_dim3A_60 : vector<1x62x256xf32> to vector<62x62x256xf32>
    %add3A_63 = vector.broadcast %broadcast_in_dim3A_61 : vector<62x1x256xf32> to vector<62x62x256xf32>
    %add3A_64 = arith.addf %add3A_62, %add3A_63 : vector<62x62x256xf32>
    %ge3A_65 = arith.constant 0.000000e+00 : f32
    %ge3A_66 = vector.broadcast %ge3A_65 : f32 to vector<62x62x256xf32>
    %ge3A_67 = arith.cmpf oge, %add3A_64, %ge3A_66 : vector<62x62x256xf32>
    %mul3A_68 = arith.constant 2.000000e-01 : f32
    %mul3A_69 = vector.broadcast %mul3A_68 : f32 to vector<62x62x256xf32>
    %mul3A_70 = arith.mulf %mul3A_69, %add3A_64 : vector<62x62x256xf32>
    %select_n3A_71 = arith.select %ge3A_67, %add3A_64, %mul3A_70 : vector<62x62x256xi1>, vector<62x62x256xf32>
    %mul3A_72 = vector.broadcast %broadcast_in_dim3A_59 : vector<1x1x256xf32> to vector<62x62x256xf32>
    %mul3A_73 = arith.mulf %select_n3A_71, %mul3A_72 : vector<62x62x256xf32>
    %reduce_sum3A_74 = arith.constant dense<0.000000e+00> : vector<62x62xf32>
    %reduce_sum3A_75 = vector.multi_reduction <add>, %mul3A_73, %reduce_sum3A_74 [2] : vector<62x62x256xf32> to vector<62x62xf32>
    %jit3A_76 = arith.constant -1.000000e+30 : f32
    %broadcast_in_dim3A_77 = vector.broadcast %jit3A_76 : f32 to vector<62x62xf32>
    %select_n3A_78 = arith.select %gt3A_5, %reduce_sum3A_75, %broadcast_in_dim3A_77 : vector<62x62xi1>, vector<62x62xf32>
    %reduce_max3A_79 = arith.constant dense<0xFF800000> : vector<62xf32>
    %reduce_max3A_80 = vector.multi_reduction <maximumf>, %select_n3A_78, %reduce_max3A_79 [1] : vector<62x62xf32> to vector<62xf32>
    %broadcast_in_dim3A_81 = vector.shape_cast %reduce_max3A_80 : vector<62xf32> to vector<62x1xf32>
    %sub3A_82 = vector.broadcast %broadcast_in_dim3A_81 : vector<62x1xf32> to vector<62x62xf32>
    %sub3A_83 = arith.subf %select_n3A_78, %sub3A_82 : vector<62x62xf32>
    %exp3A_84 = math.exp %sub3A_83 : vector<62x62xf32>
    %mul3A_85 = arith.mulf %exp3A_84, %add3A : vector<62x62xf32>
    %reduce_sum3A_86 = arith.constant dense<0.000000e+00> : vector<62xf32>
    %reduce_sum3A_87 = vector.multi_reduction <add>, %mul3A_85, %reduce_sum3A_86 [1] : vector<62x62xf32> to vector<62xf32>
    %broadcast_in_dim3A_88 = vector.shape_cast %reduce_sum3A_87 : vector<62xf32> to vector<62x1xf32>
    %add3A_89 = arith.constant 1.000000e-16 : f32
    %add3A_90 = vector.broadcast %add3A_89 : f32 to vector<62x1xf32>
    %add3A_91 = arith.addf %broadcast_in_dim3A_88, %add3A_90 : vector<62x1xf32>
    %div3A_92 = vector.broadcast %add3A_91 : vector<62x1xf32> to vector<62x62xf32>
    %div3A_93 = arith.divf %mul3A_85, %div3A_92 : vector<62x62xf32>
    %get3A_94 = arith.constant 0 : index
    %get3A_95 = arith.constant 0 : index
    %get3A_96 = vector.load %arg5[%get3A_94, %get3A_95] : memref<1x62xf32, #tpu.memory_space<vmem>>, vector<1x62xf32>
    %dot_general3A_97 = arith.constant dense<0.000000e+00> : vector<1x62xf32>
    %dot_general3A_98 = tpu.matmul %get3A_96, %div3A_93, %dot_general3A_97 {dimension_numbers = #tpu.dot_dimension_numbers<[1], [0], [0], [1], [0, 0, 1, 1], [], []>, transpose_lhs_hint = false} : vector<1x62xf32>, vector<62x62xf32>, vector<1x62xf32> -> vector<1x62xf32>
    %dot_general3A_99 = arith.constant dense<0.000000e+00> : vector<1x256xf32>
    %dot_general3A_100 = tpu.matmul %dot_general3A_98, %slice3A_52, %dot_general3A_99 {dimension_numbers = #tpu.dot_dimension_numbers<[1], [0], [0], [1], [0, 0, 1, 1], [], []>, transpose_lhs_hint = false} : vector<1x62xf32>, vector<62x256xf32>, vector<1x256xf32> -> vector<1x256xf32>
    %concatenate3A = tpu.concatenate %dot_general3A_51, %dot_general3A_100 in 1 : vector<1x256xf32>, vector<1x256xf32> -> vector<1x512xf32>
    %get3A_101 = arith.constant 0 : index
    %get3A_102 = arith.constant 0 : index
    %get3A_103 = vector.load %arg6[%get3A_101, %get3A_102] : memref<512x64xf32, #tpu.memory_space<vmem>>, vector<512x64xf32>
    %dot_general3A_104 = arith.constant dense<0.000000e+00> : vector<1x64xf32>
    %dot_general3A_105 = tpu.matmul %concatenate3A, %get3A_103, %dot_general3A_104 {dimension_numbers = #tpu.dot_dimension_numbers<[1], [0], [0], [1], [0, 0, 1, 1], [], []>, transpose_lhs_hint = false} : vector<1x512xf32>, vector<512x64xf32>, vector<1x64xf32> -> vector<1x64xf32>
    %get3A_106 = arith.constant 0 : index
    %get3A_107 = arith.constant 0 : index
    %get3A_108 = vector.load %arg7[%get3A_106, %get3A_107] : memref<1x64xf32, #tpu.memory_space<vmem>>, vector<1x64xf32>
    %add3A_109 = arith.addf %dot_general3A_105, %get3A_108 : vector<1x64xf32>
    %logistic3A = arith.negf %add3A_109 : vector<1x64xf32>
    %logistic3A_110 = math.exp %logistic3A : vector<1x64xf32>
    %logistic3A_111 = arith.constant 1.000000e+00 : f32
    %logistic3A_112 = vector.broadcast %logistic3A_111 : f32 to vector<1x64xf32>
    %logistic3A_113 = arith.addf %logistic3A_112, %logistic3A_110 : vector<1x64xf32>
    %logistic3A_114 = arith.divf %logistic3A_112, %logistic3A_113 : vector<1x64xf32>
    %broadcast_in_dim3A_115 = vector.shape_cast %logistic3A_114 : vector<1x64xf32> to vector<1x1x64xf32>
    %get3A_116 = arith.constant 1 : index
    %get3A_117 = arith.constant 0 : index
    %get3A_118 = arith.constant 0 : index
    %get3A_119 = vector.load %arg1[%get3A_116, %get3A_117, %get3A_118] : memref<2x62x512xf32, #tpu.memory_space<vmem>>, vector<1x62x512xf32>
    %get3A_120 = vector.shape_cast %get3A_119 : vector<1x62x512xf32> to vector<62x512xf32>
    %get3A_121 = arith.constant 1 : index
    %get3A_122 = arith.constant 0 : index
    %get3A_123 = arith.constant 0 : index
    %get3A_124 = vector.load %arg2[%get3A_121, %get3A_122, %get3A_123] : memref<2x62x512xf32, #tpu.memory_space<vmem>>, vector<1x62x512xf32>
    %get3A_125 = vector.shape_cast %get3A_124 : vector<1x62x512xf32> to vector<62x512xf32>
    %slice3A_126 = vector.extract_strided_slice %get3A_120 {offsets = [0, 0], sizes = [62, 256], strides = [1, 1]} : vector<62x512xf32> to vector<62x256xf32>
    %slice3A_127 = vector.extract_strided_slice %get3A_125 {offsets = [0, 0], sizes = [62, 256], strides = [1, 1]} : vector<62x512xf32> to vector<62x256xf32>
    %get3A_128 = arith.constant 0 : index
    %get3A_129 = arith.constant 0 : index
    %get3A_130 = vector.load %arg3[%get3A_128, %get3A_129] : memref<2x256xf32, #tpu.memory_space<vmem>>, vector<2x256xf32>
    %slice3A_131 = vector.extract_strided_slice %get3A_130 {offsets = [0, 0], sizes = [1, 256], strides = [1, 1]} : vector<2x256xf32> to vector<1x256xf32>
    %squeeze3A_132 = vector.shape_cast %slice3A_131 : vector<1x256xf32> to vector<256xf32>
    %broadcast_in_dim3A_133 = vector.shape_cast %squeeze3A_132 : vector<256xf32> to vector<1x1x256xf32>
    %broadcast_in_dim3A_134 = vector.shape_cast %slice3A_126 : vector<62x256xf32> to vector<1x62x256xf32>
    %broadcast_in_dim3A_135 = vector.shape_cast %slice3A_127 : vector<62x256xf32> to vector<62x1x256xf32>
    %add3A_136 = vector.broadcast %broadcast_in_dim3A_134 : vector<1x62x256xf32> to vector<62x62x256xf32>
    %add3A_137 = vector.broadcast %broadcast_in_dim3A_135 : vector<62x1x256xf32> to vector<62x62x256xf32>
    %add3A_138 = arith.addf %add3A_136, %add3A_137 : vector<62x62x256xf32>
    %ge3A_139 = arith.constant 0.000000e+00 : f32
    %ge3A_140 = vector.broadcast %ge3A_139 : f32 to vector<62x62x256xf32>
    %ge3A_141 = arith.cmpf oge, %add3A_138, %ge3A_140 : vector<62x62x256xf32>
    %mul3A_142 = arith.constant 2.000000e-01 : f32
    %mul3A_143 = vector.broadcast %mul3A_142 : f32 to vector<62x62x256xf32>
    %mul3A_144 = arith.mulf %mul3A_143, %add3A_138 : vector<62x62x256xf32>
    %select_n3A_145 = arith.select %ge3A_141, %add3A_138, %mul3A_144 : vector<62x62x256xi1>, vector<62x62x256xf32>
    %mul3A_146 = vector.broadcast %broadcast_in_dim3A_133 : vector<1x1x256xf32> to vector<62x62x256xf32>
    %mul3A_147 = arith.mulf %select_n3A_145, %mul3A_146 : vector<62x62x256xf32>
    %reduce_sum3A_148 = arith.constant dense<0.000000e+00> : vector<62x62xf32>
    %reduce_sum3A_149 = vector.multi_reduction <add>, %mul3A_147, %reduce_sum3A_148 [2] : vector<62x62x256xf32> to vector<62x62xf32>
    %jit3A_150 = arith.constant -1.000000e+30 : f32
    %broadcast_in_dim3A_151 = vector.broadcast %jit3A_150 : f32 to vector<62x62xf32>
    %select_n3A_152 = arith.select %gt3A_5, %reduce_sum3A_149, %broadcast_in_dim3A_151 : vector<62x62xi1>, vector<62x62xf32>
    %reduce_max3A_153 = arith.constant dense<0xFF800000> : vector<62xf32>
    %reduce_max3A_154 = vector.multi_reduction <maximumf>, %select_n3A_152, %reduce_max3A_153 [1] : vector<62x62xf32> to vector<62xf32>
    %broadcast_in_dim3A_155 = vector.shape_cast %reduce_max3A_154 : vector<62xf32> to vector<62x1xf32>
    %sub3A_156 = vector.broadcast %broadcast_in_dim3A_155 : vector<62x1xf32> to vector<62x62xf32>
    %sub3A_157 = arith.subf %select_n3A_152, %sub3A_156 : vector<62x62xf32>
    %exp3A_158 = math.exp %sub3A_157 : vector<62x62xf32>
    %mul3A_159 = arith.mulf %exp3A_158, %add3A : vector<62x62xf32>
    %reduce_sum3A_160 = arith.constant dense<0.000000e+00> : vector<62xf32>
    %reduce_sum3A_161 = vector.multi_reduction <add>, %mul3A_159, %reduce_sum3A_160 [1] : vector<62x62xf32> to vector<62xf32>
    %broadcast_in_dim3A_162 = vector.shape_cast %reduce_sum3A_161 : vector<62xf32> to vector<62x1xf32>
    %add3A_163 = arith.constant 1.000000e-16 : f32
    %add3A_164 = vector.broadcast %add3A_163 : f32 to vector<62x1xf32>
    %add3A_165 = arith.addf %broadcast_in_dim3A_162, %add3A_164 : vector<62x1xf32>
    %div3A_166 = vector.broadcast %add3A_165 : vector<62x1xf32> to vector<62x62xf32>
    %div3A_167 = arith.divf %mul3A_159, %div3A_166 : vector<62x62xf32>
    %get3A_168 = arith.constant 0 : index
    %get3A_169 = arith.constant 0 : index
    %get3A_170 = vector.load %arg5[%get3A_168, %get3A_169] : memref<1x62xf32, #tpu.memory_space<vmem>>, vector<1x62xf32>
    %dot_general3A_171 = arith.constant dense<0.000000e+00> : vector<1x62xf32>
    %dot_general3A_172 = tpu.matmul %get3A_170, %div3A_167, %dot_general3A_171 {dimension_numbers = #tpu.dot_dimension_numbers<[1], [0], [0], [1], [0, 0, 1, 1], [], []>, transpose_lhs_hint = false} : vector<1x62xf32>, vector<62x62xf32>, vector<1x62xf32> -> vector<1x62xf32>
    %dot_general3A_173 = arith.constant dense<0.000000e+00> : vector<1x256xf32>
    %dot_general3A_174 = tpu.matmul %dot_general3A_172, %slice3A_126, %dot_general3A_173 {dimension_numbers = #tpu.dot_dimension_numbers<[1], [0], [0], [1], [0, 0, 1, 1], [], []>, transpose_lhs_hint = false} : vector<1x62xf32>, vector<62x256xf32>, vector<1x256xf32> -> vector<1x256xf32>
    %slice3A_175 = vector.extract_strided_slice %get3A_120 {offsets = [0, 256], sizes = [62, 256], strides = [1, 1]} : vector<62x512xf32> to vector<62x256xf32>
    %slice3A_176 = vector.extract_strided_slice %get3A_125 {offsets = [0, 256], sizes = [62, 256], strides = [1, 1]} : vector<62x512xf32> to vector<62x256xf32>
    %get3A_177 = arith.constant 0 : index
    %get3A_178 = arith.constant 0 : index
    %get3A_179 = vector.load %arg3[%get3A_177, %get3A_178] : memref<2x256xf32, #tpu.memory_space<vmem>>, vector<2x256xf32>
    %slice3A_180 = vector.extract_strided_slice %get3A_179 {offsets = [1, 0], sizes = [1, 256], strides = [1, 1]} : vector<2x256xf32> to vector<1x256xf32>
    %squeeze3A_181 = vector.shape_cast %slice3A_180 : vector<1x256xf32> to vector<256xf32>
    %broadcast_in_dim3A_182 = vector.shape_cast %squeeze3A_181 : vector<256xf32> to vector<1x1x256xf32>
    %broadcast_in_dim3A_183 = vector.shape_cast %slice3A_175 : vector<62x256xf32> to vector<1x62x256xf32>
    %broadcast_in_dim3A_184 = vector.shape_cast %slice3A_176 : vector<62x256xf32> to vector<62x1x256xf32>
    %add3A_185 = vector.broadcast %broadcast_in_dim3A_183 : vector<1x62x256xf32> to vector<62x62x256xf32>
    %add3A_186 = vector.broadcast %broadcast_in_dim3A_184 : vector<62x1x256xf32> to vector<62x62x256xf32>
    %add3A_187 = arith.addf %add3A_185, %add3A_186 : vector<62x62x256xf32>
    %ge3A_188 = arith.constant 0.000000e+00 : f32
    %ge3A_189 = vector.broadcast %ge3A_188 : f32 to vector<62x62x256xf32>
    %ge3A_190 = arith.cmpf oge, %add3A_187, %ge3A_189 : vector<62x62x256xf32>
    %mul3A_191 = arith.constant 2.000000e-01 : f32
    %mul3A_192 = vector.broadcast %mul3A_191 : f32 to vector<62x62x256xf32>
    %mul3A_193 = arith.mulf %mul3A_192, %add3A_187 : vector<62x62x256xf32>
    %select_n3A_194 = arith.select %ge3A_190, %add3A_187, %mul3A_193 : vector<62x62x256xi1>, vector<62x62x256xf32>
    %mul3A_195 = vector.broadcast %broadcast_in_dim3A_182 : vector<1x1x256xf32> to vector<62x62x256xf32>
    %mul3A_196 = arith.mulf %select_n3A_194, %mul3A_195 : vector<62x62x256xf32>
    %reduce_sum3A_197 = arith.constant dense<0.000000e+00> : vector<62x62xf32>
    %reduce_sum3A_198 = vector.multi_reduction <add>, %mul3A_196, %reduce_sum3A_197 [2] : vector<62x62x256xf32> to vector<62x62xf32>
    %jit3A_199 = arith.constant -1.000000e+30 : f32
    %broadcast_in_dim3A_200 = vector.broadcast %jit3A_199 : f32 to vector<62x62xf32>
    %select_n3A_201 = arith.select %gt3A_5, %reduce_sum3A_198, %broadcast_in_dim3A_200 : vector<62x62xi1>, vector<62x62xf32>
    %reduce_max3A_202 = arith.constant dense<0xFF800000> : vector<62xf32>
    %reduce_max3A_203 = vector.multi_reduction <maximumf>, %select_n3A_201, %reduce_max3A_202 [1] : vector<62x62xf32> to vector<62xf32>
    %broadcast_in_dim3A_204 = vector.shape_cast %reduce_max3A_203 : vector<62xf32> to vector<62x1xf32>
    %sub3A_205 = vector.broadcast %broadcast_in_dim3A_204 : vector<62x1xf32> to vector<62x62xf32>
    %sub3A_206 = arith.subf %select_n3A_201, %sub3A_205 : vector<62x62xf32>
    %exp3A_207 = math.exp %sub3A_206 : vector<62x62xf32>
    %mul3A_208 = arith.mulf %exp3A_207, %add3A : vector<62x62xf32>
    %reduce_sum3A_209 = arith.constant dense<0.000000e+00> : vector<62xf32>
    %reduce_sum3A_210 = vector.multi_reduction <add>, %mul3A_208, %reduce_sum3A_209 [1] : vector<62x62xf32> to vector<62xf32>
    %broadcast_in_dim3A_211 = vector.shape_cast %reduce_sum3A_210 : vector<62xf32> to vector<62x1xf32>
    %add3A_212 = arith.constant 1.000000e-16 : f32
    %add3A_213 = vector.broadcast %add3A_212 : f32 to vector<62x1xf32>
    %add3A_214 = arith.addf %broadcast_in_dim3A_211, %add3A_213 : vector<62x1xf32>
    %div3A_215 = vector.broadcast %add3A_214 : vector<62x1xf32> to vector<62x62xf32>
    %div3A_216 = arith.divf %mul3A_208, %div3A_215 : vector<62x62xf32>
    %get3A_217 = arith.constant 0 : index
    %get3A_218 = arith.constant 0 : index
    %get3A_219 = vector.load %arg5[%get3A_217, %get3A_218] : memref<1x62xf32, #tpu.memory_space<vmem>>, vector<1x62xf32>
    %dot_general3A_220 = arith.constant dense<0.000000e+00> : vector<1x62xf32>
    %dot_general3A_221 = tpu.matmul %get3A_219, %div3A_216, %dot_general3A_220 {dimension_numbers = #tpu.dot_dimension_numbers<[1], [0], [0], [1], [0, 0, 1, 1], [], []>, transpose_lhs_hint = false} : vector<1x62xf32>, vector<62x62xf32>, vector<1x62xf32> -> vector<1x62xf32>
    %dot_general3A_222 = arith.constant dense<0.000000e+00> : vector<1x256xf32>
    %dot_general3A_223 = tpu.matmul %dot_general3A_221, %slice3A_175, %dot_general3A_222 {dimension_numbers = #tpu.dot_dimension_numbers<[1], [0], [0], [1], [0, 0, 1, 1], [], []>, transpose_lhs_hint = false} : vector<1x62xf32>, vector<62x256xf32>, vector<1x256xf32> -> vector<1x256xf32>
    %concatenate3A_224 = tpu.concatenate %dot_general3A_174, %dot_general3A_223 in 1 : vector<1x256xf32>, vector<1x256xf32> -> vector<1x512xf32>
    %get3A_225 = arith.constant 0 : index
    %get3A_226 = arith.constant 0 : index
    %get3A_227 = vector.load %arg6[%get3A_225, %get3A_226] : memref<512x64xf32, #tpu.memory_space<vmem>>, vector<512x64xf32>
    %dot_general3A_228 = arith.constant dense<0.000000e+00> : vector<1x64xf32>
    %dot_general3A_229 = tpu.matmul %concatenate3A_224, %get3A_227, %dot_general3A_228 {dimension_numbers = #tpu.dot_dimension_numbers<[1], [0], [0], [1], [0, 0, 1, 1], [], []>, transpose_lhs_hint = false} : vector<1x512xf32>, vector<512x64xf32>, vector<1x64xf32> -> vector<1x64xf32>
    %get3A_230 = arith.constant 0 : index
    %get3A_231 = arith.constant 0 : index
    %get3A_232 = vector.load %arg7[%get3A_230, %get3A_231] : memref<1x64xf32, #tpu.memory_space<vmem>>, vector<1x64xf32>
    %add3A_233 = arith.addf %dot_general3A_229, %get3A_232 : vector<1x64xf32>
    %logistic3A_234 = arith.negf %add3A_233 : vector<1x64xf32>
    %logistic3A_235 = math.exp %logistic3A_234 : vector<1x64xf32>
    %logistic3A_236 = arith.constant 1.000000e+00 : f32
    %logistic3A_237 = vector.broadcast %logistic3A_236 : f32 to vector<1x64xf32>
    %logistic3A_238 = arith.addf %logistic3A_237, %logistic3A_235 : vector<1x64xf32>
    %logistic3A_239 = arith.divf %logistic3A_237, %logistic3A_238 : vector<1x64xf32>
    %broadcast_in_dim3A_240 = vector.shape_cast %logistic3A_239 : vector<1x64xf32> to vector<1x1x64xf32>
    %concatenate3A_241 = tpu.concatenate %broadcast_in_dim3A_115, %broadcast_in_dim3A_240 in 0 : vector<1x1x64xf32>, vector<1x1x64xf32> -> vector<2x1x64xf32>
    %swap3A = arith.constant 0 : index
    %swap3A_242 = arith.constant 0 : index
    %swap3A_243 = arith.constant 0 : index
    %swap3A_244 = vector.load %arg8[%swap3A, %swap3A_242, %swap3A_243] : memref<2x1x64xf32, #tpu.memory_space<vmem>>, vector<2x1x64xf32>
    tpu.vector_store %arg8[%swap3A, %swap3A_242, %swap3A_243], %concatenate3A_241 {strides = array<i32>} : memref<2x1x64xf32, #tpu.memory_space<vmem>>, vector<2x1x64xf32>,
    return
  }
  func.func @transform_0(%arg0: i32) -> (i32, i32, i32) {
    %c0_i32 = arith.constant 0 : i32
    %c0_i32_0 = arith.constant 0 : i32
    %c0_i32_1 = arith.constant 0 : i32
    return %arg0, %c0_i32, %c0_i32_0 : i32, i32, i32
  }
  func.func @transform_1(%arg0: i32) -> (i32, i32, i32) {
    %c0_i32 = arith.constant 0 : i32
    %c0_i32_0 = arith.constant 0 : i32
    %c0_i32_1 = arith.constant 0 : i32
    return %arg0, %c0_i32, %c0_i32_0 : i32, i32, i32
  }
  func.func @transform_2(%arg0: i32) -> (i32, i32) {
    %c0_i32 = arith.constant 0 : i32
    %c0_i32_0 = arith.constant 0 : i32
    %c0_i32_1 = arith.constant 0 : i32
    return %c0_i32, %c0_i32_0 : i32, i32
  }
  func.func @transform_3(%arg0: i32) -> (i32, i32) {
    %c0_i32 = arith.constant 0 : i32
    %c0_i32_0 = arith.constant 0 : i32
    %c0_i32_1 = arith.constant 0 : i32
    return %c0_i32, %c0_i32_0 : i32, i32
  }
  func.func @transform_4(%arg0: i32) -> (i32, i32) {
    %c0_i32 = arith.constant 0 : i32
    %c0_i32_0 = arith.constant 0 : i32
    %c0_i32_1 = arith.constant 0 : i32
    return %c0_i32, %c0_i32_0 : i32, i32
  }
  func.func @transform_5(%arg0: i32) -> (i32, i32) {
    %c0_i32 = arith.constant 0 : i32
    %c0_i32_0 = arith.constant 0 : i32
    %c0_i32_1 = arith.constant 0 : i32
    return %c0_i32, %c0_i32_0 : i32, i32
  }
  func.func @transform_6(%arg0: i32) -> (i32, i32) {
    %c0_i32 = arith.constant 0 : i32
    %c0_i32_0 = arith.constant 0 : i32
    %c0_i32_1 = arith.constant 0 : i32
    return %c0_i32, %c0_i32_0 : i32, i32
  }
  func.func @transform_7(%arg0: i32) -> (i32, i32, i32) {
    %c0_i32 = arith.constant 0 : i32
    %c0_i32_0 = arith.constant 0 : i32
    %c0_i32_1 = arith.constant 0 : i32
    return %arg0, %c0_i32, %c0_i32_0 : i32, i32, i32
  }
}

</mosaic_0001>

<sc_bundles>
// kernel: kernel.6.cloned.1.call-start
scs
__scs_entry_jumppad:
0x0: {  	(pc) =	sbr.rel $0x88, $3  }
0x1: {  	(tag) =	ssettag $0x0;
	lr =	simm.s32 $0x1  }
0x2: {  	[smem:$0x3F7E] =	sst lr;
	_ =	strace $0xD0000000  }
0x3: {  	_ = 	snop  }
0x4: {  	_ = 	snop  }
0x5: {  	_ = 	snop  }
0x6: {  	_ = 	snop  }
0x7: {  	_ = 	snop  }
__scs_overlays_trampoline_lowered:
0x8: {  	[smem:$0x3F8D] =	sst s0  }
0x9: {  	[smem:$0x3F8E] =	sst s1  }
0xa: {  	[smem:$0x3F8F] =	sst s2  }
0xb: {  	[smem:$0x3F90] =	sst s3  }
0xc: {  	[smem:$0x3F91] =	sst s4  }
0xd: {  	[smem:$0x3F92] =	sst s5  }
0xe: {  	[smem:$0x3F93] =	sst s6  }
0xf: {  	[smem:$0x3F94] =	sst s7  }
0x10: {  	[smem:$0x3F95] =	sst s8  }
0x11: {  	[smem:$0x3F96] =	sst s9;
	s0 =	simm.s32 @!p0 $0x0  }
0x12: {  	s1 =	sld [smem:$0x3F7C];
	s0 =	simm.s32 @p0 $0x1  }
0x13: {  	[smem:$0x3F97] =	sst s0;
	s0 =	simm.s32 @!p1 $0x0  }
0x14: {  	s2 =	sld [smem:$0x3F7B];
	s0 =	simm.s32 @p1 $0x1  }
0x15: {  	[smem:$0x3F98] =	sst s0;
	s0 =	simm.s32 @!p2 $0x0  }
0x16: {  	s3 =	sld [smem:$0x3FDB];
	s0 =	simm.s32 @p2 $0x1  }
0x17: {  	s4 =	simm.s32 $0x1BF5;
	[smem:$0x3F9A] =	sst s0  }
0x18: {  	s0 =	sld [smem:$0x3F7D];
	_ =	swait.ge [sflag:s4], $0x0  }
0x19: {  	s7 =	sld [smem:$0x3F7E]  }
0x1a: {  	s8 =	sadd.s32 $0xFFFFE003, lr  }
0x1b: {  	s9 =	sadd.s32 $0xFFFFFEF7, lr;
	s5 =	simm.s32 $0xFFFFFFFF;
	p2 =	slt.u32 s8, $0xFFFFF086  }
0x1c: {  	p1 =	slt.u32 s9, $0xF7A;
	s5 =	simm.s32 @!p2 $0x0  }
0x1d: {  	s5 =	simm.s32 @p1 $0x1;
	p0 =	seq.s32 s7, s2  }
0x1e: {  	s7 =	smul.u32 @!p0 $0xF7A, s2;
	p2 =	seq.s32 @!p0 s5, $0x0  }
0x1f: {  	s9 =	smul.u32 $0xF7A, s1;
	s8 =	simm.s32 @!p0 $0x1BF5;
	p2 =	por !p2, p0  }
0x20: {  	[sflag:s8] =	ssyncset.s32 @!p0 $0xFFFFF086;
	s6 =	sadd.s32 @!p0 s3, s7;
	s7 =	simm.s32 @!p0 $0x108  }
0x21: {  	s3 =	sadd.s32 s3, s9;
	s6 =	sadd.s32 @!p0 $0x88, s6;
	s7 =	simm.s32 @p2 $0x1082  }
0x22: {  	[simem:s7], [sflag:s8] =	dma.local @!p0 [hbm:s6], $0xF7A  }
0x23: {  	s9 =	sor.u32 $0xD0000000, s2;
	s6 =	simm.s32 $0x108;
	_ =	swait.ge @!p0 [sflag:s8], $0x0  }
0x24: {  	s3 =	sadd.s32 $0x88, s3;
	s6 =	simm.s32 @!p1 $0x1082;
	[sflag:s4] =	ssyncset.s32 $0xFFFFF086  }
0x25: {  	[simem:s6], [sflag:s4] =	dma.local [hbm:s3], $0xF7A  }
0x26: {  	[smem:$0x3F7E] =	sst s1;
	(tag) =	ssettag s2;
	_ =	strace s9  }
0x27: {  	s1 =	sld [smem:$0x3F8E]  }
0x28: {  	s2 =	sld [smem:$0x3F8F]  }
0x29: {  	s4 =	sld [smem:$0x3F91]  }
0x2a: {  	p0 =	seq.s32 s5, $0x0;
	s5 =	sld [smem:$0x3F92]  }
0x2b: {  	s6 =	sld [smem:$0x3F93]  }
0x2c: {  	s7 =	sld [smem:$0x3F94]  }
0x2d: {  	s3 =	simm.s32 $0x108;
	s8 =	sld [smem:$0x3F95]  }
0x2e: {  	s3 =	simm.s32 @!p0 $0x1082;
	s9 =	sld [smem:$0x3F96]  }
0x2f: {  	lr =	sadd.s32 s0, s3;
	s0 =	sld [smem:$0x3F8D]  }
0x30: {  	s3 =	sld [smem:$0x3F90]  }
0x31: {  	[smem:$0x3F99] =	sst s10  }
0x32: {  	s10 =	sld [smem:$0x3F97];
	_ =	sdelay $0x3  }
0x33: {  	p0 =	seq.s32 s10, $0x1;
	s10 =	sld [smem:$0x3F99];
	_ =	sdelay $0x3  }
0x34: {  	[smem:$0x3F99] =	sst s10  }
0x35: {  	s10 =	sld [smem:$0x3F98];
	_ =	sdelay $0x3  }
0x36: {  	p1 =	seq.s32 s10, $0x1;
	s10 =	sld [smem:$0x3F99];
	_ =	sdelay $0x3  }
0x37: {  	[smem:$0x3F99] =	sst s10  }
0x38: {  	s10 =	sld [smem:$0x3F9A]  }
0x39: {  	_ = 	snop;
	(pc) =	sbr.ind lr, $3  }
0x3a: {  	_ = 	snop  }
0x3b: {  	_ = 	snop  }
0x3c: {  	p2 =	seq.s32 s10, $0x1;
	s10 =	sld [smem:$0x3F99]  }
0x3d: {  	_ =	shalt  }
0x3e: {  	_ =	shalt  }
0x3f: {  	_ =	shalt  }
0x40: {  	_ =	shalt  }
0x41: {  	_ =	shalt  }
0x42: {  	_ =	shalt  }
0x43: {  	_ =	shalt  }
0x44: {  	_ =	shalt  }
0x45: {  	_ =	shalt  }
0x46: {  	_ =	shalt  }
0x47: {  	_ =	shalt  }
0x48: {  	_ =	shalt  }
0x49: {  	_ =	shalt  }
0x4a: {  	_ =	shalt  }
0x4b: {  	_ =	shalt  }
0x4c: {  	_ =	shalt  }
0x4d: {  	_ =	shalt  }
0x4e: {  	_ =	shalt  }
0x4f: {  	_ =	shalt  }
0x50: {  	_ =	shalt  }
0x51: {  	_ =	shalt  }
0x52: {  	_ =	shalt  }
0x53: {  	_ =	shalt  }
0x54: {  	_ =	shalt  }
0x55: {  	_ =	shalt  }
0x56: {  	_ =	shalt  }
0x57: {  	_ =	shalt  }
0x58: {  	_ =	shalt  }
0x59: {  	_ =	shalt  }
0x5a: {  	_ =	shalt  }
0x5b: {  	_ =	shalt  }
0x5c: {  	_ =	shalt  }
0x5d: {  	_ =	shalt  }
0x5e: {  	_ =	shalt  }
0x5f: {  	_ =	shalt  }
0x60: {  	_ =	shalt  }
0x61: {  	_ =	shalt  }
0x62: {  	_ =	shalt  }
0x63: {  	_ =	shalt  }
0x64: {  	_ =	shalt  }
0x65: {  	_ =	shalt  }
0x66: {  	_ =	shalt  }
0x67: {  	_ =	shalt  }
0x68: {  	_ =	shalt  }
0x69: {  	_ =	shalt  }
0x6a: {  	_ =	shalt  }
0x6b: {  	_ =	shalt  }
0x6c: {  	_ =	shalt  }
0x6d: {  	_ =	shalt  }
0x6e: {  	_ =	shalt  }
0x6f: {  	_ =	shalt  }
0x70: {  	_ =	shalt  }
0x71: {  	_ =	shalt  }
0x72: {  	_ =	shalt  }
0x73: {  	_ =	shalt  }
0x74: {  	_ =	shalt  }
0x75: {  	_ =	shalt  }
0x76: {  	_ =	shalt  }
0x77: {  	_ =	shalt  }
0x78: {  	_ =	shalt  }
0x79: {  	_ =	shalt  }
0x7a: {  	_ =	shalt  }
0x7b: {  	_ =	shalt  }
0x7c: {  	_ =	shalt  }
0x7d: {  	_ =	shalt  }
0x7e: {  	_ =	shalt  }
0x7f: {  	_ =	shalt  }
0x80: {  	_ =	shalt  }
0x81: {  	_ =	shalt  }
0x82: {  	_ =	shalt  }
0x83: {  	_ =	shalt  }
0x84: {  	_ =	shalt  }
0x85: {  	_ =	shalt  }
0x86: {  	_ =	shalt  }
0x87: {  	_ =	shalt  }
.Lfunc_end0:
.L_simem_size_0:
called_computation_lowered:
.L_overlay_start_0:
0x88: {  	s2 =	sld [smem:$0x3FD9]  }
0x89: {  	s3 =	sld [smem:$0x3FFE];
	_ =	sdelay $0x1  }
0x8a: {  	s1 =	srdreg.scid  }
0x8b: {  	s0 =	sand.u32 $0x1, s1  }
0x8c: {  	s16 =	sshll.u32 s0, $0xA;
	s2 =	sadd.s32 s3, s2  }
0x8d: {  	s2 =	sadd.s32 s2, s16  }
0x8e: {  	[smem:$0x3FA5] =	sst s2  }
0x8f: {  	_ = 	snop  }
0x90: {  	(tm) =	ssettm $0x1  }
0x91: {  	s17 =	sld [smem:$0x3FFB];
	_ =	sdelay $0x3  }
0x92: {  	_ =	strace s17  }
0x93: {  	s2 =	sld [smem:$0x3FFC];
	_ =	sdelay $0x3  }
0x94: {  	_ =	strace s2  }
0x95: {  	s2 =	sld [smem:$0x3FFD];
	_ =	sdelay $0x3  }
0x96: {  	_ =	strace s2  }
0x97: {  	_ =	strace $0x8FFFFFFF  }
0x98: {  	s18 =	sld [smem:$0x3FDB];
	_ =	sdelay $0x1  }
0x99: {  	s19 =	simm.s32 $_scs_section_size  }
0x9a: {  	s4 =	simm.s32 $_size__tile_overlayer_lowered;
	s5 =	simm.s32 $_tile_overlayer_lowered  }
0x9b: {  	s22 =	simm.s32 $0x1BFF;
	s21 =	sshll.u32 s5, $0x1;
	s2 =	sadd.s32 s19, s18  }
0x9c: {  	s6 =	simm.s32 $0x0;
	s20 =	sshll.u32 s4, $0x1;
	s4 =	sadd.s32 s21, s2  }
0x9d: {  	[timem:s6], [sflag:s22] =	dma.local [hbm:s4], s20  }
0x9e: {  	_ =	swait.ge [sflag:s22], s20  }
0x9f: {  	s3 =	ssub.s32 $0x0, s20;
	[sflag:s22] =	ssyncset.done $0x0  }
0xa0: {  	[sflag:s22] =	ssyncadd.s32 s3;
	_ =	sdelay $0x1  }
0xa1: {  	s23 =	simm.s32 $0x1B8B  }
0xa2: {  	_ =	swait.ge [sflag:s23], $0x1  }
0xa3: {  	[sflag:s23] =	ssyncset.done $0x0  }
0xa4: {  	s25 =	simm.s32 $0x1B8E;
	s24 =	sld [smem:$0x3FFE];
	[sflag:s23] =	ssyncadd.s32 $0xFFFFFFFF  }
0xa5: {  	s26 =	simm.s32 $execute0_lowered;
	[smem:$0x3FD2] =	sst s25  }
0xa6: {  	s4 =	sshll.u32 s26, $0x1;
	_ =	strace $0x80000046;
	[dreg:$0x1] =	wrdreg $0xFFFFFFFF  }
0xa7: {  	s28 =	simm.s32 $_size_execute0_lowered;
	s2 =	sadd.s32 s2, s4;
	[dreg:$0x0] =	wrdreg $0x0  }
0xa8: {  	s4 =	sshll.u32 s28, $0x1;
	[dreg:$0x2] =	wrdreg s2  }
0xa9: {  	[dreg:$0x3] =	wrdreg s4  }
0xaa: {  	[dreg:$0x4] =	wrdreg $0xC0  }
0xab: {  	_ =	task [dreg:s6], $0x5FFFF  }
0xac: {  	[dreg:$0x1] =	wrdreg $0xFFFFFFFF  }
0xad: {  	[dreg:$0x0] =	wrdreg $0x60  }
0xae: {  	[dreg:$0x2] =	wrdreg s24  }
0xaf: {  	[dreg:$0x3] =	wrdreg $0x41800  }
0xb0: {  	[dreg:$0x4] =	wrdreg $0x9  }
0xb1: {  	_ =	task.clear_ibuf [dreg:s6], $0x5FFFF;
	_ =	strace $0x90000046  }
0xb2: {  	s29 =	simm.s32 $0x9;
	_ =	strace $0x80000048  }
0xb3: {  	_ =	swait.ge [sflag:s29], $0x1  }
0xb4: {  	[sflag:s29] =	ssyncadd.s32 $0xFFFFFFFF  }
0xb5: {  	_ =	strace $0x90000048  }
0xb6: {  	_ =	sfence  }
0xb7: {  	s30 =	sld [smem:$0x0];
	_ =	sdelay $0x2  }
0xb8: {  	s31 =	sshll.u32 s1, $0xD;
	s1 =	sshrl.u32 s1, $0x2  }
0xb9: {  	s3 =	sand.u32 $0x4000, s31;
	s1 =	sadd.s32 s1, s30  }
0xba: {  	s0 =	sor.u32 s3, s0;
	s1 =	sshll.u32 s1, $0x11  }
0xbb: {  	s0 =	sor.u32 s1, s0  }
0xbc: {  	s0 =	sadd.s32 $0x8F2B, s0  }
0xbd: {  	[sflag:s0] =	ssyncadd.remote.s32 $0x1  }
0xbe: {  	_ =	sfence.sel $0xFFFF  }
0xbf: {  	[dreg:$0x0] =	wrdreg $0xFFFFFFFF;
	(pc) =	sbr.abs _section_cstart, $3  }
0xc0: {  	[dreg:$0x1] =	wrdreg $0xFFFFFFFF  }
0xc1: {  	_ =	task.clear_ibuf [dreg:s6], $0x2FFFF;
	_ =	strace $0x9FFFFFFF  }
0xc2: {  	(tm) =	ssettm $0x7FFFFFFF  }
0xc3: {  	_ =	shalt  }
tec
execute0_lowered:
.L_overlay_start_1:
0x0: {  	(tag) =	ssettag $0x1  }
0x1: {  	s3 =	srdreg.scid  }
0x2: {  	s3 =	sand.u32 $0x1, s3  }
0x3: {  	p1 =	seq.s32 s3, $0x1  }
.Ltmp0:
0x4: {  	_ = 	snop;
	(pc) =	sbr.rel @p1 .LBB2_2-.Ltmp0, $4  }
0x5: {  	s1 =	rddreg [dreg:$0x0]  }
0x6: {  	s2 =	rddreg [dreg:$0x1];
	s9 =	simm.s32 $0x0  }
0x7: {  	s8 =	stileid.u32;
	[smem:$0x7FF] =	sst s9  }
0x8: {  	s0 =	rddreg [dreg:$0x2];
	p0 =	sne.s32 s8, $0x0;
	_ =	strace $0x80000047  }
0x9: {  	s3 =	sadd.s32 $0x5000, s1;
	s4 =	simm.s32 $0x180;
	s28 =	simm.s32 $0x1  }
0xa: {  	[tilespmem:s4], [sflag:$0x1] =	stream.linear.gather [hbm4b:s3+s9], $0x4000, $0x38;
	[tilespmem:$0x5180] =	vst v63  }
0xb: {  	_ =	swait.ge [sflag:s28], $0x4000  }
0xc: {  	s6 =	sadd.s32 $0x5800, s1;
	[sflag:s28] =	ssyncset.done $0x0  }
0xd: {  	s5 =	sshrl.u32 @!p0 s2, $0x3;
	s7 =	simm.s32 @!p0 $0x1C01;
	[sflag:s28] =	ssyncadd.s32 $0xFFFFC000  }
0xe: {  	[spmem:s5], [sflag:s7] =	dma.local @!p0 [hbm:s6], $0x10000  }
0xf: {  	s6 =	simm.s32 @!p0 $0x1  }
0x10: {  	_ =	swait.ge @!p0 [sflag:s6], $0x10000  }
0x11: {  	[sflag:s6] =	ssyncset.done @!p0 $0x0  }
0x12: {  	s10 =	sadd.s32 $0x4E00, s1;
	s11 =	sshll.u32 s8, $0x5;
	[sflag:s6] =	ssyncadd.s32 @!p0 $0xFFFF0000  }
0x13: {  	s8 =	sadd.s32 s10, s11;
	[bflag:$0x0] =	sbarrier.arrive $0xFFFF  }
0x14: {  	[tilespmem:s9], [sflag:$0x1] =	stream.linear.gather [hbm4b:s8+s9], $0x80, $0x38;
	[tilespmem:$0x5180] =	vst v63  }
0x15: {  	_ =	swait.ge [sflag:s28], $0x80  }
0x16: {  	s12 =	sadd.s32 $0x4C00, s1;
	[sflag:s28] =	ssyncset.done $0x0  }
0x17: {  	s29 =	simm.s32 $0x80;
	s13 =	sadd.s32 s12, s11;
	[sflag:s28] =	ssyncadd.s32 $0xFFFFFF80  }
0x18: {  	[tilespmem:s29], [sflag:$0x1] =	stream.linear.gather [hbm4b:s13+s9], $0x80, $0x38;
	[tilespmem:$0x5180] =	vst v63  }
0x19: {  	_ =	swait.ge [sflag:s28], $0x80  }
0x1a: {  	[sflag:s28] =	ssyncset.done $0x0  }
0x1b: {  	[sflag:s28] =	ssyncadd.s32 $0xFFFFFF80  }
0x1c: {  	v0 =	vld [tilespmem:$0x80]  }
0x1d: {  	v1 =	vld [tilespmem:$0x0]  }
0x1e: {  	v2 =	vld [tilespmem:$0x90]  }
0x1f: {  	v3 =	vld [tilespmem:$0x10]  }
0x20: {  	v4 =	vld [tilespmem:$0xA0]  }
0x21: {  	v5 =	vld [tilespmem:$0x20]  }
0x22: {  	v6 =	vld [tilespmem:$0xB0]  }
0x23: {  	v7 =	vld [tilespmem:$0x30]  }
0x24: {  	v8 =	vld [tilespmem:$0xC0]  }
0x25: {  	v9 =	vld [tilespmem:$0x40]  }
0x26: {  	v10 =	vld [tilespmem:$0xD0]  }
0x27: {  	v11 =	vld [tilespmem:$0x50];
	v0 =	vmul.u32 $0x3E, v0  }
0x28: {  	v12 =	vld [tilespmem:$0xE0];
	v2 =	vmul.u32 $0x3E, v2  }
0x29: {  	v20 =	vld [tilespmem:$0xF0];
	v19 =	vmul.u32 $0x3E, v4;
	v0 =	vadd.s32 v1, v0  }
0x2a: {  	v23 =	vld [tilespmem:$0x60];
	v22 =	vmul.u32 $0x3E, v6;
	v21 =	vadd.s32 v3, v2;
	[tilespmem:$0x100] =	vst v0  }
0x2b: {  	v26 =	vld [tilespmem:$0x70];
	v25 =	vmul.u32 $0x3E, v8;
	v24 =	vadd.s32 v5, v19;
	[tilespmem:$0x110] =	vst v21  }
0x2c: {  	v28 =	vmul.u32 $0x3E, v10;
	v27 =	vadd.s32 v7, v22;
	[tilespmem:$0x120] =	vst v24  }
0x2d: {  	v30 =	vmul.u32 $0x3E, v12;
	v29 =	vadd.s32 v9, v25;
	[tilespmem:$0x130] =	vst v27  }
0x2e: {  	v32 =	vmul.u32 $0x3E, v20;
	v31 =	vadd.s32 v11, v28;
	[tilespmem:$0x140] =	vst v29  }
0x2f: {  	v33 =	vadd.s32 v23, v30;
	[tilespmem:$0x150] =	vst v31  }
0x30: {  	v34 =	vadd.s32 v26, v32;
	[tilespmem:$0x160] =	vst v33  }
0x31: {  	s30 =	simm.s32 $0x100;
	[tilespmem:$0x170] =	vst v34  }
0x32: {  	[spmem:s2] =	stream.indirect.scatter.add.f32 [tilespmem:s4], [sflag:$0x1], $0x10, s30, s29, $0xb8;
	[tilespmem:$0x5180] =	vst v63  }
0x33: {  	_ =	swait.ge [sflag:s28], $0x800  }
0x34: {  	s11 =	sor.u32 $0x10, s11;
	[sflag:s28] =	ssyncset.done $0x0  }
0x35: {  	s10 =	sadd.s32 s10, s11;
	[sflag:s28] =	ssyncadd.s32 $0xFFFFF800  }
0x36: {  	[tilespmem:s9], [sflag:$0x1] =	stream.linear.gather [hbm4b:s10+s9], $0x80, $0x38;
	[tilespmem:$0x5180] =	vst v63  }
0x37: {  	_ =	swait.ge [sflag:s28], $0x80  }
0x38: {  	[sflag:s28] =	ssyncset.done $0x0  }
0x39: {  	s31 =	sadd.s32 s12, s11;
	[sflag:s28] =	ssyncadd.s32 $0xFFFFFF80  }
0x3a: {  	[tilespmem:s29], [sflag:$0x1] =	stream.linear.gather [hbm4b:s31+s9], $0x80, $0x38;
	[tilespmem:$0x5180] =	vst v63  }
0x3b: {  	_ =	swait.ge [sflag:s28], $0x80  }
0x3c: {  	[sflag:s28] =	ssyncset.done $0x0  }
0x3d: {  	[sflag:s28] =	ssyncadd.s32 $0xFFFFFF80  }
0x3e: {  	v35 =	vld [tilespmem:$0x80]  }
0x3f: {  	v36 =	vld [tilespmem:$0x0]  }
0x40: {  	v37 =	vld [tilespmem:$0x90]  }
0x41: {  	v38 =	vld [tilespmem:$0x10]  }
0x42: {  	v39 =	vld [tilespmem:$0xA0]  }
0x43: {  	v40 =	vld [tilespmem:$0x20]  }
0x44: {  	v41 =	vld [tilespmem:$0xB0]  }
0x45: {  	v42 =	vld [tilespmem:$0x30]  }
0x46: {  	v43 =	vld [tilespmem:$0xC0]  }
0x47: {  	v44 =	vld [tilespmem:$0x40]  }
0x48: {  	v45 =	vld [tilespmem:$0xD0]  }
0x49: {  	v46 =	vld [tilespmem:$0x50];
	v0 =	vmul.u32 $0x3E, v35  }
0x4a: {  	v47 =	vld [tilespmem:$0xE0];
	v2 =	vmul.u32 $0x3E, v37  }
0x4b: {  	v49 =	vld [tilespmem:$0xF0];
	v48 =	vmul.u32 $0x3E, v39;
	v0 =	vadd.s32 v36, v0  }
0x4c: {  	v52 =	vld [tilespmem:$0x60];
	v51 =	vmul.u32 $0x3E, v41;
	v50 =	vadd.s32 v38, v2;
	[tilespmem:$0x100] =	vst v0  }
0x4d: {  	v55 =	vld [tilespmem:$0x70];
	v54 =	vmul.u32 $0x3E, v43;
	v53 =	vadd.s32 v40, v48;
	[tilespmem:$0x110] =	vst v50  }
0x4e: {  	v57 =	vmul.u32 $0x3E, v45;
	v56 =	vadd.s32 v42, v51;
	[tilespmem:$0x120] =	vst v53  }
0x4f: {  	v59 =	vmul.u32 $0x3E, v47;
	v58 =	vadd.s32 v44, v54;
	[tilespmem:$0x130] =	vst v56  }
0x50: {  	v61 =	vmul.u32 $0x3E, v49;
	v60 =	vadd.s32 v46, v57;
	[tilespmem:$0x140] =	vst v58  }
0x51: {  	v62 =	vadd.s32 v52, v59;
	[tilespmem:$0x150] =	vst v60  }
0x52: {  	v63 =	vadd.s32 v55, v61;
	[tilespmem:$0x160] =	vst v62  }
0x53: {  	[tilespmem:$0x170] =	vst v63  }
0x54: {  	[spmem:s2] =	stream.indirect.scatter.add.f32 [tilespmem:s4], [sflag:$0x1], $0x10, s30, s29, $0xb8;
	[tilespmem:$0x5180] =	vst v63  }
0x55: {  	_ =	swait.ge [sflag:s28], $0x800  }
0x56: {  	[sflag:s28] =	ssyncset.done $0x0  }
0x57: {  	[sflag:s28] =	ssyncadd.s32 $0xFFFFF800  }
0x58: {  	s1 =	sadd.s32 $0x15800, s1;
	[bflag:$0x0] =	sbarrier.arrive $0xFFFF  }
0x59: {  	[hbm:s1], [sflag:s7] =	dma.local @!p0 [spmem:s5], $0xF800  }
0x5a: {  	_ =	swait.ge @!p0 [sflag:s6], $0xF800  }
0x5b: {  	[sflag:s6] =	ssyncset.done @!p0 $0x0  }
0x5c: {  	[sflag:s6] =	ssyncadd.s32 @!p0 $0xFFFF0800  }
.LBB2_2:
0x5d: {  	_ =	sfence.sel $0x180000  }
0x5e: {  	[bflag:$0x0] =	sbarrier.arrive $0xFFFF  }
0x5f: {  	_ =	strace $0x90000047  }
0x60: {  	s0 =	sadd.s32 @!p0 $0x100000, s0;
	[bflag:$0x2] =	sbarrier.arrive $0xFFFF  }
0x61: {  	[sflag:s0] =	ssyncadd.tile.s32 @!p0 $0x1;
	_ =	shalt  }
.Lfunc_end2:
_tile_overlayer_lowered:
.L_overlay_start_2:
0x62: {  	(tag) =	ssettag $0x2  }
0x63: {  	s0 =	rddreg [dreg:$0x0];
	s2 =	stileid.u32  }
0x64: {  	s1 =	rddreg [dreg:$0x1];
	p0 =	sne.s32 s2, $0x0  }
0x65: {  	s3 =	rddreg [dreg:$0x2];
	[bflag:$0x3] =	sbarrier.arrive $0xFFFF;
	s2 =	simm.s32 @!p0 $0x1C01  }
0x66: {  	[timem:s3], [sflag:s2] =	dma.local @!p0 [hbm:s0], s1  }
0x67: {  	s0 =	simm.s32 @!p0 $0x1  }
0x68: {  	_ =	swait.ge @!p0 [sflag:s0], s1  }
0x69: {  	s1 =	ssub.s32 @!p0 $0x0, s1;
	[sflag:s0] =	ssyncset.done @!p0 $0x0  }
0x6a: {  	[sflag:s0] =	ssyncadd.s32 @!p0 s1  }
0x6b: {  	[bflag:$0x3] =	sbarrier.arrive $0xFFFF  }
0x6c: {  	_ =	shalt  }

</sc_bundles>
